<compile_context>
chip_gen: v7x
topology: tpu7x:2x2x1
jax: 0.10.2.dev20260603
libtpu: 0.0.44.dev20260713+nightly
codegen_flags: <defaults>
</compile_context>

<pallas_src>
import functools

import jax
import jax.numpy as jnp
from jax import lax
from jax.experimental import pallas as pl
from jax.experimental.pallas import tpu as pltpu
from jax.experimental.pallas import tpu_sc as plsc

_Q = 1024
_H = 16
_K = 3 * _Q
_P = 4 * _Q - 1
_HB, _HI = 2, 8
_KB, _KI = 24, 128
_PC = 4096

_NUM_WORKERS = 32
_ROWS_PER_WORKER = _Q // _NUM_WORKERS


def _sc_broadcast(shifted_tables):
    mesh = plsc.VectorSubcoreMesh(core_axis_name="c", subcore_axis_name="s")

    @functools.partial(
        pl.kernel,
        mesh=mesh,
        out_type=jax.ShapeDtypeStruct((_Q, _HB, _KB, _HI, _KI), jnp.float32),
        scratch_types=[
            pltpu.VMEM((_HB, _HI, _PC), jnp.float32),
            pltpu.SemaphoreType.DMA,
        ],
        compiler_params=pltpu.CompilerParams(use_tc_tiling_on_sc=False),
    )
    def k(shift_hbm, out_hbm, slab_v, sem):
        wid = lax.axis_index("s") * 2 + lax.axis_index("c")
        r = ((_Q - 1) - wid) % 8
        pltpu.sync_copy(shift_hbm.at[r], slab_v)

        def row_copies(q):
            w = (_Q - 1) - q
            wa = pl.multiple_of(w - r, 8)
            return [
                pltpu.make_async_copy(
                    slab_v.at[:, :, pl.ds(wa + kb * _KI, _KI)],
                    out_hbm.at[q, :, kb],
                    sem,
                )
                for kb in range(_KB)
            ]

        def fire(q):
            for copy in row_copies(q):
                copy.start()

        def drain(q):
            for copy in row_copies(q):
                copy.wait()

        fire(wid)

        def per_q(t, carry):
            q = wid + _NUM_WORKERS * t
            fire(q)
            drain(q - _NUM_WORKERS)
            return carry

        lax.fori_loop(1, _ROWS_PER_WORKER, per_q, 0)
        drain(wid + _NUM_WORKERS * (_ROWS_PER_WORKER - 1))

    return k(shifted_tables)


def kernel(bias_params):
    tt = jnp.pad(bias_params.T, ((0, 0), (0, _PC + 7 - _P)))
    shifted = jnp.stack([tt[:, s : s + _PC] for s in range(8)])
    out5 = _sc_broadcast(shifted.reshape(8, _HB, _HI, _PC))
    return out5.transpose(0, 2, 4, 1, 3).reshape(_Q, _K, _H)

# --- scband reference (transcript-rebuilt; emitter-appended) ---
"""Pipeline reference for scband-hierarchical-relative-position-bias-73839077753289 (READ-ONLY COPY).

The authoritative reference and input builder live on the scoring server;
editing this copy changes nothing except your own understanding.
"""

import jax, jax.numpy as jnp
import numpy as np

NUM_CLUSTER = 1024
NUM_HEAD = 16

def _relative_positions():
    key_length = 3 * NUM_CLUSTER
    key_positions = np.arange(key_length)
    query_length = NUM_CLUSTER
    query_positions = np.arange(NUM_CLUSTER, 2 * NUM_CLUSTER)
    relative_positions = key_positions.reshape((1, key_length)) - query_positions.reshape((query_length, 1))
    relative_positions -= np.min(relative_positions)
    return jnp.asarray(relative_positions, dtype=jnp.int32)

def setup_inputs(seed: int = 0) -> dict:
    key = jax.random.key(seed)
    total_positions = NUM_CLUSTER + 3 * NUM_CLUSTER - 1  # 4095
    bias_params = jax.random.normal(key, (total_positions, NUM_HEAD), dtype=jnp.float32) * 0.1
    return {"bias_params": bias_params}

def reference(bias_params):
    # Faithful translation of _create_1d_relative_position_bias:
    # static relative-position index matrix folded into constants, then a gather
    # from the trainable bias table along axis 0.
    relative_positions = _relative_positions()
    relative_pos_bias = jnp.take(bias_params, relative_positions, axis=0)
    return relative_pos_bias  # [num_cluster, 3*num_cluster, num_head]

if __name__ == "__main__":
    import jax
    _d = setup_inputs()
    print(jax.jit(kernel)(*tuple(_d.values())))

</pallas_src>

<mosaic_0001>
#map = affine_map<(d0, d1) -> (0, 0, 0, 0)>
#map1 = affine_map<(d0, d1) -> (0, 0, 0, 0, 0)>
module attributes {stable_mosaic.version = 14 : i64} {
  func.func @k(%arg0: i32, %arg1: i32, %arg2: memref<8x2x8x4096xf32, #tpu.memory_space<hbm>>, %arg3: memref<1024x2x24x8x128xf32, #tpu.memory_space<hbm>>, %arg4: memref<2x8x4096xf32, #tpu.memory_space<vmem>>, %arg5: memref<!tpu.dma_semaphore, #tpu.memory_space<semaphore_mem>>) attributes {dimension_semantics = [#tpu.dimension_semantics<core_parallel>, #tpu.dimension_semantics<subcore_parallel>], iteration_bounds = array<i64: 2, 16>, scalar_prefetch = 0 : i64, scratch_operands = 2 : i64, tpu.core_type = #tpu.core_type<sc_vector_subcore>, window_params = [{transform_indices = #map}, {transform_indices = #map1}]} {
    %mul3A = arith.constant 2 : i32
    %mul3A_0 = arith.muli %arg1, %mul3A : i32
    %add3A = arith.addi %mul3A_0, %arg0 : i32
    %sub3A = arith.constant 1023 : i32
    %sub3A_1 = arith.subi %sub3A, %add3A : i32
    %jit3A = arith.constant 8 : i32
    %eq3A = arith.constant 0 : i32
    %eq3A_2 = arith.cmpi eq, %jit3A, %eq3A : i32
    %jit3A_3 = arith.constant 1 : i32
    %select_n3A = arith.select %eq3A_2, %jit3A_3, %jit3A : i32
    %rem3A = arith.remsi %sub3A_1, %select_n3A : i32
    %ne3A = arith.constant 0 : i32
    %ne3A_4 = arith.cmpi ne, %rem3A, %ne3A : i32
    %lt3A = arith.constant 0 : i32
    %lt3A_5 = arith.cmpi slt, %rem3A, %lt3A : i32
    %lt3A_6 = arith.constant 0 : i32
    %lt3A_7 = arith.cmpi slt, %select_n3A, %lt3A_6 : i32
    %ne3A_8 = arith.xori %lt3A_5, %lt3A_7 : i1
    %and3A = arith.andi %ne3A_8, %ne3A_4 : i1
    %add3A_9 = arith.addi %rem3A, %select_n3A : i32
    %select_n3A_10 = arith.select %and3A, %add3A_9, %rem3A : i32
    "tpu.region"() ({
      %run_scoped3A = tpu.sem_alloc : memref<!tpu.dma_semaphore, #tpu.memory_space<semaphore_mem>>
      %dma_start3A_935 = arith.constant 0 : i32
      %dma_start3A_936 = arith.constant 0 : i32
      %dma_start3A_937 = arith.constant 0 : i32
      %dma_start3A_938 = tpu.memref_slice %arg2[%select_n3A_10, %dma_start3A_935, %dma_start3A_936, %dma_start3A_937] : memref<8x2x8x4096xf32, #tpu.memory_space<hbm>> -> memref<1x2x8x4096xf32, #tpu.memory_space<hbm>>
      %dma_start3A_939 = tpu.memref_squeeze %dma_start3A_938 : memref<1x2x8x4096xf32, #tpu.memory_space<hbm>> -> memref<2x8x4096xf32, #tpu.memory_space<hbm>>
      %dma_start3A_940 = arith.constant 0 : i32
      %dma_start3A_941 = arith.constant 0 : i32
      %dma_start3A_942 = arith.constant 0 : i32
      %dma_start3A_943 = tpu.memref_slice %arg2[%select_n3A_10, %dma_start3A_940, %dma_start3A_941, %dma_start3A_942] : memref<8x2x8x4096xf32, #tpu.memory_space<hbm>> -> memref<1x2x8x4096xf32, #tpu.memory_space<hbm>>
      %dma_start3A_944 = tpu.memref_squeeze %dma_start3A_943 : memref<1x2x8x4096xf32, #tpu.memory_space<hbm>> -> memref<2x8x4096xf32, #tpu.memory_space<hbm>>
      tpu.enqueue_dma source(%dma_start3A_944 : memref<2x8x4096xf32, #tpu.memory_space<hbm>>) target(%arg4 : memref<2x8x4096xf32, #tpu.memory_space<vmem>>) target_semaphore(%run_scoped3A : memref<!tpu.dma_semaphore, #tpu.memory_space<semaphore_mem>>)
      %dma_wait3A_945 = arith.constant 0 : i32
      %dma_wait3A_946 = arith.constant 0 : i32
      %dma_wait3A_947 = arith.constant 0 : i32
      %dma_wait3A_948 = tpu.memref_slice %arg2[%select_n3A_10, %dma_wait3A_945, %dma_wait3A_946, %dma_wait3A_947] : memref<8x2x8x4096xf32, #tpu.memory_space<hbm>> -> memref<1x2x8x4096xf32, #tpu.memory_space<hbm>>
      %dma_wait3A_949 = tpu.memref_squeeze %dma_wait3A_948 : memref<1x2x8x4096xf32, #tpu.memory_space<hbm>> -> memref<2x8x4096xf32, #tpu.memory_space<hbm>>
      %dma_wait3A_950 = arith.constant 0 : i32
      %dma_wait3A_951 = arith.constant 0 : i32
      %dma_wait3A_952 = arith.constant 0 : i32
      %dma_wait3A_953 = tpu.memref_slice %arg2[%select_n3A_10, %dma_wait3A_950, %dma_wait3A_951, %dma_wait3A_952] : memref<8x2x8x4096xf32, #tpu.memory_space<hbm>> -> memref<1x2x8x4096xf32, #tpu.memory_space<hbm>>
      %dma_wait3A_954 = tpu.memref_squeeze %dma_wait3A_953 : memref<1x2x8x4096xf32, #tpu.memory_space<hbm>> -> memref<2x8x4096xf32, #tpu.memory_space<hbm>>
      tpu.wait_dma2 semaphore(%run_scoped3A : memref<!tpu.dma_semaphore, #tpu.memory_space<semaphore_mem>>) src(%dma_wait3A_954 : memref<2x8x4096xf32, #tpu.memory_space<hbm>>) dst(%arg4 : memref<2x8x4096xf32, #tpu.memory_space<vmem>>)
      tpu.yield
    }) : () -> ()
    %sub3A_11 = arith.constant 1023 : i32
    %sub3A_12 = arith.subi %sub3A_11, %add3A : i32
    %sub3A_13 = arith.subi %sub3A_12, %select_n3A_10 : i32
    %multiple_of3A = tpu.assume_multiple %sub3A_13, 8 : i32
    %add3A_14 = arith.constant 0 : i32
    %add3A_15 = arith.addi %multiple_of3A, %add3A_14 : i32
    %add3A_16 = arith.constant 128 : i32
    %add3A_17 = arith.addi %multiple_of3A, %add3A_16 : i32
    %add3A_18 = arith.constant 256 : i32
    %add3A_19 = arith.addi %multiple_of3A, %add3A_18 : i32
    %add3A_20 = arith.constant 384 : i32
    %add3A_21 = arith.addi %multiple_of3A, %add3A_20 : i32
    %add3A_22 = arith.constant 512 : i32
    %add3A_23 = arith.addi %multiple_of3A, %add3A_22 : i32
    %add3A_24 = arith.constant 640 : i32
    %add3A_25 = arith.addi %multiple_of3A, %add3A_24 : i32
    %add3A_26 = arith.constant 768 : i32
    %add3A_27 = arith.addi %multiple_of3A, %add3A_26 : i32
    %add3A_28 = arith.constant 896 : i32
    %add3A_29 = arith.addi %multiple_of3A, %add3A_28 : i32
    %add3A_30 = arith.constant 1024 : i32
    %add3A_31 = arith.addi %multiple_of3A, %add3A_30 : i32
    %add3A_32 = arith.constant 1152 : i32
    %add3A_33 = arith.addi %multiple_of3A, %add3A_32 : i32
    %add3A_34 = arith.constant 1280 : i32
    %add3A_35 = arith.addi %multiple_of3A, %add3A_34 : i32
    %add3A_36 = arith.constant 1408 : i32
    %add3A_37 = arith.addi %multiple_of3A, %add3A_36 : i32
    %add3A_38 = arith.constant 1536 : i32
    %add3A_39 = arith.addi %multiple_of3A, %add3A_38 : i32
    %add3A_40 = arith.constant 1664 : i32
    %add3A_41 = arith.addi %multiple_of3A, %add3A_40 : i32
    %add3A_42 = arith.constant 1792 : i32
    %add3A_43 = arith.addi %multiple_of3A, %add3A_42 : i32
    %add3A_44 = arith.constant 1920 : i32
    %add3A_45 = arith.addi %multiple_of3A, %add3A_44 : i32
    %add3A_46 = arith.constant 2048 : i32
    %add3A_47 = arith.addi %multiple_of3A, %add3A_46 : i32
    %add3A_48 = arith.constant 2176 : i32
    %add3A_49 = arith.addi %multiple_of3A, %add3A_48 : i32
    %add3A_50 = arith.constant 2304 : i32
    %add3A_51 = arith.addi %multiple_of3A, %add3A_50 : i32
    %add3A_52 = arith.constant 2432 : i32
    %add3A_53 = arith.addi %multiple_of3A, %add3A_52 : i32
    %add3A_54 = arith.constant 2560 : i32
    %add3A_55 = arith.addi %multiple_of3A, %add3A_54 : i32
    %add3A_56 = arith.constant 2688 : i32
    %add3A_57 = arith.addi %multiple_of3A, %add3A_56 : i32
    %add3A_58 = arith.constant 2816 : i32
    %add3A_59 = arith.addi %multiple_of3A, %add3A_58 : i32
    %add3A_60 = arith.constant 2944 : i32
    %add3A_61 = arith.addi %multiple_of3A, %add3A_60 : i32
    %dma_start3A = arith.constant 0 : i32
    %dma_start3A_62 = arith.constant 0 : i32
    %dma_start3A_63 = arith.constant 0 : i32
    %dma_start3A_64 = tpu.memref_slice %arg4[%dma_start3A_62, %dma_start3A_63, %add3A_15] : memref<2x8x4096xf32, #tpu.memory_space<vmem>> -> memref<2x8x128xf32, #tpu.memory_space<vmem>>
    %dma_start3A_65 = arith.constant 0 : i32
    %dma_start3A_66 = arith.constant 0 : i32
    %dma_start3A_67 = arith.constant 0 : i32
    %dma_start3A_68 = tpu.memref_slice %arg3[%add3A, %dma_start3A_65, %dma_start3A, %dma_start3A_66, %dma_start3A_67] : memref<1024x2x24x8x128xf32, #tpu.memory_space<hbm>> -> memref<1x2x1x8x128xf32, #tpu.memory_space<hbm>>
    %dma_start3A_69 = tpu.memref_squeeze %dma_start3A_68 : memref<1x2x1x8x128xf32, #tpu.memory_space<hbm>> -> memref<2x8x128xf32, #tpu.memory_space<hbm>>
    %dma_start3A_70 = arith.constant 0 : i32
    %dma_start3A_71 = arith.constant 0 : i32
    %dma_start3A_72 = arith.constant 0 : i32
    %dma_start3A_73 = tpu.memref_slice %arg3[%add3A, %dma_start3A_70, %dma_start3A, %dma_start3A_71, %dma_start3A_72] : memref<1024x2x24x8x128xf32, #tpu.memory_space<hbm>> -> memref<1x2x1x8x128xf32, #tpu.memory_space<hbm>>
    %dma_start3A_74 = tpu.memref_squeeze %dma_start3A_73 : memref<1x2x1x8x128xf32, #tpu.memory_space<hbm>> -> memref<2x8x128xf32, #tpu.memory_space<hbm>>
    %dma_start3A_75 = arith.constant 0 : i32
    %dma_start3A_76 = arith.constant 0 : i32
    %dma_start3A_77 = tpu.memref_slice %arg4[%dma_start3A_75, %dma_start3A_76, %add3A_15] : memref<2x8x4096xf32, #tpu.memory_space<vmem>> -> memref<2x8x128xf32, #tpu.memory_space<vmem>>
    tpu.enqueue_dma source(%dma_start3A_77 : memref<2x8x128xf32, #tpu.memory_space<vmem>>) target(%dma_start3A_74 : memref<2x8x128xf32, #tpu.memory_space<hbm>>) target_semaphore(%arg5 : memref<!tpu.dma_semaphore, #tpu.memory_space<semaphore_mem>>)
    %dma_start3A_78 = arith.constant 1 : i32
    %dma_start3A_79 = arith.constant 0 : i32
    %dma_start3A_80 = arith.constant 0 : i32
    %dma_start3A_81 = tpu.memref_slice %arg4[%dma_start3A_79, %dma_start3A_80, %add3A_17] : memref<2x8x4096xf32, #tpu.memory_space<vmem>> -> memref<2x8x128xf32, #tpu.memory_space<vmem>>
    %dma_start3A_82 = arith.constant 0 : i32
    %dma_start3A_83 = arith.constant 0 : i32
    %dma_start3A_84 = arith.constant 0 : i32
    %dma_start3A_85 = tpu.memref_slice %arg3[%add3A, %dma_start3A_82, %dma_start3A_78, %dma_start3A_83, %dma_start3A_84] : memref<1024x2x24x8x128xf32, #tpu.memory_space<hbm>> -> memref<1x2x1x8x128xf32, #tpu.memory_space<hbm>>
    %dma_start3A_86 = tpu.memref_squeeze %dma_start3A_85 : memref<1x2x1x8x128xf32, #tpu.memory_space<hbm>> -> memref<2x8x128xf32, #tpu.memory_space<hbm>>
    %dma_start3A_87 = arith.constant 0 : i32
    %dma_start3A_88 = arith.constant 0 : i32
    %dma_start3A_89 = arith.constant 0 : i32
    %dma_start3A_90 = tpu.memref_slice %arg3[%add3A, %dma_start3A_87, %dma_start3A_78, %dma_start3A_88, %dma_start3A_89] : memref<1024x2x24x8x128xf32, #tpu.memory_space<hbm>> -> memref<1x2x1x8x128xf32, #tpu.memory_space<hbm>>
    %dma_start3A_91 = tpu.memref_squeeze %dma_start3A_90 : memref<1x2x1x8x128xf32, #tpu.memory_space<hbm>> -> memref<2x8x128xf32, #tpu.memory_space<hbm>>
    %dma_start3A_92 = arith.constant 0 : i32
    %dma_start3A_93 = arith.constant 0 : i32
    %dma_start3A_94 = tpu.memref_slice %arg4[%dma_start3A_92, %dma_start3A_93, %add3A_17] : memref<2x8x4096xf32, #tpu.memory_space<vmem>> -> memref<2x8x128xf32, #tpu.memory_space<vmem>>
    tpu.enqueue_dma source(%dma_start3A_94 : memref<2x8x128xf32, #tpu.memory_space<vmem>>) target(%dma_start3A_91 : memref<2x8x128xf32, #tpu.memory_space<hbm>>) target_semaphore(%arg5 : memref<!tpu.dma_semaphore, #tpu.memory_space<semaphore_mem>>)
    %dma_start3A_95 = arith.constant 2 : i32
    %dma_start3A_96 = arith.constant 0 : i32
    %dma_start3A_97 = arith.constant 0 : i32
    %dma_start3A_98 = tpu.memref_slice %arg4[%dma_start3A_96, %dma_start3A_97, %add3A_19] : memref<2x8x4096xf32, #tpu.memory_space<vmem>> -> memref<2x8x128xf32, #tpu.memory_space<vmem>>
    %dma_start3A_99 = arith.constant 0 : i32
    %dma_start3A_100 = arith.constant 0 : i32
    %dma_start3A_101 = arith.constant 0 : i32
    %dma_start3A_102 = tpu.memref_slice %arg3[%add3A, %dma_start3A_99, %dma_start3A_95, %dma_start3A_100, %dma_start3A_101] : memref<1024x2x24x8x128xf32, #tpu.memory_space<hbm>> -> memref<1x2x1x8x128xf32, #tpu.memory_space<hbm>>
    %dma_start3A_103 = tpu.memref_squeeze %dma_start3A_102 : memref<1x2x1x8x128xf32, #tpu.memory_space<hbm>> -> memref<2x8x128xf32, #tpu.memory_space<hbm>>
    %dma_start3A_104 = arith.constant 0 : i32
    %dma_start3A_105 = arith.constant 0 : i32
    %dma_start3A_106 = arith.constant 0 : i32
    %dma_start3A_107 = tpu.memref_slice %arg3[%add3A, %dma_start3A_104, %dma_start3A_95, %dma_start3A_105, %dma_start3A_106] : memref<1024x2x24x8x128xf32, #tpu.memory_space<hbm>> -> memref<1x2x1x8x128xf32, #tpu.memory_space<hbm>>
    %dma_start3A_108 = tpu.memref_squeeze %dma_start3A_107 : memref<1x2x1x8x128xf32, #tpu.memory_space<hbm>> -> memref<2x8x128xf32, #tpu.memory_space<hbm>>
    %dma_start3A_109 = arith.constant 0 : i32
    %dma_start3A_110 = arith.constant 0 : i32
    %dma_start3A_111 = tpu.memref_slice %arg4[%dma_start3A_109, %dma_start3A_110, %add3A_19] : memref<2x8x4096xf32, #tpu.memory_space<vmem>> -> memref<2x8x128xf32, #tpu.memory_space<vmem>>
    tpu.enqueue_dma source(%dma_start3A_111 : memref<2x8x128xf32, #tpu.memory_space<vmem>>) target(%dma_start3A_108 : memref<2x8x128xf32, #tpu.memory_space<hbm>>) target_semaphore(%arg5 : memref<!tpu.dma_semaphore, #tpu.memory_space<semaphore_mem>>)
    %dma_start3A_112 = arith.constant 3 : i32
    %dma_start3A_113 = arith.constant 0 : i32
    %dma_start3A_114 = arith.constant 0 : i32
    %dma_start3A_115 = tpu.memref_slice %arg4[%dma_start3A_113, %dma_start3A_114, %add3A_21] : memref<2x8x4096xf32, #tpu.memory_space<vmem>> -> memref<2x8x128xf32, #tpu.memory_space<vmem>>
    %dma_start3A_116 = arith.constant 0 : i32
    %dma_start3A_117 = arith.constant 0 : i32
    %dma_start3A_118 = arith.constant 0 : i32
    %dma_start3A_119 = tpu.memref_slice %arg3[%add3A, %dma_start3A_116, %dma_start3A_112, %dma_start3A_117, %dma_start3A_118] : memref<1024x2x24x8x128xf32, #tpu.memory_space<hbm>> -> memref<1x2x1x8x128xf32, #tpu.memory_space<hbm>>
    %dma_start3A_120 = tpu.memref_squeeze %dma_start3A_119 : memref<1x2x1x8x128xf32, #tpu.memory_space<hbm>> -> memref<2x8x128xf32, #tpu.memory_space<hbm>>
    %dma_start3A_121 = arith.constant 0 : i32
    %dma_start3A_122 = arith.constant 0 : i32
    %dma_start3A_123 = arith.constant 0 : i32
    %dma_start3A_124 = tpu.memref_slice %arg3[%add3A, %dma_start3A_121, %dma_start3A_112, %dma_start3A_122, %dma_start3A_123] : memref<1024x2x24x8x128xf32, #tpu.memory_space<hbm>> -> memref<1x2x1x8x128xf32, #tpu.memory_space<hbm>>
    %dma_start3A_125 = tpu.memref_squeeze %dma_start3A_124 : memref<1x2x1x8x128xf32, #tpu.memory_space<hbm>> -> memref<2x8x128xf32, #tpu.memory_space<hbm>>
    %dma_start3A_126 = arith.constant 0 : i32
    %dma_start3A_127 = arith.constant 0 : i32
    %dma_start3A_128 = tpu.memref_slice %arg4[%dma_start3A_126, %dma_start3A_127, %add3A_21] : memref<2x8x4096xf32, #tpu.memory_space<vmem>> -> memref<2x8x128xf32, #tpu.memory_space<vmem>>
    tpu.enqueue_dma source(%dma_start3A_128 : memref<2x8x128xf32, #tpu.memory_space<vmem>>) target(%dma_start3A_125 : memref<2x8x128xf32, #tpu.memory_space<hbm>>) target_semaphore(%arg5 : memref<!tpu.dma_semaphore, #tpu.memory_space<semaphore_mem>>)
    %dma_start3A_129 = arith.constant 4 : i32
    %dma_start3A_130 = arith.constant 0 : i32
    %dma_start3A_131 = arith.constant 0 : i32
    %dma_start3A_132 = tpu.memref_slice %arg4[%dma_start3A_130, %dma_start3A_131, %add3A_23] : memref<2x8x4096xf32, #tpu.memory_space<vmem>> -> memref<2x8x128xf32, #tpu.memory_space<vmem>>
    %dma_start3A_133 = arith.constant 0 : i32
    %dma_start3A_134 = arith.constant 0 : i32
    %dma_start3A_135 = arith.constant 0 : i32
    %dma_start3A_136 = tpu.memref_slice %arg3[%add3A, %dma_start3A_133, %dma_start3A_129, %dma_start3A_134, %dma_start3A_135] : memref<1024x2x24x8x128xf32, #tpu.memory_space<hbm>> -> memref<1x2x1x8x128xf32, #tpu.memory_space<hbm>>
    %dma_start3A_137 = tpu.memref_squeeze %dma_start3A_136 : memref<1x2x1x8x128xf32, #tpu.memory_space<hbm>> -> memref<2x8x128xf32, #tpu.memory_space<hbm>>
    %dma_start3A_138 = arith.constant 0 : i32
    %dma_start3A_139 = arith.constant 0 : i32
    %dma_start3A_140 = arith.constant 0 : i32
    %dma_start3A_141 = tpu.memref_slice %arg3[%add3A, %dma_start3A_138, %dma_start3A_129, %dma_start3A_139, %dma_start3A_140] : memref<1024x2x24x8x128xf32, #tpu.memory_space<hbm>> -> memref<1x2x1x8x128xf32, #tpu.memory_space<hbm>>
    %dma_start3A_142 = tpu.memref_squeeze %dma_start3A_141 : memref<1x2x1x8x128xf32, #tpu.memory_space<hbm>> -> memref<2x8x128xf32, #tpu.memory_space<hbm>>
    %dma_start3A_143 = arith.constant 0 : i32
    %dma_start3A_144 = arith.constant 0 : i32
    %dma_start3A_145 = tpu.memref_slice %arg4[%dma_start3A_143, %dma_start3A_144, %add3A_23] : memref<2x8x4096xf32, #tpu.memory_space<vmem>> -> memref<2x8x128xf32, #tpu.memory_space<vmem>>
    tpu.enqueue_dma source(%dma_start3A_145 : memref<2x8x128xf32, #tpu.memory_space<vmem>>) target(%dma_start3A_142 : memref<2x8x128xf32, #tpu.memory_space<hbm>>) target_semaphore(%arg5 : memref<!tpu.dma_semaphore, #tpu.memory_space<semaphore_mem>>)
    %dma_start3A_146 = arith.constant 5 : i32
    %dma_start3A_147 = arith.constant 0 : i32
    %dma_start3A_148 = arith.constant 0 : i32
    %dma_start3A_149 = tpu.memref_slice %arg4[%dma_start3A_147, %dma_start3A_148, %add3A_25] : memref<2x8x4096xf32, #tpu.memory_space<vmem>> -> memref<2x8x128xf32, #tpu.memory_space<vmem>>
    %dma_start3A_150 = arith.constant 0 : i32
    %dma_start3A_151 = arith.constant 0 : i32
    %dma_start3A_152 = arith.constant 0 : i32
    %dma_start3A_153 = tpu.memref_slice %arg3[%add3A, %dma_start3A_150, %dma_start3A_146, %dma_start3A_151, %dma_start3A_152] : memref<1024x2x24x8x128xf32, #tpu.memory_space<hbm>> -> memref<1x2x1x8x128xf32, #tpu.memory_space<hbm>>
    %dma_start3A_154 = tpu.memref_squeeze %dma_start3A_153 : memref<1x2x1x8x128xf32, #tpu.memory_space<hbm>> -> memref<2x8x128xf32, #tpu.memory_space<hbm>>
    %dma_start3A_155 = arith.constant 0 : i32
    %dma_start3A_156 = arith.constant 0 : i32
    %dma_start3A_157 = arith.constant 0 : i32
    %dma_start3A_158 = tpu.memref_slice %arg3[%add3A, %dma_start3A_155, %dma_start3A_146, %dma_start3A_156, %dma_start3A_157] : memref<1024x2x24x8x128xf32, #tpu.memory_space<hbm>> -> memref<1x2x1x8x128xf32, #tpu.memory_space<hbm>>
    %dma_start3A_159 = tpu.memref_squeeze %dma_start3A_158 : memref<1x2x1x8x128xf32, #tpu.memory_space<hbm>> -> memref<2x8x128xf32, #tpu.memory_space<hbm>>
    %dma_start3A_160 = arith.constant 0 : i32
    %dma_start3A_161 = arith.constant 0 : i32
    %dma_start3A_162 = tpu.memref_slice %arg4[%dma_start3A_160, %dma_start3A_161, %add3A_25] : memref<2x8x4096xf32, #tpu.memory_space<vmem>> -> memref<2x8x128xf32, #tpu.memory_space<vmem>>
    tpu.enqueue_dma source(%dma_start3A_162 : memref<2x8x128xf32, #tpu.memory_space<vmem>>) target(%dma_start3A_159 : memref<2x8x128xf32, #tpu.memory_space<hbm>>) target_semaphore(%arg5 : memref<!tpu.dma_semaphore, #tpu.memory_space<semaphore_mem>>)
    %dma_start3A_163 = arith.constant 6 : i32
    %dma_start3A_164 = arith.constant 0 : i32
    %dma_start3A_165 = arith.constant 0 : i32
    %dma_start3A_166 = tpu.memref_slice %arg4[%dma_start3A_164, %dma_start3A_165, %add3A_27] : memref<2x8x4096xf32, #tpu.memory_space<vmem>> -> memref<2x8x128xf32, #tpu.memory_space<vmem>>
    %dma_start3A_167 = arith.constant 0 : i32
    %dma_start3A_168 = arith.constant 0 : i32
    %dma_start3A_169 = arith.constant 0 : i32
    %dma_start3A_170 = tpu.memref_slice %arg3[%add3A, %dma_start3A_167, %dma_start3A_163, %dma_start3A_168, %dma_start3A_169] : memref<1024x2x24x8x128xf32, #tpu.memory_space<hbm>> -> memref<1x2x1x8x128xf32, #tpu.memory_space<hbm>>
    %dma_start3A_171 = tpu.memref_squeeze %dma_start3A_170 : memref<1x2x1x8x128xf32, #tpu.memory_space<hbm>> -> memref<2x8x128xf32, #tpu.memory_space<hbm>>
    %dma_start3A_172 = arith.constant 0 : i32
    %dma_start3A_173 = arith.constant 0 : i32
    %dma_start3A_174 = arith.constant 0 : i32
    %dma_start3A_175 = tpu.memref_slice %arg3[%add3A, %dma_start3A_172, %dma_start3A_163, %dma_start3A_173, %dma_start3A_174] : memref<1024x2x24x8x128xf32, #tpu.memory_space<hbm>> -> memref<1x2x1x8x128xf32, #tpu.memory_space<hbm>>
    %dma_start3A_176 = tpu.memref_squeeze %dma_start3A_175 : memref<1x2x1x8x128xf32, #tpu.memory_space<hbm>> -> memref<2x8x128xf32, #tpu.memory_space<hbm>>
    %dma_start3A_177 = arith.constant 0 : i32
    %dma_start3A_178 = arith.constant 0 : i32
    %dma_start3A_179 = tpu.memref_slice %arg4[%dma_start3A_177, %dma_start3A_178, %add3A_27] : memref<2x8x4096xf32, #tpu.memory_space<vmem>> -> memref<2x8x128xf32, #tpu.memory_space<vmem>>
    tpu.enqueue_dma source(%dma_start3A_179 : memref<2x8x128xf32, #tpu.memory_space<vmem>>) target(%dma_start3A_176 : memref<2x8x128xf32, #tpu.memory_space<hbm>>) target_semaphore(%arg5 : memref<!tpu.dma_semaphore, #tpu.memory_space<semaphore_mem>>)
    %dma_start3A_180 = arith.constant 7 : i32
    %dma_start3A_181 = arith.constant 0 : i32
    %dma_start3A_182 = arith.constant 0 : i32
    %dma_start3A_183 = tpu.memref_slice %arg4[%dma_start3A_181, %dma_start3A_182, %add3A_29] : memref<2x8x4096xf32, #tpu.memory_space<vmem>> -> memref<2x8x128xf32, #tpu.memory_space<vmem>>
    %dma_start3A_184 = arith.constant 0 : i32
    %dma_start3A_185 = arith.constant 0 : i32
    %dma_start3A_186 = arith.constant 0 : i32
    %dma_start3A_187 = tpu.memref_slice %arg3[%add3A, %dma_start3A_184, %dma_start3A_180, %dma_start3A_185, %dma_start3A_186] : memref<1024x2x24x8x128xf32, #tpu.memory_space<hbm>> -> memref<1x2x1x8x128xf32, #tpu.memory_space<hbm>>
    %dma_start3A_188 = tpu.memref_squeeze %dma_start3A_187 : memref<1x2x1x8x128xf32, #tpu.memory_space<hbm>> -> memref<2x8x128xf32, #tpu.memory_space<hbm>>
    %dma_start3A_189 = arith.constant 0 : i32
    %dma_start3A_190 = arith.constant 0 : i32
    %dma_start3A_191 = arith.constant 0 : i32
    %dma_start3A_192 = tpu.memref_slice %arg3[%add3A, %dma_start3A_189, %dma_start3A_180, %dma_start3A_190, %dma_start3A_191] : memref<1024x2x24x8x128xf32, #tpu.memory_space<hbm>> -> memref<1x2x1x8x128xf32, #tpu.memory_space<hbm>>
    %dma_start3A_193 = tpu.memref_squeeze %dma_start3A_192 : memref<1x2x1x8x128xf32, #tpu.memory_space<hbm>> -> memref<2x8x128xf32, #tpu.memory_space<hbm>>
    %dma_start3A_194 = arith.constant 0 : i32
    %dma_start3A_195 = arith.constant 0 : i32
    %dma_start3A_196 = tpu.memref_slice %arg4[%dma_start3A_194, %dma_start3A_195, %add3A_29] : memref<2x8x4096xf32, #tpu.memory_space<vmem>> -> memref<2x8x128xf32, #tpu.memory_space<vmem>>
    tpu.enqueue_dma source(%dma_start3A_196 : memref<2x8x128xf32, #tpu.memory_space<vmem>>) target(%dma_start3A_193 : memref<2x8x128xf32, #tpu.memory_space<hbm>>) target_semaphore(%arg5 : memref<!tpu.dma_semaphore, #tpu.memory_space<semaphore_mem>>)
    %dma_start3A_197 = arith.constant 8 : i32
    %dma_start3A_198 = arith.constant 0 : i32
    %dma_start3A_199 = arith.constant 0 : i32
    %dma_start3A_200 = tpu.memref_slice %arg4[%dma_start3A_198, %dma_start3A_199, %add3A_31] : memref<2x8x4096xf32, #tpu.memory_space<vmem>> -> memref<2x8x128xf32, #tpu.memory_space<vmem>>
    %dma_start3A_201 = arith.constant 0 : i32
    %dma_start3A_202 = arith.constant 0 : i32
    %dma_start3A_203 = arith.constant 0 : i32
    %dma_start3A_204 = tpu.memref_slice %arg3[%add3A, %dma_start3A_201, %dma_start3A_197, %dma_start3A_202, %dma_start3A_203] : memref<1024x2x24x8x128xf32, #tpu.memory_space<hbm>> -> memref<1x2x1x8x128xf32, #tpu.memory_space<hbm>>
    %dma_start3A_205 = tpu.memref_squeeze %dma_start3A_204 : memref<1x2x1x8x128xf32, #tpu.memory_space<hbm>> -> memref<2x8x128xf32, #tpu.memory_space<hbm>>
    %dma_start3A_206 = arith.constant 0 : i32
    %dma_start3A_207 = arith.constant 0 : i32
    %dma_start3A_208 = arith.constant 0 : i32
    %dma_start3A_209 = tpu.memref_slice %arg3[%add3A, %dma_start3A_206, %dma_start3A_197, %dma_start3A_207, %dma_start3A_208] : memref<1024x2x24x8x128xf32, #tpu.memory_space<hbm>> -> memref<1x2x1x8x128xf32, #tpu.memory_space<hbm>>
    %dma_start3A_210 = tpu.memref_squeeze %dma_start3A_209 : memref<1x2x1x8x128xf32, #tpu.memory_space<hbm>> -> memref<2x8x128xf32, #tpu.memory_space<hbm>>
    %dma_start3A_211 = arith.constant 0 : i32
    %dma_start3A_212 = arith.constant 0 : i32
    %dma_start3A_213 = tpu.memref_slice %arg4[%dma_start3A_211, %dma_start3A_212, %add3A_31] : memref<2x8x4096xf32, #tpu.memory_space<vmem>> -> memref<2x8x128xf32, #tpu.memory_space<vmem>>
    tpu.enqueue_dma source(%dma_start3A_213 : memref<2x8x128xf32, #tpu.memory_space<vmem>>) target(%dma_start3A_210 : memref<2x8x128xf32, #tpu.memory_space<hbm>>) target_semaphore(%arg5 : memref<!tpu.dma_semaphore, #tpu.memory_space<semaphore_mem>>)
    %dma_start3A_214 = arith.constant 9 : i32
    %dma_start3A_215 = arith.constant 0 : i32
    %dma_start3A_216 = arith.constant 0 : i32
    %dma_start3A_217 = tpu.memref_slice %arg4[%dma_start3A_215, %dma_start3A_216, %add3A_33] : memref<2x8x4096xf32, #tpu.memory_space<vmem>> -> memref<2x8x128xf32, #tpu.memory_space<vmem>>
    %dma_start3A_218 = arith.constant 0 : i32
    %dma_start3A_219 = arith.constant 0 : i32
    %dma_start3A_220 = arith.constant 0 : i32
    %dma_start3A_221 = tpu.memref_slice %arg3[%add3A, %dma_start3A_218, %dma_start3A_214, %dma_start3A_219, %dma_start3A_220] : memref<1024x2x24x8x128xf32, #tpu.memory_space<hbm>> -> memref<1x2x1x8x128xf32, #tpu.memory_space<hbm>>
    %dma_start3A_222 = tpu.memref_squeeze %dma_start3A_221 : memref<1x2x1x8x128xf32, #tpu.memory_space<hbm>> -> memref<2x8x128xf32, #tpu.memory_space<hbm>>
    %dma_start3A_223 = arith.constant 0 : i32
    %dma_start3A_224 = arith.constant 0 : i32
    %dma_start3A_225 = arith.constant 0 : i32
    %dma_start3A_226 = tpu.memref_slice %arg3[%add3A, %dma_start3A_223, %dma_start3A_214, %dma_start3A_224, %dma_start3A_225] : memref<1024x2x24x8x128xf32, #tpu.memory_space<hbm>> -> memref<1x2x1x8x128xf32, #tpu.memory_space<hbm>>
    %dma_start3A_227 = tpu.memref_squeeze %dma_start3A_226 : memref<1x2x1x8x128xf32, #tpu.memory_space<hbm>> -> memref<2x8x128xf32, #tpu.memory_space<hbm>>
    %dma_start3A_228 = arith.constant 0 : i32
    %dma_start3A_229 = arith.constant 0 : i32
    %dma_start3A_230 = tpu.memref_slice %arg4[%dma_start3A_228, %dma_start3A_229, %add3A_33] : memref<2x8x4096xf32, #tpu.memory_space<vmem>> -> memref<2x8x128xf32, #tpu.memory_space<vmem>>
    tpu.enqueue_dma source(%dma_start3A_230 : memref<2x8x128xf32, #tpu.memory_space<vmem>>) target(%dma_start3A_227 : memref<2x8x128xf32, #tpu.memory_space<hbm>>) target_semaphore(%arg5 : memref<!tpu.dma_semaphore, #tpu.memory_space<semaphore_mem>>)
    %dma_start3A_231 = arith.constant 10 : i32
    %dma_start3A_232 = arith.constant 0 : i32
    %dma_start3A_233 = arith.constant 0 : i32
    %dma_start3A_234 = tpu.memref_slice %arg4[%dma_start3A_232, %dma_start3A_233, %add3A_35] : memref<2x8x4096xf32, #tpu.memory_space<vmem>> -> memref<2x8x128xf32, #tpu.memory_space<vmem>>
    %dma_start3A_235 = arith.constant 0 : i32
    %dma_start3A_236 = arith.constant 0 : i32
    %dma_start3A_237 = arith.constant 0 : i32
    %dma_start3A_238 = tpu.memref_slice %arg3[%add3A, %dma_start3A_235, %dma_start3A_231, %dma_start3A_236, %dma_start3A_237] : memref<1024x2x24x8x128xf32, #tpu.memory_space<hbm>> -> memref<1x2x1x8x128xf32, #tpu.memory_space<hbm>>
    %dma_start3A_239 = tpu.memref_squeeze %dma_start3A_238 : memref<1x2x1x8x128xf32, #tpu.memory_space<hbm>> -> memref<2x8x128xf32, #tpu.memory_space<hbm>>
    %dma_start3A_240 = arith.constant 0 : i32
    %dma_start3A_241 = arith.constant 0 : i32
    %dma_start3A_242 = arith.constant 0 : i32
    %dma_start3A_243 = tpu.memref_slice %arg3[%add3A, %dma_start3A_240, %dma_start3A_231, %dma_start3A_241, %dma_start3A_242] : memref<1024x2x24x8x128xf32, #tpu.memory_space<hbm>> -> memref<1x2x1x8x128xf32, #tpu.memory_space<hbm>>
    %dma_start3A_244 = tpu.memref_squeeze %dma_start3A_243 : memref<1x2x1x8x128xf32, #tpu.memory_space<hbm>> -> memref<2x8x128xf32, #tpu.memory_space<hbm>>
    %dma_start3A_245 = arith.constant 0 : i32
    %dma_start3A_246 = arith.constant 0 : i32
    %dma_start3A_247 = tpu.memref_slice %arg4[%dma_start3A_245, %dma_start3A_246, %add3A_35] : memref<2x8x4096xf32, #tpu.memory_space<vmem>> -> memref<2x8x128xf32, #tpu.memory_space<vmem>>
    tpu.enqueue_dma source(%dma_start3A_247 : memref<2x8x128xf32, #tpu.memory_space<vmem>>) target(%dma_start3A_244 : memref<2x8x128xf32, #tpu.memory_space<hbm>>) target_semaphore(%arg5 : memref<!tpu.dma_semaphore, #tpu.memory_space<semaphore_mem>>)
    %dma_start3A_248 = arith.constant 11 : i32
    %dma_start3A_249 = arith.constant 0 : i32
    %dma_start3A_250 = arith.constant 0 : i32
    %dma_start3A_251 = tpu.memref_slice %arg4[%dma_start3A_249, %dma_start3A_250, %add3A_37] : memref<2x8x4096xf32, #tpu.memory_space<vmem>> -> memref<2x8x128xf32, #tpu.memory_space<vmem>>
    %dma_start3A_252 = arith.constant 0 : i32
    %dma_start3A_253 = arith.constant 0 : i32
    %dma_start3A_254 = arith.constant 0 : i32
    %dma_start3A_255 = tpu.memref_slice %arg3[%add3A, %dma_start3A_252, %dma_start3A_248, %dma_start3A_253, %dma_start3A_254] : memref<1024x2x24x8x128xf32, #tpu.memory_space<hbm>> -> memref<1x2x1x8x128xf32, #tpu.memory_space<hbm>>
    %dma_start3A_256 = tpu.memref_squeeze %dma_start3A_255 : memref<1x2x1x8x128xf32, #tpu.memory_space<hbm>> -> memref<2x8x128xf32, #tpu.memory_space<hbm>>
    %dma_start3A_257 = arith.constant 0 : i32
    %dma_start3A_258 = arith.constant 0 : i32
    %dma_start3A_259 = arith.constant 0 : i32
    %dma_start3A_260 = tpu.memref_slice %arg3[%add3A, %dma_start3A_257, %dma_start3A_248, %dma_start3A_258, %dma_start3A_259] : memref<1024x2x24x8x128xf32, #tpu.memory_space<hbm>> -> memref<1x2x1x8x128xf32, #tpu.memory_space<hbm>>
    %dma_start3A_261 = tpu.memref_squeeze %dma_start3A_260 : memref<1x2x1x8x128xf32, #tpu.memory_space<hbm>> -> memref<2x8x128xf32, #tpu.memory_space<hbm>>
    %dma_start3A_262 = arith.constant 0 : i32
    %dma_start3A_263 = arith.constant 0 : i32
    %dma_start3A_264 = tpu.memref_slice %arg4[%dma_start3A_262, %dma_start3A_263, %add3A_37] : memref<2x8x4096xf32, #tpu.memory_space<vmem>> -> memref<2x8x128xf32, #tpu.memory_space<vmem>>
    tpu.enqueue_dma source(%dma_start3A_264 : memref<2x8x128xf32, #tpu.memory_space<vmem>>) target(%dma_start3A_261 : memref<2x8x128xf32, #tpu.memory_space<hbm>>) target_semaphore(%arg5 : memref<!tpu.dma_semaphore, #tpu.memory_space<semaphore_mem>>)
    %dma_start3A_265 = arith.constant 12 : i32
    %dma_start3A_266 = arith.constant 0 : i32
    %dma_start3A_267 = arith.constant 0 : i32
    %dma_start3A_268 = tpu.memref_slice %arg4[%dma_start3A_266, %dma_start3A_267, %add3A_39] : memref<2x8x4096xf32, #tpu.memory_space<vmem>> -> memref<2x8x128xf32, #tpu.memory_space<vmem>>
    %dma_start3A_269 = arith.constant 0 : i32
    %dma_start3A_270 = arith.constant 0 : i32
    %dma_start3A_271 = arith.constant 0 : i32
    %dma_start3A_272 = tpu.memref_slice %arg3[%add3A, %dma_start3A_269, %dma_start3A_265, %dma_start3A_270, %dma_start3A_271] : memref<1024x2x24x8x128xf32, #tpu.memory_space<hbm>> -> memref<1x2x1x8x128xf32, #tpu.memory_space<hbm>>
    %dma_start3A_273 = tpu.memref_squeeze %dma_start3A_272 : memref<1x2x1x8x128xf32, #tpu.memory_space<hbm>> -> memref<2x8x128xf32, #tpu.memory_space<hbm>>
    %dma_start3A_274 = arith.constant 0 : i32
    %dma_start3A_275 = arith.constant 0 : i32
    %dma_start3A_276 = arith.constant 0 : i32
    %dma_start3A_277 = tpu.memref_slice %arg3[%add3A, %dma_start3A_274, %dma_start3A_265, %dma_start3A_275, %dma_start3A_276] : memref<1024x2x24x8x128xf32, #tpu.memory_space<hbm>> -> memref<1x2x1x8x128xf32, #tpu.memory_space<hbm>>
    %dma_start3A_278 = tpu.memref_squeeze %dma_start3A_277 : memref<1x2x1x8x128xf32, #tpu.memory_space<hbm>> -> memref<2x8x128xf32, #tpu.memory_space<hbm>>
    %dma_start3A_279 = arith.constant 0 : i32
    %dma_start3A_280 = arith.constant 0 : i32
    %dma_start3A_281 = tpu.memref_slice %arg4[%dma_start3A_279, %dma_start3A_280, %add3A_39] : memref<2x8x4096xf32, #tpu.memory_space<vmem>> -> memref<2x8x128xf32, #tpu.memory_space<vmem>>
    tpu.enqueue_dma source(%dma_start3A_281 : memref<2x8x128xf32, #tpu.memory_space<vmem>>) target(%dma_start3A_278 : memref<2x8x128xf32, #tpu.memory_space<hbm>>) target_semaphore(%arg5 : memref<!tpu.dma_semaphore, #tpu.memory_space<semaphore_mem>>)
    %dma_start3A_282 = arith.constant 13 : i32
    %dma_start3A_283 = arith.constant 0 : i32
    %dma_start3A_284 = arith.constant 0 : i32
    %dma_start3A_285 = tpu.memref_slice %arg4[%dma_start3A_283, %dma_start3A_284, %add3A_41] : memref<2x8x4096xf32, #tpu.memory_space<vmem>> -> memref<2x8x128xf32, #tpu.memory_space<vmem>>
    %dma_start3A_286 = arith.constant 0 : i32
    %dma_start3A_287 = arith.constant 0 : i32
    %dma_start3A_288 = arith.constant 0 : i32
    %dma_start3A_289 = tpu.memref_slice %arg3[%add3A, %dma_start3A_286, %dma_start3A_282, %dma_start3A_287, %dma_start3A_288] : memref<1024x2x24x8x128xf32, #tpu.memory_space<hbm>> -> memref<1x2x1x8x128xf32, #tpu.memory_space<hbm>>
    %dma_start3A_290 = tpu.memref_squeeze %dma_start3A_289 : memref<1x2x1x8x128xf32, #tpu.memory_space<hbm>> -> memref<2x8x128xf32, #tpu.memory_space<hbm>>
    %dma_start3A_291 = arith.constant 0 : i32
    %dma_start3A_292 = arith.constant 0 : i32
    %dma_start3A_293 = arith.constant 0 : i32
    %dma_start3A_294 = tpu.memref_slice %arg3[%add3A, %dma_start3A_291, %dma_start3A_282, %dma_start3A_292, %dma_start3A_293] : memref<1024x2x24x8x128xf32, #tpu.memory_space<hbm>> -> memref<1x2x1x8x128xf32, #tpu.memory_space<hbm>>
    %dma_start3A_295 = tpu.memref_squeeze %dma_start3A_294 : memref<1x2x1x8x128xf32, #tpu.memory_space<hbm>> -> memref<2x8x128xf32, #tpu.memory_space<hbm>>
    %dma_start3A_296 = arith.constant 0 : i32
    %dma_start3A_297 = arith.constant 0 : i32
    %dma_start3A_298 = tpu.memref_slice %arg4[%dma_start3A_296, %dma_start3A_297, %add3A_41] : memref<2x8x4096xf32, #tpu.memory_space<vmem>> -> memref<2x8x128xf32, #tpu.memory_space<vmem>>
    tpu.enqueue_dma source(%dma_start3A_298 : memref<2x8x128xf32, #tpu.memory_space<vmem>>) target(%dma_start3A_295 : memref<2x8x128xf32, #tpu.memory_space<hbm>>) target_semaphore(%arg5 : memref<!tpu.dma_semaphore, #tpu.memory_space<semaphore_mem>>)
    %dma_start3A_299 = arith.constant 14 : i32
    %dma_start3A_300 = arith.constant 0 : i32
    %dma_start3A_301 = arith.constant 0 : i32
    %dma_start3A_302 = tpu.memref_slice %arg4[%dma_start3A_300, %dma_start3A_301, %add3A_43] : memref<2x8x4096xf32, #tpu.memory_space<vmem>> -> memref<2x8x128xf32, #tpu.memory_space<vmem>>
    %dma_start3A_303 = arith.constant 0 : i32
    %dma_start3A_304 = arith.constant 0 : i32
    %dma_start3A_305 = arith.constant 0 : i32
    %dma_start3A_306 = tpu.memref_slice %arg3[%add3A, %dma_start3A_303, %dma_start3A_299, %dma_start3A_304, %dma_start3A_305] : memref<1024x2x24x8x128xf32, #tpu.memory_space<hbm>> -> memref<1x2x1x8x128xf32, #tpu.memory_space<hbm>>
    %dma_start3A_307 = tpu.memref_squeeze %dma_start3A_306 : memref<1x2x1x8x128xf32, #tpu.memory_space<hbm>> -> memref<2x8x128xf32, #tpu.memory_space<hbm>>
    %dma_start3A_308 = arith.constant 0 : i32
    %dma_start3A_309 = arith.constant 0 : i32
    %dma_start3A_310 = arith.constant 0 : i32
    %dma_start3A_311 = tpu.memref_slice %arg3[%add3A, %dma_start3A_308, %dma_start3A_299, %dma_start3A_309, %dma_start3A_310] : memref<1024x2x24x8x128xf32, #tpu.memory_space<hbm>> -> memref<1x2x1x8x128xf32, #tpu.memory_space<hbm>>
    %dma_start3A_312 = tpu.memref_squeeze %dma_start3A_311 : memref<1x2x1x8x128xf32, #tpu.memory_space<hbm>> -> memref<2x8x128xf32, #tpu.memory_space<hbm>>
    %dma_start3A_313 = arith.constant 0 : i32
    %dma_start3A_314 = arith.constant 0 : i32
    %dma_start3A_315 = tpu.memref_slice %arg4[%dma_start3A_313, %dma_start3A_314, %add3A_43] : memref<2x8x4096xf32, #tpu.memory_space<vmem>> -> memref<2x8x128xf32, #tpu.memory_space<vmem>>
    tpu.enqueue_dma source(%dma_start3A_315 : memref<2x8x128xf32, #tpu.memory_space<vmem>>) target(%dma_start3A_312 : memref<2x8x128xf32, #tpu.memory_space<hbm>>) target_semaphore(%arg5 : memref<!tpu.dma_semaphore, #tpu.memory_space<semaphore_mem>>)
    %dma_start3A_316 = arith.constant 15 : i32
    %dma_start3A_317 = arith.constant 0 : i32
    %dma_start3A_318 = arith.constant 0 : i32
    %dma_start3A_319 = tpu.memref_slice %arg4[%dma_start3A_317, %dma_start3A_318, %add3A_45] : memref<2x8x4096xf32, #tpu.memory_space<vmem>> -> memref<2x8x128xf32, #tpu.memory_space<vmem>>
    %dma_start3A_320 = arith.constant 0 : i32
    %dma_start3A_321 = arith.constant 0 : i32
    %dma_start3A_322 = arith.constant 0 : i32
    %dma_start3A_323 = tpu.memref_slice %arg3[%add3A, %dma_start3A_320, %dma_start3A_316, %dma_start3A_321, %dma_start3A_322] : memref<1024x2x24x8x128xf32, #tpu.memory_space<hbm>> -> memref<1x2x1x8x128xf32, #tpu.memory_space<hbm>>
    %dma_start3A_324 = tpu.memref_squeeze %dma_start3A_323 : memref<1x2x1x8x128xf32, #tpu.memory_space<hbm>> -> memref<2x8x128xf32, #tpu.memory_space<hbm>>
    %dma_start3A_325 = arith.constant 0 : i32
    %dma_start3A_326 = arith.constant 0 : i32
    %dma_start3A_327 = arith.constant 0 : i32
    %dma_start3A_328 = tpu.memref_slice %arg3[%add3A, %dma_start3A_325, %dma_start3A_316, %dma_start3A_326, %dma_start3A_327] : memref<1024x2x24x8x128xf32, #tpu.memory_space<hbm>> -> memref<1x2x1x8x128xf32, #tpu.memory_space<hbm>>
    %dma_start3A_329 = tpu.memref_squeeze %dma_start3A_328 : memref<1x2x1x8x128xf32, #tpu.memory_space<hbm>> -> memref<2x8x128xf32, #tpu.memory_space<hbm>>
    %dma_start3A_330 = arith.constant 0 : i32
    %dma_start3A_331 = arith.constant 0 : i32
    %dma_start3A_332 = tpu.memref_slice %arg4[%dma_start3A_330, %dma_start3A_331, %add3A_45] : memref<2x8x4096xf32, #tpu.memory_space<vmem>> -> memref<2x8x128xf32, #tpu.memory_space<vmem>>
    tpu.enqueue_dma source(%dma_start3A_332 : memref<2x8x128xf32, #tpu.memory_space<vmem>>) target(%dma_start3A_329 : memref<2x8x128xf32, #tpu.memory_space<hbm>>) target_semaphore(%arg5 : memref<!tpu.dma_semaphore, #tpu.memory_space<semaphore_mem>>)
    %dma_start3A_333 = arith.constant 16 : i32
    %dma_start3A_334 = arith.constant 0 : i32
    %dma_start3A_335 = arith.constant 0 : i32
    %dma_start3A_336 = tpu.memref_slice %arg4[%dma_start3A_334, %dma_start3A_335, %add3A_47] : memref<2x8x4096xf32, #tpu.memory_space<vmem>> -> memref<2x8x128xf32, #tpu.memory_space<vmem>>
    %dma_start3A_337 = arith.constant 0 : i32
    %dma_start3A_338 = arith.constant 0 : i32
    %dma_start3A_339 = arith.constant 0 : i32
    %dma_start3A_340 = tpu.memref_slice %arg3[%add3A, %dma_start3A_337, %dma_start3A_333, %dma_start3A_338, %dma_start3A_339] : memref<1024x2x24x8x128xf32, #tpu.memory_space<hbm>> -> memref<1x2x1x8x128xf32, #tpu.memory_space<hbm>>
    %dma_start3A_341 = tpu.memref_squeeze %dma_start3A_340 : memref<1x2x1x8x128xf32, #tpu.memory_space<hbm>> -> memref<2x8x128xf32, #tpu.memory_space<hbm>>
    %dma_start3A_342 = arith.constant 0 : i32
    %dma_start3A_343 = arith.constant 0 : i32
    %dma_start3A_344 = arith.constant 0 : i32
    %dma_start3A_345 = tpu.memref_slice %arg3[%add3A, %dma_start3A_342, %dma_start3A_333, %dma_start3A_343, %dma_start3A_344] : memref<1024x2x24x8x128xf32, #tpu.memory_space<hbm>> -> memref<1x2x1x8x128xf32, #tpu.memory_space<hbm>>
    %dma_start3A_346 = tpu.memref_squeeze %dma_start3A_345 : memref<1x2x1x8x128xf32, #tpu.memory_space<hbm>> -> memref<2x8x128xf32, #tpu.memory_space<hbm>>
    %dma_start3A_347 = arith.constant 0 : i32
    %dma_start3A_348 = arith.constant 0 : i32
    %dma_start3A_349 = tpu.memref_slice %arg4[%dma_start3A_347, %dma_start3A_348, %add3A_47] : memref<2x8x4096xf32, #tpu.memory_space<vmem>> -> memref<2x8x128xf32, #tpu.memory_space<vmem>>
    tpu.enqueue_dma source(%dma_start3A_349 : memref<2x8x128xf32, #tpu.memory_space<vmem>>) target(%dma_start3A_346 : memref<2x8x128xf32, #tpu.memory_space<hbm>>) target_semaphore(%arg5 : memref<!tpu.dma_semaphore, #tpu.memory_space<semaphore_mem>>)
    %dma_start3A_350 = arith.constant 17 : i32
    %dma_start3A_351 = arith.constant 0 : i32
    %dma_start3A_352 = arith.constant 0 : i32
    %dma_start3A_353 = tpu.memref_slice %arg4[%dma_start3A_351, %dma_start3A_352, %add3A_49] : memref<2x8x4096xf32, #tpu.memory_space<vmem>> -> memref<2x8x128xf32, #tpu.memory_space<vmem>>
    %dma_start3A_354 = arith.constant 0 : i32
    %dma_start3A_355 = arith.constant 0 : i32
    %dma_start3A_356 = arith.constant 0 : i32
    %dma_start3A_357 = tpu.memref_slice %arg3[%add3A, %dma_start3A_354, %dma_start3A_350, %dma_start3A_355, %dma_start3A_356] : memref<1024x2x24x8x128xf32, #tpu.memory_space<hbm>> -> memref<1x2x1x8x128xf32, #tpu.memory_space<hbm>>
    %dma_start3A_358 = tpu.memref_squeeze %dma_start3A_357 : memref<1x2x1x8x128xf32, #tpu.memory_space<hbm>> -> memref<2x8x128xf32, #tpu.memory_space<hbm>>
    %dma_start3A_359 = arith.constant 0 : i32
    %dma_start3A_360 = arith.constant 0 : i32
    %dma_start3A_361 = arith.constant 0 : i32
    %dma_start3A_362 = tpu.memref_slice %arg3[%add3A, %dma_start3A_359, %dma_start3A_350, %dma_start3A_360, %dma_start3A_361] : memref<1024x2x24x8x128xf32, #tpu.memory_space<hbm>> -> memref<1x2x1x8x128xf32, #tpu.memory_space<hbm>>
    %dma_start3A_363 = tpu.memref_squeeze %dma_start3A_362 : memref<1x2x1x8x128xf32, #tpu.memory_space<hbm>> -> memref<2x8x128xf32, #tpu.memory_space<hbm>>
    %dma_start3A_364 = arith.constant 0 : i32
    %dma_start3A_365 = arith.constant 0 : i32
    %dma_start3A_366 = tpu.memref_slice %arg4[%dma_start3A_364, %dma_start3A_365, %add3A_49] : memref<2x8x4096xf32, #tpu.memory_space<vmem>> -> memref<2x8x128xf32, #tpu.memory_space<vmem>>
    tpu.enqueue_dma source(%dma_start3A_366 : memref<2x8x128xf32, #tpu.memory_space<vmem>>) target(%dma_start3A_363 : memref<2x8x128xf32, #tpu.memory_space<hbm>>) target_semaphore(%arg5 : memref<!tpu.dma_semaphore, #tpu.memory_space<semaphore_mem>>)
    %dma_start3A_367 = arith.constant 18 : i32
    %dma_start3A_368 = arith.constant 0 : i32
    %dma_start3A_369 = arith.constant 0 : i32
    %dma_start3A_370 = tpu.memref_slice %arg4[%dma_start3A_368, %dma_start3A_369, %add3A_51] : memref<2x8x4096xf32, #tpu.memory_space<vmem>> -> memref<2x8x128xf32, #tpu.memory_space<vmem>>
    %dma_start3A_371 = arith.constant 0 : i32
    %dma_start3A_372 = arith.constant 0 : i32
    %dma_start3A_373 = arith.constant 0 : i32
    %dma_start3A_374 = tpu.memref_slice %arg3[%add3A, %dma_start3A_371, %dma_start3A_367, %dma_start3A_372, %dma_start3A_373] : memref<1024x2x24x8x128xf32, #tpu.memory_space<hbm>> -> memref<1x2x1x8x128xf32, #tpu.memory_space<hbm>>
    %dma_start3A_375 = tpu.memref_squeeze %dma_start3A_374 : memref<1x2x1x8x128xf32, #tpu.memory_space<hbm>> -> memref<2x8x128xf32, #tpu.memory_space<hbm>>
    %dma_start3A_376 = arith.constant 0 : i32
    %dma_start3A_377 = arith.constant 0 : i32
    %dma_start3A_378 = arith.constant 0 : i32
    %dma_start3A_379 = tpu.memref_slice %arg3[%add3A, %dma_start3A_376, %dma_start3A_367, %dma_start3A_377, %dma_start3A_378] : memref<1024x2x24x8x128xf32, #tpu.memory_space<hbm>> -> memref<1x2x1x8x128xf32, #tpu.memory_space<hbm>>
    %dma_start3A_380 = tpu.memref_squeeze %dma_start3A_379 : memref<1x2x1x8x128xf32, #tpu.memory_space<hbm>> -> memref<2x8x128xf32, #tpu.memory_space<hbm>>
    %dma_start3A_381 = arith.constant 0 : i32
    %dma_start3A_382 = arith.constant 0 : i32
    %dma_start3A_383 = tpu.memref_slice %arg4[%dma_start3A_381, %dma_start3A_382, %add3A_51] : memref<2x8x4096xf32, #tpu.memory_space<vmem>> -> memref<2x8x128xf32, #tpu.memory_space<vmem>>
    tpu.enqueue_dma source(%dma_start3A_383 : memref<2x8x128xf32, #tpu.memory_space<vmem>>) target(%dma_start3A_380 : memref<2x8x128xf32, #tpu.memory_space<hbm>>) target_semaphore(%arg5 : memref<!tpu.dma_semaphore, #tpu.memory_space<semaphore_mem>>)
    %dma_start3A_384 = arith.constant 19 : i32
    %dma_start3A_385 = arith.constant 0 : i32
    %dma_start3A_386 = arith.constant 0 : i32
    %dma_start3A_387 = tpu.memref_slice %arg4[%dma_start3A_385, %dma_start3A_386, %add3A_53] : memref<2x8x4096xf32, #tpu.memory_space<vmem>> -> memref<2x8x128xf32, #tpu.memory_space<vmem>>
    %dma_start3A_388 = arith.constant 0 : i32
    %dma_start3A_389 = arith.constant 0 : i32
    %dma_start3A_390 = arith.constant 0 : i32
    %dma_start3A_391 = tpu.memref_slice %arg3[%add3A, %dma_start3A_388, %dma_start3A_384, %dma_start3A_389, %dma_start3A_390] : memref<1024x2x24x8x128xf32, #tpu.memory_space<hbm>> -> memref<1x2x1x8x128xf32, #tpu.memory_space<hbm>>
    %dma_start3A_392 = tpu.memref_squeeze %dma_start3A_391 : memref<1x2x1x8x128xf32, #tpu.memory_space<hbm>> -> memref<2x8x128xf32, #tpu.memory_space<hbm>>
    %dma_start3A_393 = arith.constant 0 : i32
    %dma_start3A_394 = arith.constant 0 : i32
    %dma_start3A_395 = arith.constant 0 : i32
    %dma_start3A_396 = tpu.memref_slice %arg3[%add3A, %dma_start3A_393, %dma_start3A_384, %dma_start3A_394, %dma_start3A_395] : memref<1024x2x24x8x128xf32, #tpu.memory_space<hbm>> -> memref<1x2x1x8x128xf32, #tpu.memory_space<hbm>>
    %dma_start3A_397 = tpu.memref_squeeze %dma_start3A_396 : memref<1x2x1x8x128xf32, #tpu.memory_space<hbm>> -> memref<2x8x128xf32, #tpu.memory_space<hbm>>
    %dma_start3A_398 = arith.constant 0 : i32
    %dma_start3A_399 = arith.constant 0 : i32
    %dma_start3A_400 = tpu.memref_slice %arg4[%dma_start3A_398, %dma_start3A_399, %add3A_53] : memref<2x8x4096xf32, #tpu.memory_space<vmem>> -> memref<2x8x128xf32, #tpu.memory_space<vmem>>
    tpu.enqueue_dma source(%dma_start3A_400 : memref<2x8x128xf32, #tpu.memory_space<vmem>>) target(%dma_start3A_397 : memref<2x8x128xf32, #tpu.memory_space<hbm>>) target_semaphore(%arg5 : memref<!tpu.dma_semaphore, #tpu.memory_space<semaphore_mem>>)
    %dma_start3A_401 = arith.constant 20 : i32
    %dma_start3A_402 = arith.constant 0 : i32
    %dma_start3A_403 = arith.constant 0 : i32
    %dma_start3A_404 = tpu.memref_slice %arg4[%dma_start3A_402, %dma_start3A_403, %add3A_55] : memref<2x8x4096xf32, #tpu.memory_space<vmem>> -> memref<2x8x128xf32, #tpu.memory_space<vmem>>
    %dma_start3A_405 = arith.constant 0 : i32
    %dma_start3A_406 = arith.constant 0 : i32
    %dma_start3A_407 = arith.constant 0 : i32
    %dma_start3A_408 = tpu.memref_slice %arg3[%add3A, %dma_start3A_405, %dma_start3A_401, %dma_start3A_406, %dma_start3A_407] : memref<1024x2x24x8x128xf32, #tpu.memory_space<hbm>> -> memref<1x2x1x8x128xf32, #tpu.memory_space<hbm>>
    %dma_start3A_409 = tpu.memref_squeeze %dma_start3A_408 : memref<1x2x1x8x128xf32, #tpu.memory_space<hbm>> -> memref<2x8x128xf32, #tpu.memory_space<hbm>>
    %dma_start3A_410 = arith.constant 0 : i32
    %dma_start3A_411 = arith.constant 0 : i32
    %dma_start3A_412 = arith.constant 0 : i32
    %dma_start3A_413 = tpu.memref_slice %arg3[%add3A, %dma_start3A_410, %dma_start3A_401, %dma_start3A_411, %dma_start3A_412] : memref<1024x2x24x8x128xf32, #tpu.memory_space<hbm>> -> memref<1x2x1x8x128xf32, #tpu.memory_space<hbm>>
    %dma_start3A_414 = tpu.memref_squeeze %dma_start3A_413 : memref<1x2x1x8x128xf32, #tpu.memory_space<hbm>> -> memref<2x8x128xf32, #tpu.memory_space<hbm>>
    %dma_start3A_415 = arith.constant 0 : i32
    %dma_start3A_416 = arith.constant 0 : i32
    %dma_start3A_417 = tpu.memref_slice %arg4[%dma_start3A_415, %dma_start3A_416, %add3A_55] : memref<2x8x4096xf32, #tpu.memory_space<vmem>> -> memref<2x8x128xf32, #tpu.memory_space<vmem>>
    tpu.enqueue_dma source(%dma_start3A_417 : memref<2x8x128xf32, #tpu.memory_space<vmem>>) target(%dma_start3A_414 : memref<2x8x128xf32, #tpu.memory_space<hbm>>) target_semaphore(%arg5 : memref<!tpu.dma_semaphore, #tpu.memory_space<semaphore_mem>>)
    %dma_start3A_418 = arith.constant 21 : i32
    %dma_start3A_419 = arith.constant 0 : i32
    %dma_start3A_420 = arith.constant 0 : i32
    %dma_start3A_421 = tpu.memref_slice %arg4[%dma_start3A_419, %dma_start3A_420, %add3A_57] : memref<2x8x4096xf32, #tpu.memory_space<vmem>> -> memref<2x8x128xf32, #tpu.memory_space<vmem>>
    %dma_start3A_422 = arith.constant 0 : i32
    %dma_start3A_423 = arith.constant 0 : i32
    %dma_start3A_424 = arith.constant 0 : i32
    %dma_start3A_425 = tpu.memref_slice %arg3[%add3A, %dma_start3A_422, %dma_start3A_418, %dma_start3A_423, %dma_start3A_424] : memref<1024x2x24x8x128xf32, #tpu.memory_space<hbm>> -> memref<1x2x1x8x128xf32, #tpu.memory_space<hbm>>
    %dma_start3A_426 = tpu.memref_squeeze %dma_start3A_425 : memref<1x2x1x8x128xf32, #tpu.memory_space<hbm>> -> memref<2x8x128xf32, #tpu.memory_space<hbm>>
    %dma_start3A_427 = arith.constant 0 : i32
    %dma_start3A_428 = arith.constant 0 : i32
    %dma_start3A_429 = arith.constant 0 : i32
    %dma_start3A_430 = tpu.memref_slice %arg3[%add3A, %dma_start3A_427, %dma_start3A_418, %dma_start3A_428, %dma_start3A_429] : memref<1024x2x24x8x128xf32, #tpu.memory_space<hbm>> -> memref<1x2x1x8x128xf32, #tpu.memory_space<hbm>>
    %dma_start3A_431 = tpu.memref_squeeze %dma_start3A_430 : memref<1x2x1x8x128xf32, #tpu.memory_space<hbm>> -> memref<2x8x128xf32, #tpu.memory_space<hbm>>
    %dma_start3A_432 = arith.constant 0 : i32
    %dma_start3A_433 = arith.constant 0 : i32
    %dma_start3A_434 = tpu.memref_slice %arg4[%dma_start3A_432, %dma_start3A_433, %add3A_57] : memref<2x8x4096xf32, #tpu.memory_space<vmem>> -> memref<2x8x128xf32, #tpu.memory_space<vmem>>
    tpu.enqueue_dma source(%dma_start3A_434 : memref<2x8x128xf32, #tpu.memory_space<vmem>>) target(%dma_start3A_431 : memref<2x8x128xf32, #tpu.memory_space<hbm>>) target_semaphore(%arg5 : memref<!tpu.dma_semaphore, #tpu.memory_space<semaphore_mem>>)
    %dma_start3A_435 = arith.constant 22 : i32
    %dma_start3A_436 = arith.constant 0 : i32
    %dma_start3A_437 = arith.constant 0 : i32
    %dma_start3A_438 = tpu.memref_slice %arg4[%dma_start3A_436, %dma_start3A_437, %add3A_59] : memref<2x8x4096xf32, #tpu.memory_space<vmem>> -> memref<2x8x128xf32, #tpu.memory_space<vmem>>
    %dma_start3A_439 = arith.constant 0 : i32
    %dma_start3A_440 = arith.constant 0 : i32
    %dma_start3A_441 = arith.constant 0 : i32
    %dma_start3A_442 = tpu.memref_slice %arg3[%add3A, %dma_start3A_439, %dma_start3A_435, %dma_start3A_440, %dma_start3A_441] : memref<1024x2x24x8x128xf32, #tpu.memory_space<hbm>> -> memref<1x2x1x8x128xf32, #tpu.memory_space<hbm>>
    %dma_start3A_443 = tpu.memref_squeeze %dma_start3A_442 : memref<1x2x1x8x128xf32, #tpu.memory_space<hbm>> -> memref<2x8x128xf32, #tpu.memory_space<hbm>>
    %dma_start3A_444 = arith.constant 0 : i32
    %dma_start3A_445 = arith.constant 0 : i32
    %dma_start3A_446 = arith.constant 0 : i32
    %dma_start3A_447 = tpu.memref_slice %arg3[%add3A, %dma_start3A_444, %dma_start3A_435, %dma_start3A_445, %dma_start3A_446] : memref<1024x2x24x8x128xf32, #tpu.memory_space<hbm>> -> memref<1x2x1x8x128xf32, #tpu.memory_space<hbm>>
    %dma_start3A_448 = tpu.memref_squeeze %dma_start3A_447 : memref<1x2x1x8x128xf32, #tpu.memory_space<hbm>> -> memref<2x8x128xf32, #tpu.memory_space<hbm>>
    %dma_start3A_449 = arith.constant 0 : i32
    %dma_start3A_450 = arith.constant 0 : i32
    %dma_start3A_451 = tpu.memref_slice %arg4[%dma_start3A_449, %dma_start3A_450, %add3A_59] : memref<2x8x4096xf32, #tpu.memory_space<vmem>> -> memref<2x8x128xf32, #tpu.memory_space<vmem>>
    tpu.enqueue_dma source(%dma_start3A_451 : memref<2x8x128xf32, #tpu.memory_space<vmem>>) target(%dma_start3A_448 : memref<2x8x128xf32, #tpu.memory_space<hbm>>) target_semaphore(%arg5 : memref<!tpu.dma_semaphore, #tpu.memory_space<semaphore_mem>>)
    %dma_start3A_452 = arith.constant 23 : i32
    %dma_start3A_453 = arith.constant 0 : i32
    %dma_start3A_454 = arith.constant 0 : i32
    %dma_start3A_455 = tpu.memref_slice %arg4[%dma_start3A_453, %dma_start3A_454, %add3A_61] : memref<2x8x4096xf32, #tpu.memory_space<vmem>> -> memref<2x8x128xf32, #tpu.memory_space<vmem>>
    %dma_start3A_456 = arith.constant 0 : i32
    %dma_start3A_457 = arith.constant 0 : i32
    %dma_start3A_458 = arith.constant 0 : i32
    %dma_start3A_459 = tpu.memref_slice %arg3[%add3A, %dma_start3A_456, %dma_start3A_452, %dma_start3A_457, %dma_start3A_458] : memref<1024x2x24x8x128xf32, #tpu.memory_space<hbm>> -> memref<1x2x1x8x128xf32, #tpu.memory_space<hbm>>
    %dma_start3A_460 = tpu.memref_squeeze %dma_start3A_459 : memref<1x2x1x8x128xf32, #tpu.memory_space<hbm>> -> memref<2x8x128xf32, #tpu.memory_space<hbm>>
    %dma_start3A_461 = arith.constant 0 : i32
    %dma_start3A_462 = arith.constant 0 : i32
    %dma_start3A_463 = arith.constant 0 : i32
    %dma_start3A_464 = tpu.memref_slice %arg3[%add3A, %dma_start3A_461, %dma_start3A_452, %dma_start3A_462, %dma_start3A_463] : memref<1024x2x24x8x128xf32, #tpu.memory_space<hbm>> -> memref<1x2x1x8x128xf32, #tpu.memory_space<hbm>>
    %dma_start3A_465 = tpu.memref_squeeze %dma_start3A_464 : memref<1x2x1x8x128xf32, #tpu.memory_space<hbm>> -> memref<2x8x128xf32, #tpu.memory_space<hbm>>
    %dma_start3A_466 = arith.constant 0 : i32
    %dma_start3A_467 = arith.constant 0 : i32
    %dma_start3A_468 = tpu.memref_slice %arg4[%dma_start3A_466, %dma_start3A_467, %add3A_61] : memref<2x8x4096xf32, #tpu.memory_space<vmem>> -> memref<2x8x128xf32, #tpu.memory_space<vmem>>
    tpu.enqueue_dma source(%dma_start3A_468 : memref<2x8x128xf32, #tpu.memory_space<vmem>>) target(%dma_start3A_465 : memref<2x8x128xf32, #tpu.memory_space<hbm>>) target_semaphore(%arg5 : memref<!tpu.dma_semaphore, #tpu.memory_space<semaphore_mem>>)
    %scan3A = arith.constant 0 : i32
    %scan3A_469 = arith.constant 1 : i32
    %scan3A_470 = arith.constant 31 : i32
    %scan3A_471 = arith.addi %scan3A_469, %scan3A_470 : i32
    %scan3A_472 = arith.constant 1 : i32
    scf.for %scan3A_935 = %scan3A_469 to %scan3A_471 step %scan3A_472  : i32 {
      %mul3A_936 = arith.constant 32 : i32
      %mul3A_937 = arith.muli %mul3A_936, %scan3A_935 : i32
      %add3A_938 = arith.addi %add3A, %mul3A_937 : i32
      %sub3A_939 = arith.constant 1023 : i32
      %sub3A_940 = arith.subi %sub3A_939, %add3A_938 : i32
      %sub3A_941 = arith.subi %sub3A_940, %select_n3A_10 : i32
      %multiple_of3A_942 = tpu.assume_multiple %sub3A_941, 8 : i32
      %add3A_943 = arith.constant 0 : i32
      %add3A_944 = arith.addi %multiple_of3A_942, %add3A_943 : i32
      %add3A_945 = arith.constant 128 : i32
      %add3A_946 = arith.addi %multiple_of3A_942, %add3A_945 : i32
      %add3A_947 = arith.constant 256 : i32
      %add3A_948 = arith.addi %multiple_of3A_942, %add3A_947 : i32
      %add3A_949 = arith.constant 384 : i32
      %add3A_950 = arith.addi %multiple_of3A_942, %add3A_949 : i32
      %add3A_951 = arith.constant 512 : i32
      %add3A_952 = arith.addi %multiple_of3A_942, %add3A_951 : i32
      %add3A_953 = arith.constant 640 : i32
      %add3A_954 = arith.addi %multiple_of3A_942, %add3A_953 : i32
      %add3A_955 = arith.constant 768 : i32
      %add3A_956 = arith.addi %multiple_of3A_942, %add3A_955 : i32
      %add3A_957 = arith.constant 896 : i32
      %add3A_958 = arith.addi %multiple_of3A_942, %add3A_957 : i32
      %add3A_959 = arith.constant 1024 : i32
      %add3A_960 = arith.addi %multiple_of3A_942, %add3A_959 : i32
      %add3A_961 = arith.constant 1152 : i32
      %add3A_962 = arith.addi %multiple_of3A_942, %add3A_961 : i32
      %add3A_963 = arith.constant 1280 : i32
      %add3A_964 = arith.addi %multiple_of3A_942, %add3A_963 : i32
      %add3A_965 = arith.constant 1408 : i32
      %add3A_966 = arith.addi %multiple_of3A_942, %add3A_965 : i32
      %add3A_967 = arith.constant 1536 : i32
      %add3A_968 = arith.addi %multiple_of3A_942, %add3A_967 : i32
      %add3A_969 = arith.constant 1664 : i32
      %add3A_970 = arith.addi %multiple_of3A_942, %add3A_969 : i32
      %add3A_971 = arith.constant 1792 : i32
      %add3A_972 = arith.addi %multiple_of3A_942, %add3A_971 : i32
      %add3A_973 = arith.constant 1920 : i32
      %add3A_974 = arith.addi %multiple_of3A_942, %add3A_973 : i32
      %add3A_975 = arith.constant 2048 : i32
      %add3A_976 = arith.addi %multiple_of3A_942, %add3A_975 : i32
      %add3A_977 = arith.constant 2176 : i32
      %add3A_978 = arith.addi %multiple_of3A_942, %add3A_977 : i32
      %add3A_979 = arith.constant 2304 : i32
      %add3A_980 = arith.addi %multiple_of3A_942, %add3A_979 : i32
      %add3A_981 = arith.constant 2432 : i32
      %add3A_982 = arith.addi %multiple_of3A_942, %add3A_981 : i32
      %add3A_983 = arith.constant 2560 : i32
      %add3A_984 = arith.addi %multiple_of3A_942, %add3A_983 : i32
      %add3A_985 = arith.constant 2688 : i32
      %add3A_986 = arith.addi %multiple_of3A_942, %add3A_985 : i32
      %add3A_987 = arith.constant 2816 : i32
      %add3A_988 = arith.addi %multiple_of3A_942, %add3A_987 : i32
      %add3A_989 = arith.constant 2944 : i32
      %add3A_990 = arith.addi %multiple_of3A_942, %add3A_989 : i32
      %dma_start3A_991 = arith.constant 0 : i32
      %dma_start3A_992 = arith.constant 0 : i32
      %dma_start3A_993 = arith.constant 0 : i32
      %dma_start3A_994 = tpu.memref_slice %arg4[%dma_start3A_992, %dma_start3A_993, %add3A_944] : memref<2x8x4096xf32, #tpu.memory_space<vmem>> -> memref<2x8x128xf32, #tpu.memory_space<vmem>>
      %dma_start3A_995 = arith.constant 0 : i32
      %dma_start3A_996 = arith.constant 0 : i32
      %dma_start3A_997 = arith.constant 0 : i32
      %dma_start3A_998 = tpu.memref_slice %arg3[%add3A_938, %dma_start3A_995, %dma_start3A_991, %dma_start3A_996, %dma_start3A_997] : memref<1024x2x24x8x128xf32, #tpu.memory_space<hbm>> -> memref<1x2x1x8x128xf32, #tpu.memory_space<hbm>>
      %dma_start3A_999 = tpu.memref_squeeze %dma_start3A_998 : memref<1x2x1x8x128xf32, #tpu.memory_space<hbm>> -> memref<2x8x128xf32, #tpu.memory_space<hbm>>
      %dma_start3A_1000 = arith.constant 0 : i32
      %dma_start3A_1001 = arith.constant 0 : i32
      %dma_start3A_1002 = arith.constant 0 : i32
      %dma_start3A_1003 = tpu.memref_slice %arg3[%add3A_938, %dma_start3A_1000, %dma_start3A_991, %dma_start3A_1001, %dma_start3A_1002] : memref<1024x2x24x8x128xf32, #tpu.memory_space<hbm>> -> memref<1x2x1x8x128xf32, #tpu.memory_space<hbm>>
      %dma_start3A_1004 = tpu.memref_squeeze %dma_start3A_1003 : memref<1x2x1x8x128xf32, #tpu.memory_space<hbm>> -> memref<2x8x128xf32, #tpu.memory_space<hbm>>
      %dma_start3A_1005 = arith.constant 0 : i32
      %dma_start3A_1006 = arith.constant 0 : i32
      %dma_start3A_1007 = tpu.memref_slice %arg4[%dma_start3A_1005, %dma_start3A_1006, %add3A_944] : memref<2x8x4096xf32, #tpu.memory_space<vmem>> -> memref<2x8x128xf32, #tpu.memory_space<vmem>>
      tpu.enqueue_dma source(%dma_start3A_1007 : memref<2x8x128xf32, #tpu.memory_space<vmem>>) target(%dma_start3A_1004 : memref<2x8x128xf32, #tpu.memory_space<hbm>>) target_semaphore(%arg5 : memref<!tpu.dma_semaphore, #tpu.memory_space<semaphore_mem>>)
      %dma_start3A_1008 = arith.constant 1 : i32
      %dma_start3A_1009 = arith.constant 0 : i32
      %dma_start3A_1010 = arith.constant 0 : i32
      %dma_start3A_1011 = tpu.memref_slice %arg4[%dma_start3A_1009, %dma_start3A_1010, %add3A_946] : memref<2x8x4096xf32, #tpu.memory_space<vmem>> -> memref<2x8x128xf32, #tpu.memory_space<vmem>>
      %dma_start3A_1012 = arith.constant 0 : i32
      %dma_start3A_1013 = arith.constant 0 : i32
      %dma_start3A_1014 = arith.constant 0 : i32
      %dma_start3A_1015 = tpu.memref_slice %arg3[%add3A_938, %dma_start3A_1012, %dma_start3A_1008, %dma_start3A_1013, %dma_start3A_1014] : memref<1024x2x24x8x128xf32, #tpu.memory_space<hbm>> -> memref<1x2x1x8x128xf32, #tpu.memory_space<hbm>>
      %dma_start3A_1016 = tpu.memref_squeeze %dma_start3A_1015 : memref<1x2x1x8x128xf32, #tpu.memory_space<hbm>> -> memref<2x8x128xf32, #tpu.memory_space<hbm>>
      %dma_start3A_1017 = arith.constant 0 : i32
      %dma_start3A_1018 = arith.constant 0 : i32
      %dma_start3A_1019 = arith.constant 0 : i32
      %dma_start3A_1020 = tpu.memref_slice %arg3[%add3A_938, %dma_start3A_1017, %dma_start3A_1008, %dma_start3A_1018, %dma_start3A_1019] : memref<1024x2x24x8x128xf32, #tpu.memory_space<hbm>> -> memref<1x2x1x8x128xf32, #tpu.memory_space<hbm>>
      %dma_start3A_1021 = tpu.memref_squeeze %dma_start3A_1020 : memref<1x2x1x8x128xf32, #tpu.memory_space<hbm>> -> memref<2x8x128xf32, #tpu.memory_space<hbm>>
      %dma_start3A_1022 = arith.constant 0 : i32
      %dma_start3A_1023 = arith.constant 0 : i32
      %dma_start3A_1024 = tpu.memref_slice %arg4[%dma_start3A_1022, %dma_start3A_1023, %add3A_946] : memref<2x8x4096xf32, #tpu.memory_space<vmem>> -> memref<2x8x128xf32, #tpu.memory_space<vmem>>
      tpu.enqueue_dma source(%dma_start3A_1024 : memref<2x8x128xf32, #tpu.memory_space<vmem>>) target(%dma_start3A_1021 : memref<2x8x128xf32, #tpu.memory_space<hbm>>) target_semaphore(%arg5 : memref<!tpu.dma_semaphore, #tpu.memory_space<semaphore_mem>>)
      %dma_start3A_1025 = arith.constant 2 : i32
      %dma_start3A_1026 = arith.constant 0 : i32
      %dma_start3A_1027 = arith.constant 0 : i32
      %dma_start3A_1028 = tpu.memref_slice %arg4[%dma_start3A_1026, %dma_start3A_1027, %add3A_948] : memref<2x8x4096xf32, #tpu.memory_space<vmem>> -> memref<2x8x128xf32, #tpu.memory_space<vmem>>
      %dma_start3A_1029 = arith.constant 0 : i32
      %dma_start3A_1030 = arith.constant 0 : i32
      %dma_start3A_1031 = arith.constant 0 : i32
      %dma_start3A_1032 = tpu.memref_slice %arg3[%add3A_938, %dma_start3A_1029, %dma_start3A_1025, %dma_start3A_1030, %dma_start3A_1031] : memref<1024x2x24x8x128xf32, #tpu.memory_space<hbm>> -> memref<1x2x1x8x128xf32, #tpu.memory_space<hbm>>
      %dma_start3A_1033 = tpu.memref_squeeze %dma_start3A_1032 : memref<1x2x1x8x128xf32, #tpu.memory_space<hbm>> -> memref<2x8x128xf32, #tpu.memory_space<hbm>>
      %dma_start3A_1034 = arith.constant 0 : i32
      %dma_start3A_1035 = arith.constant 0 : i32
      %dma_start3A_1036 = arith.constant 0 : i32
      %dma_start3A_1037 = tpu.memref_slice %arg3[%add3A_938, %dma_start3A_1034, %dma_start3A_1025, %dma_start3A_1035, %dma_start3A_1036] : memref<1024x2x24x8x128xf32, #tpu.memory_space<hbm>> -> memref<1x2x1x8x128xf32, #tpu.memory_space<hbm>>
      %dma_start3A_1038 = tpu.memref_squeeze %dma_start3A_1037 : memref<1x2x1x8x128xf32, #tpu.memory_space<hbm>> -> memref<2x8x128xf32, #tpu.memory_space<hbm>>
      %dma_start3A_1039 = arith.constant 0 : i32
      %dma_start3A_1040 = arith.constant 0 : i32
      %dma_start3A_1041 = tpu.memref_slice %arg4[%dma_start3A_1039, %dma_start3A_1040, %add3A_948] : memref<2x8x4096xf32, #tpu.memory_space<vmem>> -> memref<2x8x128xf32, #tpu.memory_space<vmem>>
      tpu.enqueue_dma source(%dma_start3A_1041 : memref<2x8x128xf32, #tpu.memory_space<vmem>>) target(%dma_start3A_1038 : memref<2x8x128xf32, #tpu.memory_space<hbm>>) target_semaphore(%arg5 : memref<!tpu.dma_semaphore, #tpu.memory_space<semaphore_mem>>)
      %dma_start3A_1042 = arith.constant 3 : i32
      %dma_start3A_1043 = arith.constant 0 : i32
      %dma_start3A_1044 = arith.constant 0 : i32
      %dma_start3A_1045 = tpu.memref_slice %arg4[%dma_start3A_1043, %dma_start3A_1044, %add3A_950] : memref<2x8x4096xf32, #tpu.memory_space<vmem>> -> memref<2x8x128xf32, #tpu.memory_space<vmem>>
      %dma_start3A_1046 = arith.constant 0 : i32
      %dma_start3A_1047 = arith.constant 0 : i32
      %dma_start3A_1048 = arith.constant 0 : i32
      %dma_start3A_1049 = tpu.memref_slice %arg3[%add3A_938, %dma_start3A_1046, %dma_start3A_1042, %dma_start3A_1047, %dma_start3A_1048] : memref<1024x2x24x8x128xf32, #tpu.memory_space<hbm>> -> memref<1x2x1x8x128xf32, #tpu.memory_space<hbm>>
      %dma_start3A_1050 = tpu.memref_squeeze %dma_start3A_1049 : memref<1x2x1x8x128xf32, #tpu.memory_space<hbm>> -> memref<2x8x128xf32, #tpu.memory_space<hbm>>
      %dma_start3A_1051 = arith.constant 0 : i32
      %dma_start3A_1052 = arith.constant 0 : i32
      %dma_start3A_1053 = arith.constant 0 : i32
      %dma_start3A_1054 = tpu.memref_slice %arg3[%add3A_938, %dma_start3A_1051, %dma_start3A_1042, %dma_start3A_1052, %dma_start3A_1053] : memref<1024x2x24x8x128xf32, #tpu.memory_space<hbm>> -> memref<1x2x1x8x128xf32, #tpu.memory_space<hbm>>
      %dma_start3A_1055 = tpu.memref_squeeze %dma_start3A_1054 : memref<1x2x1x8x128xf32, #tpu.memory_space<hbm>> -> memref<2x8x128xf32, #tpu.memory_space<hbm>>
      %dma_start3A_1056 = arith.constant 0 : i32
      %dma_start3A_1057 = arith.constant 0 : i32
      %dma_start3A_1058 = tpu.memref_slice %arg4[%dma_start3A_1056, %dma_start3A_1057, %add3A_950] : memref<2x8x4096xf32, #tpu.memory_space<vmem>> -> memref<2x8x128xf32, #tpu.memory_space<vmem>>
      tpu.enqueue_dma source(%dma_start3A_1058 : memref<2x8x128xf32, #tpu.memory_space<vmem>>) target(%dma_start3A_1055 : memref<2x8x128xf32, #tpu.memory_space<hbm>>) target_semaphore(%arg5 : memref<!tpu.dma_semaphore, #tpu.memory_space<semaphore_mem>>)
      %dma_start3A_1059 = arith.constant 4 : i32
      %dma_start3A_1060 = arith.constant 0 : i32
      %dma_start3A_1061 = arith.constant 0 : i32
      %dma_start3A_1062 = tpu.memref_slice %arg4[%dma_start3A_1060, %dma_start3A_1061, %add3A_952] : memref<2x8x4096xf32, #tpu.memory_space<vmem>> -> memref<2x8x128xf32, #tpu.memory_space<vmem>>
      %dma_start3A_1063 = arith.constant 0 : i32
      %dma_start3A_1064 = arith.constant 0 : i32
      %dma_start3A_1065 = arith.constant 0 : i32
      %dma_start3A_1066 = tpu.memref_slice %arg3[%add3A_938, %dma_start3A_1063, %dma_start3A_1059, %dma_start3A_1064, %dma_start3A_1065] : memref<1024x2x24x8x128xf32, #tpu.memory_space<hbm>> -> memref<1x2x1x8x128xf32, #tpu.memory_space<hbm>>
      %dma_start3A_1067 = tpu.memref_squeeze %dma_start3A_1066 : memref<1x2x1x8x128xf32, #tpu.memory_space<hbm>> -> memref<2x8x128xf32, #tpu.memory_space<hbm>>
      %dma_start3A_1068 = arith.constant 0 : i32
      %dma_start3A_1069 = arith.constant 0 : i32
      %dma_start3A_1070 = arith.constant 0 : i32
      %dma_start3A_1071 = tpu.memref_slice %arg3[%add3A_938, %dma_start3A_1068, %dma_start3A_1059, %dma_start3A_1069, %dma_start3A_1070] : memref<1024x2x24x8x128xf32, #tpu.memory_space<hbm>> -> memref<1x2x1x8x128xf32, #tpu.memory_space<hbm>>
      %dma_start3A_1072 = tpu.memref_squeeze %dma_start3A_1071 : memref<1x2x1x8x128xf32, #tpu.memory_space<hbm>> -> memref<2x8x128xf32, #tpu.memory_space<hbm>>
      %dma_start3A_1073 = arith.constant 0 : i32
      %dma_start3A_1074 = arith.constant 0 : i32
      %dma_start3A_1075 = tpu.memref_slice %arg4[%dma_start3A_1073, %dma_start3A_1074, %add3A_952] : memref<2x8x4096xf32, #tpu.memory_space<vmem>> -> memref<2x8x128xf32, #tpu.memory_space<vmem>>
      tpu.enqueue_dma source(%dma_start3A_1075 : memref<2x8x128xf32, #tpu.memory_space<vmem>>) target(%dma_start3A_1072 : memref<2x8x128xf32, #tpu.memory_space<hbm>>) target_semaphore(%arg5 : memref<!tpu.dma_semaphore, #tpu.memory_space<semaphore_mem>>)
      %dma_start3A_1076 = arith.constant 5 : i32
      %dma_start3A_1077 = arith.constant 0 : i32
      %dma_start3A_1078 = arith.constant 0 : i32
      %dma_start3A_1079 = tpu.memref_slice %arg4[%dma_start3A_1077, %dma_start3A_1078, %add3A_954] : memref<2x8x4096xf32, #tpu.memory_space<vmem>> -> memref<2x8x128xf32, #tpu.memory_space<vmem>>
      %dma_start3A_1080 = arith.constant 0 : i32
      %dma_start3A_1081 = arith.constant 0 : i32
      %dma_start3A_1082 = arith.constant 0 : i32
      %dma_start3A_1083 = tpu.memref_slice %arg3[%add3A_938, %dma_start3A_1080, %dma_start3A_1076, %dma_start3A_1081, %dma_start3A_1082] : memref<1024x2x24x8x128xf32, #tpu.memory_space<hbm>> -> memref<1x2x1x8x128xf32, #tpu.memory_space<hbm>>
      %dma_start3A_1084 = tpu.memref_squeeze %dma_start3A_1083 : memref<1x2x1x8x128xf32, #tpu.memory_space<hbm>> -> memref<2x8x128xf32, #tpu.memory_space<hbm>>
      %dma_start3A_1085 = arith.constant 0 : i32
      %dma_start3A_1086 = arith.constant 0 : i32
      %dma_start3A_1087 = arith.constant 0 : i32
      %dma_start3A_1088 = tpu.memref_slice %arg3[%add3A_938, %dma_start3A_1085, %dma_start3A_1076, %dma_start3A_1086, %dma_start3A_1087] : memref<1024x2x24x8x128xf32, #tpu.memory_space<hbm>> -> memref<1x2x1x8x128xf32, #tpu.memory_space<hbm>>
      %dma_start3A_1089 = tpu.memref_squeeze %dma_start3A_1088 : memref<1x2x1x8x128xf32, #tpu.memory_space<hbm>> -> memref<2x8x128xf32, #tpu.memory_space<hbm>>
      %dma_start3A_1090 = arith.constant 0 : i32
      %dma_start3A_1091 = arith.constant 0 : i32
      %dma_start3A_1092 = tpu.memref_slice %arg4[%dma_start3A_1090, %dma_start3A_1091, %add3A_954] : memref<2x8x4096xf32, #tpu.memory_space<vmem>> -> memref<2x8x128xf32, #tpu.memory_space<vmem>>
      tpu.enqueue_dma source(%dma_start3A_1092 : memref<2x8x128xf32, #tpu.memory_space<vmem>>) target(%dma_start3A_1089 : memref<2x8x128xf32, #tpu.memory_space<hbm>>) target_semaphore(%arg5 : memref<!tpu.dma_semaphore, #tpu.memory_space<semaphore_mem>>)
      %dma_start3A_1093 = arith.constant 6 : i32
      %dma_start3A_1094 = arith.constant 0 : i32
      %dma_start3A_1095 = arith.constant 0 : i32
      %dma_start3A_1096 = tpu.memref_slice %arg4[%dma_start3A_1094, %dma_start3A_1095, %add3A_956] : memref<2x8x4096xf32, #tpu.memory_space<vmem>> -> memref<2x8x128xf32, #tpu.memory_space<vmem>>
      %dma_start3A_1097 = arith.constant 0 : i32
      %dma_start3A_1098 = arith.constant 0 : i32
      %dma_start3A_1099 = arith.constant 0 : i32
      %dma_start3A_1100 = tpu.memref_slice %arg3[%add3A_938, %dma_start3A_1097, %dma_start3A_1093, %dma_start3A_1098, %dma_start3A_1099] : memref<1024x2x24x8x128xf32, #tpu.memory_space<hbm>> -> memref<1x2x1x8x128xf32, #tpu.memory_space<hbm>>
      %dma_start3A_1101 = tpu.memref_squeeze %dma_start3A_1100 : memref<1x2x1x8x128xf32, #tpu.memory_space<hbm>> -> memref<2x8x128xf32, #tpu.memory_space<hbm>>
      %dma_start3A_1102 = arith.constant 0 : i32
      %dma_start3A_1103 = arith.constant 0 : i32
      %dma_start3A_1104 = arith.constant 0 : i32
      %dma_start3A_1105 = tpu.memref_slice %arg3[%add3A_938, %dma_start3A_1102, %dma_start3A_1093, %dma_start3A_1103, %dma_start3A_1104] : memref<1024x2x24x8x128xf32, #tpu.memory_space<hbm>> -> memref<1x2x1x8x128xf32, #tpu.memory_space<hbm>>
      %dma_start3A_1106 = tpu.memref_squeeze %dma_start3A_1105 : memref<1x2x1x8x128xf32, #tpu.memory_space<hbm>> -> memref<2x8x128xf32, #tpu.memory_space<hbm>>
      %dma_start3A_1107 = arith.constant 0 : i32
      %dma_start3A_1108 = arith.constant 0 : i32
      %dma_start3A_1109 = tpu.memref_slice %arg4[%dma_start3A_1107, %dma_start3A_1108, %add3A_956] : memref<2x8x4096xf32, #tpu.memory_space<vmem>> -> memref<2x8x128xf32, #tpu.memory_space<vmem>>
      tpu.enqueue_dma source(%dma_start3A_1109 : memref<2x8x128xf32, #tpu.memory_space<vmem>>) target(%dma_start3A_1106 : memref<2x8x128xf32, #tpu.memory_space<hbm>>) target_semaphore(%arg5 : memref<!tpu.dma_semaphore, #tpu.memory_space<semaphore_mem>>)
      %dma_start3A_1110 = arith.constant 7 : i32
      %dma_start3A_1111 = arith.constant 0 : i32
      %dma_start3A_1112 = arith.constant 0 : i32
      %dma_start3A_1113 = tpu.memref_slice %arg4[%dma_start3A_1111, %dma_start3A_1112, %add3A_958] : memref<2x8x4096xf32, #tpu.memory_space<vmem>> -> memref<2x8x128xf32, #tpu.memory_space<vmem>>
      %dma_start3A_1114 = arith.constant 0 : i32
      %dma_start3A_1115 = arith.constant 0 : i32
      %dma_start3A_1116 = arith.constant 0 : i32
      %dma_start3A_1117 = tpu.memref_slice %arg3[%add3A_938, %dma_start3A_1114, %dma_start3A_1110, %dma_start3A_1115, %dma_start3A_1116] : memref<1024x2x24x8x128xf32, #tpu.memory_space<hbm>> -> memref<1x2x1x8x128xf32, #tpu.memory_space<hbm>>
      %dma_start3A_1118 = tpu.memref_squeeze %dma_start3A_1117 : memref<1x2x1x8x128xf32, #tpu.memory_space<hbm>> -> memref<2x8x128xf32, #tpu.memory_space<hbm>>
      %dma_start3A_1119 = arith.constant 0 : i32
      %dma_start3A_1120 = arith.constant 0 : i32
      %dma_start3A_1121 = arith.constant 0 : i32
      %dma_start3A_1122 = tpu.memref_slice %arg3[%add3A_938, %dma_start3A_1119, %dma_start3A_1110, %dma_start3A_1120, %dma_start3A_1121] : memref<1024x2x24x8x128xf32, #tpu.memory_space<hbm>> -> memref<1x2x1x8x128xf32, #tpu.memory_space<hbm>>
      %dma_start3A_1123 = tpu.memref_squeeze %dma_start3A_1122 : memref<1x2x1x8x128xf32, #tpu.memory_space<hbm>> -> memref<2x8x128xf32, #tpu.memory_space<hbm>>
      %dma_start3A_1124 = arith.constant 0 : i32
      %dma_start3A_1125 = arith.constant 0 : i32
      %dma_start3A_1126 = tpu.memref_slice %arg4[%dma_start3A_1124, %dma_start3A_1125, %add3A_958] : memref<2x8x4096xf32, #tpu.memory_space<vmem>> -> memref<2x8x128xf32, #tpu.memory_space<vmem>>
      tpu.enqueue_dma source(%dma_start3A_1126 : memref<2x8x128xf32, #tpu.memory_space<vmem>>) target(%dma_start3A_1123 : memref<2x8x128xf32, #tpu.memory_space<hbm>>) target_semaphore(%arg5 : memref<!tpu.dma_semaphore, #tpu.memory_space<semaphore_mem>>)
      %dma_start3A_1127 = arith.constant 8 : i32
      %dma_start3A_1128 = arith.constant 0 : i32
      %dma_start3A_1129 = arith.constant 0 : i32
      %dma_start3A_1130 = tpu.memref_slice %arg4[%dma_start3A_1128, %dma_start3A_1129, %add3A_960] : memref<2x8x4096xf32, #tpu.memory_space<vmem>> -> memref<2x8x128xf32, #tpu.memory_space<vmem>>
      %dma_start3A_1131 = arith.constant 0 : i32
      %dma_start3A_1132 = arith.constant 0 : i32
      %dma_start3A_1133 = arith.constant 0 : i32
      %dma_start3A_1134 = tpu.memref_slice %arg3[%add3A_938, %dma_start3A_1131, %dma_start3A_1127, %dma_start3A_1132, %dma_start3A_1133] : memref<1024x2x24x8x128xf32, #tpu.memory_space<hbm>> -> memref<1x2x1x8x128xf32, #tpu.memory_space<hbm>>
      %dma_start3A_1135 = tpu.memref_squeeze %dma_start3A_1134 : memref<1x2x1x8x128xf32, #tpu.memory_space<hbm>> -> memref<2x8x128xf32, #tpu.memory_space<hbm>>
      %dma_start3A_1136 = arith.constant 0 : i32
      %dma_start3A_1137 = arith.constant 0 : i32
      %dma_start3A_1138 = arith.constant 0 : i32
      %dma_start3A_1139 = tpu.memref_slice %arg3[%add3A_938, %dma_start3A_1136, %dma_start3A_1127, %dma_start3A_1137, %dma_start3A_1138] : memref<1024x2x24x8x128xf32, #tpu.memory_space<hbm>> -> memref<1x2x1x8x128xf32, #tpu.memory_space<hbm>>
      %dma_start3A_1140 = tpu.memref_squeeze %dma_start3A_1139 : memref<1x2x1x8x128xf32, #tpu.memory_space<hbm>> -> memref<2x8x128xf32, #tpu.memory_space<hbm>>
      %dma_start3A_1141 = arith.constant 0 : i32
      %dma_start3A_1142 = arith.constant 0 : i32
      %dma_start3A_1143 = tpu.memref_slice %arg4[%dma_start3A_1141, %dma_start3A_1142, %add3A_960] : memref<2x8x4096xf32, #tpu.memory_space<vmem>> -> memref<2x8x128xf32, #tpu.memory_space<vmem>>
      tpu.enqueue_dma source(%dma_start3A_1143 : memref<2x8x128xf32, #tpu.memory_space<vmem>>) target(%dma_start3A_1140 : memref<2x8x128xf32, #tpu.memory_space<hbm>>) target_semaphore(%arg5 : memref<!tpu.dma_semaphore, #tpu.memory_space<semaphore_mem>>)
      %dma_start3A_1144 = arith.constant 9 : i32
      %dma_start3A_1145 = arith.constant 0 : i32
      %dma_start3A_1146 = arith.constant 0 : i32
      %dma_start3A_1147 = tpu.memref_slice %arg4[%dma_start3A_1145, %dma_start3A_1146, %add3A_962] : memref<2x8x4096xf32, #tpu.memory_space<vmem>> -> memref<2x8x128xf32, #tpu.memory_space<vmem>>
      %dma_start3A_1148 = arith.constant 0 : i32
      %dma_start3A_1149 = arith.constant 0 : i32
      %dma_start3A_1150 = arith.constant 0 : i32
      %dma_start3A_1151 = tpu.memref_slice %arg3[%add3A_938, %dma_start3A_1148, %dma_start3A_1144, %dma_start3A_1149, %dma_start3A_1150] : memref<1024x2x24x8x128xf32, #tpu.memory_space<hbm>> -> memref<1x2x1x8x128xf32, #tpu.memory_space<hbm>>
      %dma_start3A_1152 = tpu.memref_squeeze %dma_start3A_1151 : memref<1x2x1x8x128xf32, #tpu.memory_space<hbm>> -> memref<2x8x128xf32, #tpu.memory_space<hbm>>
      %dma_start3A_1153 = arith.constant 0 : i32
      %dma_start3A_1154 = arith.constant 0 : i32
      %dma_start3A_1155 = arith.constant 0 : i32
      %dma_start3A_1156 = tpu.memref_slice %arg3[%add3A_938, %dma_start3A_1153, %dma_start3A_1144, %dma_start3A_1154, %dma_start3A_1155] : memref<1024x2x24x8x128xf32, #tpu.memory_space<hbm>> -> memref<1x2x1x8x128xf32, #tpu.memory_space<hbm>>
      %dma_start3A_1157 = tpu.memref_squeeze %dma_start3A_1156 : memref<1x2x1x8x128xf32, #tpu.memory_space<hbm>> -> memref<2x8x128xf32, #tpu.memory_space<hbm>>
      %dma_start3A_1158 = arith.constant 0 : i32
      %dma_start3A_1159 = arith.constant 0 : i32
      %dma_start3A_1160 = tpu.memref_slice %arg4[%dma_start3A_1158, %dma_start3A_1159, %add3A_962] : memref<2x8x4096xf32, #tpu.memory_space<vmem>> -> memref<2x8x128xf32, #tpu.memory_space<vmem>>
      tpu.enqueue_dma source(%dma_start3A_1160 : memref<2x8x128xf32, #tpu.memory_space<vmem>>) target(%dma_start3A_1157 : memref<2x8x128xf32, #tpu.memory_space<hbm>>) target_semaphore(%arg5 : memref<!tpu.dma_semaphore, #tpu.memory_space<semaphore_mem>>)
      %dma_start3A_1161 = arith.constant 10 : i32
      %dma_start3A_1162 = arith.constant 0 : i32
      %dma_start3A_1163 = arith.constant 0 : i32
      %dma_start3A_1164 = tpu.memref_slice %arg4[%dma_start3A_1162, %dma_start3A_1163, %add3A_964] : memref<2x8x4096xf32, #tpu.memory_space<vmem>> -> memref<2x8x128xf32, #tpu.memory_space<vmem>>
      %dma_start3A_1165 = arith.constant 0 : i32
      %dma_start3A_1166 = arith.constant 0 : i32
      %dma_start3A_1167 = arith.constant 0 : i32
      %dma_start3A_1168 = tpu.memref_slice %arg3[%add3A_938, %dma_start3A_1165, %dma_start3A_1161, %dma_start3A_1166, %dma_start3A_1167] : memref<1024x2x24x8x128xf32, #tpu.memory_space<hbm>> -> memref<1x2x1x8x128xf32, #tpu.memory_space<hbm>>
      %dma_start3A_1169 = tpu.memref_squeeze %dma_start3A_1168 : memref<1x2x1x8x128xf32, #tpu.memory_space<hbm>> -> memref<2x8x128xf32, #tpu.memory_space<hbm>>
      %dma_start3A_1170 = arith.constant 0 : i32
      %dma_start3A_1171 = arith.constant 0 : i32
      %dma_start3A_1172 = arith.constant 0 : i32
      %dma_start3A_1173 = tpu.memref_slice %arg3[%add3A_938, %dma_start3A_1170, %dma_start3A_1161, %dma_start3A_1171, %dma_start3A_1172] : memref<1024x2x24x8x128xf32, #tpu.memory_space<hbm>> -> memref<1x2x1x8x128xf32, #tpu.memory_space<hbm>>
      %dma_start3A_1174 = tpu.memref_squeeze %dma_start3A_1173 : memref<1x2x1x8x128xf32, #tpu.memory_space<hbm>> -> memref<2x8x128xf32, #tpu.memory_space<hbm>>
      %dma_start3A_1175 = arith.constant 0 : i32
      %dma_start3A_1176 = arith.constant 0 : i32
      %dma_start3A_1177 = tpu.memref_slice %arg4[%dma_start3A_1175, %dma_start3A_1176, %add3A_964] : memref<2x8x4096xf32, #tpu.memory_space<vmem>> -> memref<2x8x128xf32, #tpu.memory_space<vmem>>
      tpu.enqueue_dma source(%dma_start3A_1177 : memref<2x8x128xf32, #tpu.memory_space<vmem>>) target(%dma_start3A_1174 : memref<2x8x128xf32, #tpu.memory_space<hbm>>) target_semaphore(%arg5 : memref<!tpu.dma_semaphore, #tpu.memory_space<semaphore_mem>>)
      %dma_start3A_1178 = arith.constant 11 : i32
      %dma_start3A_1179 = arith.constant 0 : i32
      %dma_start3A_1180 = arith.constant 0 : i32
      %dma_start3A_1181 = tpu.memref_slice %arg4[%dma_start3A_1179, %dma_start3A_1180, %add3A_966] : memref<2x8x4096xf32, #tpu.memory_space<vmem>> -> memref<2x8x128xf32, #tpu.memory_space<vmem>>
      %dma_start3A_1182 = arith.constant 0 : i32
      %dma_start3A_1183 = arith.constant 0 : i32
      %dma_start3A_1184 = arith.constant 0 : i32
      %dma_start3A_1185 = tpu.memref_slice %arg3[%add3A_938, %dma_start3A_1182, %dma_start3A_1178, %dma_start3A_1183, %dma_start3A_1184] : memref<1024x2x24x8x128xf32, #tpu.memory_space<hbm>> -> memref<1x2x1x8x128xf32, #tpu.memory_space<hbm>>
      %dma_start3A_1186 = tpu.memref_squeeze %dma_start3A_1185 : memref<1x2x1x8x128xf32, #tpu.memory_space<hbm>> -> memref<2x8x128xf32, #tpu.memory_space<hbm>>
      %dma_start3A_1187 = arith.constant 0 : i32
      %dma_start3A_1188 = arith.constant 0 : i32
      %dma_start3A_1189 = arith.constant 0 : i32
      %dma_start3A_1190 = tpu.memref_slice %arg3[%add3A_938, %dma_start3A_1187, %dma_start3A_1178, %dma_start3A_1188, %dma_start3A_1189] : memref<1024x2x24x8x128xf32, #tpu.memory_space<hbm>> -> memref<1x2x1x8x128xf32, #tpu.memory_space<hbm>>
      %dma_start3A_1191 = tpu.memref_squeeze %dma_start3A_1190 : memref<1x2x1x8x128xf32, #tpu.memory_space<hbm>> -> memref<2x8x128xf32, #tpu.memory_space<hbm>>
      %dma_start3A_1192 = arith.constant 0 : i32
      %dma_start3A_1193 = arith.constant 0 : i32
      %dma_start3A_1194 = tpu.memref_slice %arg4[%dma_start3A_1192, %dma_start3A_1193, %add3A_966] : memref<2x8x4096xf32, #tpu.memory_space<vmem>> -> memref<2x8x128xf32, #tpu.memory_space<vmem>>
      tpu.enqueue_dma source(%dma_start3A_1194 : memref<2x8x128xf32, #tpu.memory_space<vmem>>) target(%dma_start3A_1191 : memref<2x8x128xf32, #tpu.memory_space<hbm>>) target_semaphore(%arg5 : memref<!tpu.dma_semaphore, #tpu.memory_space<semaphore_mem>>)
      %dma_start3A_1195 = arith.constant 12 : i32
      %dma_start3A_1196 = arith.constant 0 : i32
      %dma_start3A_1197 = arith.constant 0 : i32
      %dma_start3A_1198 = tpu.memref_slice %arg4[%dma_start3A_1196, %dma_start3A_1197, %add3A_968] : memref<2x8x4096xf32, #tpu.memory_space<vmem>> -> memref<2x8x128xf32, #tpu.memory_space<vmem>>
      %dma_start3A_1199 = arith.constant 0 : i32
      %dma_start3A_1200 = arith.constant 0 : i32
      %dma_start3A_1201 = arith.constant 0 : i32
      %dma_start3A_1202 = tpu.memref_slice %arg3[%add3A_938, %dma_start3A_1199, %dma_start3A_1195, %dma_start3A_1200, %dma_start3A_1201] : memref<1024x2x24x8x128xf32, #tpu.memory_space<hbm>> -> memref<1x2x1x8x128xf32, #tpu.memory_space<hbm>>
      %dma_start3A_1203 = tpu.memref_squeeze %dma_start3A_1202 : memref<1x2x1x8x128xf32, #tpu.memory_space<hbm>> -> memref<2x8x128xf32, #tpu.memory_space<hbm>>
      %dma_start3A_1204 = arith.constant 0 : i32
      %dma_start3A_1205 = arith.constant 0 : i32
      %dma_start3A_1206 = arith.constant 0 : i32
      %dma_start3A_1207 = tpu.memref_slice %arg3[%add3A_938, %dma_start3A_1204, %dma_start3A_1195, %dma_start3A_1205, %dma_start3A_1206] : memref<1024x2x24x8x128xf32, #tpu.memory_space<hbm>> -> memref<1x2x1x8x128xf32, #tpu.memory_space<hbm>>
      %dma_start3A_1208 = tpu.memref_squeeze %dma_start3A_1207 : memref<1x2x1x8x128xf32, #tpu.memory_space<hbm>> -> memref<2x8x128xf32, #tpu.memory_space<hbm>>
      %dma_start3A_1209 = arith.constant 0 : i32
      %dma_start3A_1210 = arith.constant 0 : i32
      %dma_start3A_1211 = tpu.memref_slice %arg4[%dma_start3A_1209, %dma_start3A_1210, %add3A_968] : memref<2x8x4096xf32, #tpu.memory_space<vmem>> -> memref<2x8x128xf32, #tpu.memory_space<vmem>>
      tpu.enqueue_dma source(%dma_start3A_1211 : memref<2x8x128xf32, #tpu.memory_space<vmem>>) target(%dma_start3A_1208 : memref<2x8x128xf32, #tpu.memory_space<hbm>>) target_semaphore(%arg5 : memref<!tpu.dma_semaphore, #tpu.memory_space<semaphore_mem>>)
      %dma_start3A_1212 = arith.constant 13 : i32
      %dma_start3A_1213 = arith.constant 0 : i32
      %dma_start3A_1214 = arith.constant 0 : i32
      %dma_start3A_1215 = tpu.memref_slice %arg4[%dma_start3A_1213, %dma_start3A_1214, %add3A_970] : memref<2x8x4096xf32, #tpu.memory_space<vmem>> -> memref<2x8x128xf32, #tpu.memory_space<vmem>>
      %dma_start3A_1216 = arith.constant 0 : i32
      %dma_start3A_1217 = arith.constant 0 : i32
      %dma_start3A_1218 = arith.constant 0 : i32
      %dma_start3A_1219 = tpu.memref_slice %arg3[%add3A_938, %dma_start3A_1216, %dma_start3A_1212, %dma_start3A_1217, %dma_start3A_1218] : memref<1024x2x24x8x128xf32, #tpu.memory_space<hbm>> -> memref<1x2x1x8x128xf32, #tpu.memory_space<hbm>>
      %dma_start3A_1220 = tpu.memref_squeeze %dma_start3A_1219 : memref<1x2x1x8x128xf32, #tpu.memory_space<hbm>> -> memref<2x8x128xf32, #tpu.memory_space<hbm>>
      %dma_start3A_1221 = arith.constant 0 : i32
      %dma_start3A_1222 = arith.constant 0 : i32
      %dma_start3A_1223 = arith.constant 0 : i32
      %dma_start3A_1224 = tpu.memref_slice %arg3[%add3A_938, %dma_start3A_1221, %dma_start3A_1212, %dma_start3A_1222, %dma_start3A_1223] : memref<1024x2x24x8x128xf32, #tpu.memory_space<hbm>> -> memref<1x2x1x8x128xf32, #tpu.memory_space<hbm>>
      %dma_start3A_1225 = tpu.memref_squeeze %dma_start3A_1224 : memref<1x2x1x8x128xf32, #tpu.memory_space<hbm>> -> memref<2x8x128xf32, #tpu.memory_space<hbm>>
      %dma_start3A_1226 = arith.constant 0 : i32
      %dma_start3A_1227 = arith.constant 0 : i32
      %dma_start3A_1228 = tpu.memref_slice %arg4[%dma_start3A_1226, %dma_start3A_1227, %add3A_970] : memref<2x8x4096xf32, #tpu.memory_space<vmem>> -> memref<2x8x128xf32, #tpu.memory_space<vmem>>
      tpu.enqueue_dma source(%dma_start3A_1228 : memref<2x8x128xf32, #tpu.memory_space<vmem>>) target(%dma_start3A_1225 : memref<2x8x128xf32, #tpu.memory_space<hbm>>) target_semaphore(%arg5 : memref<!tpu.dma_semaphore, #tpu.memory_space<semaphore_mem>>)
      %dma_start3A_1229 = arith.constant 14 : i32
      %dma_start3A_1230 = arith.constant 0 : i32
      %dma_start3A_1231 = arith.constant 0 : i32
      %dma_start3A_1232 = tpu.memref_slice %arg4[%dma_start3A_1230, %dma_start3A_1231, %add3A_972] : memref<2x8x4096xf32, #tpu.memory_space<vmem>> -> memref<2x8x128xf32, #tpu.memory_space<vmem>>
      %dma_start3A_1233 = arith.constant 0 : i32
      %dma_start3A_1234 = arith.constant 0 : i32
      %dma_start3A_1235 = arith.constant 0 : i32
      %dma_start3A_1236 = tpu.memref_slice %arg3[%add3A_938, %dma_start3A_1233, %dma_start3A_1229, %dma_start3A_1234, %dma_start3A_1235] : memref<1024x2x24x8x128xf32, #tpu.memory_space<hbm>> -> memref<1x2x1x8x128xf32, #tpu.memory_space<hbm>>
      %dma_start3A_1237 = tpu.memref_squeeze %dma_start3A_1236 : memref<1x2x1x8x128xf32, #tpu.memory_space<hbm>> -> memref<2x8x128xf32, #tpu.memory_space<hbm>>
      %dma_start3A_1238 = arith.constant 0 : i32
      %dma_start3A_1239 = arith.constant 0 : i32
      %dma_start3A_1240 = arith.constant 0 : i32
      %dma_start3A_1241 = tpu.memref_slice %arg3[%add3A_938, %dma_start3A_1238, %dma_start3A_1229, %dma_start3A_1239, %dma_start3A_1240] : memref<1024x2x24x8x128xf32, #tpu.memory_space<hbm>> -> memref<1x2x1x8x128xf32, #tpu.memory_space<hbm>>
      %dma_start3A_1242 = tpu.memref_squeeze %dma_start3A_1241 : memref<1x2x1x8x128xf32, #tpu.memory_space<hbm>> -> memref<2x8x128xf32, #tpu.memory_space<hbm>>
      %dma_start3A_1243 = arith.constant 0 : i32
      %dma_start3A_1244 = arith.constant 0 : i32
      %dma_start3A_1245 = tpu.memref_slice %arg4[%dma_start3A_1243, %dma_start3A_1244, %add3A_972] : memref<2x8x4096xf32, #tpu.memory_space<vmem>> -> memref<2x8x128xf32, #tpu.memory_space<vmem>>
      tpu.enqueue_dma source(%dma_start3A_1245 : memref<2x8x128xf32, #tpu.memory_space<vmem>>) target(%dma_start3A_1242 : memref<2x8x128xf32, #tpu.memory_space<hbm>>) target_semaphore(%arg5 : memref<!tpu.dma_semaphore, #tpu.memory_space<semaphore_mem>>)
      %dma_start3A_1246 = arith.constant 15 : i32
      %dma_start3A_1247 = arith.constant 0 : i32
      %dma_start3A_1248 = arith.constant 0 : i32
      %dma_start3A_1249 = tpu.memref_slice %arg4[%dma_start3A_1247, %dma_start3A_1248, %add3A_974] : memref<2x8x4096xf32, #tpu.memory_space<vmem>> -> memref<2x8x128xf32, #tpu.memory_space<vmem>>
      %dma_start3A_1250 = arith.constant 0 : i32
      %dma_start3A_1251 = arith.constant 0 : i32
      %dma_start3A_1252 = arith.constant 0 : i32
      %dma_start3A_1253 = tpu.memref_slice %arg3[%add3A_938, %dma_start3A_1250, %dma_start3A_1246, %dma_start3A_1251, %dma_start3A_1252] : memref<1024x2x24x8x128xf32, #tpu.memory_space<hbm>> -> memref<1x2x1x8x128xf32, #tpu.memory_space<hbm>>
      %dma_start3A_1254 = tpu.memref_squeeze %dma_start3A_1253 : memref<1x2x1x8x128xf32, #tpu.memory_space<hbm>> -> memref<2x8x128xf32, #tpu.memory_space<hbm>>
      %dma_start3A_1255 = arith.constant 0 : i32
      %dma_start3A_1256 = arith.constant 0 : i32
      %dma_start3A_1257 = arith.constant 0 : i32
      %dma_start3A_1258 = tpu.memref_slice %arg3[%add3A_938, %dma_start3A_1255, %dma_start3A_1246, %dma_start3A_1256, %dma_start3A_1257] : memref<1024x2x24x8x128xf32, #tpu.memory_space<hbm>> -> memref<1x2x1x8x128xf32, #tpu.memory_space<hbm>>
      %dma_start3A_1259 = tpu.memref_squeeze %dma_start3A_1258 : memref<1x2x1x8x128xf32, #tpu.memory_space<hbm>> -> memref<2x8x128xf32, #tpu.memory_space<hbm>>
      %dma_start3A_1260 = arith.constant 0 : i32
      %dma_start3A_1261 = arith.constant 0 : i32
      %dma_start3A_1262 = tpu.memref_slice %arg4[%dma_start3A_1260, %dma_start3A_1261, %add3A_974] : memref<2x8x4096xf32, #tpu.memory_space<vmem>> -> memref<2x8x128xf32, #tpu.memory_space<vmem>>
      tpu.enqueue_dma source(%dma_start3A_1262 : memref<2x8x128xf32, #tpu.memory_space<vmem>>) target(%dma_start3A_1259 : memref<2x8x128xf32, #tpu.memory_space<hbm>>) target_semaphore(%arg5 : memref<!tpu.dma_semaphore, #tpu.memory_space<semaphore_mem>>)
      %dma_start3A_1263 = arith.constant 16 : i32
      %dma_start3A_1264 = arith.constant 0 : i32
      %dma_start3A_1265 = arith.constant 0 : i32
      %dma_start3A_1266 = tpu.memref_slice %arg4[%dma_start3A_1264, %dma_start3A_1265, %add3A_976] : memref<2x8x4096xf32, #tpu.memory_space<vmem>> -> memref<2x8x128xf32, #tpu.memory_space<vmem>>
      %dma_start3A_1267 = arith.constant 0 : i32
      %dma_start3A_1268 = arith.constant 0 : i32
      %dma_start3A_1269 = arith.constant 0 : i32
      %dma_start3A_1270 = tpu.memref_slice %arg3[%add3A_938, %dma_start3A_1267, %dma_start3A_1263, %dma_start3A_1268, %dma_start3A_1269] : memref<1024x2x24x8x128xf32, #tpu.memory_space<hbm>> -> memref<1x2x1x8x128xf32, #tpu.memory_space<hbm>>
      %dma_start3A_1271 = tpu.memref_squeeze %dma_start3A_1270 : memref<1x2x1x8x128xf32, #tpu.memory_space<hbm>> -> memref<2x8x128xf32, #tpu.memory_space<hbm>>
      %dma_start3A_1272 = arith.constant 0 : i32
      %dma_start3A_1273 = arith.constant 0 : i32
      %dma_start3A_1274 = arith.constant 0 : i32
      %dma_start3A_1275 = tpu.memref_slice %arg3[%add3A_938, %dma_start3A_1272, %dma_start3A_1263, %dma_start3A_1273, %dma_start3A_1274] : memref<1024x2x24x8x128xf32, #tpu.memory_space<hbm>> -> memref<1x2x1x8x128xf32, #tpu.memory_space<hbm>>
      %dma_start3A_1276 = tpu.memref_squeeze %dma_start3A_1275 : memref<1x2x1x8x128xf32, #tpu.memory_space<hbm>> -> memref<2x8x128xf32, #tpu.memory_space<hbm>>
      %dma_start3A_1277 = arith.constant 0 : i32
      %dma_start3A_1278 = arith.constant 0 : i32
      %dma_start3A_1279 = tpu.memref_slice %arg4[%dma_start3A_1277, %dma_start3A_1278, %add3A_976] : memref<2x8x4096xf32, #tpu.memory_space<vmem>> -> memref<2x8x128xf32, #tpu.memory_space<vmem>>
      tpu.enqueue_dma source(%dma_start3A_1279 : memref<2x8x128xf32, #tpu.memory_space<vmem>>) target(%dma_start3A_1276 : memref<2x8x128xf32, #tpu.memory_space<hbm>>) target_semaphore(%arg5 : memref<!tpu.dma_semaphore, #tpu.memory_space<semaphore_mem>>)
      %dma_start3A_1280 = arith.constant 17 : i32
      %dma_start3A_1281 = arith.constant 0 : i32
      %dma_start3A_1282 = arith.constant 0 : i32
      %dma_start3A_1283 = tpu.memref_slice %arg4[%dma_start3A_1281, %dma_start3A_1282, %add3A_978] : memref<2x8x4096xf32, #tpu.memory_space<vmem>> -> memref<2x8x128xf32, #tpu.memory_space<vmem>>
      %dma_start3A_1284 = arith.constant 0 : i32
      %dma_start3A_1285 = arith.constant 0 : i32
      %dma_start3A_1286 = arith.constant 0 : i32
      %dma_start3A_1287 = tpu.memref_slice %arg3[%add3A_938, %dma_start3A_1284, %dma_start3A_1280, %dma_start3A_1285, %dma_start3A_1286] : memref<1024x2x24x8x128xf32, #tpu.memory_space<hbm>> -> memref<1x2x1x8x128xf32, #tpu.memory_space<hbm>>
      %dma_start3A_1288 = tpu.memref_squeeze %dma_start3A_1287 : memref<1x2x1x8x128xf32, #tpu.memory_space<hbm>> -> memref<2x8x128xf32, #tpu.memory_space<hbm>>
      %dma_start3A_1289 = arith.constant 0 : i32
      %dma_start3A_1290 = arith.constant 0 : i32
      %dma_start3A_1291 = arith.constant 0 : i32
      %dma_start3A_1292 = tpu.memref_slice %arg3[%add3A_938, %dma_start3A_1289, %dma_start3A_1280, %dma_start3A_1290, %dma_start3A_1291] : memref<1024x2x24x8x128xf32, #tpu.memory_space<hbm>> -> memref<1x2x1x8x128xf32, #tpu.memory_space<hbm>>
      %dma_start3A_1293 = tpu.memref_squeeze %dma_start3A_1292 : memref<1x2x1x8x128xf32, #tpu.memory_space<hbm>> -> memref<2x8x128xf32, #tpu.memory_space<hbm>>
      %dma_start3A_1294 = arith.constant 0 : i32
      %dma_start3A_1295 = arith.constant 0 : i32
      %dma_start3A_1296 = tpu.memref_slice %arg4[%dma_start3A_1294, %dma_start3A_1295, %add3A_978] : memref<2x8x4096xf32, #tpu.memory_space<vmem>> -> memref<2x8x128xf32, #tpu.memory_space<vmem>>
      tpu.enqueue_dma source(%dma_start3A_1296 : memref<2x8x128xf32, #tpu.memory_space<vmem>>) target(%dma_start3A_1293 : memref<2x8x128xf32, #tpu.memory_space<hbm>>) target_semaphore(%arg5 : memref<!tpu.dma_semaphore, #tpu.memory_space<semaphore_mem>>)
      %dma_start3A_1297 = arith.constant 18 : i32
      %dma_start3A_1298 = arith.constant 0 : i32
      %dma_start3A_1299 = arith.constant 0 : i32
      %dma_start3A_1300 = tpu.memref_slice %arg4[%dma_start3A_1298, %dma_start3A_1299, %add3A_980] : memref<2x8x4096xf32, #tpu.memory_space<vmem>> -> memref<2x8x128xf32, #tpu.memory_space<vmem>>
      %dma_start3A_1301 = arith.constant 0 : i32
      %dma_start3A_1302 = arith.constant 0 : i32
      %dma_start3A_1303 = arith.constant 0 : i32
      %dma_start3A_1304 = tpu.memref_slice %arg3[%add3A_938, %dma_start3A_1301, %dma_start3A_1297, %dma_start3A_1302, %dma_start3A_1303] : memref<1024x2x24x8x128xf32, #tpu.memory_space<hbm>> -> memref<1x2x1x8x128xf32, #tpu.memory_space<hbm>>
      %dma_start3A_1305 = tpu.memref_squeeze %dma_start3A_1304 : memref<1x2x1x8x128xf32, #tpu.memory_space<hbm>> -> memref<2x8x128xf32, #tpu.memory_space<hbm>>
      %dma_start3A_1306 = arith.constant 0 : i32
      %dma_start3A_1307 = arith.constant 0 : i32
      %dma_start3A_1308 = arith.constant 0 : i32
      %dma_start3A_1309 = tpu.memref_slice %arg3[%add3A_938, %dma_start3A_1306, %dma_start3A_1297, %dma_start3A_1307, %dma_start3A_1308] : memref<1024x2x24x8x128xf32, #tpu.memory_space<hbm>> -> memref<1x2x1x8x128xf32, #tpu.memory_space<hbm>>
      %dma_start3A_1310 = tpu.memref_squeeze %dma_start3A_1309 : memref<1x2x1x8x128xf32, #tpu.memory_space<hbm>> -> memref<2x8x128xf32, #tpu.memory_space<hbm>>
      %dma_start3A_1311 = arith.constant 0 : i32
      %dma_start3A_1312 = arith.constant 0 : i32
      %dma_start3A_1313 = tpu.memref_slice %arg4[%dma_start3A_1311, %dma_start3A_1312, %add3A_980] : memref<2x8x4096xf32, #tpu.memory_space<vmem>> -> memref<2x8x128xf32, #tpu.memory_space<vmem>>
      tpu.enqueue_dma source(%dma_start3A_1313 : memref<2x8x128xf32, #tpu.memory_space<vmem>>) target(%dma_start3A_1310 : memref<2x8x128xf32, #tpu.memory_space<hbm>>) target_semaphore(%arg5 : memref<!tpu.dma_semaphore, #tpu.memory_space<semaphore_mem>>)
      %dma_start3A_1314 = arith.constant 19 : i32
      %dma_start3A_1315 = arith.constant 0 : i32
      %dma_start3A_1316 = arith.constant 0 : i32
      %dma_start3A_1317 = tpu.memref_slice %arg4[%dma_start3A_1315, %dma_start3A_1316, %add3A_982] : memref<2x8x4096xf32, #tpu.memory_space<vmem>> -> memref<2x8x128xf32, #tpu.memory_space<vmem>>
      %dma_start3A_1318 = arith.constant 0 : i32
      %dma_start3A_1319 = arith.constant 0 : i32
      %dma_start3A_1320 = arith.constant 0 : i32
      %dma_start3A_1321 = tpu.memref_slice %arg3[%add3A_938, %dma_start3A_1318, %dma_start3A_1314, %dma_start3A_1319, %dma_start3A_1320] : memref<1024x2x24x8x128xf32, #tpu.memory_space<hbm>> -> memref<1x2x1x8x128xf32, #tpu.memory_space<hbm>>
      %dma_start3A_1322 = tpu.memref_squeeze %dma_start3A_1321 : memref<1x2x1x8x128xf32, #tpu.memory_space<hbm>> -> memref<2x8x128xf32, #tpu.memory_space<hbm>>
      %dma_start3A_1323 = arith.constant 0 : i32
      %dma_start3A_1324 = arith.constant 0 : i32
      %dma_start3A_1325 = arith.constant 0 : i32
      %dma_start3A_1326 = tpu.memref_slice %arg3[%add3A_938, %dma_start3A_1323, %dma_start3A_1314, %dma_start3A_1324, %dma_start3A_1325] : memref<1024x2x24x8x128xf32, #tpu.memory_space<hbm>> -> memref<1x2x1x8x128xf32, #tpu.memory_space<hbm>>
      %dma_start3A_1327 = tpu.memref_squeeze %dma_start3A_1326 : memref<1x2x1x8x128xf32, #tpu.memory_space<hbm>> -> memref<2x8x128xf32, #tpu.memory_space<hbm>>
      %dma_start3A_1328 = arith.constant 0 : i32
      %dma_start3A_1329 = arith.constant 0 : i32
      %dma_start3A_1330 = tpu.memref_slice %arg4[%dma_start3A_1328, %dma_start3A_1329, %add3A_982] : memref<2x8x4096xf32, #tpu.memory_space<vmem>> -> memref<2x8x128xf32, #tpu.memory_space<vmem>>
      tpu.enqueue_dma source(%dma_start3A_1330 : memref<2x8x128xf32, #tpu.memory_space<vmem>>) target(%dma_start3A_1327 : memref<2x8x128xf32, #tpu.memory_space<hbm>>) target_semaphore(%arg5 : memref<!tpu.dma_semaphore, #tpu.memory_space<semaphore_mem>>)
      %dma_start3A_1331 = arith.constant 20 : i32
      %dma_start3A_1332 = arith.constant 0 : i32
      %dma_start3A_1333 = arith.constant 0 : i32
      %dma_start3A_1334 = tpu.memref_slice %arg4[%dma_start3A_1332, %dma_start3A_1333, %add3A_984] : memref<2x8x4096xf32, #tpu.memory_space<vmem>> -> memref<2x8x128xf32, #tpu.memory_space<vmem>>
      %dma_start3A_1335 = arith.constant 0 : i32
      %dma_start3A_1336 = arith.constant 0 : i32
      %dma_start3A_1337 = arith.constant 0 : i32
      %dma_start3A_1338 = tpu.memref_slice %arg3[%add3A_938, %dma_start3A_1335, %dma_start3A_1331, %dma_start3A_1336, %dma_start3A_1337] : memref<1024x2x24x8x128xf32, #tpu.memory_space<hbm>> -> memref<1x2x1x8x128xf32, #tpu.memory_space<hbm>>
      %dma_start3A_1339 = tpu.memref_squeeze %dma_start3A_1338 : memref<1x2x1x8x128xf32, #tpu.memory_space<hbm>> -> memref<2x8x128xf32, #tpu.memory_space<hbm>>
      %dma_start3A_1340 = arith.constant 0 : i32
      %dma_start3A_1341 = arith.constant 0 : i32
      %dma_start3A_1342 = arith.constant 0 : i32
      %dma_start3A_1343 = tpu.memref_slice %arg3[%add3A_938, %dma_start3A_1340, %dma_start3A_1331, %dma_start3A_1341, %dma_start3A_1342] : memref<1024x2x24x8x128xf32, #tpu.memory_space<hbm>> -> memref<1x2x1x8x128xf32, #tpu.memory_space<hbm>>
      %dma_start3A_1344 = tpu.memref_squeeze %dma_start3A_1343 : memref<1x2x1x8x128xf32, #tpu.memory_space<hbm>> -> memref<2x8x128xf32, #tpu.memory_space<hbm>>
      %dma_start3A_1345 = arith.constant 0 : i32
      %dma_start3A_1346 = arith.constant 0 : i32
      %dma_start3A_1347 = tpu.memref_slice %arg4[%dma_start3A_1345, %dma_start3A_1346, %add3A_984] : memref<2x8x4096xf32, #tpu.memory_space<vmem>> -> memref<2x8x128xf32, #tpu.memory_space<vmem>>
      tpu.enqueue_dma source(%dma_start3A_1347 : memref<2x8x128xf32, #tpu.memory_space<vmem>>) target(%dma_start3A_1344 : memref<2x8x128xf32, #tpu.memory_space<hbm>>) target_semaphore(%arg5 : memref<!tpu.dma_semaphore, #tpu.memory_space<semaphore_mem>>)
      %dma_start3A_1348 = arith.constant 21 : i32
      %dma_start3A_1349 = arith.constant 0 : i32
      %dma_start3A_1350 = arith.constant 0 : i32
      %dma_start3A_1351 = tpu.memref_slice %arg4[%dma_start3A_1349, %dma_start3A_1350, %add3A_986] : memref<2x8x4096xf32, #tpu.memory_space<vmem>> -> memref<2x8x128xf32, #tpu.memory_space<vmem>>
      %dma_start3A_1352 = arith.constant 0 : i32
      %dma_start3A_1353 = arith.constant 0 : i32
      %dma_start3A_1354 = arith.constant 0 : i32
      %dma_start3A_1355 = tpu.memref_slice %arg3[%add3A_938, %dma_start3A_1352, %dma_start3A_1348, %dma_start3A_1353, %dma_start3A_1354] : memref<1024x2x24x8x128xf32, #tpu.memory_space<hbm>> -> memref<1x2x1x8x128xf32, #tpu.memory_space<hbm>>
      %dma_start3A_1356 = tpu.memref_squeeze %dma_start3A_1355 : memref<1x2x1x8x128xf32, #tpu.memory_space<hbm>> -> memref<2x8x128xf32, #tpu.memory_space<hbm>>
      %dma_start3A_1357 = arith.constant 0 : i32
      %dma_start3A_1358 = arith.constant 0 : i32
      %dma_start3A_1359 = arith.constant 0 : i32
      %dma_start3A_1360 = tpu.memref_slice %arg3[%add3A_938, %dma_start3A_1357, %dma_start3A_1348, %dma_start3A_1358, %dma_start3A_1359] : memref<1024x2x24x8x128xf32, #tpu.memory_space<hbm>> -> memref<1x2x1x8x128xf32, #tpu.memory_space<hbm>>
      %dma_start3A_1361 = tpu.memref_squeeze %dma_start3A_1360 : memref<1x2x1x8x128xf32, #tpu.memory_space<hbm>> -> memref<2x8x128xf32, #tpu.memory_space<hbm>>
      %dma_start3A_1362 = arith.constant 0 : i32
      %dma_start3A_1363 = arith.constant 0 : i32
      %dma_start3A_1364 = tpu.memref_slice %arg4[%dma_start3A_1362, %dma_start3A_1363, %add3A_986] : memref<2x8x4096xf32, #tpu.memory_space<vmem>> -> memref<2x8x128xf32, #tpu.memory_space<vmem>>
      tpu.enqueue_dma source(%dma_start3A_1364 : memref<2x8x128xf32, #tpu.memory_space<vmem>>) target(%dma_start3A_1361 : memref<2x8x128xf32, #tpu.memory_space<hbm>>) target_semaphore(%arg5 : memref<!tpu.dma_semaphore, #tpu.memory_space<semaphore_mem>>)
      %dma_start3A_1365 = arith.constant 22 : i32
      %dma_start3A_1366 = arith.constant 0 : i32
      %dma_start3A_1367 = arith.constant 0 : i32
      %dma_start3A_1368 = tpu.memref_slice %arg4[%dma_start3A_1366, %dma_start3A_1367, %add3A_988] : memref<2x8x4096xf32, #tpu.memory_space<vmem>> -> memref<2x8x128xf32, #tpu.memory_space<vmem>>
      %dma_start3A_1369 = arith.constant 0 : i32
      %dma_start3A_1370 = arith.constant 0 : i32
      %dma_start3A_1371 = arith.constant 0 : i32
      %dma_start3A_1372 = tpu.memref_slice %arg3[%add3A_938, %dma_start3A_1369, %dma_start3A_1365, %dma_start3A_1370, %dma_start3A_1371] : memref<1024x2x24x8x128xf32, #tpu.memory_space<hbm>> -> memref<1x2x1x8x128xf32, #tpu.memory_space<hbm>>
      %dma_start3A_1373 = tpu.memref_squeeze %dma_start3A_1372 : memref<1x2x1x8x128xf32, #tpu.memory_space<hbm>> -> memref<2x8x128xf32, #tpu.memory_space<hbm>>
      %dma_start3A_1374 = arith.constant 0 : i32
      %dma_start3A_1375 = arith.constant 0 : i32
      %dma_start3A_1376 = arith.constant 0 : i32
      %dma_start3A_1377 = tpu.memref_slice %arg3[%add3A_938, %dma_start3A_1374, %dma_start3A_1365, %dma_start3A_1375, %dma_start3A_1376] : memref<1024x2x24x8x128xf32, #tpu.memory_space<hbm>> -> memref<1x2x1x8x128xf32, #tpu.memory_space<hbm>>
      %dma_start3A_1378 = tpu.memref_squeeze %dma_start3A_1377 : memref<1x2x1x8x128xf32, #tpu.memory_space<hbm>> -> memref<2x8x128xf32, #tpu.memory_space<hbm>>
      %dma_start3A_1379 = arith.constant 0 : i32
      %dma_start3A_1380 = arith.constant 0 : i32
      %dma_start3A_1381 = tpu.memref_slice %arg4[%dma_start3A_1379, %dma_start3A_1380, %add3A_988] : memref<2x8x4096xf32, #tpu.memory_space<vmem>> -> memref<2x8x128xf32, #tpu.memory_space<vmem>>
      tpu.enqueue_dma source(%dma_start3A_1381 : memref<2x8x128xf32, #tpu.memory_space<vmem>>) target(%dma_start3A_1378 : memref<2x8x128xf32, #tpu.memory_space<hbm>>) target_semaphore(%arg5 : memref<!tpu.dma_semaphore, #tpu.memory_space<semaphore_mem>>)
      %dma_start3A_1382 = arith.constant 23 : i32
      %dma_start3A_1383 = arith.constant 0 : i32
      %dma_start3A_1384 = arith.constant 0 : i32
      %dma_start3A_1385 = tpu.memref_slice %arg4[%dma_start3A_1383, %dma_start3A_1384, %add3A_990] : memref<2x8x4096xf32, #tpu.memory_space<vmem>> -> memref<2x8x128xf32, #tpu.memory_space<vmem>>
      %dma_start3A_1386 = arith.constant 0 : i32
      %dma_start3A_1387 = arith.constant 0 : i32
      %dma_start3A_1388 = arith.constant 0 : i32
      %dma_start3A_1389 = tpu.memref_slice %arg3[%add3A_938, %dma_start3A_1386, %dma_start3A_1382, %dma_start3A_1387, %dma_start3A_1388] : memref<1024x2x24x8x128xf32, #tpu.memory_space<hbm>> -> memref<1x2x1x8x128xf32, #tpu.memory_space<hbm>>
      %dma_start3A_1390 = tpu.memref_squeeze %dma_start3A_1389 : memref<1x2x1x8x128xf32, #tpu.memory_space<hbm>> -> memref<2x8x128xf32, #tpu.memory_space<hbm>>
      %dma_start3A_1391 = arith.constant 0 : i32
      %dma_start3A_1392 = arith.constant 0 : i32
      %dma_start3A_1393 = arith.constant 0 : i32
      %dma_start3A_1394 = tpu.memref_slice %arg3[%add3A_938, %dma_start3A_1391, %dma_start3A_1382, %dma_start3A_1392, %dma_start3A_1393] : memref<1024x2x24x8x128xf32, #tpu.memory_space<hbm>> -> memref<1x2x1x8x128xf32, #tpu.memory_space<hbm>>
      %dma_start3A_1395 = tpu.memref_squeeze %dma_start3A_1394 : memref<1x2x1x8x128xf32, #tpu.memory_space<hbm>> -> memref<2x8x128xf32, #tpu.memory_space<hbm>>
      %dma_start3A_1396 = arith.constant 0 : i32
      %dma_start3A_1397 = arith.constant 0 : i32
      %dma_start3A_1398 = tpu.memref_slice %arg4[%dma_start3A_1396, %dma_start3A_1397, %add3A_990] : memref<2x8x4096xf32, #tpu.memory_space<vmem>> -> memref<2x8x128xf32, #tpu.memory_space<vmem>>
      tpu.enqueue_dma source(%dma_start3A_1398 : memref<2x8x128xf32, #tpu.memory_space<vmem>>) target(%dma_start3A_1395 : memref<2x8x128xf32, #tpu.memory_space<hbm>>) target_semaphore(%arg5 : memref<!tpu.dma_semaphore, #tpu.memory_space<semaphore_mem>>)
      %sub3A_1399 = arith.constant 32 : i32
      %sub3A_1400 = arith.subi %add3A_938, %sub3A_1399 : i32
      %sub3A_1401 = arith.constant 1023 : i32
      %sub3A_1402 = arith.subi %sub3A_1401, %sub3A_1400 : i32
      %sub3A_1403 = arith.subi %sub3A_1402, %select_n3A_10 : i32
      %multiple_of3A_1404 = tpu.assume_multiple %sub3A_1403, 8 : i32
      %add3A_1405 = arith.constant 0 : i32
      %add3A_1406 = arith.addi %multiple_of3A_1404, %add3A_1405 : i32
      %add3A_1407 = arith.constant 128 : i32
      %add3A_1408 = arith.addi %multiple_of3A_1404, %add3A_1407 : i32
      %add3A_1409 = arith.constant 256 : i32
      %add3A_1410 = arith.addi %multiple_of3A_1404, %add3A_1409 : i32
      %add3A_1411 = arith.constant 384 : i32
      %add3A_1412 = arith.addi %multiple_of3A_1404, %add3A_1411 : i32
      %add3A_1413 = arith.constant 512 : i32
      %add3A_1414 = arith.addi %multiple_of3A_1404, %add3A_1413 : i32
      %add3A_1415 = arith.constant 640 : i32
      %add3A_1416 = arith.addi %multiple_of3A_1404, %add3A_1415 : i32
      %add3A_1417 = arith.constant 768 : i32
      %add3A_1418 = arith.addi %multiple_of3A_1404, %add3A_1417 : i32
      %add3A_1419 = arith.constant 896 : i32
      %add3A_1420 = arith.addi %multiple_of3A_1404, %add3A_1419 : i32
      %add3A_1421 = arith.constant 1024 : i32
      %add3A_1422 = arith.addi %multiple_of3A_1404, %add3A_1421 : i32
      %add3A_1423 = arith.constant 1152 : i32
      %add3A_1424 = arith.addi %multiple_of3A_1404, %add3A_1423 : i32
      %add3A_1425 = arith.constant 1280 : i32
      %add3A_1426 = arith.addi %multiple_of3A_1404, %add3A_1425 : i32
      %add3A_1427 = arith.constant 1408 : i32
      %add3A_1428 = arith.addi %multiple_of3A_1404, %add3A_1427 : i32
      %add3A_1429 = arith.constant 1536 : i32
      %add3A_1430 = arith.addi %multiple_of3A_1404, %add3A_1429 : i32
      %add3A_1431 = arith.constant 1664 : i32
      %add3A_1432 = arith.addi %multiple_of3A_1404, %add3A_1431 : i32
      %add3A_1433 = arith.constant 1792 : i32
      %add3A_1434 = arith.addi %multiple_of3A_1404, %add3A_1433 : i32
      %add3A_1435 = arith.constant 1920 : i32
      %add3A_1436 = arith.addi %multiple_of3A_1404, %add3A_1435 : i32
      %add3A_1437 = arith.constant 2048 : i32
      %add3A_1438 = arith.addi %multiple_of3A_1404, %add3A_1437 : i32
      %add3A_1439 = arith.constant 2176 : i32
      %add3A_1440 = arith.addi %multiple_of3A_1404, %add3A_1439 : i32
      %add3A_1441 = arith.constant 2304 : i32
      %add3A_1442 = arith.addi %multiple_of3A_1404, %add3A_1441 : i32
      %add3A_1443 = arith.constant 2432 : i32
      %add3A_1444 = arith.addi %multiple_of3A_1404, %add3A_1443 : i32
      %add3A_1445 = arith.constant 2560 : i32
      %add3A_1446 = arith.addi %multiple_of3A_1404, %add3A_1445 : i32
      %add3A_1447 = arith.constant 2688 : i32
      %add3A_1448 = arith.addi %multiple_of3A_1404, %add3A_1447 : i32
      %add3A_1449 = arith.constant 2816 : i32
      %add3A_1450 = arith.addi %multiple_of3A_1404, %add3A_1449 : i32
      %add3A_1451 = arith.constant 2944 : i32
      %add3A_1452 = arith.addi %multiple_of3A_1404, %add3A_1451 : i32
      %dma_wait3A_1453 = arith.constant 0 : i32
      %dma_wait3A_1454 = arith.constant 0 : i32
      %dma_wait3A_1455 = arith.constant 0 : i32
      %dma_wait3A_1456 = tpu.memref_slice %arg4[%dma_wait3A_1454, %dma_wait3A_1455, %add3A_1406] : memref<2x8x4096xf32, #tpu.memory_space<vmem>> -> memref<2x8x128xf32, #tpu.memory_space<vmem>>
      %dma_wait3A_1457 = arith.constant 0 : i32
      %dma_wait3A_1458 = arith.constant 0 : i32
      %dma_wait3A_1459 = arith.constant 0 : i32
      %dma_wait3A_1460 = tpu.memref_slice %arg3[%sub3A_1400, %dma_wait3A_1457, %dma_wait3A_1453, %dma_wait3A_1458, %dma_wait3A_1459] : memref<1024x2x24x8x128xf32, #tpu.memory_space<hbm>> -> memref<1x2x1x8x128xf32, #tpu.memory_space<hbm>>
      %dma_wait3A_1461 = tpu.memref_squeeze %dma_wait3A_1460 : memref<1x2x1x8x128xf32, #tpu.memory_space<hbm>> -> memref<2x8x128xf32, #tpu.memory_space<hbm>>
      %dma_wait3A_1462 = arith.constant 0 : i32
      %dma_wait3A_1463 = arith.constant 0 : i32
      %dma_wait3A_1464 = arith.constant 0 : i32
      %dma_wait3A_1465 = tpu.memref_slice %arg3[%sub3A_1400, %dma_wait3A_1462, %dma_wait3A_1453, %dma_wait3A_1463, %dma_wait3A_1464] : memref<1024x2x24x8x128xf32, #tpu.memory_space<hbm>> -> memref<1x2x1x8x128xf32, #tpu.memory_space<hbm>>
      %dma_wait3A_1466 = tpu.memref_squeeze %dma_wait3A_1465 : memref<1x2x1x8x128xf32, #tpu.memory_space<hbm>> -> memref<2x8x128xf32, #tpu.memory_space<hbm>>
      %dma_wait3A_1467 = arith.constant 0 : i32
      %dma_wait3A_1468 = arith.constant 0 : i32
      %dma_wait3A_1469 = tpu.memref_slice %arg4[%dma_wait3A_1467, %dma_wait3A_1468, %add3A_1406] : memref<2x8x4096xf32, #tpu.memory_space<vmem>> -> memref<2x8x128xf32, #tpu.memory_space<vmem>>
      tpu.wait_dma2 semaphore(%arg5 : memref<!tpu.dma_semaphore, #tpu.memory_space<semaphore_mem>>) src(%dma_wait3A_1469 : memref<2x8x128xf32, #tpu.memory_space<vmem>>) dst(%dma_wait3A_1466 : memref<2x8x128xf32, #tpu.memory_space<hbm>>)
      %dma_wait3A_1470 = arith.constant 1 : i32
      %dma_wait3A_1471 = arith.constant 0 : i32
      %dma_wait3A_1472 = arith.constant 0 : i32
      %dma_wait3A_1473 = tpu.memref_slice %arg4[%dma_wait3A_1471, %dma_wait3A_1472, %add3A_1408] : memref<2x8x4096xf32, #tpu.memory_space<vmem>> -> memref<2x8x128xf32, #tpu.memory_space<vmem>>
      %dma_wait3A_1474 = arith.constant 0 : i32
      %dma_wait3A_1475 = arith.constant 0 : i32
      %dma_wait3A_1476 = arith.constant 0 : i32
      %dma_wait3A_1477 = tpu.memref_slice %arg3[%sub3A_1400, %dma_wait3A_1474, %dma_wait3A_1470, %dma_wait3A_1475, %dma_wait3A_1476] : memref<1024x2x24x8x128xf32, #tpu.memory_space<hbm>> -> memref<1x2x1x8x128xf32, #tpu.memory_space<hbm>>
      %dma_wait3A_1478 = tpu.memref_squeeze %dma_wait3A_1477 : memref<1x2x1x8x128xf32, #tpu.memory_space<hbm>> -> memref<2x8x128xf32, #tpu.memory_space<hbm>>
      %dma_wait3A_1479 = arith.constant 0 : i32
      %dma_wait3A_1480 = arith.constant 0 : i32
      %dma_wait3A_1481 = arith.constant 0 : i32
      %dma_wait3A_1482 = tpu.memref_slice %arg3[%sub3A_1400, %dma_wait3A_1479, %dma_wait3A_1470, %dma_wait3A_1480, %dma_wait3A_1481] : memref<1024x2x24x8x128xf32, #tpu.memory_space<hbm>> -> memref<1x2x1x8x128xf32, #tpu.memory_space<hbm>>
      %dma_wait3A_1483 = tpu.memref_squeeze %dma_wait3A_1482 : memref<1x2x1x8x128xf32, #tpu.memory_space<hbm>> -> memref<2x8x128xf32, #tpu.memory_space<hbm>>
      %dma_wait3A_1484 = arith.constant 0 : i32
      %dma_wait3A_1485 = arith.constant 0 : i32
      %dma_wait3A_1486 = tpu.memref_slice %arg4[%dma_wait3A_1484, %dma_wait3A_1485, %add3A_1408] : memref<2x8x4096xf32, #tpu.memory_space<vmem>> -> memref<2x8x128xf32, #tpu.memory_space<vmem>>
      tpu.wait_dma2 semaphore(%arg5 : memref<!tpu.dma_semaphore, #tpu.memory_space<semaphore_mem>>) src(%dma_wait3A_1486 : memref<2x8x128xf32, #tpu.memory_space<vmem>>) dst(%dma_wait3A_1483 : memref<2x8x128xf32, #tpu.memory_space<hbm>>)
      %dma_wait3A_1487 = arith.constant 2 : i32
      %dma_wait3A_1488 = arith.constant 0 : i32
      %dma_wait3A_1489 = arith.constant 0 : i32
      %dma_wait3A_1490 = tpu.memref_slice %arg4[%dma_wait3A_1488, %dma_wait3A_1489, %add3A_1410] : memref<2x8x4096xf32, #tpu.memory_space<vmem>> -> memref<2x8x128xf32, #tpu.memory_space<vmem>>
      %dma_wait3A_1491 = arith.constant 0 : i32
      %dma_wait3A_1492 = arith.constant 0 : i32
      %dma_wait3A_1493 = arith.constant 0 : i32
      %dma_wait3A_1494 = tpu.memref_slice %arg3[%sub3A_1400, %dma_wait3A_1491, %dma_wait3A_1487, %dma_wait3A_1492, %dma_wait3A_1493] : memref<1024x2x24x8x128xf32, #tpu.memory_space<hbm>> -> memref<1x2x1x8x128xf32, #tpu.memory_space<hbm>>
      %dma_wait3A_1495 = tpu.memref_squeeze %dma_wait3A_1494 : memref<1x2x1x8x128xf32, #tpu.memory_space<hbm>> -> memref<2x8x128xf32, #tpu.memory_space<hbm>>
      %dma_wait3A_1496 = arith.constant 0 : i32
      %dma_wait3A_1497 = arith.constant 0 : i32
      %dma_wait3A_1498 = arith.constant 0 : i32
      %dma_wait3A_1499 = tpu.memref_slice %arg3[%sub3A_1400, %dma_wait3A_1496, %dma_wait3A_1487, %dma_wait3A_1497, %dma_wait3A_1498] : memref<1024x2x24x8x128xf32, #tpu.memory_space<hbm>> -> memref<1x2x1x8x128xf32, #tpu.memory_space<hbm>>
      %dma_wait3A_1500 = tpu.memref_squeeze %dma_wait3A_1499 : memref<1x2x1x8x128xf32, #tpu.memory_space<hbm>> -> memref<2x8x128xf32, #tpu.memory_space<hbm>>
      %dma_wait3A_1501 = arith.constant 0 : i32
      %dma_wait3A_1502 = arith.constant 0 : i32
      %dma_wait3A_1503 = tpu.memref_slice %arg4[%dma_wait3A_1501, %dma_wait3A_1502, %add3A_1410] : memref<2x8x4096xf32, #tpu.memory_space<vmem>> -> memref<2x8x128xf32, #tpu.memory_space<vmem>>
      tpu.wait_dma2 semaphore(%arg5 : memref<!tpu.dma_semaphore, #tpu.memory_space<semaphore_mem>>) src(%dma_wait3A_1503 : memref<2x8x128xf32, #tpu.memory_space<vmem>>) dst(%dma_wait3A_1500 : memref<2x8x128xf32, #tpu.memory_space<hbm>>)
      %dma_wait3A_1504 = arith.constant 3 : i32
      %dma_wait3A_1505 = arith.constant 0 : i32
      %dma_wait3A_1506 = arith.constant 0 : i32
      %dma_wait3A_1507 = tpu.memref_slice %arg4[%dma_wait3A_1505, %dma_wait3A_1506, %add3A_1412] : memref<2x8x4096xf32, #tpu.memory_space<vmem>> -> memref<2x8x128xf32, #tpu.memory_space<vmem>>
      %dma_wait3A_1508 = arith.constant 0 : i32
      %dma_wait3A_1509 = arith.constant 0 : i32
      %dma_wait3A_1510 = arith.constant 0 : i32
      %dma_wait3A_1511 = tpu.memref_slice %arg3[%sub3A_1400, %dma_wait3A_1508, %dma_wait3A_1504, %dma_wait3A_1509, %dma_wait3A_1510] : memref<1024x2x24x8x128xf32, #tpu.memory_space<hbm>> -> memref<1x2x1x8x128xf32, #tpu.memory_space<hbm>>
      %dma_wait3A_1512 = tpu.memref_squeeze %dma_wait3A_1511 : memref<1x2x1x8x128xf32, #tpu.memory_space<hbm>> -> memref<2x8x128xf32, #tpu.memory_space<hbm>>
      %dma_wait3A_1513 = arith.constant 0 : i32
      %dma_wait3A_1514 = arith.constant 0 : i32
      %dma_wait3A_1515 = arith.constant 0 : i32
      %dma_wait3A_1516 = tpu.memref_slice %arg3[%sub3A_1400, %dma_wait3A_1513, %dma_wait3A_1504, %dma_wait3A_1514, %dma_wait3A_1515] : memref<1024x2x24x8x128xf32, #tpu.memory_space<hbm>> -> memref<1x2x1x8x128xf32, #tpu.memory_space<hbm>>
      %dma_wait3A_1517 = tpu.memref_squeeze %dma_wait3A_1516 : memref<1x2x1x8x128xf32, #tpu.memory_space<hbm>> -> memref<2x8x128xf32, #tpu.memory_space<hbm>>
      %dma_wait3A_1518 = arith.constant 0 : i32
      %dma_wait3A_1519 = arith.constant 0 : i32
      %dma_wait3A_1520 = tpu.memref_slice %arg4[%dma_wait3A_1518, %dma_wait3A_1519, %add3A_1412] : memref<2x8x4096xf32, #tpu.memory_space<vmem>> -> memref<2x8x128xf32, #tpu.memory_space<vmem>>
      tpu.wait_dma2 semaphore(%arg5 : memref<!tpu.dma_semaphore, #tpu.memory_space<semaphore_mem>>) src(%dma_wait3A_1520 : memref<2x8x128xf32, #tpu.memory_space<vmem>>) dst(%dma_wait3A_1517 : memref<2x8x128xf32, #tpu.memory_space<hbm>>)
      %dma_wait3A_1521 = arith.constant 4 : i32
      %dma_wait3A_1522 = arith.constant 0 : i32
      %dma_wait3A_1523 = arith.constant 0 : i32
      %dma_wait3A_1524 = tpu.memref_slice %arg4[%dma_wait3A_1522, %dma_wait3A_1523, %add3A_1414] : memref<2x8x4096xf32, #tpu.memory_space<vmem>> -> memref<2x8x128xf32, #tpu.memory_space<vmem>>
      %dma_wait3A_1525 = arith.constant 0 : i32
      %dma_wait3A_1526 = arith.constant 0 : i32
      %dma_wait3A_1527 = arith.constant 0 : i32
      %dma_wait3A_1528 = tpu.memref_slice %arg3[%sub3A_1400, %dma_wait3A_1525, %dma_wait3A_1521, %dma_wait3A_1526, %dma_wait3A_1527] : memref<1024x2x24x8x128xf32, #tpu.memory_space<hbm>> -> memref<1x2x1x8x128xf32, #tpu.memory_space<hbm>>
      %dma_wait3A_1529 = tpu.memref_squeeze %dma_wait3A_1528 : memref<1x2x1x8x128xf32, #tpu.memory_space<hbm>> -> memref<2x8x128xf32, #tpu.memory_space<hbm>>
      %dma_wait3A_1530 = arith.constant 0 : i32
      %dma_wait3A_1531 = arith.constant 0 : i32
      %dma_wait3A_1532 = arith.constant 0 : i32
      %dma_wait3A_1533 = tpu.memref_slice %arg3[%sub3A_1400, %dma_wait3A_1530, %dma_wait3A_1521, %dma_wait3A_1531, %dma_wait3A_1532] : memref<1024x2x24x8x128xf32, #tpu.memory_space<hbm>> -> memref<1x2x1x8x128xf32, #tpu.memory_space<hbm>>
      %dma_wait3A_1534 = tpu.memref_squeeze %dma_wait3A_1533 : memref<1x2x1x8x128xf32, #tpu.memory_space<hbm>> -> memref<2x8x128xf32, #tpu.memory_space<hbm>>
      %dma_wait3A_1535 = arith.constant 0 : i32
      %dma_wait3A_1536 = arith.constant 0 : i32
      %dma_wait3A_1537 = tpu.memref_slice %arg4[%dma_wait3A_1535, %dma_wait3A_1536, %add3A_1414] : memref<2x8x4096xf32, #tpu.memory_space<vmem>> -> memref<2x8x128xf32, #tpu.memory_space<vmem>>
      tpu.wait_dma2 semaphore(%arg5 : memref<!tpu.dma_semaphore, #tpu.memory_space<semaphore_mem>>) src(%dma_wait3A_1537 : memref<2x8x128xf32, #tpu.memory_space<vmem>>) dst(%dma_wait3A_1534 : memref<2x8x128xf32, #tpu.memory_space<hbm>>)
      %dma_wait3A_1538 = arith.constant 5 : i32
      %dma_wait3A_1539 = arith.constant 0 : i32
      %dma_wait3A_1540 = arith.constant 0 : i32
      %dma_wait3A_1541 = tpu.memref_slice %arg4[%dma_wait3A_1539, %dma_wait3A_1540, %add3A_1416] : memref<2x8x4096xf32, #tpu.memory_space<vmem>> -> memref<2x8x128xf32, #tpu.memory_space<vmem>>
      %dma_wait3A_1542 = arith.constant 0 : i32
      %dma_wait3A_1543 = arith.constant 0 : i32
      %dma_wait3A_1544 = arith.constant 0 : i32
      %dma_wait3A_1545 = tpu.memref_slice %arg3[%sub3A_1400, %dma_wait3A_1542, %dma_wait3A_1538, %dma_wait3A_1543, %dma_wait3A_1544] : memref<1024x2x24x8x128xf32, #tpu.memory_space<hbm>> -> memref<1x2x1x8x128xf32, #tpu.memory_space<hbm>>
      %dma_wait3A_1546 = tpu.memref_squeeze %dma_wait3A_1545 : memref<1x2x1x8x128xf32, #tpu.memory_space<hbm>> -> memref<2x8x128xf32, #tpu.memory_space<hbm>>
      %dma_wait3A_1547 = arith.constant 0 : i32
      %dma_wait3A_1548 = arith.constant 0 : i32
      %dma_wait3A_1549 = arith.constant 0 : i32
      %dma_wait3A_1550 = tpu.memref_slice %arg3[%sub3A_1400, %dma_wait3A_1547, %dma_wait3A_1538, %dma_wait3A_1548, %dma_wait3A_1549] : memref<1024x2x24x8x128xf32, #tpu.memory_space<hbm>> -> memref<1x2x1x8x128xf32, #tpu.memory_space<hbm>>
      %dma_wait3A_1551 = tpu.memref_squeeze %dma_wait3A_1550 : memref<1x2x1x8x128xf32, #tpu.memory_space<hbm>> -> memref<2x8x128xf32, #tpu.memory_space<hbm>>
      %dma_wait3A_1552 = arith.constant 0 : i32
      %dma_wait3A_1553 = arith.constant 0 : i32
      %dma_wait3A_1554 = tpu.memref_slice %arg4[%dma_wait3A_1552, %dma_wait3A_1553, %add3A_1416] : memref<2x8x4096xf32, #tpu.memory_space<vmem>> -> memref<2x8x128xf32, #tpu.memory_space<vmem>>
      tpu.wait_dma2 semaphore(%arg5 : memref<!tpu.dma_semaphore, #tpu.memory_space<semaphore_mem>>) src(%dma_wait3A_1554 : memref<2x8x128xf32, #tpu.memory_space<vmem>>) dst(%dma_wait3A_1551 : memref<2x8x128xf32, #tpu.memory_space<hbm>>)
      %dma_wait3A_1555 = arith.constant 6 : i32
      %dma_wait3A_1556 = arith.constant 0 : i32
      %dma_wait3A_1557 = arith.constant 0 : i32
      %dma_wait3A_1558 = tpu.memref_slice %arg4[%dma_wait3A_1556, %dma_wait3A_1557, %add3A_1418] : memref<2x8x4096xf32, #tpu.memory_space<vmem>> -> memref<2x8x128xf32, #tpu.memory_space<vmem>>
      %dma_wait3A_1559 = arith.constant 0 : i32
      %dma_wait3A_1560 = arith.constant 0 : i32
      %dma_wait3A_1561 = arith.constant 0 : i32
      %dma_wait3A_1562 = tpu.memref_slice %arg3[%sub3A_1400, %dma_wait3A_1559, %dma_wait3A_1555, %dma_wait3A_1560, %dma_wait3A_1561] : memref<1024x2x24x8x128xf32, #tpu.memory_space<hbm>> -> memref<1x2x1x8x128xf32, #tpu.memory_space<hbm>>
      %dma_wait3A_1563 = tpu.memref_squeeze %dma_wait3A_1562 : memref<1x2x1x8x128xf32, #tpu.memory_space<hbm>> -> memref<2x8x128xf32, #tpu.memory_space<hbm>>
      %dma_wait3A_1564 = arith.constant 0 : i32
      %dma_wait3A_1565 = arith.constant 0 : i32
      %dma_wait3A_1566 = arith.constant 0 : i32
      %dma_wait3A_1567 = tpu.memref_slice %arg3[%sub3A_1400, %dma_wait3A_1564, %dma_wait3A_1555, %dma_wait3A_1565, %dma_wait3A_1566] : memref<1024x2x24x8x128xf32, #tpu.memory_space<hbm>> -> memref<1x2x1x8x128xf32, #tpu.memory_space<hbm>>
      %dma_wait3A_1568 = tpu.memref_squeeze %dma_wait3A_1567 : memref<1x2x1x8x128xf32, #tpu.memory_space<hbm>> -> memref<2x8x128xf32, #tpu.memory_space<hbm>>
      %dma_wait3A_1569 = arith.constant 0 : i32
      %dma_wait3A_1570 = arith.constant 0 : i32
      %dma_wait3A_1571 = tpu.memref_slice %arg4[%dma_wait3A_1569, %dma_wait3A_1570, %add3A_1418] : memref<2x8x4096xf32, #tpu.memory_space<vmem>> -> memref<2x8x128xf32, #tpu.memory_space<vmem>>
      tpu.wait_dma2 semaphore(%arg5 : memref<!tpu.dma_semaphore, #tpu.memory_space<semaphore_mem>>) src(%dma_wait3A_1571 : memref<2x8x128xf32, #tpu.memory_space<vmem>>) dst(%dma_wait3A_1568 : memref<2x8x128xf32, #tpu.memory_space<hbm>>)
      %dma_wait3A_1572 = arith.constant 7 : i32
      %dma_wait3A_1573 = arith.constant 0 : i32
      %dma_wait3A_1574 = arith.constant 0 : i32
      %dma_wait3A_1575 = tpu.memref_slice %arg4[%dma_wait3A_1573, %dma_wait3A_1574, %add3A_1420] : memref<2x8x4096xf32, #tpu.memory_space<vmem>> -> memref<2x8x128xf32, #tpu.memory_space<vmem>>
      %dma_wait3A_1576 = arith.constant 0 : i32
      %dma_wait3A_1577 = arith.constant 0 : i32
      %dma_wait3A_1578 = arith.constant 0 : i32
      %dma_wait3A_1579 = tpu.memref_slice %arg3[%sub3A_1400, %dma_wait3A_1576, %dma_wait3A_1572, %dma_wait3A_1577, %dma_wait3A_1578] : memref<1024x2x24x8x128xf32, #tpu.memory_space<hbm>> -> memref<1x2x1x8x128xf32, #tpu.memory_space<hbm>>
      %dma_wait3A_1580 = tpu.memref_squeeze %dma_wait3A_1579 : memref<1x2x1x8x128xf32, #tpu.memory_space<hbm>> -> memref<2x8x128xf32, #tpu.memory_space<hbm>>
      %dma_wait3A_1581 = arith.constant 0 : i32
      %dma_wait3A_1582 = arith.constant 0 : i32
      %dma_wait3A_1583 = arith.constant 0 : i32
      %dma_wait3A_1584 = tpu.memref_slice %arg3[%sub3A_1400, %dma_wait3A_1581, %dma_wait3A_1572, %dma_wait3A_1582, %dma_wait3A_1583] : memref<1024x2x24x8x128xf32, #tpu.memory_space<hbm>> -> memref<1x2x1x8x128xf32, #tpu.memory_space<hbm>>
      %dma_wait3A_1585 = tpu.memref_squeeze %dma_wait3A_1584 : memref<1x2x1x8x128xf32, #tpu.memory_space<hbm>> -> memref<2x8x128xf32, #tpu.memory_space<hbm>>
      %dma_wait3A_1586 = arith.constant 0 : i32
      %dma_wait3A_1587 = arith.constant 0 : i32
      %dma_wait3A_1588 = tpu.memref_slice %arg4[%dma_wait3A_1586, %dma_wait3A_1587, %add3A_1420] : memref<2x8x4096xf32, #tpu.memory_space<vmem>> -> memref<2x8x128xf32, #tpu.memory_space<vmem>>
      tpu.wait_dma2 semaphore(%arg5 : memref<!tpu.dma_semaphore, #tpu.memory_space<semaphore_mem>>) src(%dma_wait3A_1588 : memref<2x8x128xf32, #tpu.memory_space<vmem>>) dst(%dma_wait3A_1585 : memref<2x8x128xf32, #tpu.memory_space<hbm>>)
      %dma_wait3A_1589 = arith.constant 8 : i32
      %dma_wait3A_1590 = arith.constant 0 : i32
      %dma_wait3A_1591 = arith.constant 0 : i32
      %dma_wait3A_1592 = tpu.memref_slice %arg4[%dma_wait3A_1590, %dma_wait3A_1591, %add3A_1422] : memref<2x8x4096xf32, #tpu.memory_space<vmem>> -> memref<2x8x128xf32, #tpu.memory_space<vmem>>
      %dma_wait3A_1593 = arith.constant 0 : i32
      %dma_wait3A_1594 = arith.constant 0 : i32
      %dma_wait3A_1595 = arith.constant 0 : i32
      %dma_wait3A_1596 = tpu.memref_slice %arg3[%sub3A_1400, %dma_wait3A_1593, %dma_wait3A_1589, %dma_wait3A_1594, %dma_wait3A_1595] : memref<1024x2x24x8x128xf32, #tpu.memory_space<hbm>> -> memref<1x2x1x8x128xf32, #tpu.memory_space<hbm>>
      %dma_wait3A_1597 = tpu.memref_squeeze %dma_wait3A_1596 : memref<1x2x1x8x128xf32, #tpu.memory_space<hbm>> -> memref<2x8x128xf32, #tpu.memory_space<hbm>>
      %dma_wait3A_1598 = arith.constant 0 : i32
      %dma_wait3A_1599 = arith.constant 0 : i32
      %dma_wait3A_1600 = arith.constant 0 : i32
      %dma_wait3A_1601 = tpu.memref_slice %arg3[%sub3A_1400, %dma_wait3A_1598, %dma_wait3A_1589, %dma_wait3A_1599, %dma_wait3A_1600] : memref<1024x2x24x8x128xf32, #tpu.memory_space<hbm>> -> memref<1x2x1x8x128xf32, #tpu.memory_space<hbm>>
      %dma_wait3A_1602 = tpu.memref_squeeze %dma_wait3A_1601 : memref<1x2x1x8x128xf32, #tpu.memory_space<hbm>> -> memref<2x8x128xf32, #tpu.memory_space<hbm>>
      %dma_wait3A_1603 = arith.constant 0 : i32
      %dma_wait3A_1604 = arith.constant 0 : i32
      %dma_wait3A_1605 = tpu.memref_slice %arg4[%dma_wait3A_1603, %dma_wait3A_1604, %add3A_1422] : memref<2x8x4096xf32, #tpu.memory_space<vmem>> -> memref<2x8x128xf32, #tpu.memory_space<vmem>>
      tpu.wait_dma2 semaphore(%arg5 : memref<!tpu.dma_semaphore, #tpu.memory_space<semaphore_mem>>) src(%dma_wait3A_1605 : memref<2x8x128xf32, #tpu.memory_space<vmem>>) dst(%dma_wait3A_1602 : memref<2x8x128xf32, #tpu.memory_space<hbm>>)
      %dma_wait3A_1606 = arith.constant 9 : i32
      %dma_wait3A_1607 = arith.constant 0 : i32
      %dma_wait3A_1608 = arith.constant 0 : i32
      %dma_wait3A_1609 = tpu.memref_slice %arg4[%dma_wait3A_1607, %dma_wait3A_1608, %add3A_1424] : memref<2x8x4096xf32, #tpu.memory_space<vmem>> -> memref<2x8x128xf32, #tpu.memory_space<vmem>>
      %dma_wait3A_1610 = arith.constant 0 : i32
      %dma_wait3A_1611 = arith.constant 0 : i32
      %dma_wait3A_1612 = arith.constant 0 : i32
      %dma_wait3A_1613 = tpu.memref_slice %arg3[%sub3A_1400, %dma_wait3A_1610, %dma_wait3A_1606, %dma_wait3A_1611, %dma_wait3A_1612] : memref<1024x2x24x8x128xf32, #tpu.memory_space<hbm>> -> memref<1x2x1x8x128xf32, #tpu.memory_space<hbm>>
      %dma_wait3A_1614 = tpu.memref_squeeze %dma_wait3A_1613 : memref<1x2x1x8x128xf32, #tpu.memory_space<hbm>> -> memref<2x8x128xf32, #tpu.memory_space<hbm>>
      %dma_wait3A_1615 = arith.constant 0 : i32
      %dma_wait3A_1616 = arith.constant 0 : i32
      %dma_wait3A_1617 = arith.constant 0 : i32
      %dma_wait3A_1618 = tpu.memref_slice %arg3[%sub3A_1400, %dma_wait3A_1615, %dma_wait3A_1606, %dma_wait3A_1616, %dma_wait3A_1617] : memref<1024x2x24x8x128xf32, #tpu.memory_space<hbm>> -> memref<1x2x1x8x128xf32, #tpu.memory_space<hbm>>
      %dma_wait3A_1619 = tpu.memref_squeeze %dma_wait3A_1618 : memref<1x2x1x8x128xf32, #tpu.memory_space<hbm>> -> memref<2x8x128xf32, #tpu.memory_space<hbm>>
      %dma_wait3A_1620 = arith.constant 0 : i32
      %dma_wait3A_1621 = arith.constant 0 : i32
      %dma_wait3A_1622 = tpu.memref_slice %arg4[%dma_wait3A_1620, %dma_wait3A_1621, %add3A_1424] : memref<2x8x4096xf32, #tpu.memory_space<vmem>> -> memref<2x8x128xf32, #tpu.memory_space<vmem>>
      tpu.wait_dma2 semaphore(%arg5 : memref<!tpu.dma_semaphore, #tpu.memory_space<semaphore_mem>>) src(%dma_wait3A_1622 : memref<2x8x128xf32, #tpu.memory_space<vmem>>) dst(%dma_wait3A_1619 : memref<2x8x128xf32, #tpu.memory_space<hbm>>)
      %dma_wait3A_1623 = arith.constant 10 : i32
      %dma_wait3A_1624 = arith.constant 0 : i32
      %dma_wait3A_1625 = arith.constant 0 : i32
      %dma_wait3A_1626 = tpu.memref_slice %arg4[%dma_wait3A_1624, %dma_wait3A_1625, %add3A_1426] : memref<2x8x4096xf32, #tpu.memory_space<vmem>> -> memref<2x8x128xf32, #tpu.memory_space<vmem>>
      %dma_wait3A_1627 = arith.constant 0 : i32
      %dma_wait3A_1628 = arith.constant 0 : i32
      %dma_wait3A_1629 = arith.constant 0 : i32
      %dma_wait3A_1630 = tpu.memref_slice %arg3[%sub3A_1400, %dma_wait3A_1627, %dma_wait3A_1623, %dma_wait3A_1628, %dma_wait3A_1629] : memref<1024x2x24x8x128xf32, #tpu.memory_space<hbm>> -> memref<1x2x1x8x128xf32, #tpu.memory_space<hbm>>
      %dma_wait3A_1631 = tpu.memref_squeeze %dma_wait3A_1630 : memref<1x2x1x8x128xf32, #tpu.memory_space<hbm>> -> memref<2x8x128xf32, #tpu.memory_space<hbm>>
      %dma_wait3A_1632 = arith.constant 0 : i32
      %dma_wait3A_1633 = arith.constant 0 : i32
      %dma_wait3A_1634 = arith.constant 0 : i32
      %dma_wait3A_1635 = tpu.memref_slice %arg3[%sub3A_1400, %dma_wait3A_1632, %dma_wait3A_1623, %dma_wait3A_1633, %dma_wait3A_1634] : memref<1024x2x24x8x128xf32, #tpu.memory_space<hbm>> -> memref<1x2x1x8x128xf32, #tpu.memory_space<hbm>>
      %dma_wait3A_1636 = tpu.memref_squeeze %dma_wait3A_1635 : memref<1x2x1x8x128xf32, #tpu.memory_space<hbm>> -> memref<2x8x128xf32, #tpu.memory_space<hbm>>
      %dma_wait3A_1637 = arith.constant 0 : i32
      %dma_wait3A_1638 = arith.constant 0 : i32
      %dma_wait3A_1639 = tpu.memref_slice %arg4[%dma_wait3A_1637, %dma_wait3A_1638, %add3A_1426] : memref<2x8x4096xf32, #tpu.memory_space<vmem>> -> memref<2x8x128xf32, #tpu.memory_space<vmem>>
      tpu.wait_dma2 semaphore(%arg5 : memref<!tpu.dma_semaphore, #tpu.memory_space<semaphore_mem>>) src(%dma_wait3A_1639 : memref<2x8x128xf32, #tpu.memory_space<vmem>>) dst(%dma_wait3A_1636 : memref<2x8x128xf32, #tpu.memory_space<hbm>>)
      %dma_wait3A_1640 = arith.constant 11 : i32
      %dma_wait3A_1641 = arith.constant 0 : i32
      %dma_wait3A_1642 = arith.constant 0 : i32
      %dma_wait3A_1643 = tpu.memref_slice %arg4[%dma_wait3A_1641, %dma_wait3A_1642, %add3A_1428] : memref<2x8x4096xf32, #tpu.memory_space<vmem>> -> memref<2x8x128xf32, #tpu.memory_space<vmem>>
      %dma_wait3A_1644 = arith.constant 0 : i32
      %dma_wait3A_1645 = arith.constant 0 : i32
      %dma_wait3A_1646 = arith.constant 0 : i32
      %dma_wait3A_1647 = tpu.memref_slice %arg3[%sub3A_1400, %dma_wait3A_1644, %dma_wait3A_1640, %dma_wait3A_1645, %dma_wait3A_1646] : memref<1024x2x24x8x128xf32, #tpu.memory_space<hbm>> -> memref<1x2x1x8x128xf32, #tpu.memory_space<hbm>>
      %dma_wait3A_1648 = tpu.memref_squeeze %dma_wait3A_1647 : memref<1x2x1x8x128xf32, #tpu.memory_space<hbm>> -> memref<2x8x128xf32, #tpu.memory_space<hbm>>
      %dma_wait3A_1649 = arith.constant 0 : i32
      %dma_wait3A_1650 = arith.constant 0 : i32
      %dma_wait3A_1651 = arith.constant 0 : i32
      %dma_wait3A_1652 = tpu.memref_slice %arg3[%sub3A_1400, %dma_wait3A_1649, %dma_wait3A_1640, %dma_wait3A_1650, %dma_wait3A_1651] : memref<1024x2x24x8x128xf32, #tpu.memory_space<hbm>> -> memref<1x2x1x8x128xf32, #tpu.memory_space<hbm>>
      %dma_wait3A_1653 = tpu.memref_squeeze %dma_wait3A_1652 : memref<1x2x1x8x128xf32, #tpu.memory_space<hbm>> -> memref<2x8x128xf32, #tpu.memory_space<hbm>>
      %dma_wait3A_1654 = arith.constant 0 : i32
      %dma_wait3A_1655 = arith.constant 0 : i32
      %dma_wait3A_1656 = tpu.memref_slice %arg4[%dma_wait3A_1654, %dma_wait3A_1655, %add3A_1428] : memref<2x8x4096xf32, #tpu.memory_space<vmem>> -> memref<2x8x128xf32, #tpu.memory_space<vmem>>
      tpu.wait_dma2 semaphore(%arg5 : memref<!tpu.dma_semaphore, #tpu.memory_space<semaphore_mem>>) src(%dma_wait3A_1656 : memref<2x8x128xf32, #tpu.memory_space<vmem>>) dst(%dma_wait3A_1653 : memref<2x8x128xf32, #tpu.memory_space<hbm>>)
      %dma_wait3A_1657 = arith.constant 12 : i32
      %dma_wait3A_1658 = arith.constant 0 : i32
      %dma_wait3A_1659 = arith.constant 0 : i32
      %dma_wait3A_1660 = tpu.memref_slice %arg4[%dma_wait3A_1658, %dma_wait3A_1659, %add3A_1430] : memref<2x8x4096xf32, #tpu.memory_space<vmem>> -> memref<2x8x128xf32, #tpu.memory_space<vmem>>
      %dma_wait3A_1661 = arith.constant 0 : i32
      %dma_wait3A_1662 = arith.constant 0 : i32
      %dma_wait3A_1663 = arith.constant 0 : i32
      %dma_wait3A_1664 = tpu.memref_slice %arg3[%sub3A_1400, %dma_wait3A_1661, %dma_wait3A_1657, %dma_wait3A_1662, %dma_wait3A_1663] : memref<1024x2x24x8x128xf32, #tpu.memory_space<hbm>> -> memref<1x2x1x8x128xf32, #tpu.memory_space<hbm>>
      %dma_wait3A_1665 = tpu.memref_squeeze %dma_wait3A_1664 : memref<1x2x1x8x128xf32, #tpu.memory_space<hbm>> -> memref<2x8x128xf32, #tpu.memory_space<hbm>>
      %dma_wait3A_1666 = arith.constant 0 : i32
      %dma_wait3A_1667 = arith.constant 0 : i32
      %dma_wait3A_1668 = arith.constant 0 : i32
      %dma_wait3A_1669 = tpu.memref_slice %arg3[%sub3A_1400, %dma_wait3A_1666, %dma_wait3A_1657, %dma_wait3A_1667, %dma_wait3A_1668] : memref<1024x2x24x8x128xf32, #tpu.memory_space<hbm>> -> memref<1x2x1x8x128xf32, #tpu.memory_space<hbm>>
      %dma_wait3A_1670 = tpu.memref_squeeze %dma_wait3A_1669 : memref<1x2x1x8x128xf32, #tpu.memory_space<hbm>> -> memref<2x8x128xf32, #tpu.memory_space<hbm>>
      %dma_wait3A_1671 = arith.constant 0 : i32
      %dma_wait3A_1672 = arith.constant 0 : i32
      %dma_wait3A_1673 = tpu.memref_slice %arg4[%dma_wait3A_1671, %dma_wait3A_1672, %add3A_1430] : memref<2x8x4096xf32, #tpu.memory_space<vmem>> -> memref<2x8x128xf32, #tpu.memory_space<vmem>>
      tpu.wait_dma2 semaphore(%arg5 : memref<!tpu.dma_semaphore, #tpu.memory_space<semaphore_mem>>) src(%dma_wait3A_1673 : memref<2x8x128xf32, #tpu.memory_space<vmem>>) dst(%dma_wait3A_1670 : memref<2x8x128xf32, #tpu.memory_space<hbm>>)
      %dma_wait3A_1674 = arith.constant 13 : i32
      %dma_wait3A_1675 = arith.constant 0 : i32
      %dma_wait3A_1676 = arith.constant 0 : i32
      %dma_wait3A_1677 = tpu.memref_slice %arg4[%dma_wait3A_1675, %dma_wait3A_1676, %add3A_1432] : memref<2x8x4096xf32, #tpu.memory_space<vmem>> -> memref<2x8x128xf32, #tpu.memory_space<vmem>>
      %dma_wait3A_1678 = arith.constant 0 : i32
      %dma_wait3A_1679 = arith.constant 0 : i32
      %dma_wait3A_1680 = arith.constant 0 : i32
      %dma_wait3A_1681 = tpu.memref_slice %arg3[%sub3A_1400, %dma_wait3A_1678, %dma_wait3A_1674, %dma_wait3A_1679, %dma_wait3A_1680] : memref<1024x2x24x8x128xf32, #tpu.memory_space<hbm>> -> memref<1x2x1x8x128xf32, #tpu.memory_space<hbm>>
      %dma_wait3A_1682 = tpu.memref_squeeze %dma_wait3A_1681 : memref<1x2x1x8x128xf32, #tpu.memory_space<hbm>> -> memref<2x8x128xf32, #tpu.memory_space<hbm>>
      %dma_wait3A_1683 = arith.constant 0 : i32
      %dma_wait3A_1684 = arith.constant 0 : i32
      %dma_wait3A_1685 = arith.constant 0 : i32
      %dma_wait3A_1686 = tpu.memref_slice %arg3[%sub3A_1400, %dma_wait3A_1683, %dma_wait3A_1674, %dma_wait3A_1684, %dma_wait3A_1685] : memref<1024x2x24x8x128xf32, #tpu.memory_space<hbm>> -> memref<1x2x1x8x128xf32, #tpu.memory_space<hbm>>
      %dma_wait3A_1687 = tpu.memref_squeeze %dma_wait3A_1686 : memref<1x2x1x8x128xf32, #tpu.memory_space<hbm>> -> memref<2x8x128xf32, #tpu.memory_space<hbm>>
      %dma_wait3A_1688 = arith.constant 0 : i32
      %dma_wait3A_1689 = arith.constant 0 : i32
      %dma_wait3A_1690 = tpu.memref_slice %arg4[%dma_wait3A_1688, %dma_wait3A_1689, %add3A_1432] : memref<2x8x4096xf32, #tpu.memory_space<vmem>> -> memref<2x8x128xf32, #tpu.memory_space<vmem>>
      tpu.wait_dma2 semaphore(%arg5 : memref<!tpu.dma_semaphore, #tpu.memory_space<semaphore_mem>>) src(%dma_wait3A_1690 : memref<2x8x128xf32, #tpu.memory_space<vmem>>) dst(%dma_wait3A_1687 : memref<2x8x128xf32, #tpu.memory_space<hbm>>)
      %dma_wait3A_1691 = arith.constant 14 : i32
      %dma_wait3A_1692 = arith.constant 0 : i32
      %dma_wait3A_1693 = arith.constant 0 : i32
      %dma_wait3A_1694 = tpu.memref_slice %arg4[%dma_wait3A_1692, %dma_wait3A_1693, %add3A_1434] : memref<2x8x4096xf32, #tpu.memory_space<vmem>> -> memref<2x8x128xf32, #tpu.memory_space<vmem>>
      %dma_wait3A_1695 = arith.constant 0 : i32
      %dma_wait3A_1696 = arith.constant 0 : i32
      %dma_wait3A_1697 = arith.constant 0 : i32
      %dma_wait3A_1698 = tpu.memref_slice %arg3[%sub3A_1400, %dma_wait3A_1695, %dma_wait3A_1691, %dma_wait3A_1696, %dma_wait3A_1697] : memref<1024x2x24x8x128xf32, #tpu.memory_space<hbm>> -> memref<1x2x1x8x128xf32, #tpu.memory_space<hbm>>
      %dma_wait3A_1699 = tpu.memref_squeeze %dma_wait3A_1698 : memref<1x2x1x8x128xf32, #tpu.memory_space<hbm>> -> memref<2x8x128xf32, #tpu.memory_space<hbm>>
      %dma_wait3A_1700 = arith.constant 0 : i32
      %dma_wait3A_1701 = arith.constant 0 : i32
      %dma_wait3A_1702 = arith.constant 0 : i32
      %dma_wait3A_1703 = tpu.memref_slice %arg3[%sub3A_1400, %dma_wait3A_1700, %dma_wait3A_1691, %dma_wait3A_1701, %dma_wait3A_1702] : memref<1024x2x24x8x128xf32, #tpu.memory_space<hbm>> -> memref<1x2x1x8x128xf32, #tpu.memory_space<hbm>>
      %dma_wait3A_1704 = tpu.memref_squeeze %dma_wait3A_1703 : memref<1x2x1x8x128xf32, #tpu.memory_space<hbm>> -> memref<2x8x128xf32, #tpu.memory_space<hbm>>
      %dma_wait3A_1705 = arith.constant 0 : i32
      %dma_wait3A_1706 = arith.constant 0 : i32
      %dma_wait3A_1707 = tpu.memref_slice %arg4[%dma_wait3A_1705, %dma_wait3A_1706, %add3A_1434] : memref<2x8x4096xf32, #tpu.memory_space<vmem>> -> memref<2x8x128xf32, #tpu.memory_space<vmem>>
      tpu.wait_dma2 semaphore(%arg5 : memref<!tpu.dma_semaphore, #tpu.memory_space<semaphore_mem>>) src(%dma_wait3A_1707 : memref<2x8x128xf32, #tpu.memory_space<vmem>>) dst(%dma_wait3A_1704 : memref<2x8x128xf32, #tpu.memory_space<hbm>>)
      %dma_wait3A_1708 = arith.constant 15 : i32
      %dma_wait3A_1709 = arith.constant 0 : i32
      %dma_wait3A_1710 = arith.constant 0 : i32
      %dma_wait3A_1711 = tpu.memref_slice %arg4[%dma_wait3A_1709, %dma_wait3A_1710, %add3A_1436] : memref<2x8x4096xf32, #tpu.memory_space<vmem>> -> memref<2x8x128xf32, #tpu.memory_space<vmem>>
      %dma_wait3A_1712 = arith.constant 0 : i32
      %dma_wait3A_1713 = arith.constant 0 : i32
      %dma_wait3A_1714 = arith.constant 0 : i32
      %dma_wait3A_1715 = tpu.memref_slice %arg3[%sub3A_1400, %dma_wait3A_1712, %dma_wait3A_1708, %dma_wait3A_1713, %dma_wait3A_1714] : memref<1024x2x24x8x128xf32, #tpu.memory_space<hbm>> -> memref<1x2x1x8x128xf32, #tpu.memory_space<hbm>>
      %dma_wait3A_1716 = tpu.memref_squeeze %dma_wait3A_1715 : memref<1x2x1x8x128xf32, #tpu.memory_space<hbm>> -> memref<2x8x128xf32, #tpu.memory_space<hbm>>
      %dma_wait3A_1717 = arith.constant 0 : i32
      %dma_wait3A_1718 = arith.constant 0 : i32
      %dma_wait3A_1719 = arith.constant 0 : i32
      %dma_wait3A_1720 = tpu.memref_slice %arg3[%sub3A_1400, %dma_wait3A_1717, %dma_wait3A_1708, %dma_wait3A_1718, %dma_wait3A_1719] : memref<1024x2x24x8x128xf32, #tpu.memory_space<hbm>> -> memref<1x2x1x8x128xf32, #tpu.memory_space<hbm>>
      %dma_wait3A_1721 = tpu.memref_squeeze %dma_wait3A_1720 : memref<1x2x1x8x128xf32, #tpu.memory_space<hbm>> -> memref<2x8x128xf32, #tpu.memory_space<hbm>>
      %dma_wait3A_1722 = arith.constant 0 : i32
      %dma_wait3A_1723 = arith.constant 0 : i32
      %dma_wait3A_1724 = tpu.memref_slice %arg4[%dma_wait3A_1722, %dma_wait3A_1723, %add3A_1436] : memref<2x8x4096xf32, #tpu.memory_space<vmem>> -> memref<2x8x128xf32, #tpu.memory_space<vmem>>
      tpu.wait_dma2 semaphore(%arg5 : memref<!tpu.dma_semaphore, #tpu.memory_space<semaphore_mem>>) src(%dma_wait3A_1724 : memref<2x8x128xf32, #tpu.memory_space<vmem>>) dst(%dma_wait3A_1721 : memref<2x8x128xf32, #tpu.memory_space<hbm>>)
      %dma_wait3A_1725 = arith.constant 16 : i32
      %dma_wait3A_1726 = arith.constant 0 : i32
      %dma_wait3A_1727 = arith.constant 0 : i32
      %dma_wait3A_1728 = tpu.memref_slice %arg4[%dma_wait3A_1726, %dma_wait3A_1727, %add3A_1438] : memref<2x8x4096xf32, #tpu.memory_space<vmem>> -> memref<2x8x128xf32, #tpu.memory_space<vmem>>
      %dma_wait3A_1729 = arith.constant 0 : i32
      %dma_wait3A_1730 = arith.constant 0 : i32
      %dma_wait3A_1731 = arith.constant 0 : i32
      %dma_wait3A_1732 = tpu.memref_slice %arg3[%sub3A_1400, %dma_wait3A_1729, %dma_wait3A_1725, %dma_wait3A_1730, %dma_wait3A_1731] : memref<1024x2x24x8x128xf32, #tpu.memory_space<hbm>> -> memref<1x2x1x8x128xf32, #tpu.memory_space<hbm>>
      %dma_wait3A_1733 = tpu.memref_squeeze %dma_wait3A_1732 : memref<1x2x1x8x128xf32, #tpu.memory_space<hbm>> -> memref<2x8x128xf32, #tpu.memory_space<hbm>>
      %dma_wait3A_1734 = arith.constant 0 : i32
      %dma_wait3A_1735 = arith.constant 0 : i32
      %dma_wait3A_1736 = arith.constant 0 : i32
      %dma_wait3A_1737 = tpu.memref_slice %arg3[%sub3A_1400, %dma_wait3A_1734, %dma_wait3A_1725, %dma_wait3A_1735, %dma_wait3A_1736] : memref<1024x2x24x8x128xf32, #tpu.memory_space<hbm>> -> memref<1x2x1x8x128xf32, #tpu.memory_space<hbm>>
      %dma_wait3A_1738 = tpu.memref_squeeze %dma_wait3A_1737 : memref<1x2x1x8x128xf32, #tpu.memory_space<hbm>> -> memref<2x8x128xf32, #tpu.memory_space<hbm>>
      %dma_wait3A_1739 = arith.constant 0 : i32
      %dma_wait3A_1740 = arith.constant 0 : i32
      %dma_wait3A_1741 = tpu.memref_slice %arg4[%dma_wait3A_1739, %dma_wait3A_1740, %add3A_1438] : memref<2x8x4096xf32, #tpu.memory_space<vmem>> -> memref<2x8x128xf32, #tpu.memory_space<vmem>>
      tpu.wait_dma2 semaphore(%arg5 : memref<!tpu.dma_semaphore, #tpu.memory_space<semaphore_mem>>) src(%dma_wait3A_1741 : memref<2x8x128xf32, #tpu.memory_space<vmem>>) dst(%dma_wait3A_1738 : memref<2x8x128xf32, #tpu.memory_space<hbm>>)
      %dma_wait3A_1742 = arith.constant 17 : i32
      %dma_wait3A_1743 = arith.constant 0 : i32
      %dma_wait3A_1744 = arith.constant 0 : i32
      %dma_wait3A_1745 = tpu.memref_slice %arg4[%dma_wait3A_1743, %dma_wait3A_1744, %add3A_1440] : memref<2x8x4096xf32, #tpu.memory_space<vmem>> -> memref<2x8x128xf32, #tpu.memory_space<vmem>>
      %dma_wait3A_1746 = arith.constant 0 : i32
      %dma_wait3A_1747 = arith.constant 0 : i32
      %dma_wait3A_1748 = arith.constant 0 : i32
      %dma_wait3A_1749 = tpu.memref_slice %arg3[%sub3A_1400, %dma_wait3A_1746, %dma_wait3A_1742, %dma_wait3A_1747, %dma_wait3A_1748] : memref<1024x2x24x8x128xf32, #tpu.memory_space<hbm>> -> memref<1x2x1x8x128xf32, #tpu.memory_space<hbm>>
      %dma_wait3A_1750 = tpu.memref_squeeze %dma_wait3A_1749 : memref<1x2x1x8x128xf32, #tpu.memory_space<hbm>> -> memref<2x8x128xf32, #tpu.memory_space<hbm>>
      %dma_wait3A_1751 = arith.constant 0 : i32
      %dma_wait3A_1752 = arith.constant 0 : i32
      %dma_wait3A_1753 = arith.constant 0 : i32
      %dma_wait3A_1754 = tpu.memref_slice %arg3[%sub3A_1400, %dma_wait3A_1751, %dma_wait3A_1742, %dma_wait3A_1752, %dma_wait3A_1753] : memref<1024x2x24x8x128xf32, #tpu.memory_space<hbm>> -> memref<1x2x1x8x128xf32, #tpu.memory_space<hbm>>
      %dma_wait3A_1755 = tpu.memref_squeeze %dma_wait3A_1754 : memref<1x2x1x8x128xf32, #tpu.memory_space<hbm>> -> memref<2x8x128xf32, #tpu.memory_space<hbm>>
      %dma_wait3A_1756 = arith.constant 0 : i32
      %dma_wait3A_1757 = arith.constant 0 : i32
      %dma_wait3A_1758 = tpu.memref_slice %arg4[%dma_wait3A_1756, %dma_wait3A_1757, %add3A_1440] : memref<2x8x4096xf32, #tpu.memory_space<vmem>> -> memref<2x8x128xf32, #tpu.memory_space<vmem>>
      tpu.wait_dma2 semaphore(%arg5 : memref<!tpu.dma_semaphore, #tpu.memory_space<semaphore_mem>>) src(%dma_wait3A_1758 : memref<2x8x128xf32, #tpu.memory_space<vmem>>) dst(%dma_wait3A_1755 : memref<2x8x128xf32, #tpu.memory_space<hbm>>)
      %dma_wait3A_1759 = arith.constant 18 : i32
      %dma_wait3A_1760 = arith.constant 0 : i32
      %dma_wait3A_1761 = arith.constant 0 : i32
      %dma_wait3A_1762 = tpu.memref_slice %arg4[%dma_wait3A_1760, %dma_wait3A_1761, %add3A_1442] : memref<2x8x4096xf32, #tpu.memory_space<vmem>> -> memref<2x8x128xf32, #tpu.memory_space<vmem>>
      %dma_wait3A_1763 = arith.constant 0 : i32
      %dma_wait3A_1764 = arith.constant 0 : i32
      %dma_wait3A_1765 = arith.constant 0 : i32
      %dma_wait3A_1766 = tpu.memref_slice %arg3[%sub3A_1400, %dma_wait3A_1763, %dma_wait3A_1759, %dma_wait3A_1764, %dma_wait3A_1765] : memref<1024x2x24x8x128xf32, #tpu.memory_space<hbm>> -> memref<1x2x1x8x128xf32, #tpu.memory_space<hbm>>
      %dma_wait3A_1767 = tpu.memref_squeeze %dma_wait3A_1766 : memref<1x2x1x8x128xf32, #tpu.memory_space<hbm>> -> memref<2x8x128xf32, #tpu.memory_space<hbm>>
      %dma_wait3A_1768 = arith.constant 0 : i32
      %dma_wait3A_1769 = arith.constant 0 : i32
      %dma_wait3A_1770 = arith.constant 0 : i32
      %dma_wait3A_1771 = tpu.memref_slice %arg3[%sub3A_1400, %dma_wait3A_1768, %dma_wait3A_1759, %dma_wait3A_1769, %dma_wait3A_1770] : memref<1024x2x24x8x128xf32, #tpu.memory_space<hbm>> -> memref<1x2x1x8x128xf32, #tpu.memory_space<hbm>>
      %dma_wait3A_1772 = tpu.memref_squeeze %dma_wait3A_1771 : memref<1x2x1x8x128xf32, #tpu.memory_space<hbm>> -> memref<2x8x128xf32, #tpu.memory_space<hbm>>
      %dma_wait3A_1773 = arith.constant 0 : i32
      %dma_wait3A_1774 = arith.constant 0 : i32
      %dma_wait3A_1775 = tpu.memref_slice %arg4[%dma_wait3A_1773, %dma_wait3A_1774, %add3A_1442] : memref<2x8x4096xf32, #tpu.memory_space<vmem>> -> memref<2x8x128xf32, #tpu.memory_space<vmem>>
      tpu.wait_dma2 semaphore(%arg5 : memref<!tpu.dma_semaphore, #tpu.memory_space<semaphore_mem>>) src(%dma_wait3A_1775 : memref<2x8x128xf32, #tpu.memory_space<vmem>>) dst(%dma_wait3A_1772 : memref<2x8x128xf32, #tpu.memory_space<hbm>>)
      %dma_wait3A_1776 = arith.constant 19 : i32
      %dma_wait3A_1777 = arith.constant 0 : i32
      %dma_wait3A_1778 = arith.constant 0 : i32
      %dma_wait3A_1779 = tpu.memref_slice %arg4[%dma_wait3A_1777, %dma_wait3A_1778, %add3A_1444] : memref<2x8x4096xf32, #tpu.memory_space<vmem>> -> memref<2x8x128xf32, #tpu.memory_space<vmem>>
      %dma_wait3A_1780 = arith.constant 0 : i32
      %dma_wait3A_1781 = arith.constant 0 : i32
      %dma_wait3A_1782 = arith.constant 0 : i32
      %dma_wait3A_1783 = tpu.memref_slice %arg3[%sub3A_1400, %dma_wait3A_1780, %dma_wait3A_1776, %dma_wait3A_1781, %dma_wait3A_1782] : memref<1024x2x24x8x128xf32, #tpu.memory_space<hbm>> -> memref<1x2x1x8x128xf32, #tpu.memory_space<hbm>>
      %dma_wait3A_1784 = tpu.memref_squeeze %dma_wait3A_1783 : memref<1x2x1x8x128xf32, #tpu.memory_space<hbm>> -> memref<2x8x128xf32, #tpu.memory_space<hbm>>
      %dma_wait3A_1785 = arith.constant 0 : i32
      %dma_wait3A_1786 = arith.constant 0 : i32
      %dma_wait3A_1787 = arith.constant 0 : i32
      %dma_wait3A_1788 = tpu.memref_slice %arg3[%sub3A_1400, %dma_wait3A_1785, %dma_wait3A_1776, %dma_wait3A_1786, %dma_wait3A_1787] : memref<1024x2x24x8x128xf32, #tpu.memory_space<hbm>> -> memref<1x2x1x8x128xf32, #tpu.memory_space<hbm>>
      %dma_wait3A_1789 = tpu.memref_squeeze %dma_wait3A_1788 : memref<1x2x1x8x128xf32, #tpu.memory_space<hbm>> -> memref<2x8x128xf32, #tpu.memory_space<hbm>>
      %dma_wait3A_1790 = arith.constant 0 : i32
      %dma_wait3A_1791 = arith.constant 0 : i32
      %dma_wait3A_1792 = tpu.memref_slice %arg4[%dma_wait3A_1790, %dma_wait3A_1791, %add3A_1444] : memref<2x8x4096xf32, #tpu.memory_space<vmem>> -> memref<2x8x128xf32, #tpu.memory_space<vmem>>
      tpu.wait_dma2 semaphore(%arg5 : memref<!tpu.dma_semaphore, #tpu.memory_space<semaphore_mem>>) src(%dma_wait3A_1792 : memref<2x8x128xf32, #tpu.memory_space<vmem>>) dst(%dma_wait3A_1789 : memref<2x8x128xf32, #tpu.memory_space<hbm>>)
      %dma_wait3A_1793 = arith.constant 20 : i32
      %dma_wait3A_1794 = arith.constant 0 : i32
      %dma_wait3A_1795 = arith.constant 0 : i32
      %dma_wait3A_1796 = tpu.memref_slice %arg4[%dma_wait3A_1794, %dma_wait3A_1795, %add3A_1446] : memref<2x8x4096xf32, #tpu.memory_space<vmem>> -> memref<2x8x128xf32, #tpu.memory_space<vmem>>
      %dma_wait3A_1797 = arith.constant 0 : i32
      %dma_wait3A_1798 = arith.constant 0 : i32
      %dma_wait3A_1799 = arith.constant 0 : i32
      %dma_wait3A_1800 = tpu.memref_slice %arg3[%sub3A_1400, %dma_wait3A_1797, %dma_wait3A_1793, %dma_wait3A_1798, %dma_wait3A_1799] : memref<1024x2x24x8x128xf32, #tpu.memory_space<hbm>> -> memref<1x2x1x8x128xf32, #tpu.memory_space<hbm>>
      %dma_wait3A_1801 = tpu.memref_squeeze %dma_wait3A_1800 : memref<1x2x1x8x128xf32, #tpu.memory_space<hbm>> -> memref<2x8x128xf32, #tpu.memory_space<hbm>>
      %dma_wait3A_1802 = arith.constant 0 : i32
      %dma_wait3A_1803 = arith.constant 0 : i32
      %dma_wait3A_1804 = arith.constant 0 : i32
      %dma_wait3A_1805 = tpu.memref_slice %arg3[%sub3A_1400, %dma_wait3A_1802, %dma_wait3A_1793, %dma_wait3A_1803, %dma_wait3A_1804] : memref<1024x2x24x8x128xf32, #tpu.memory_space<hbm>> -> memref<1x2x1x8x128xf32, #tpu.memory_space<hbm>>
      %dma_wait3A_1806 = tpu.memref_squeeze %dma_wait3A_1805 : memref<1x2x1x8x128xf32, #tpu.memory_space<hbm>> -> memref<2x8x128xf32, #tpu.memory_space<hbm>>
      %dma_wait3A_1807 = arith.constant 0 : i32
      %dma_wait3A_1808 = arith.constant 0 : i32
      %dma_wait3A_1809 = tpu.memref_slice %arg4[%dma_wait3A_1807, %dma_wait3A_1808, %add3A_1446] : memref<2x8x4096xf32, #tpu.memory_space<vmem>> -> memref<2x8x128xf32, #tpu.memory_space<vmem>>
      tpu.wait_dma2 semaphore(%arg5 : memref<!tpu.dma_semaphore, #tpu.memory_space<semaphore_mem>>) src(%dma_wait3A_1809 : memref<2x8x128xf32, #tpu.memory_space<vmem>>) dst(%dma_wait3A_1806 : memref<2x8x128xf32, #tpu.memory_space<hbm>>)
      %dma_wait3A_1810 = arith.constant 21 : i32
      %dma_wait3A_1811 = arith.constant 0 : i32
      %dma_wait3A_1812 = arith.constant 0 : i32
      %dma_wait3A_1813 = tpu.memref_slice %arg4[%dma_wait3A_1811, %dma_wait3A_1812, %add3A_1448] : memref<2x8x4096xf32, #tpu.memory_space<vmem>> -> memref<2x8x128xf32, #tpu.memory_space<vmem>>
      %dma_wait3A_1814 = arith.constant 0 : i32
      %dma_wait3A_1815 = arith.constant 0 : i32
      %dma_wait3A_1816 = arith.constant 0 : i32
      %dma_wait3A_1817 = tpu.memref_slice %arg3[%sub3A_1400, %dma_wait3A_1814, %dma_wait3A_1810, %dma_wait3A_1815, %dma_wait3A_1816] : memref<1024x2x24x8x128xf32, #tpu.memory_space<hbm>> -> memref<1x2x1x8x128xf32, #tpu.memory_space<hbm>>
      %dma_wait3A_1818 = tpu.memref_squeeze %dma_wait3A_1817 : memref<1x2x1x8x128xf32, #tpu.memory_space<hbm>> -> memref<2x8x128xf32, #tpu.memory_space<hbm>>
      %dma_wait3A_1819 = arith.constant 0 : i32
      %dma_wait3A_1820 = arith.constant 0 : i32
      %dma_wait3A_1821 = arith.constant 0 : i32
      %dma_wait3A_1822 = tpu.memref_slice %arg3[%sub3A_1400, %dma_wait3A_1819, %dma_wait3A_1810, %dma_wait3A_1820, %dma_wait3A_1821] : memref<1024x2x24x8x128xf32, #tpu.memory_space<hbm>> -> memref<1x2x1x8x128xf32, #tpu.memory_space<hbm>>
      %dma_wait3A_1823 = tpu.memref_squeeze %dma_wait3A_1822 : memref<1x2x1x8x128xf32, #tpu.memory_space<hbm>> -> memref<2x8x128xf32, #tpu.memory_space<hbm>>
      %dma_wait3A_1824 = arith.constant 0 : i32
      %dma_wait3A_1825 = arith.constant 0 : i32
      %dma_wait3A_1826 = tpu.memref_slice %arg4[%dma_wait3A_1824, %dma_wait3A_1825, %add3A_1448] : memref<2x8x4096xf32, #tpu.memory_space<vmem>> -> memref<2x8x128xf32, #tpu.memory_space<vmem>>
      tpu.wait_dma2 semaphore(%arg5 : memref<!tpu.dma_semaphore, #tpu.memory_space<semaphore_mem>>) src(%dma_wait3A_1826 : memref<2x8x128xf32, #tpu.memory_space<vmem>>) dst(%dma_wait3A_1823 : memref<2x8x128xf32, #tpu.memory_space<hbm>>)
      %dma_wait3A_1827 = arith.constant 22 : i32
      %dma_wait3A_1828 = arith.constant 0 : i32
      %dma_wait3A_1829 = arith.constant 0 : i32
      %dma_wait3A_1830 = tpu.memref_slice %arg4[%dma_wait3A_1828, %dma_wait3A_1829, %add3A_1450] : memref<2x8x4096xf32, #tpu.memory_space<vmem>> -> memref<2x8x128xf32, #tpu.memory_space<vmem>>
      %dma_wait3A_1831 = arith.constant 0 : i32
      %dma_wait3A_1832 = arith.constant 0 : i32
      %dma_wait3A_1833 = arith.constant 0 : i32
      %dma_wait3A_1834 = tpu.memref_slice %arg3[%sub3A_1400, %dma_wait3A_1831, %dma_wait3A_1827, %dma_wait3A_1832, %dma_wait3A_1833] : memref<1024x2x24x8x128xf32, #tpu.memory_space<hbm>> -> memref<1x2x1x8x128xf32, #tpu.memory_space<hbm>>
      %dma_wait3A_1835 = tpu.memref_squeeze %dma_wait3A_1834 : memref<1x2x1x8x128xf32, #tpu.memory_space<hbm>> -> memref<2x8x128xf32, #tpu.memory_space<hbm>>
      %dma_wait3A_1836 = arith.constant 0 : i32
      %dma_wait3A_1837 = arith.constant 0 : i32
      %dma_wait3A_1838 = arith.constant 0 : i32
      %dma_wait3A_1839 = tpu.memref_slice %arg3[%sub3A_1400, %dma_wait3A_1836, %dma_wait3A_1827, %dma_wait3A_1837, %dma_wait3A_1838] : memref<1024x2x24x8x128xf32, #tpu.memory_space<hbm>> -> memref<1x2x1x8x128xf32, #tpu.memory_space<hbm>>
      %dma_wait3A_1840 = tpu.memref_squeeze %dma_wait3A_1839 : memref<1x2x1x8x128xf32, #tpu.memory_space<hbm>> -> memref<2x8x128xf32, #tpu.memory_space<hbm>>
      %dma_wait3A_1841 = arith.constant 0 : i32
      %dma_wait3A_1842 = arith.constant 0 : i32
      %dma_wait3A_1843 = tpu.memref_slice %arg4[%dma_wait3A_1841, %dma_wait3A_1842, %add3A_1450] : memref<2x8x4096xf32, #tpu.memory_space<vmem>> -> memref<2x8x128xf32, #tpu.memory_space<vmem>>
      tpu.wait_dma2 semaphore(%arg5 : memref<!tpu.dma_semaphore, #tpu.memory_space<semaphore_mem>>) src(%dma_wait3A_1843 : memref<2x8x128xf32, #tpu.memory_space<vmem>>) dst(%dma_wait3A_1840 : memref<2x8x128xf32, #tpu.memory_space<hbm>>)
      %dma_wait3A_1844 = arith.constant 23 : i32
      %dma_wait3A_1845 = arith.constant 0 : i32
      %dma_wait3A_1846 = arith.constant 0 : i32
      %dma_wait3A_1847 = tpu.memref_slice %arg4[%dma_wait3A_1845, %dma_wait3A_1846, %add3A_1452] : memref<2x8x4096xf32, #tpu.memory_space<vmem>> -> memref<2x8x128xf32, #tpu.memory_space<vmem>>
      %dma_wait3A_1848 = arith.constant 0 : i32
      %dma_wait3A_1849 = arith.constant 0 : i32
      %dma_wait3A_1850 = arith.constant 0 : i32
      %dma_wait3A_1851 = tpu.memref_slice %arg3[%sub3A_1400, %dma_wait3A_1848, %dma_wait3A_1844, %dma_wait3A_1849, %dma_wait3A_1850] : memref<1024x2x24x8x128xf32, #tpu.memory_space<hbm>> -> memref<1x2x1x8x128xf32, #tpu.memory_space<hbm>>
      %dma_wait3A_1852 = tpu.memref_squeeze %dma_wait3A_1851 : memref<1x2x1x8x128xf32, #tpu.memory_space<hbm>> -> memref<2x8x128xf32, #tpu.memory_space<hbm>>
      %dma_wait3A_1853 = arith.constant 0 : i32
      %dma_wait3A_1854 = arith.constant 0 : i32
      %dma_wait3A_1855 = arith.constant 0 : i32
      %dma_wait3A_1856 = tpu.memref_slice %arg3[%sub3A_1400, %dma_wait3A_1853, %dma_wait3A_1844, %dma_wait3A_1854, %dma_wait3A_1855] : memref<1024x2x24x8x128xf32, #tpu.memory_space<hbm>> -> memref<1x2x1x8x128xf32, #tpu.memory_space<hbm>>
      %dma_wait3A_1857 = tpu.memref_squeeze %dma_wait3A_1856 : memref<1x2x1x8x128xf32, #tpu.memory_space<hbm>> -> memref<2x8x128xf32, #tpu.memory_space<hbm>>
      %dma_wait3A_1858 = arith.constant 0 : i32
      %dma_wait3A_1859 = arith.constant 0 : i32
      %dma_wait3A_1860 = tpu.memref_slice %arg4[%dma_wait3A_1858, %dma_wait3A_1859, %add3A_1452] : memref<2x8x4096xf32, #tpu.memory_space<vmem>> -> memref<2x8x128xf32, #tpu.memory_space<vmem>>
      tpu.wait_dma2 semaphore(%arg5 : memref<!tpu.dma_semaphore, #tpu.memory_space<semaphore_mem>>) src(%dma_wait3A_1860 : memref<2x8x128xf32, #tpu.memory_space<vmem>>) dst(%dma_wait3A_1857 : memref<2x8x128xf32, #tpu.memory_space<hbm>>)
    }
    %scan3A_473 = arith.constant 31 : i32
    %add3A_474 = arith.constant 992 : i32
    %add3A_475 = arith.addi %add3A, %add3A_474 : i32
    %sub3A_476 = arith.constant 1023 : i32
    %sub3A_477 = arith.subi %sub3A_476, %add3A_475 : i32
    %sub3A_478 = arith.subi %sub3A_477, %select_n3A_10 : i32
    %multiple_of3A_479 = tpu.assume_multiple %sub3A_478, 8 : i32
    %add3A_480 = arith.constant 0 : i32
    %add3A_481 = arith.addi %multiple_of3A_479, %add3A_480 : i32
    %add3A_482 = arith.constant 128 : i32
    %add3A_483 = arith.addi %multiple_of3A_479, %add3A_482 : i32
    %add3A_484 = arith.constant 256 : i32
    %add3A_485 = arith.addi %multiple_of3A_479, %add3A_484 : i32
    %add3A_486 = arith.constant 384 : i32
    %add3A_487 = arith.addi %multiple_of3A_479, %add3A_486 : i32
    %add3A_488 = arith.constant 512 : i32
    %add3A_489 = arith.addi %multiple_of3A_479, %add3A_488 : i32
    %add3A_490 = arith.constant 640 : i32
    %add3A_491 = arith.addi %multiple_of3A_479, %add3A_490 : i32
    %add3A_492 = arith.constant 768 : i32
    %add3A_493 = arith.addi %multiple_of3A_479, %add3A_492 : i32
    %add3A_494 = arith.constant 896 : i32
    %add3A_495 = arith.addi %multiple_of3A_479, %add3A_494 : i32
    %add3A_496 = arith.constant 1024 : i32
    %add3A_497 = arith.addi %multiple_of3A_479, %add3A_496 : i32
    %add3A_498 = arith.constant 1152 : i32
    %add3A_499 = arith.addi %multiple_of3A_479, %add3A_498 : i32
    %add3A_500 = arith.constant 1280 : i32
    %add3A_501 = arith.addi %multiple_of3A_479, %add3A_500 : i32
    %add3A_502 = arith.constant 1408 : i32
    %add3A_503 = arith.addi %multiple_of3A_479, %add3A_502 : i32
    %add3A_504 = arith.constant 1536 : i32
    %add3A_505 = arith.addi %multiple_of3A_479, %add3A_504 : i32
    %add3A_506 = arith.constant 1664 : i32
    %add3A_507 = arith.addi %multiple_of3A_479, %add3A_506 : i32
    %add3A_508 = arith.constant 1792 : i32
    %add3A_509 = arith.addi %multiple_of3A_479, %add3A_508 : i32
    %add3A_510 = arith.constant 1920 : i32
    %add3A_511 = arith.addi %multiple_of3A_479, %add3A_510 : i32
    %add3A_512 = arith.constant 2048 : i32
    %add3A_513 = arith.addi %multiple_of3A_479, %add3A_512 : i32
    %add3A_514 = arith.constant 2176 : i32
    %add3A_515 = arith.addi %multiple_of3A_479, %add3A_514 : i32
    %add3A_516 = arith.constant 2304 : i32
    %add3A_517 = arith.addi %multiple_of3A_479, %add3A_516 : i32
    %add3A_518 = arith.constant 2432 : i32
    %add3A_519 = arith.addi %multiple_of3A_479, %add3A_518 : i32
    %add3A_520 = arith.constant 2560 : i32
    %add3A_521 = arith.addi %multiple_of3A_479, %add3A_520 : i32
    %add3A_522 = arith.constant 2688 : i32
    %add3A_523 = arith.addi %multiple_of3A_479, %add3A_522 : i32
    %add3A_524 = arith.constant 2816 : i32
    %add3A_525 = arith.addi %multiple_of3A_479, %add3A_524 : i32
    %add3A_526 = arith.constant 2944 : i32
    %add3A_527 = arith.addi %multiple_of3A_479, %add3A_526 : i32
    %dma_wait3A = arith.constant 0 : i32
    %dma_wait3A_528 = arith.constant 0 : i32
    %dma_wait3A_529 = arith.constant 0 : i32
    %dma_wait3A_530 = tpu.memref_slice %arg4[%dma_wait3A_528, %dma_wait3A_529, %add3A_481] : memref<2x8x4096xf32, #tpu.memory_space<vmem>> -> memref<2x8x128xf32, #tpu.memory_space<vmem>>
    %dma_wait3A_531 = arith.constant 0 : i32
    %dma_wait3A_532 = arith.constant 0 : i32
    %dma_wait3A_533 = arith.constant 0 : i32
    %dma_wait3A_534 = tpu.memref_slice %arg3[%add3A_475, %dma_wait3A_531, %dma_wait3A, %dma_wait3A_532, %dma_wait3A_533] : memref<1024x2x24x8x128xf32, #tpu.memory_space<hbm>> -> memref<1x2x1x8x128xf32, #tpu.memory_space<hbm>>
    %dma_wait3A_535 = tpu.memref_squeeze %dma_wait3A_534 : memref<1x2x1x8x128xf32, #tpu.memory_space<hbm>> -> memref<2x8x128xf32, #tpu.memory_space<hbm>>
    %dma_wait3A_536 = arith.constant 0 : i32
    %dma_wait3A_537 = arith.constant 0 : i32
    %dma_wait3A_538 = arith.constant 0 : i32
    %dma_wait3A_539 = tpu.memref_slice %arg3[%add3A_475, %dma_wait3A_536, %dma_wait3A, %dma_wait3A_537, %dma_wait3A_538] : memref<1024x2x24x8x128xf32, #tpu.memory_space<hbm>> -> memref<1x2x1x8x128xf32, #tpu.memory_space<hbm>>
    %dma_wait3A_540 = tpu.memref_squeeze %dma_wait3A_539 : memref<1x2x1x8x128xf32, #tpu.memory_space<hbm>> -> memref<2x8x128xf32, #tpu.memory_space<hbm>>
    %dma_wait3A_541 = arith.constant 0 : i32
    %dma_wait3A_542 = arith.constant 0 : i32
    %dma_wait3A_543 = tpu.memref_slice %arg4[%dma_wait3A_541, %dma_wait3A_542, %add3A_481] : memref<2x8x4096xf32, #tpu.memory_space<vmem>> -> memref<2x8x128xf32, #tpu.memory_space<vmem>>
    tpu.wait_dma2 semaphore(%arg5 : memref<!tpu.dma_semaphore, #tpu.memory_space<semaphore_mem>>) src(%dma_wait3A_543 : memref<2x8x128xf32, #tpu.memory_space<vmem>>) dst(%dma_wait3A_540 : memref<2x8x128xf32, #tpu.memory_space<hbm>>)
    %dma_wait3A_544 = arith.constant 1 : i32
    %dma_wait3A_545 = arith.constant 0 : i32
    %dma_wait3A_546 = arith.constant 0 : i32
    %dma_wait3A_547 = tpu.memref_slice %arg4[%dma_wait3A_545, %dma_wait3A_546, %add3A_483] : memref<2x8x4096xf32, #tpu.memory_space<vmem>> -> memref<2x8x128xf32, #tpu.memory_space<vmem>>
    %dma_wait3A_548 = arith.constant 0 : i32
    %dma_wait3A_549 = arith.constant 0 : i32
    %dma_wait3A_550 = arith.constant 0 : i32
    %dma_wait3A_551 = tpu.memref_slice %arg3[%add3A_475, %dma_wait3A_548, %dma_wait3A_544, %dma_wait3A_549, %dma_wait3A_550] : memref<1024x2x24x8x128xf32, #tpu.memory_space<hbm>> -> memref<1x2x1x8x128xf32, #tpu.memory_space<hbm>>
    %dma_wait3A_552 = tpu.memref_squeeze %dma_wait3A_551 : memref<1x2x1x8x128xf32, #tpu.memory_space<hbm>> -> memref<2x8x128xf32, #tpu.memory_space<hbm>>
    %dma_wait3A_553 = arith.constant 0 : i32
    %dma_wait3A_554 = arith.constant 0 : i32
    %dma_wait3A_555 = arith.constant 0 : i32
    %dma_wait3A_556 = tpu.memref_slice %arg3[%add3A_475, %dma_wait3A_553, %dma_wait3A_544, %dma_wait3A_554, %dma_wait3A_555] : memref<1024x2x24x8x128xf32, #tpu.memory_space<hbm>> -> memref<1x2x1x8x128xf32, #tpu.memory_space<hbm>>
    %dma_wait3A_557 = tpu.memref_squeeze %dma_wait3A_556 : memref<1x2x1x8x128xf32, #tpu.memory_space<hbm>> -> memref<2x8x128xf32, #tpu.memory_space<hbm>>
    %dma_wait3A_558 = arith.constant 0 : i32
    %dma_wait3A_559 = arith.constant 0 : i32
    %dma_wait3A_560 = tpu.memref_slice %arg4[%dma_wait3A_558, %dma_wait3A_559, %add3A_483] : memref<2x8x4096xf32, #tpu.memory_space<vmem>> -> memref<2x8x128xf32, #tpu.memory_space<vmem>>
    tpu.wait_dma2 semaphore(%arg5 : memref<!tpu.dma_semaphore, #tpu.memory_space<semaphore_mem>>) src(%dma_wait3A_560 : memref<2x8x128xf32, #tpu.memory_space<vmem>>) dst(%dma_wait3A_557 : memref<2x8x128xf32, #tpu.memory_space<hbm>>)
    %dma_wait3A_561 = arith.constant 2 : i32
    %dma_wait3A_562 = arith.constant 0 : i32
    %dma_wait3A_563 = arith.constant 0 : i32
    %dma_wait3A_564 = tpu.memref_slice %arg4[%dma_wait3A_562, %dma_wait3A_563, %add3A_485] : memref<2x8x4096xf32, #tpu.memory_space<vmem>> -> memref<2x8x128xf32, #tpu.memory_space<vmem>>
    %dma_wait3A_565 = arith.constant 0 : i32
    %dma_wait3A_566 = arith.constant 0 : i32
    %dma_wait3A_567 = arith.constant 0 : i32
    %dma_wait3A_568 = tpu.memref_slice %arg3[%add3A_475, %dma_wait3A_565, %dma_wait3A_561, %dma_wait3A_566, %dma_wait3A_567] : memref<1024x2x24x8x128xf32, #tpu.memory_space<hbm>> -> memref<1x2x1x8x128xf32, #tpu.memory_space<hbm>>
    %dma_wait3A_569 = tpu.memref_squeeze %dma_wait3A_568 : memref<1x2x1x8x128xf32, #tpu.memory_space<hbm>> -> memref<2x8x128xf32, #tpu.memory_space<hbm>>
    %dma_wait3A_570 = arith.constant 0 : i32
    %dma_wait3A_571 = arith.constant 0 : i32
    %dma_wait3A_572 = arith.constant 0 : i32
    %dma_wait3A_573 = tpu.memref_slice %arg3[%add3A_475, %dma_wait3A_570, %dma_wait3A_561, %dma_wait3A_571, %dma_wait3A_572] : memref<1024x2x24x8x128xf32, #tpu.memory_space<hbm>> -> memref<1x2x1x8x128xf32, #tpu.memory_space<hbm>>
    %dma_wait3A_574 = tpu.memref_squeeze %dma_wait3A_573 : memref<1x2x1x8x128xf32, #tpu.memory_space<hbm>> -> memref<2x8x128xf32, #tpu.memory_space<hbm>>
    %dma_wait3A_575 = arith.constant 0 : i32
    %dma_wait3A_576 = arith.constant 0 : i32
    %dma_wait3A_577 = tpu.memref_slice %arg4[%dma_wait3A_575, %dma_wait3A_576, %add3A_485] : memref<2x8x4096xf32, #tpu.memory_space<vmem>> -> memref<2x8x128xf32, #tpu.memory_space<vmem>>
    tpu.wait_dma2 semaphore(%arg5 : memref<!tpu.dma_semaphore, #tpu.memory_space<semaphore_mem>>) src(%dma_wait3A_577 : memref<2x8x128xf32, #tpu.memory_space<vmem>>) dst(%dma_wait3A_574 : memref<2x8x128xf32, #tpu.memory_space<hbm>>)
    %dma_wait3A_578 = arith.constant 3 : i32
    %dma_wait3A_579 = arith.constant 0 : i32
    %dma_wait3A_580 = arith.constant 0 : i32
    %dma_wait3A_581 = tpu.memref_slice %arg4[%dma_wait3A_579, %dma_wait3A_580, %add3A_487] : memref<2x8x4096xf32, #tpu.memory_space<vmem>> -> memref<2x8x128xf32, #tpu.memory_space<vmem>>
    %dma_wait3A_582 = arith.constant 0 : i32
    %dma_wait3A_583 = arith.constant 0 : i32
    %dma_wait3A_584 = arith.constant 0 : i32
    %dma_wait3A_585 = tpu.memref_slice %arg3[%add3A_475, %dma_wait3A_582, %dma_wait3A_578, %dma_wait3A_583, %dma_wait3A_584] : memref<1024x2x24x8x128xf32, #tpu.memory_space<hbm>> -> memref<1x2x1x8x128xf32, #tpu.memory_space<hbm>>
    %dma_wait3A_586 = tpu.memref_squeeze %dma_wait3A_585 : memref<1x2x1x8x128xf32, #tpu.memory_space<hbm>> -> memref<2x8x128xf32, #tpu.memory_space<hbm>>
    %dma_wait3A_587 = arith.constant 0 : i32
    %dma_wait3A_588 = arith.constant 0 : i32
    %dma_wait3A_589 = arith.constant 0 : i32
    %dma_wait3A_590 = tpu.memref_slice %arg3[%add3A_475, %dma_wait3A_587, %dma_wait3A_578, %dma_wait3A_588, %dma_wait3A_589] : memref<1024x2x24x8x128xf32, #tpu.memory_space<hbm>> -> memref<1x2x1x8x128xf32, #tpu.memory_space<hbm>>
    %dma_wait3A_591 = tpu.memref_squeeze %dma_wait3A_590 : memref<1x2x1x8x128xf32, #tpu.memory_space<hbm>> -> memref<2x8x128xf32, #tpu.memory_space<hbm>>
    %dma_wait3A_592 = arith.constant 0 : i32
    %dma_wait3A_593 = arith.constant 0 : i32
    %dma_wait3A_594 = tpu.memref_slice %arg4[%dma_wait3A_592, %dma_wait3A_593, %add3A_487] : memref<2x8x4096xf32, #tpu.memory_space<vmem>> -> memref<2x8x128xf32, #tpu.memory_space<vmem>>
    tpu.wait_dma2 semaphore(%arg5 : memref<!tpu.dma_semaphore, #tpu.memory_space<semaphore_mem>>) src(%dma_wait3A_594 : memref<2x8x128xf32, #tpu.memory_space<vmem>>) dst(%dma_wait3A_591 : memref<2x8x128xf32, #tpu.memory_space<hbm>>)
    %dma_wait3A_595 = arith.constant 4 : i32
    %dma_wait3A_596 = arith.constant 0 : i32
    %dma_wait3A_597 = arith.constant 0 : i32
    %dma_wait3A_598 = tpu.memref_slice %arg4[%dma_wait3A_596, %dma_wait3A_597, %add3A_489] : memref<2x8x4096xf32, #tpu.memory_space<vmem>> -> memref<2x8x128xf32, #tpu.memory_space<vmem>>
    %dma_wait3A_599 = arith.constant 0 : i32
    %dma_wait3A_600 = arith.constant 0 : i32
    %dma_wait3A_601 = arith.constant 0 : i32
    %dma_wait3A_602 = tpu.memref_slice %arg3[%add3A_475, %dma_wait3A_599, %dma_wait3A_595, %dma_wait3A_600, %dma_wait3A_601] : memref<1024x2x24x8x128xf32, #tpu.memory_space<hbm>> -> memref<1x2x1x8x128xf32, #tpu.memory_space<hbm>>
    %dma_wait3A_603 = tpu.memref_squeeze %dma_wait3A_602 : memref<1x2x1x8x128xf32, #tpu.memory_space<hbm>> -> memref<2x8x128xf32, #tpu.memory_space<hbm>>
    %dma_wait3A_604 = arith.constant 0 : i32
    %dma_wait3A_605 = arith.constant 0 : i32
    %dma_wait3A_606 = arith.constant 0 : i32
    %dma_wait3A_607 = tpu.memref_slice %arg3[%add3A_475, %dma_wait3A_604, %dma_wait3A_595, %dma_wait3A_605, %dma_wait3A_606] : memref<1024x2x24x8x128xf32, #tpu.memory_space<hbm>> -> memref<1x2x1x8x128xf32, #tpu.memory_space<hbm>>
    %dma_wait3A_608 = tpu.memref_squeeze %dma_wait3A_607 : memref<1x2x1x8x128xf32, #tpu.memory_space<hbm>> -> memref<2x8x128xf32, #tpu.memory_space<hbm>>
    %dma_wait3A_609 = arith.constant 0 : i32
    %dma_wait3A_610 = arith.constant 0 : i32
    %dma_wait3A_611 = tpu.memref_slice %arg4[%dma_wait3A_609, %dma_wait3A_610, %add3A_489] : memref<2x8x4096xf32, #tpu.memory_space<vmem>> -> memref<2x8x128xf32, #tpu.memory_space<vmem>>
    tpu.wait_dma2 semaphore(%arg5 : memref<!tpu.dma_semaphore, #tpu.memory_space<semaphore_mem>>) src(%dma_wait3A_611 : memref<2x8x128xf32, #tpu.memory_space<vmem>>) dst(%dma_wait3A_608 : memref<2x8x128xf32, #tpu.memory_space<hbm>>)
    %dma_wait3A_612 = arith.constant 5 : i32
    %dma_wait3A_613 = arith.constant 0 : i32
    %dma_wait3A_614 = arith.constant 0 : i32
    %dma_wait3A_615 = tpu.memref_slice %arg4[%dma_wait3A_613, %dma_wait3A_614, %add3A_491] : memref<2x8x4096xf32, #tpu.memory_space<vmem>> -> memref<2x8x128xf32, #tpu.memory_space<vmem>>
    %dma_wait3A_616 = arith.constant 0 : i32
    %dma_wait3A_617 = arith.constant 0 : i32
    %dma_wait3A_618 = arith.constant 0 : i32
    %dma_wait3A_619 = tpu.memref_slice %arg3[%add3A_475, %dma_wait3A_616, %dma_wait3A_612, %dma_wait3A_617, %dma_wait3A_618] : memref<1024x2x24x8x128xf32, #tpu.memory_space<hbm>> -> memref<1x2x1x8x128xf32, #tpu.memory_space<hbm>>
    %dma_wait3A_620 = tpu.memref_squeeze %dma_wait3A_619 : memref<1x2x1x8x128xf32, #tpu.memory_space<hbm>> -> memref<2x8x128xf32, #tpu.memory_space<hbm>>
    %dma_wait3A_621 = arith.constant 0 : i32
    %dma_wait3A_622 = arith.constant 0 : i32
    %dma_wait3A_623 = arith.constant 0 : i32
    %dma_wait3A_624 = tpu.memref_slice %arg3[%add3A_475, %dma_wait3A_621, %dma_wait3A_612, %dma_wait3A_622, %dma_wait3A_623] : memref<1024x2x24x8x128xf32, #tpu.memory_space<hbm>> -> memref<1x2x1x8x128xf32, #tpu.memory_space<hbm>>
    %dma_wait3A_625 = tpu.memref_squeeze %dma_wait3A_624 : memref<1x2x1x8x128xf32, #tpu.memory_space<hbm>> -> memref<2x8x128xf32, #tpu.memory_space<hbm>>
    %dma_wait3A_626 = arith.constant 0 : i32
    %dma_wait3A_627 = arith.constant 0 : i32
    %dma_wait3A_628 = tpu.memref_slice %arg4[%dma_wait3A_626, %dma_wait3A_627, %add3A_491] : memref<2x8x4096xf32, #tpu.memory_space<vmem>> -> memref<2x8x128xf32, #tpu.memory_space<vmem>>
    tpu.wait_dma2 semaphore(%arg5 : memref<!tpu.dma_semaphore, #tpu.memory_space<semaphore_mem>>) src(%dma_wait3A_628 : memref<2x8x128xf32, #tpu.memory_space<vmem>>) dst(%dma_wait3A_625 : memref<2x8x128xf32, #tpu.memory_space<hbm>>)
    %dma_wait3A_629 = arith.constant 6 : i32
    %dma_wait3A_630 = arith.constant 0 : i32
    %dma_wait3A_631 = arith.constant 0 : i32
    %dma_wait3A_632 = tpu.memref_slice %arg4[%dma_wait3A_630, %dma_wait3A_631, %add3A_493] : memref<2x8x4096xf32, #tpu.memory_space<vmem>> -> memref<2x8x128xf32, #tpu.memory_space<vmem>>
    %dma_wait3A_633 = arith.constant 0 : i32
    %dma_wait3A_634 = arith.constant 0 : i32
    %dma_wait3A_635 = arith.constant 0 : i32
    %dma_wait3A_636 = tpu.memref_slice %arg3[%add3A_475, %dma_wait3A_633, %dma_wait3A_629, %dma_wait3A_634, %dma_wait3A_635] : memref<1024x2x24x8x128xf32, #tpu.memory_space<hbm>> -> memref<1x2x1x8x128xf32, #tpu.memory_space<hbm>>
    %dma_wait3A_637 = tpu.memref_squeeze %dma_wait3A_636 : memref<1x2x1x8x128xf32, #tpu.memory_space<hbm>> -> memref<2x8x128xf32, #tpu.memory_space<hbm>>
    %dma_wait3A_638 = arith.constant 0 : i32
    %dma_wait3A_639 = arith.constant 0 : i32
    %dma_wait3A_640 = arith.constant 0 : i32
    %dma_wait3A_641 = tpu.memref_slice %arg3[%add3A_475, %dma_wait3A_638, %dma_wait3A_629, %dma_wait3A_639, %dma_wait3A_640] : memref<1024x2x24x8x128xf32, #tpu.memory_space<hbm>> -> memref<1x2x1x8x128xf32, #tpu.memory_space<hbm>>
    %dma_wait3A_642 = tpu.memref_squeeze %dma_wait3A_641 : memref<1x2x1x8x128xf32, #tpu.memory_space<hbm>> -> memref<2x8x128xf32, #tpu.memory_space<hbm>>
    %dma_wait3A_643 = arith.constant 0 : i32
    %dma_wait3A_644 = arith.constant 0 : i32
    %dma_wait3A_645 = tpu.memref_slice %arg4[%dma_wait3A_643, %dma_wait3A_644, %add3A_493] : memref<2x8x4096xf32, #tpu.memory_space<vmem>> -> memref<2x8x128xf32, #tpu.memory_space<vmem>>
    tpu.wait_dma2 semaphore(%arg5 : memref<!tpu.dma_semaphore, #tpu.memory_space<semaphore_mem>>) src(%dma_wait3A_645 : memref<2x8x128xf32, #tpu.memory_space<vmem>>) dst(%dma_wait3A_642 : memref<2x8x128xf32, #tpu.memory_space<hbm>>)
    %dma_wait3A_646 = arith.constant 7 : i32
    %dma_wait3A_647 = arith.constant 0 : i32
    %dma_wait3A_648 = arith.constant 0 : i32
    %dma_wait3A_649 = tpu.memref_slice %arg4[%dma_wait3A_647, %dma_wait3A_648, %add3A_495] : memref<2x8x4096xf32, #tpu.memory_space<vmem>> -> memref<2x8x128xf32, #tpu.memory_space<vmem>>
    %dma_wait3A_650 = arith.constant 0 : i32
    %dma_wait3A_651 = arith.constant 0 : i32
    %dma_wait3A_652 = arith.constant 0 : i32
    %dma_wait3A_653 = tpu.memref_slice %arg3[%add3A_475, %dma_wait3A_650, %dma_wait3A_646, %dma_wait3A_651, %dma_wait3A_652] : memref<1024x2x24x8x128xf32, #tpu.memory_space<hbm>> -> memref<1x2x1x8x128xf32, #tpu.memory_space<hbm>>
    %dma_wait3A_654 = tpu.memref_squeeze %dma_wait3A_653 : memref<1x2x1x8x128xf32, #tpu.memory_space<hbm>> -> memref<2x8x128xf32, #tpu.memory_space<hbm>>
    %dma_wait3A_655 = arith.constant 0 : i32
    %dma_wait3A_656 = arith.constant 0 : i32
    %dma_wait3A_657 = arith.constant 0 : i32
    %dma_wait3A_658 = tpu.memref_slice %arg3[%add3A_475, %dma_wait3A_655, %dma_wait3A_646, %dma_wait3A_656, %dma_wait3A_657] : memref<1024x2x24x8x128xf32, #tpu.memory_space<hbm>> -> memref<1x2x1x8x128xf32, #tpu.memory_space<hbm>>
    %dma_wait3A_659 = tpu.memref_squeeze %dma_wait3A_658 : memref<1x2x1x8x128xf32, #tpu.memory_space<hbm>> -> memref<2x8x128xf32, #tpu.memory_space<hbm>>
    %dma_wait3A_660 = arith.constant 0 : i32
    %dma_wait3A_661 = arith.constant 0 : i32
    %dma_wait3A_662 = tpu.memref_slice %arg4[%dma_wait3A_660, %dma_wait3A_661, %add3A_495] : memref<2x8x4096xf32, #tpu.memory_space<vmem>> -> memref<2x8x128xf32, #tpu.memory_space<vmem>>
    tpu.wait_dma2 semaphore(%arg5 : memref<!tpu.dma_semaphore, #tpu.memory_space<semaphore_mem>>) src(%dma_wait3A_662 : memref<2x8x128xf32, #tpu.memory_space<vmem>>) dst(%dma_wait3A_659 : memref<2x8x128xf32, #tpu.memory_space<hbm>>)
    %dma_wait3A_663 = arith.constant 8 : i32
    %dma_wait3A_664 = arith.constant 0 : i32
    %dma_wait3A_665 = arith.constant 0 : i32
    %dma_wait3A_666 = tpu.memref_slice %arg4[%dma_wait3A_664, %dma_wait3A_665, %add3A_497] : memref<2x8x4096xf32, #tpu.memory_space<vmem>> -> memref<2x8x128xf32, #tpu.memory_space<vmem>>
    %dma_wait3A_667 = arith.constant 0 : i32
    %dma_wait3A_668 = arith.constant 0 : i32
    %dma_wait3A_669 = arith.constant 0 : i32
    %dma_wait3A_670 = tpu.memref_slice %arg3[%add3A_475, %dma_wait3A_667, %dma_wait3A_663, %dma_wait3A_668, %dma_wait3A_669] : memref<1024x2x24x8x128xf32, #tpu.memory_space<hbm>> -> memref<1x2x1x8x128xf32, #tpu.memory_space<hbm>>
    %dma_wait3A_671 = tpu.memref_squeeze %dma_wait3A_670 : memref<1x2x1x8x128xf32, #tpu.memory_space<hbm>> -> memref<2x8x128xf32, #tpu.memory_space<hbm>>
    %dma_wait3A_672 = arith.constant 0 : i32
    %dma_wait3A_673 = arith.constant 0 : i32
    %dma_wait3A_674 = arith.constant 0 : i32
    %dma_wait3A_675 = tpu.memref_slice %arg3[%add3A_475, %dma_wait3A_672, %dma_wait3A_663, %dma_wait3A_673, %dma_wait3A_674] : memref<1024x2x24x8x128xf32, #tpu.memory_space<hbm>> -> memref<1x2x1x8x128xf32, #tpu.memory_space<hbm>>
    %dma_wait3A_676 = tpu.memref_squeeze %dma_wait3A_675 : memref<1x2x1x8x128xf32, #tpu.memory_space<hbm>> -> memref<2x8x128xf32, #tpu.memory_space<hbm>>
    %dma_wait3A_677 = arith.constant 0 : i32
    %dma_wait3A_678 = arith.constant 0 : i32
    %dma_wait3A_679 = tpu.memref_slice %arg4[%dma_wait3A_677, %dma_wait3A_678, %add3A_497] : memref<2x8x4096xf32, #tpu.memory_space<vmem>> -> memref<2x8x128xf32, #tpu.memory_space<vmem>>
    tpu.wait_dma2 semaphore(%arg5 : memref<!tpu.dma_semaphore, #tpu.memory_space<semaphore_mem>>) src(%dma_wait3A_679 : memref<2x8x128xf32, #tpu.memory_space<vmem>>) dst(%dma_wait3A_676 : memref<2x8x128xf32, #tpu.memory_space<hbm>>)
    %dma_wait3A_680 = arith.constant 9 : i32
    %dma_wait3A_681 = arith.constant 0 : i32
    %dma_wait3A_682 = arith.constant 0 : i32
    %dma_wait3A_683 = tpu.memref_slice %arg4[%dma_wait3A_681, %dma_wait3A_682, %add3A_499] : memref<2x8x4096xf32, #tpu.memory_space<vmem>> -> memref<2x8x128xf32, #tpu.memory_space<vmem>>
    %dma_wait3A_684 = arith.constant 0 : i32
    %dma_wait3A_685 = arith.constant 0 : i32
    %dma_wait3A_686 = arith.constant 0 : i32
    %dma_wait3A_687 = tpu.memref_slice %arg3[%add3A_475, %dma_wait3A_684, %dma_wait3A_680, %dma_wait3A_685, %dma_wait3A_686] : memref<1024x2x24x8x128xf32, #tpu.memory_space<hbm>> -> memref<1x2x1x8x128xf32, #tpu.memory_space<hbm>>
    %dma_wait3A_688 = tpu.memref_squeeze %dma_wait3A_687 : memref<1x2x1x8x128xf32, #tpu.memory_space<hbm>> -> memref<2x8x128xf32, #tpu.memory_space<hbm>>
    %dma_wait3A_689 = arith.constant 0 : i32
    %dma_wait3A_690 = arith.constant 0 : i32
    %dma_wait3A_691 = arith.constant 0 : i32
    %dma_wait3A_692 = tpu.memref_slice %arg3[%add3A_475, %dma_wait3A_689, %dma_wait3A_680, %dma_wait3A_690, %dma_wait3A_691] : memref<1024x2x24x8x128xf32, #tpu.memory_space<hbm>> -> memref<1x2x1x8x128xf32, #tpu.memory_space<hbm>>
    %dma_wait3A_693 = tpu.memref_squeeze %dma_wait3A_692 : memref<1x2x1x8x128xf32, #tpu.memory_space<hbm>> -> memref<2x8x128xf32, #tpu.memory_space<hbm>>
    %dma_wait3A_694 = arith.constant 0 : i32
    %dma_wait3A_695 = arith.constant 0 : i32
    %dma_wait3A_696 = tpu.memref_slice %arg4[%dma_wait3A_694, %dma_wait3A_695, %add3A_499] : memref<2x8x4096xf32, #tpu.memory_space<vmem>> -> memref<2x8x128xf32, #tpu.memory_space<vmem>>
    tpu.wait_dma2 semaphore(%arg5 : memref<!tpu.dma_semaphore, #tpu.memory_space<semaphore_mem>>) src(%dma_wait3A_696 : memref<2x8x128xf32, #tpu.memory_space<vmem>>) dst(%dma_wait3A_693 : memref<2x8x128xf32, #tpu.memory_space<hbm>>)
    %dma_wait3A_697 = arith.constant 10 : i32
    %dma_wait3A_698 = arith.constant 0 : i32
    %dma_wait3A_699 = arith.constant 0 : i32
    %dma_wait3A_700 = tpu.memref_slice %arg4[%dma_wait3A_698, %dma_wait3A_699, %add3A_501] : memref<2x8x4096xf32, #tpu.memory_space<vmem>> -> memref<2x8x128xf32, #tpu.memory_space<vmem>>
    %dma_wait3A_701 = arith.constant 0 : i32
    %dma_wait3A_702 = arith.constant 0 : i32
    %dma_wait3A_703 = arith.constant 0 : i32
    %dma_wait3A_704 = tpu.memref_slice %arg3[%add3A_475, %dma_wait3A_701, %dma_wait3A_697, %dma_wait3A_702, %dma_wait3A_703] : memref<1024x2x24x8x128xf32, #tpu.memory_space<hbm>> -> memref<1x2x1x8x128xf32, #tpu.memory_space<hbm>>
    %dma_wait3A_705 = tpu.memref_squeeze %dma_wait3A_704 : memref<1x2x1x8x128xf32, #tpu.memory_space<hbm>> -> memref<2x8x128xf32, #tpu.memory_space<hbm>>
    %dma_wait3A_706 = arith.constant 0 : i32
    %dma_wait3A_707 = arith.constant 0 : i32
    %dma_wait3A_708 = arith.constant 0 : i32
    %dma_wait3A_709 = tpu.memref_slice %arg3[%add3A_475, %dma_wait3A_706, %dma_wait3A_697, %dma_wait3A_707, %dma_wait3A_708] : memref<1024x2x24x8x128xf32, #tpu.memory_space<hbm>> -> memref<1x2x1x8x128xf32, #tpu.memory_space<hbm>>
    %dma_wait3A_710 = tpu.memref_squeeze %dma_wait3A_709 : memref<1x2x1x8x128xf32, #tpu.memory_space<hbm>> -> memref<2x8x128xf32, #tpu.memory_space<hbm>>
    %dma_wait3A_711 = arith.constant 0 : i32
    %dma_wait3A_712 = arith.constant 0 : i32
    %dma_wait3A_713 = tpu.memref_slice %arg4[%dma_wait3A_711, %dma_wait3A_712, %add3A_501] : memref<2x8x4096xf32, #tpu.memory_space<vmem>> -> memref<2x8x128xf32, #tpu.memory_space<vmem>>
    tpu.wait_dma2 semaphore(%arg5 : memref<!tpu.dma_semaphore, #tpu.memory_space<semaphore_mem>>) src(%dma_wait3A_713 : memref<2x8x128xf32, #tpu.memory_space<vmem>>) dst(%dma_wait3A_710 : memref<2x8x128xf32, #tpu.memory_space<hbm>>)
    %dma_wait3A_714 = arith.constant 11 : i32
    %dma_wait3A_715 = arith.constant 0 : i32
    %dma_wait3A_716 = arith.constant 0 : i32
    %dma_wait3A_717 = tpu.memref_slice %arg4[%dma_wait3A_715, %dma_wait3A_716, %add3A_503] : memref<2x8x4096xf32, #tpu.memory_space<vmem>> -> memref<2x8x128xf32, #tpu.memory_space<vmem>>
    %dma_wait3A_718 = arith.constant 0 : i32
    %dma_wait3A_719 = arith.constant 0 : i32
    %dma_wait3A_720 = arith.constant 0 : i32
    %dma_wait3A_721 = tpu.memref_slice %arg3[%add3A_475, %dma_wait3A_718, %dma_wait3A_714, %dma_wait3A_719, %dma_wait3A_720] : memref<1024x2x24x8x128xf32, #tpu.memory_space<hbm>> -> memref<1x2x1x8x128xf32, #tpu.memory_space<hbm>>
    %dma_wait3A_722 = tpu.memref_squeeze %dma_wait3A_721 : memref<1x2x1x8x128xf32, #tpu.memory_space<hbm>> -> memref<2x8x128xf32, #tpu.memory_space<hbm>>
    %dma_wait3A_723 = arith.constant 0 : i32
    %dma_wait3A_724 = arith.constant 0 : i32
    %dma_wait3A_725 = arith.constant 0 : i32
    %dma_wait3A_726 = tpu.memref_slice %arg3[%add3A_475, %dma_wait3A_723, %dma_wait3A_714, %dma_wait3A_724, %dma_wait3A_725] : memref<1024x2x24x8x128xf32, #tpu.memory_space<hbm>> -> memref<1x2x1x8x128xf32, #tpu.memory_space<hbm>>
    %dma_wait3A_727 = tpu.memref_squeeze %dma_wait3A_726 : memref<1x2x1x8x128xf32, #tpu.memory_space<hbm>> -> memref<2x8x128xf32, #tpu.memory_space<hbm>>
    %dma_wait3A_728 = arith.constant 0 : i32
    %dma_wait3A_729 = arith.constant 0 : i32
    %dma_wait3A_730 = tpu.memref_slice %arg4[%dma_wait3A_728, %dma_wait3A_729, %add3A_503] : memref<2x8x4096xf32, #tpu.memory_space<vmem>> -> memref<2x8x128xf32, #tpu.memory_space<vmem>>
    tpu.wait_dma2 semaphore(%arg5 : memref<!tpu.dma_semaphore, #tpu.memory_space<semaphore_mem>>) src(%dma_wait3A_730 : memref<2x8x128xf32, #tpu.memory_space<vmem>>) dst(%dma_wait3A_727 : memref<2x8x128xf32, #tpu.memory_space<hbm>>)
    %dma_wait3A_731 = arith.constant 12 : i32
    %dma_wait3A_732 = arith.constant 0 : i32
    %dma_wait3A_733 = arith.constant 0 : i32
    %dma_wait3A_734 = tpu.memref_slice %arg4[%dma_wait3A_732, %dma_wait3A_733, %add3A_505] : memref<2x8x4096xf32, #tpu.memory_space<vmem>> -> memref<2x8x128xf32, #tpu.memory_space<vmem>>
    %dma_wait3A_735 = arith.constant 0 : i32
    %dma_wait3A_736 = arith.constant 0 : i32
    %dma_wait3A_737 = arith.constant 0 : i32
    %dma_wait3A_738 = tpu.memref_slice %arg3[%add3A_475, %dma_wait3A_735, %dma_wait3A_731, %dma_wait3A_736, %dma_wait3A_737] : memref<1024x2x24x8x128xf32, #tpu.memory_space<hbm>> -> memref<1x2x1x8x128xf32, #tpu.memory_space<hbm>>
    %dma_wait3A_739 = tpu.memref_squeeze %dma_wait3A_738 : memref<1x2x1x8x128xf32, #tpu.memory_space<hbm>> -> memref<2x8x128xf32, #tpu.memory_space<hbm>>
    %dma_wait3A_740 = arith.constant 0 : i32
    %dma_wait3A_741 = arith.constant 0 : i32
    %dma_wait3A_742 = arith.constant 0 : i32
    %dma_wait3A_743 = tpu.memref_slice %arg3[%add3A_475, %dma_wait3A_740, %dma_wait3A_731, %dma_wait3A_741, %dma_wait3A_742] : memref<1024x2x24x8x128xf32, #tpu.memory_space<hbm>> -> memref<1x2x1x8x128xf32, #tpu.memory_space<hbm>>
    %dma_wait3A_744 = tpu.memref_squeeze %dma_wait3A_743 : memref<1x2x1x8x128xf32, #tpu.memory_space<hbm>> -> memref<2x8x128xf32, #tpu.memory_space<hbm>>
    %dma_wait3A_745 = arith.constant 0 : i32
    %dma_wait3A_746 = arith.constant 0 : i32
    %dma_wait3A_747 = tpu.memref_slice %arg4[%dma_wait3A_745, %dma_wait3A_746, %add3A_505] : memref<2x8x4096xf32, #tpu.memory_space<vmem>> -> memref<2x8x128xf32, #tpu.memory_space<vmem>>
    tpu.wait_dma2 semaphore(%arg5 : memref<!tpu.dma_semaphore, #tpu.memory_space<semaphore_mem>>) src(%dma_wait3A_747 : memref<2x8x128xf32, #tpu.memory_space<vmem>>) dst(%dma_wait3A_744 : memref<2x8x128xf32, #tpu.memory_space<hbm>>)
    %dma_wait3A_748 = arith.constant 13 : i32
    %dma_wait3A_749 = arith.constant 0 : i32
    %dma_wait3A_750 = arith.constant 0 : i32
    %dma_wait3A_751 = tpu.memref_slice %arg4[%dma_wait3A_749, %dma_wait3A_750, %add3A_507] : memref<2x8x4096xf32, #tpu.memory_space<vmem>> -> memref<2x8x128xf32, #tpu.memory_space<vmem>>
    %dma_wait3A_752 = arith.constant 0 : i32
    %dma_wait3A_753 = arith.constant 0 : i32
    %dma_wait3A_754 = arith.constant 0 : i32
    %dma_wait3A_755 = tpu.memref_slice %arg3[%add3A_475, %dma_wait3A_752, %dma_wait3A_748, %dma_wait3A_753, %dma_wait3A_754] : memref<1024x2x24x8x128xf32, #tpu.memory_space<hbm>> -> memref<1x2x1x8x128xf32, #tpu.memory_space<hbm>>
    %dma_wait3A_756 = tpu.memref_squeeze %dma_wait3A_755 : memref<1x2x1x8x128xf32, #tpu.memory_space<hbm>> -> memref<2x8x128xf32, #tpu.memory_space<hbm>>
    %dma_wait3A_757 = arith.constant 0 : i32
    %dma_wait3A_758 = arith.constant 0 : i32
    %dma_wait3A_759 = arith.constant 0 : i32
    %dma_wait3A_760 = tpu.memref_slice %arg3[%add3A_475, %dma_wait3A_757, %dma_wait3A_748, %dma_wait3A_758, %dma_wait3A_759] : memref<1024x2x24x8x128xf32, #tpu.memory_space<hbm>> -> memref<1x2x1x8x128xf32, #tpu.memory_space<hbm>>
    %dma_wait3A_761 = tpu.memref_squeeze %dma_wait3A_760 : memref<1x2x1x8x128xf32, #tpu.memory_space<hbm>> -> memref<2x8x128xf32, #tpu.memory_space<hbm>>
    %dma_wait3A_762 = arith.constant 0 : i32
    %dma_wait3A_763 = arith.constant 0 : i32
    %dma_wait3A_764 = tpu.memref_slice %arg4[%dma_wait3A_762, %dma_wait3A_763, %add3A_507] : memref<2x8x4096xf32, #tpu.memory_space<vmem>> -> memref<2x8x128xf32, #tpu.memory_space<vmem>>
    tpu.wait_dma2 semaphore(%arg5 : memref<!tpu.dma_semaphore, #tpu.memory_space<semaphore_mem>>) src(%dma_wait3A_764 : memref<2x8x128xf32, #tpu.memory_space<vmem>>) dst(%dma_wait3A_761 : memref<2x8x128xf32, #tpu.memory_space<hbm>>)
    %dma_wait3A_765 = arith.constant 14 : i32
    %dma_wait3A_766 = arith.constant 0 : i32
    %dma_wait3A_767 = arith.constant 0 : i32
    %dma_wait3A_768 = tpu.memref_slice %arg4[%dma_wait3A_766, %dma_wait3A_767, %add3A_509] : memref<2x8x4096xf32, #tpu.memory_space<vmem>> -> memref<2x8x128xf32, #tpu.memory_space<vmem>>
    %dma_wait3A_769 = arith.constant 0 : i32
    %dma_wait3A_770 = arith.constant 0 : i32
    %dma_wait3A_771 = arith.constant 0 : i32
    %dma_wait3A_772 = tpu.memref_slice %arg3[%add3A_475, %dma_wait3A_769, %dma_wait3A_765, %dma_wait3A_770, %dma_wait3A_771] : memref<1024x2x24x8x128xf32, #tpu.memory_space<hbm>> -> memref<1x2x1x8x128xf32, #tpu.memory_space<hbm>>
    %dma_wait3A_773 = tpu.memref_squeeze %dma_wait3A_772 : memref<1x2x1x8x128xf32, #tpu.memory_space<hbm>> -> memref<2x8x128xf32, #tpu.memory_space<hbm>>
    %dma_wait3A_774 = arith.constant 0 : i32
    %dma_wait3A_775 = arith.constant 0 : i32
    %dma_wait3A_776 = arith.constant 0 : i32
    %dma_wait3A_777 = tpu.memref_slice %arg3[%add3A_475, %dma_wait3A_774, %dma_wait3A_765, %dma_wait3A_775, %dma_wait3A_776] : memref<1024x2x24x8x128xf32, #tpu.memory_space<hbm>> -> memref<1x2x1x8x128xf32, #tpu.memory_space<hbm>>
    %dma_wait3A_778 = tpu.memref_squeeze %dma_wait3A_777 : memref<1x2x1x8x128xf32, #tpu.memory_space<hbm>> -> memref<2x8x128xf32, #tpu.memory_space<hbm>>
    %dma_wait3A_779 = arith.constant 0 : i32
    %dma_wait3A_780 = arith.constant 0 : i32
    %dma_wait3A_781 = tpu.memref_slice %arg4[%dma_wait3A_779, %dma_wait3A_780, %add3A_509] : memref<2x8x4096xf32, #tpu.memory_space<vmem>> -> memref<2x8x128xf32, #tpu.memory_space<vmem>>
    tpu.wait_dma2 semaphore(%arg5 : memref<!tpu.dma_semaphore, #tpu.memory_space<semaphore_mem>>) src(%dma_wait3A_781 : memref<2x8x128xf32, #tpu.memory_space<vmem>>) dst(%dma_wait3A_778 : memref<2x8x128xf32, #tpu.memory_space<hbm>>)
    %dma_wait3A_782 = arith.constant 15 : i32
    %dma_wait3A_783 = arith.constant 0 : i32
    %dma_wait3A_784 = arith.constant 0 : i32
    %dma_wait3A_785 = tpu.memref_slice %arg4[%dma_wait3A_783, %dma_wait3A_784, %add3A_511] : memref<2x8x4096xf32, #tpu.memory_space<vmem>> -> memref<2x8x128xf32, #tpu.memory_space<vmem>>
    %dma_wait3A_786 = arith.constant 0 : i32
    %dma_wait3A_787 = arith.constant 0 : i32
    %dma_wait3A_788 = arith.constant 0 : i32
    %dma_wait3A_789 = tpu.memref_slice %arg3[%add3A_475, %dma_wait3A_786, %dma_wait3A_782, %dma_wait3A_787, %dma_wait3A_788] : memref<1024x2x24x8x128xf32, #tpu.memory_space<hbm>> -> memref<1x2x1x8x128xf32, #tpu.memory_space<hbm>>
    %dma_wait3A_790 = tpu.memref_squeeze %dma_wait3A_789 : memref<1x2x1x8x128xf32, #tpu.memory_space<hbm>> -> memref<2x8x128xf32, #tpu.memory_space<hbm>>
    %dma_wait3A_791 = arith.constant 0 : i32
    %dma_wait3A_792 = arith.constant 0 : i32
    %dma_wait3A_793 = arith.constant 0 : i32
    %dma_wait3A_794 = tpu.memref_slice %arg3[%add3A_475, %dma_wait3A_791, %dma_wait3A_782, %dma_wait3A_792, %dma_wait3A_793] : memref<1024x2x24x8x128xf32, #tpu.memory_space<hbm>> -> memref<1x2x1x8x128xf32, #tpu.memory_space<hbm>>
    %dma_wait3A_795 = tpu.memref_squeeze %dma_wait3A_794 : memref<1x2x1x8x128xf32, #tpu.memory_space<hbm>> -> memref<2x8x128xf32, #tpu.memory_space<hbm>>
    %dma_wait3A_796 = arith.constant 0 : i32
    %dma_wait3A_797 = arith.constant 0 : i32
    %dma_wait3A_798 = tpu.memref_slice %arg4[%dma_wait3A_796, %dma_wait3A_797, %add3A_511] : memref<2x8x4096xf32, #tpu.memory_space<vmem>> -> memref<2x8x128xf32, #tpu.memory_space<vmem>>
    tpu.wait_dma2 semaphore(%arg5 : memref<!tpu.dma_semaphore, #tpu.memory_space<semaphore_mem>>) src(%dma_wait3A_798 : memref<2x8x128xf32, #tpu.memory_space<vmem>>) dst(%dma_wait3A_795 : memref<2x8x128xf32, #tpu.memory_space<hbm>>)
    %dma_wait3A_799 = arith.constant 16 : i32
    %dma_wait3A_800 = arith.constant 0 : i32
    %dma_wait3A_801 = arith.constant 0 : i32
    %dma_wait3A_802 = tpu.memref_slice %arg4[%dma_wait3A_800, %dma_wait3A_801, %add3A_513] : memref<2x8x4096xf32, #tpu.memory_space<vmem>> -> memref<2x8x128xf32, #tpu.memory_space<vmem>>
    %dma_wait3A_803 = arith.constant 0 : i32
    %dma_wait3A_804 = arith.constant 0 : i32
    %dma_wait3A_805 = arith.constant 0 : i32
    %dma_wait3A_806 = tpu.memref_slice %arg3[%add3A_475, %dma_wait3A_803, %dma_wait3A_799, %dma_wait3A_804, %dma_wait3A_805] : memref<1024x2x24x8x128xf32, #tpu.memory_space<hbm>> -> memref<1x2x1x8x128xf32, #tpu.memory_space<hbm>>
    %dma_wait3A_807 = tpu.memref_squeeze %dma_wait3A_806 : memref<1x2x1x8x128xf32, #tpu.memory_space<hbm>> -> memref<2x8x128xf32, #tpu.memory_space<hbm>>
    %dma_wait3A_808 = arith.constant 0 : i32
    %dma_wait3A_809 = arith.constant 0 : i32
    %dma_wait3A_810 = arith.constant 0 : i32
    %dma_wait3A_811 = tpu.memref_slice %arg3[%add3A_475, %dma_wait3A_808, %dma_wait3A_799, %dma_wait3A_809, %dma_wait3A_810] : memref<1024x2x24x8x128xf32, #tpu.memory_space<hbm>> -> memref<1x2x1x8x128xf32, #tpu.memory_space<hbm>>
    %dma_wait3A_812 = tpu.memref_squeeze %dma_wait3A_811 : memref<1x2x1x8x128xf32, #tpu.memory_space<hbm>> -> memref<2x8x128xf32, #tpu.memory_space<hbm>>
    %dma_wait3A_813 = arith.constant 0 : i32
    %dma_wait3A_814 = arith.constant 0 : i32
    %dma_wait3A_815 = tpu.memref_slice %arg4[%dma_wait3A_813, %dma_wait3A_814, %add3A_513] : memref<2x8x4096xf32, #tpu.memory_space<vmem>> -> memref<2x8x128xf32, #tpu.memory_space<vmem>>
    tpu.wait_dma2 semaphore(%arg5 : memref<!tpu.dma_semaphore, #tpu.memory_space<semaphore_mem>>) src(%dma_wait3A_815 : memref<2x8x128xf32, #tpu.memory_space<vmem>>) dst(%dma_wait3A_812 : memref<2x8x128xf32, #tpu.memory_space<hbm>>)
    %dma_wait3A_816 = arith.constant 17 : i32
    %dma_wait3A_817 = arith.constant 0 : i32
    %dma_wait3A_818 = arith.constant 0 : i32
    %dma_wait3A_819 = tpu.memref_slice %arg4[%dma_wait3A_817, %dma_wait3A_818, %add3A_515] : memref<2x8x4096xf32, #tpu.memory_space<vmem>> -> memref<2x8x128xf32, #tpu.memory_space<vmem>>
    %dma_wait3A_820 = arith.constant 0 : i32
    %dma_wait3A_821 = arith.constant 0 : i32
    %dma_wait3A_822 = arith.constant 0 : i32
    %dma_wait3A_823 = tpu.memref_slice %arg3[%add3A_475, %dma_wait3A_820, %dma_wait3A_816, %dma_wait3A_821, %dma_wait3A_822] : memref<1024x2x24x8x128xf32, #tpu.memory_space<hbm>> -> memref<1x2x1x8x128xf32, #tpu.memory_space<hbm>>
    %dma_wait3A_824 = tpu.memref_squeeze %dma_wait3A_823 : memref<1x2x1x8x128xf32, #tpu.memory_space<hbm>> -> memref<2x8x128xf32, #tpu.memory_space<hbm>>
    %dma_wait3A_825 = arith.constant 0 : i32
    %dma_wait3A_826 = arith.constant 0 : i32
    %dma_wait3A_827 = arith.constant 0 : i32
    %dma_wait3A_828 = tpu.memref_slice %arg3[%add3A_475, %dma_wait3A_825, %dma_wait3A_816, %dma_wait3A_826, %dma_wait3A_827] : memref<1024x2x24x8x128xf32, #tpu.memory_space<hbm>> -> memref<1x2x1x8x128xf32, #tpu.memory_space<hbm>>
    %dma_wait3A_829 = tpu.memref_squeeze %dma_wait3A_828 : memref<1x2x1x8x128xf32, #tpu.memory_space<hbm>> -> memref<2x8x128xf32, #tpu.memory_space<hbm>>
    %dma_wait3A_830 = arith.constant 0 : i32
    %dma_wait3A_831 = arith.constant 0 : i32
    %dma_wait3A_832 = tpu.memref_slice %arg4[%dma_wait3A_830, %dma_wait3A_831, %add3A_515] : memref<2x8x4096xf32, #tpu.memory_space<vmem>> -> memref<2x8x128xf32, #tpu.memory_space<vmem>>
    tpu.wait_dma2 semaphore(%arg5 : memref<!tpu.dma_semaphore, #tpu.memory_space<semaphore_mem>>) src(%dma_wait3A_832 : memref<2x8x128xf32, #tpu.memory_space<vmem>>) dst(%dma_wait3A_829 : memref<2x8x128xf32, #tpu.memory_space<hbm>>)
    %dma_wait3A_833 = arith.constant 18 : i32
    %dma_wait3A_834 = arith.constant 0 : i32
    %dma_wait3A_835 = arith.constant 0 : i32
    %dma_wait3A_836 = tpu.memref_slice %arg4[%dma_wait3A_834, %dma_wait3A_835, %add3A_517] : memref<2x8x4096xf32, #tpu.memory_space<vmem>> -> memref<2x8x128xf32, #tpu.memory_space<vmem>>
    %dma_wait3A_837 = arith.constant 0 : i32
    %dma_wait3A_838 = arith.constant 0 : i32
    %dma_wait3A_839 = arith.constant 0 : i32
    %dma_wait3A_840 = tpu.memref_slice %arg3[%add3A_475, %dma_wait3A_837, %dma_wait3A_833, %dma_wait3A_838, %dma_wait3A_839] : memref<1024x2x24x8x128xf32, #tpu.memory_space<hbm>> -> memref<1x2x1x8x128xf32, #tpu.memory_space<hbm>>
    %dma_wait3A_841 = tpu.memref_squeeze %dma_wait3A_840 : memref<1x2x1x8x128xf32, #tpu.memory_space<hbm>> -> memref<2x8x128xf32, #tpu.memory_space<hbm>>
    %dma_wait3A_842 = arith.constant 0 : i32
    %dma_wait3A_843 = arith.constant 0 : i32
    %dma_wait3A_844 = arith.constant 0 : i32
    %dma_wait3A_845 = tpu.memref_slice %arg3[%add3A_475, %dma_wait3A_842, %dma_wait3A_833, %dma_wait3A_843, %dma_wait3A_844] : memref<1024x2x24x8x128xf32, #tpu.memory_space<hbm>> -> memref<1x2x1x8x128xf32, #tpu.memory_space<hbm>>
    %dma_wait3A_846 = tpu.memref_squeeze %dma_wait3A_845 : memref<1x2x1x8x128xf32, #tpu.memory_space<hbm>> -> memref<2x8x128xf32, #tpu.memory_space<hbm>>
    %dma_wait3A_847 = arith.constant 0 : i32
    %dma_wait3A_848 = arith.constant 0 : i32
    %dma_wait3A_849 = tpu.memref_slice %arg4[%dma_wait3A_847, %dma_wait3A_848, %add3A_517] : memref<2x8x4096xf32, #tpu.memory_space<vmem>> -> memref<2x8x128xf32, #tpu.memory_space<vmem>>
    tpu.wait_dma2 semaphore(%arg5 : memref<!tpu.dma_semaphore, #tpu.memory_space<semaphore_mem>>) src(%dma_wait3A_849 : memref<2x8x128xf32, #tpu.memory_space<vmem>>) dst(%dma_wait3A_846 : memref<2x8x128xf32, #tpu.memory_space<hbm>>)
    %dma_wait3A_850 = arith.constant 19 : i32
    %dma_wait3A_851 = arith.constant 0 : i32
    %dma_wait3A_852 = arith.constant 0 : i32
    %dma_wait3A_853 = tpu.memref_slice %arg4[%dma_wait3A_851, %dma_wait3A_852, %add3A_519] : memref<2x8x4096xf32, #tpu.memory_space<vmem>> -> memref<2x8x128xf32, #tpu.memory_space<vmem>>
    %dma_wait3A_854 = arith.constant 0 : i32
    %dma_wait3A_855 = arith.constant 0 : i32
    %dma_wait3A_856 = arith.constant 0 : i32
    %dma_wait3A_857 = tpu.memref_slice %arg3[%add3A_475, %dma_wait3A_854, %dma_wait3A_850, %dma_wait3A_855, %dma_wait3A_856] : memref<1024x2x24x8x128xf32, #tpu.memory_space<hbm>> -> memref<1x2x1x8x128xf32, #tpu.memory_space<hbm>>
    %dma_wait3A_858 = tpu.memref_squeeze %dma_wait3A_857 : memref<1x2x1x8x128xf32, #tpu.memory_space<hbm>> -> memref<2x8x128xf32, #tpu.memory_space<hbm>>
    %dma_wait3A_859 = arith.constant 0 : i32
    %dma_wait3A_860 = arith.constant 0 : i32
    %dma_wait3A_861 = arith.constant 0 : i32
    %dma_wait3A_862 = tpu.memref_slice %arg3[%add3A_475, %dma_wait3A_859, %dma_wait3A_850, %dma_wait3A_860, %dma_wait3A_861] : memref<1024x2x24x8x128xf32, #tpu.memory_space<hbm>> -> memref<1x2x1x8x128xf32, #tpu.memory_space<hbm>>
    %dma_wait3A_863 = tpu.memref_squeeze %dma_wait3A_862 : memref<1x2x1x8x128xf32, #tpu.memory_space<hbm>> -> memref<2x8x128xf32, #tpu.memory_space<hbm>>
    %dma_wait3A_864 = arith.constant 0 : i32
    %dma_wait3A_865 = arith.constant 0 : i32
    %dma_wait3A_866 = tpu.memref_slice %arg4[%dma_wait3A_864, %dma_wait3A_865, %add3A_519] : memref<2x8x4096xf32, #tpu.memory_space<vmem>> -> memref<2x8x128xf32, #tpu.memory_space<vmem>>
    tpu.wait_dma2 semaphore(%arg5 : memref<!tpu.dma_semaphore, #tpu.memory_space<semaphore_mem>>) src(%dma_wait3A_866 : memref<2x8x128xf32, #tpu.memory_space<vmem>>) dst(%dma_wait3A_863 : memref<2x8x128xf32, #tpu.memory_space<hbm>>)
    %dma_wait3A_867 = arith.constant 20 : i32
    %dma_wait3A_868 = arith.constant 0 : i32
    %dma_wait3A_869 = arith.constant 0 : i32
    %dma_wait3A_870 = tpu.memref_slice %arg4[%dma_wait3A_868, %dma_wait3A_869, %add3A_521] : memref<2x8x4096xf32, #tpu.memory_space<vmem>> -> memref<2x8x128xf32, #tpu.memory_space<vmem>>
    %dma_wait3A_871 = arith.constant 0 : i32
    %dma_wait3A_872 = arith.constant 0 : i32
    %dma_wait3A_873 = arith.constant 0 : i32
    %dma_wait3A_874 = tpu.memref_slice %arg3[%add3A_475, %dma_wait3A_871, %dma_wait3A_867, %dma_wait3A_872, %dma_wait3A_873] : memref<1024x2x24x8x128xf32, #tpu.memory_space<hbm>> -> memref<1x2x1x8x128xf32, #tpu.memory_space<hbm>>
    %dma_wait3A_875 = tpu.memref_squeeze %dma_wait3A_874 : memref<1x2x1x8x128xf32, #tpu.memory_space<hbm>> -> memref<2x8x128xf32, #tpu.memory_space<hbm>>
    %dma_wait3A_876 = arith.constant 0 : i32
    %dma_wait3A_877 = arith.constant 0 : i32
    %dma_wait3A_878 = arith.constant 0 : i32
    %dma_wait3A_879 = tpu.memref_slice %arg3[%add3A_475, %dma_wait3A_876, %dma_wait3A_867, %dma_wait3A_877, %dma_wait3A_878] : memref<1024x2x24x8x128xf32, #tpu.memory_space<hbm>> -> memref<1x2x1x8x128xf32, #tpu.memory_space<hbm>>
    %dma_wait3A_880 = tpu.memref_squeeze %dma_wait3A_879 : memref<1x2x1x8x128xf32, #tpu.memory_space<hbm>> -> memref<2x8x128xf32, #tpu.memory_space<hbm>>
    %dma_wait3A_881 = arith.constant 0 : i32
    %dma_wait3A_882 = arith.constant 0 : i32
    %dma_wait3A_883 = tpu.memref_slice %arg4[%dma_wait3A_881, %dma_wait3A_882, %add3A_521] : memref<2x8x4096xf32, #tpu.memory_space<vmem>> -> memref<2x8x128xf32, #tpu.memory_space<vmem>>
    tpu.wait_dma2 semaphore(%arg5 : memref<!tpu.dma_semaphore, #tpu.memory_space<semaphore_mem>>) src(%dma_wait3A_883 : memref<2x8x128xf32, #tpu.memory_space<vmem>>) dst(%dma_wait3A_880 : memref<2x8x128xf32, #tpu.memory_space<hbm>>)
    %dma_wait3A_884 = arith.constant 21 : i32
    %dma_wait3A_885 = arith.constant 0 : i32
    %dma_wait3A_886 = arith.constant 0 : i32
    %dma_wait3A_887 = tpu.memref_slice %arg4[%dma_wait3A_885, %dma_wait3A_886, %add3A_523] : memref<2x8x4096xf32, #tpu.memory_space<vmem>> -> memref<2x8x128xf32, #tpu.memory_space<vmem>>
    %dma_wait3A_888 = arith.constant 0 : i32
    %dma_wait3A_889 = arith.constant 0 : i32
    %dma_wait3A_890 = arith.constant 0 : i32
    %dma_wait3A_891 = tpu.memref_slice %arg3[%add3A_475, %dma_wait3A_888, %dma_wait3A_884, %dma_wait3A_889, %dma_wait3A_890] : memref<1024x2x24x8x128xf32, #tpu.memory_space<hbm>> -> memref<1x2x1x8x128xf32, #tpu.memory_space<hbm>>
    %dma_wait3A_892 = tpu.memref_squeeze %dma_wait3A_891 : memref<1x2x1x8x128xf32, #tpu.memory_space<hbm>> -> memref<2x8x128xf32, #tpu.memory_space<hbm>>
    %dma_wait3A_893 = arith.constant 0 : i32
    %dma_wait3A_894 = arith.constant 0 : i32
    %dma_wait3A_895 = arith.constant 0 : i32
    %dma_wait3A_896 = tpu.memref_slice %arg3[%add3A_475, %dma_wait3A_893, %dma_wait3A_884, %dma_wait3A_894, %dma_wait3A_895] : memref<1024x2x24x8x128xf32, #tpu.memory_space<hbm>> -> memref<1x2x1x8x128xf32, #tpu.memory_space<hbm>>
    %dma_wait3A_897 = tpu.memref_squeeze %dma_wait3A_896 : memref<1x2x1x8x128xf32, #tpu.memory_space<hbm>> -> memref<2x8x128xf32, #tpu.memory_space<hbm>>
    %dma_wait3A_898 = arith.constant 0 : i32
    %dma_wait3A_899 = arith.constant 0 : i32
    %dma_wait3A_900 = tpu.memref_slice %arg4[%dma_wait3A_898, %dma_wait3A_899, %add3A_523] : memref<2x8x4096xf32, #tpu.memory_space<vmem>> -> memref<2x8x128xf32, #tpu.memory_space<vmem>>
    tpu.wait_dma2 semaphore(%arg5 : memref<!tpu.dma_semaphore, #tpu.memory_space<semaphore_mem>>) src(%dma_wait3A_900 : memref<2x8x128xf32, #tpu.memory_space<vmem>>) dst(%dma_wait3A_897 : memref<2x8x128xf32, #tpu.memory_space<hbm>>)
    %dma_wait3A_901 = arith.constant 22 : i32
    %dma_wait3A_902 = arith.constant 0 : i32
    %dma_wait3A_903 = arith.constant 0 : i32
    %dma_wait3A_904 = tpu.memref_slice %arg4[%dma_wait3A_902, %dma_wait3A_903, %add3A_525] : memref<2x8x4096xf32, #tpu.memory_space<vmem>> -> memref<2x8x128xf32, #tpu.memory_space<vmem>>
    %dma_wait3A_905 = arith.constant 0 : i32
    %dma_wait3A_906 = arith.constant 0 : i32
    %dma_wait3A_907 = arith.constant 0 : i32
    %dma_wait3A_908 = tpu.memref_slice %arg3[%add3A_475, %dma_wait3A_905, %dma_wait3A_901, %dma_wait3A_906, %dma_wait3A_907] : memref<1024x2x24x8x128xf32, #tpu.memory_space<hbm>> -> memref<1x2x1x8x128xf32, #tpu.memory_space<hbm>>
    %dma_wait3A_909 = tpu.memref_squeeze %dma_wait3A_908 : memref<1x2x1x8x128xf32, #tpu.memory_space<hbm>> -> memref<2x8x128xf32, #tpu.memory_space<hbm>>
    %dma_wait3A_910 = arith.constant 0 : i32
    %dma_wait3A_911 = arith.constant 0 : i32
    %dma_wait3A_912 = arith.constant 0 : i32
    %dma_wait3A_913 = tpu.memref_slice %arg3[%add3A_475, %dma_wait3A_910, %dma_wait3A_901, %dma_wait3A_911, %dma_wait3A_912] : memref<1024x2x24x8x128xf32, #tpu.memory_space<hbm>> -> memref<1x2x1x8x128xf32, #tpu.memory_space<hbm>>
    %dma_wait3A_914 = tpu.memref_squeeze %dma_wait3A_913 : memref<1x2x1x8x128xf32, #tpu.memory_space<hbm>> -> memref<2x8x128xf32, #tpu.memory_space<hbm>>
    %dma_wait3A_915 = arith.constant 0 : i32
    %dma_wait3A_916 = arith.constant 0 : i32
    %dma_wait3A_917 = tpu.memref_slice %arg4[%dma_wait3A_915, %dma_wait3A_916, %add3A_525] : memref<2x8x4096xf32, #tpu.memory_space<vmem>> -> memref<2x8x128xf32, #tpu.memory_space<vmem>>
    tpu.wait_dma2 semaphore(%arg5 : memref<!tpu.dma_semaphore, #tpu.memory_space<semaphore_mem>>) src(%dma_wait3A_917 : memref<2x8x128xf32, #tpu.memory_space<vmem>>) dst(%dma_wait3A_914 : memref<2x8x128xf32, #tpu.memory_space<hbm>>)
    %dma_wait3A_918 = arith.constant 23 : i32
    %dma_wait3A_919 = arith.constant 0 : i32
    %dma_wait3A_920 = arith.constant 0 : i32
    %dma_wait3A_921 = tpu.memref_slice %arg4[%dma_wait3A_919, %dma_wait3A_920, %add3A_527] : memref<2x8x4096xf32, #tpu.memory_space<vmem>> -> memref<2x8x128xf32, #tpu.memory_space<vmem>>
    %dma_wait3A_922 = arith.constant 0 : i32
    %dma_wait3A_923 = arith.constant 0 : i32
    %dma_wait3A_924 = arith.constant 0 : i32
    %dma_wait3A_925 = tpu.memref_slice %arg3[%add3A_475, %dma_wait3A_922, %dma_wait3A_918, %dma_wait3A_923, %dma_wait3A_924] : memref<1024x2x24x8x128xf32, #tpu.memory_space<hbm>> -> memref<1x2x1x8x128xf32, #tpu.memory_space<hbm>>
    %dma_wait3A_926 = tpu.memref_squeeze %dma_wait3A_925 : memref<1x2x1x8x128xf32, #tpu.memory_space<hbm>> -> memref<2x8x128xf32, #tpu.memory_space<hbm>>
    %dma_wait3A_927 = arith.constant 0 : i32
    %dma_wait3A_928 = arith.constant 0 : i32
    %dma_wait3A_929 = arith.constant 0 : i32
    %dma_wait3A_930 = tpu.memref_slice %arg3[%add3A_475, %dma_wait3A_927, %dma_wait3A_918, %dma_wait3A_928, %dma_wait3A_929] : memref<1024x2x24x8x128xf32, #tpu.memory_space<hbm>> -> memref<1x2x1x8x128xf32, #tpu.memory_space<hbm>>
    %dma_wait3A_931 = tpu.memref_squeeze %dma_wait3A_930 : memref<1x2x1x8x128xf32, #tpu.memory_space<hbm>> -> memref<2x8x128xf32, #tpu.memory_space<hbm>>
    %dma_wait3A_932 = arith.constant 0 : i32
    %dma_wait3A_933 = arith.constant 0 : i32
    %dma_wait3A_934 = tpu.memref_slice %arg4[%dma_wait3A_932, %dma_wait3A_933, %add3A_527] : memref<2x8x4096xf32, #tpu.memory_space<vmem>> -> memref<2x8x128xf32, #tpu.memory_space<vmem>>
    tpu.wait_dma2 semaphore(%arg5 : memref<!tpu.dma_semaphore, #tpu.memory_space<semaphore_mem>>) src(%dma_wait3A_934 : memref<2x8x128xf32, #tpu.memory_space<vmem>>) dst(%dma_wait3A_931 : memref<2x8x128xf32, #tpu.memory_space<hbm>>)
    return
  }
}

</mosaic_0001>

<sc_bundles>
// kernel: kernel.3.cloned.1.call-start
scs
__scs_entry_jumppad:
0x0: {  	(pc) =	sbr.rel $0x88, $3  }
0x1: {  	(tag) =	ssettag $0x0;
	lr =	simm.s32 $0x1  }
0x2: {  	[smem:$0x3FA0] =	sst lr;
	_ =	strace $0xD0000000  }
0x3: {  	_ = 	snop  }
0x4: {  	_ = 	snop  }
0x5: {  	_ = 	snop  }
0x6: {  	_ = 	snop  }
0x7: {  	_ = 	snop  }
__scs_overlays_trampoline_lowered:
0x8: {  	[smem:$0x3FAF] =	sst s0  }
0x9: {  	[smem:$0x3FB0] =	sst s1  }
0xa: {  	[smem:$0x3FB1] =	sst s2  }
0xb: {  	[smem:$0x3FB2] =	sst s3  }
0xc: {  	[smem:$0x3FB3] =	sst s4  }
0xd: {  	[smem:$0x3FB4] =	sst s5  }
0xe: {  	[smem:$0x3FB5] =	sst s6  }
0xf: {  	[smem:$0x3FB6] =	sst s7  }
0x10: {  	[smem:$0x3FB7] =	sst s8  }
0x11: {  	[smem:$0x3FB8] =	sst s9;
	s0 =	simm.s32 @!p0 $0x0  }
0x12: {  	s1 =	sld [smem:$0x3F9E];
	s0 =	simm.s32 @p0 $0x1  }
0x13: {  	[smem:$0x3FB9] =	sst s0;
	s0 =	simm.s32 @!p1 $0x0  }
0x14: {  	s2 =	sld [smem:$0x3F9D];
	s0 =	simm.s32 @p1 $0x1  }
0x15: {  	[smem:$0x3FBA] =	sst s0;
	s0 =	simm.s32 @!p2 $0x0  }
0x16: {  	s3 =	sld [smem:$0x3FDB];
	s0 =	simm.s32 @p2 $0x1  }
0x17: {  	s4 =	simm.s32 $0x1BF5;
	[smem:$0x3FBC] =	sst s0  }
0x18: {  	s0 =	sld [smem:$0x3F9F];
	_ =	swait.ge [sflag:s4], $0x0  }
0x19: {  	s7 =	sld [smem:$0x3FA0]  }
0x1a: {  	s8 =	sadd.s32 $0xFFFFE003, lr  }
0x1b: {  	s9 =	sadd.s32 $0xFFFFFEF7, lr;
	s5 =	simm.s32 $0xFFFFFFFF;
	p2 =	slt.u32 s8, $0xFFFFF086  }
0x1c: {  	p1 =	slt.u32 s9, $0xF7A;
	s5 =	simm.s32 @!p2 $0x0  }
0x1d: {  	s5 =	simm.s32 @p1 $0x1;
	p0 =	seq.s32 s7, s2  }
0x1e: {  	s7 =	smul.u32 @!p0 $0xF7A, s2;
	p2 =	seq.s32 @!p0 s5, $0x0  }
0x1f: {  	s9 =	smul.u32 $0xF7A, s1;
	s8 =	simm.s32 @!p0 $0x1BF5;
	p2 =	por !p2, p0  }
0x20: {  	[sflag:s8] =	ssyncset.s32 @!p0 $0xFFFFF086;
	s6 =	sadd.s32 @!p0 s3, s7;
	s7 =	simm.s32 @!p0 $0x108  }
0x21: {  	s3 =	sadd.s32 s3, s9;
	s6 =	sadd.s32 @!p0 $0x88, s6;
	s7 =	simm.s32 @p2 $0x1082  }
0x22: {  	[simem:s7], [sflag:s8] =	dma.local @!p0 [hbm:s6], $0xF7A  }
0x23: {  	s9 =	sor.u32 $0xD0000000, s2;
	s6 =	simm.s32 $0x108;
	_ =	swait.ge @!p0 [sflag:s8], $0x0  }
0x24: {  	s3 =	sadd.s32 $0x88, s3;
	s6 =	simm.s32 @!p1 $0x1082;
	[sflag:s4] =	ssyncset.s32 $0xFFFFF086  }
0x25: {  	[simem:s6], [sflag:s4] =	dma.local [hbm:s3], $0xF7A  }
0x26: {  	[smem:$0x3FA0] =	sst s1;
	(tag) =	ssettag s2;
	_ =	strace s9  }
0x27: {  	s1 =	sld [smem:$0x3FB0]  }
0x28: {  	s2 =	sld [smem:$0x3FB1]  }
0x29: {  	s4 =	sld [smem:$0x3FB3]  }
0x2a: {  	p0 =	seq.s32 s5, $0x0;
	s5 =	sld [smem:$0x3FB4]  }
0x2b: {  	s6 =	sld [smem:$0x3FB5]  }
0x2c: {  	s7 =	sld [smem:$0x3FB6]  }
0x2d: {  	s3 =	simm.s32 $0x108;
	s8 =	sld [smem:$0x3FB7]  }
0x2e: {  	s3 =	simm.s32 @!p0 $0x1082;
	s9 =	sld [smem:$0x3FB8]  }
0x2f: {  	lr =	sadd.s32 s0, s3;
	s0 =	sld [smem:$0x3FAF]  }
0x30: {  	s3 =	sld [smem:$0x3FB2]  }
0x31: {  	[smem:$0x3FBB] =	sst s10  }
0x32: {  	s10 =	sld [smem:$0x3FB9];
	_ =	sdelay $0x3  }
0x33: {  	p0 =	seq.s32 s10, $0x1;
	s10 =	sld [smem:$0x3FBB];
	_ =	sdelay $0x3  }
0x34: {  	[smem:$0x3FBB] =	sst s10  }
0x35: {  	s10 =	sld [smem:$0x3FBA];
	_ =	sdelay $0x3  }
0x36: {  	p1 =	seq.s32 s10, $0x1;
	s10 =	sld [smem:$0x3FBB];
	_ =	sdelay $0x3  }
0x37: {  	[smem:$0x3FBB] =	sst s10  }
0x38: {  	s10 =	sld [smem:$0x3FBC]  }
0x39: {  	_ = 	snop;
	(pc) =	sbr.ind lr, $3  }
0x3a: {  	_ = 	snop  }
0x3b: {  	_ = 	snop  }
0x3c: {  	p2 =	seq.s32 s10, $0x1;
	s10 =	sld [smem:$0x3FBB]  }
0x3d: {  	_ =	shalt  }
0x3e: {  	_ =	shalt  }
0x3f: {  	_ =	shalt  }
0x40: {  	_ =	shalt  }
0x41: {  	_ =	shalt  }
0x42: {  	_ =	shalt  }
0x43: {  	_ =	shalt  }
0x44: {  	_ =	shalt  }
0x45: {  	_ =	shalt  }
0x46: {  	_ =	shalt  }
0x47: {  	_ =	shalt  }
0x48: {  	_ =	shalt  }
0x49: {  	_ =	shalt  }
0x4a: {  	_ =	shalt  }
0x4b: {  	_ =	shalt  }
0x4c: {  	_ =	shalt  }
0x4d: {  	_ =	shalt  }
0x4e: {  	_ =	shalt  }
0x4f: {  	_ =	shalt  }
0x50: {  	_ =	shalt  }
0x51: {  	_ =	shalt  }
0x52: {  	_ =	shalt  }
0x53: {  	_ =	shalt  }
0x54: {  	_ =	shalt  }
0x55: {  	_ =	shalt  }
0x56: {  	_ =	shalt  }
0x57: {  	_ =	shalt  }
0x58: {  	_ =	shalt  }
0x59: {  	_ =	shalt  }
0x5a: {  	_ =	shalt  }
0x5b: {  	_ =	shalt  }
0x5c: {  	_ =	shalt  }
0x5d: {  	_ =	shalt  }
0x5e: {  	_ =	shalt  }
0x5f: {  	_ =	shalt  }
0x60: {  	_ =	shalt  }
0x61: {  	_ =	shalt  }
0x62: {  	_ =	shalt  }
0x63: {  	_ =	shalt  }
0x64: {  	_ =	shalt  }
0x65: {  	_ =	shalt  }
0x66: {  	_ =	shalt  }
0x67: {  	_ =	shalt  }
0x68: {  	_ =	shalt  }
0x69: {  	_ =	shalt  }
0x6a: {  	_ =	shalt  }
0x6b: {  	_ =	shalt  }
0x6c: {  	_ =	shalt  }
0x6d: {  	_ =	shalt  }
0x6e: {  	_ =	shalt  }
0x6f: {  	_ =	shalt  }
0x70: {  	_ =	shalt  }
0x71: {  	_ =	shalt  }
0x72: {  	_ =	shalt  }
0x73: {  	_ =	shalt  }
0x74: {  	_ =	shalt  }
0x75: {  	_ =	shalt  }
0x76: {  	_ =	shalt  }
0x77: {  	_ =	shalt  }
0x78: {  	_ =	shalt  }
0x79: {  	_ =	shalt  }
0x7a: {  	_ =	shalt  }
0x7b: {  	_ =	shalt  }
0x7c: {  	_ =	shalt  }
0x7d: {  	_ =	shalt  }
0x7e: {  	_ =	shalt  }
0x7f: {  	_ =	shalt  }
0x80: {  	_ =	shalt  }
0x81: {  	_ =	shalt  }
0x82: {  	_ =	shalt  }
0x83: {  	_ =	shalt  }
0x84: {  	_ =	shalt  }
0x85: {  	_ =	shalt  }
0x86: {  	_ =	shalt  }
0x87: {  	_ =	shalt  }
.Lfunc_end0:
.L_simem_size_0:
called_computation_lowered:
.L_overlay_start_0:
0x88: {  	s2 =	sld [smem:$0x3FD9]  }
0x89: {  	s3 =	sld [smem:$0x3FFE];
	_ =	sdelay $0x1  }
0x8a: {  	s1 =	srdreg.scid  }
0x8b: {  	s0 =	sand.u32 $0x1, s1  }
0x8c: {  	s17 =	sshll.u32 s0, $0xA;
	s2 =	sadd.s32 s3, s2  }
0x8d: {  	s2 =	sadd.s32 s2, s17  }
0x8e: {  	[smem:$0x3FC7] =	sst s2  }
0x8f: {  	_ = 	snop  }
0x90: {  	s2 =	sld [smem:$0x3FD0];
	(tm) =	ssettm $0x1  }
0x91: {  	s18 =	sld [smem:$0x3FFB];
	_ =	sdelay $0x3  }
0x92: {  	_ =	strace s18  }
0x93: {  	s3 =	sld [smem:$0x3FFC];
	_ =	sdelay $0x3  }
0x94: {  	_ =	strace s3  }
0x95: {  	s3 =	sld [smem:$0x3FFD];
	_ =	sdelay $0x3  }
0x96: {  	_ =	strace s3  }
0x97: {  	_ =	strace $0x8FFFFFFF  }
0x98: {  	s19 =	sld [smem:$0x3FDB];
	_ =	sdelay $0x1  }
0x99: {  	s4 =	simm.s32 $_scs_section_size  }
0x9a: {  	s5 =	simm.s32 $_size__tile_overlayer_lowered;
	s6 =	simm.s32 $_tile_overlayer_lowered  }
0x9b: {  	s22 =	simm.s32 $0x1BFF;
	s21 =	sshll.u32 s6, $0x1;
	s3 =	sadd.s32 s4, s19  }
0x9c: {  	s7 =	simm.s32 $0x0;
	s20 =	sshll.u32 s5, $0x1;
	s5 =	sadd.s32 s21, s3  }
0x9d: {  	[timem:s7], [sflag:s22] =	dma.local [hbm:s5], s20  }
0x9e: {  	_ =	swait.ge [sflag:s22], s20  }
0x9f: {  	s4 =	ssub.s32 $0x0, s20;
	[sflag:s22] =	ssyncset.done $0x0  }
0xa0: {  	[sflag:s22] =	ssyncadd.s32 s4;
	_ =	sdelay $0x1  }
0xa1: {  	s23 =	simm.s32 $0x1B8B  }
0xa2: {  	_ =	swait.ge [sflag:s23], $0x1  }
0xa3: {  	[sflag:s23] =	ssyncset.done $0x0  }
0xa4: {  	s25 =	simm.s32 $0x1B8E;
	s24 =	sld [smem:$0x3FFE];
	[sflag:s23] =	ssyncadd.s32 $0xFFFFFFFF  }
0xa5: {  	s26 =	simm.s32 $execute0_lowered;
	[smem:$0x3FD2] =	sst s25  }
0xa6: {  	s5 =	sshll.u32 s26, $0x1;
	_ =	strace $0x80000046;
	[dreg:$0x1] =	wrdreg $0xFFFFFFFF  }
0xa7: {  	s28 =	simm.s32 $_size_execute0_lowered;
	s3 =	sadd.s32 s3, s5;
	[dreg:$0x0] =	wrdreg $0x0  }
0xa8: {  	s5 =	sshll.u32 s28, $0x1;
	[dreg:$0x2] =	wrdreg s3  }
0xa9: {  	[dreg:$0x3] =	wrdreg s5  }
0xaa: {  	[dreg:$0x4] =	wrdreg $0xC0  }
0xab: {  	_ =	task [dreg:s7], $0x5FFFF  }
0xac: {  	[dreg:$0x1] =	wrdreg $0xFFFFFFFF  }
0xad: {  	[dreg:$0x0] =	wrdreg $0x60  }
0xae: {  	[dreg:$0x2] =	wrdreg s24  }
0xaf: {  	[dreg:$0x3] =	wrdreg s2  }
0xb0: {  	[dreg:$0x4] =	wrdreg $0x9  }
0xb1: {  	_ =	task.clear_ibuf [dreg:s7], $0x5FFFF;
	_ =	strace $0x90000046  }
0xb2: {  	s29 =	simm.s32 $0x9;
	_ =	strace $0x80000048  }
0xb3: {  	_ =	swait.ge [sflag:s29], $0x1  }
0xb4: {  	[sflag:s29] =	ssyncadd.s32 $0xFFFFFFFF  }
0xb5: {  	_ =	strace $0x90000048  }
0xb6: {  	_ =	sfence  }
0xb7: {  	s30 =	sld [smem:$0x0];
	_ =	sdelay $0x2  }
0xb8: {  	s31 =	sshll.u32 s1, $0xD;
	s1 =	sshrl.u32 s1, $0x2  }
0xb9: {  	s3 =	sand.u32 $0x4000, s31;
	s1 =	sadd.s32 s1, s30  }
0xba: {  	s0 =	sor.u32 s3, s0;
	s1 =	sshll.u32 s1, $0x11  }
0xbb: {  	s0 =	sor.u32 s1, s0  }
0xbc: {  	s0 =	sadd.s32 $0x8F2B, s0  }
0xbd: {  	[sflag:s0] =	ssyncadd.remote.s32 $0x1  }
0xbe: {  	_ =	sfence.sel $0xFFFF  }
0xbf: {  	[dreg:$0x0] =	wrdreg $0xFFFFFFFF;
	(pc) =	sbr.abs _section_cstart, $3  }
0xc0: {  	[dreg:$0x1] =	wrdreg $0xFFFFFFFF  }
0xc1: {  	_ =	task.clear_ibuf [dreg:s7], $0x2FFFF;
	_ =	strace $0x9FFFFFFF  }
0xc2: {  	(tm) =	ssettm $0x7FFFFFFF  }
0xc3: {  	_ =	shalt  }
tec
execute0_lowered:
.L_overlay_start_1:
0x0: {  	(tag) =	ssettag $0x1  }
0x1: {  	s0 =	srdreg.scid;
	s1 =	rddreg [dreg:$0x0]  }
0x2: {  	s2 =	stileid.u32;
	s20 =	rddreg [dreg:$0x1];
	s4 =	simm.s32 $0x0  }
0x3: {  	s0 =	sand.u32 $0x1, s0;
	s2 =	sshll.u32 s2, $0x1;
	[smem:$0x7FF] =	sst s4  }
0x4: {  	s3 =	sor.u32 s0, s2;
	s0 =	ssub.s32 $0x2, s0;
	_ =	strace $0x80000047  }
0x5: {  	s15 =	sxor.u32 $0xFFFFFFFF, s2;
	s26 =	sand.u32 $0x18, s2;
	s6 =	sxor.u32 $0x3FF, s3  }
0x6: {  	s8 =	smul.u32 $0xC000, s3;
	s19 =	sshrl.u32 s0, $0x1;
	s2 =	sand.u32 $0x678, s15  }
0x7: {  	s5 =	sand.u32 $0x7, s6;
	s0 =	ssub.s32 s0, s19;
	s6 =	sand.u32 $0x3F8, s6  }
0x8: {  	[dreg:$0x1a] =	wrdreg s2;
	s7 =	sshll.u32 s5, $0xD;
	s0 =	smax.u32 s0, $0x1  }
0x9: {  	[dreg:$0x5] =	wrdreg s6;
	s1 =	sadd.s32 s7, s1;
	s7 =	sshrl.u32 s8, $0x3  }
0xa: {  	s8 =	sadd.s32 $0x80, s20;
	[smem:$0x685] =	sst s0;
	s1 =	sadd.s32 $0x600, s1  }
0xb: {  	s11 =	sadd.s32 $0x100, s20;
	s21 =	sadd.s32 s7, s8;
	[dreg:$0x3] =	wrdreg s1  }
0xc: {  	s13 =	sadd.s32 $0x180, s20;
	s22 =	sadd.s32 s7, s11;
	[dreg:$0x6] =	wrdreg s21  }
0xd: {  	s14 =	sadd.s32 $0x200, s20;
	s23 =	sadd.s32 s7, s13;
	[dreg:$0x7] =	wrdreg s22  }
0xe: {  	s17 =	sadd.s32 $0x280, s20;
	s24 =	sadd.s32 s7, s14;
	[dreg:$0x8] =	wrdreg s23  }
0xf: {  	s19 =	sadd.s32 $0x300, s20;
	s25 =	sadd.s32 s7, s17;
	[dreg:$0x9] =	wrdreg s24  }
0x10: {  	s9 =	sadd.s32 s7, s19;
	[dreg:$0xa] =	wrdreg s25  }
0x11: {  	s16 =	sadd.s32 s20, s7;
	[dreg:$0xb] =	wrdreg s9  }
0x12: {  	s29 =	sadd.s32 $0x500, s20;
	s1 =	sxor.u32 $0x7F8, s26;
	[dreg:$0x4] =	wrdreg s16  }
0x13: {  	s31 =	sadd.s32 $0x580, s20;
	s22 =	sadd.s32 s7, s29;
	[dreg:$0xc] =	wrdreg s1  }
0x14: {  	s9 =	sadd.s32 s7, s31;
	[dreg:$0x10] =	wrdreg s22  }
0x15: {  	s21 =	sadd.s32 $0x380, s20;
	s26 =	sand.u32 $0x6F8, s15;
	[dreg:$0x11] =	wrdreg s9  }
0x16: {  	s24 =	sadd.s32 $0x400, s20;
	s10 =	sadd.s32 s7, s21;
	[dreg:$0x1b] =	wrdreg s26  }
0x17: {  	s25 =	sadd.s32 $0x480, s20;
	s12 =	sadd.s32 s7, s24;
	[dreg:$0xd] =	wrdreg s10  }
0x18: {  	s18 =	sadd.s32 s7, s25;
	[dreg:$0xe] =	wrdreg s12  }
0x19: {  	s26 =	sand.u32 $0x778, s15;
	[dreg:$0xf] =	wrdreg s18  }
0x1a: {  	s1 =	sadd.s32 $0x600, s20;
	s22 =	sand.u32 $0x578, s15;
	[dreg:$0x1c] =	wrdreg s26  }
0x1b: {  	s9 =	sadd.s32 $0x680, s20;
	s23 =	sadd.s32 s7, s1;
	[dreg:$0x18] =	wrdreg s22  }
0x1c: {  	s10 =	sadd.s32 s7, s9;
	[dreg:$0x12] =	wrdreg s23  }
0x1d: {  	s26 =	sand.u32 $0x878, s15;
	[dreg:$0x13] =	wrdreg s10  }
0x1e: {  	[dreg:$0x1d] =	wrdreg s26;
	s26 =	sand.u32 $0x8F8, s15  }
0x1f: {  	s10 =	sadd.s32 $0x700, s20;
	s23 =	sand.u32 $0x5F8, s15;
	[dreg:$0x1e] =	wrdreg s26  }
0x20: {  	s12 =	sadd.s32 $0x780, s20;
	s18 =	sadd.s32 s7, s10;
	[dreg:$0x19] =	wrdreg s23  }
0x21: {  	s7 =	sadd.s32 s7, s12;
	[dreg:$0x14] =	wrdreg s18  }
0x22: {  	s26 =	sand.u32 $0x978, s15;
	[dreg:$0x15] =	wrdreg s7  }
0x23: {  	[dreg:$0x1f] =	wrdreg s26;
	s26 =	sand.u32 $0x9F8, s15  }
0x24: {  	s7 =	sand.u32 $0x478, s15;
	[smem:$0x73E] =	sst s26  }
0x25: {  	s18 =	sand.u32 $0x4F8, s15;
	[dreg:$0x16] =	wrdreg s7  }
0x26: {  	s26 =	sand.u32 $0xA78, s15;
	[dreg:$0x17] =	wrdreg s18  }
0x27: {  	[smem:$0x74E] =	sst s26;
	s26 =	sand.u32 $0xAF8, s15  }
0x28: {  	[smem:$0x75E] =	sst s26;
	s26 =	sand.u32 $0xB78, s15  }
0x29: {  	[smem:$0x76E] =	sst s26;
	s26 =	sand.u32 $0xBF8, s15  }
0x2a: {  	[smem:$0x77E] =	sst s26;
	s26 =	sand.u32 $0xC78, s15  }
0x2b: {  	[smem:$0x78E] =	sst s26;
	s26 =	sand.u32 $0xCF8, s15  }
0x2c: {  	[smem:$0x79E] =	sst s26;
	s26 =	sand.u32 $0xD78, s15  }
0x2d: {  	[smem:$0x7AE] =	sst s26;
	s26 =	sand.u32 $0xDF8, s15  }
0x2e: {  	[smem:$0x7BE] =	sst s26;
	s26 =	sand.u32 $0xE78, s15  }
0x2f: {  	[smem:$0x7CE] =	sst s26;
	s26 =	sand.u32 $0xEF8, s15  }
0x30: {  	s15 =	sand.u32 $0xF78, s15;
	[smem:$0x7DE] =	sst s26  }
0x31: {  	s26 =	sadd.s32 $0x800, s16;
	[smem:$0x7FC] =	sst s15  }
0x32: {  	s28 =	sadd.s32 $0xA80, s16;
	[smem:$0x686] =	sst s26;
	s26 =	sadd.s32 $0x880, s16  }
0x33: {  	s30 =	sadd.s32 $0xB00, s16;
	[smem:$0x687] =	sst s26;
	s26 =	sadd.s32 $0x900, s16  }
0x34: {  	s0 =	sadd.s32 $0xB80, s16;
	[smem:$0x688] =	sst s26;
	s26 =	sadd.s32 $0x980, s16  }
0x35: {  	[smem:$0x689] =	sst s26;
	s26 =	sadd.s32 $0xA00, s16;
	s16 =	sor.u32 $0x1000, s6  }
0x36: {  	[smem:$0x68A] =	sst s16;
	s16 =	sor.u32 $0x2000, s6  }
0x37: {  	[smem:$0x68B] =	sst s16;
	s16 =	sor.u32 $0x3000, s6  }
0x38: {  	[smem:$0x68C] =	sst s16;
	s16 =	sor.u32 $0x4000, s6  }
0x39: {  	[smem:$0x68D] =	sst s16;
	s16 =	sor.u32 $0x5000, s6  }
0x3a: {  	[smem:$0x68E] =	sst s16;
	s16 =	sor.u32 $0x6000, s6  }
0x3b: {  	[smem:$0x68F] =	sst s16;
	s16 =	sor.u32 $0x7000, s6  }
0x3c: {  	[smem:$0x690] =	sst s16;
	s16 =	sor.u32 $0x8000, s6  }
0x3d: {  	[smem:$0x691] =	sst s16;
	s16 =	sor.u32 $0x9000, s6  }
0x3e: {  	[smem:$0x692] =	sst s16;
	s16 =	sor.u32 $0xA000, s6  }
0x3f: {  	[smem:$0x693] =	sst s16;
	s16 =	sor.u32 $0xB000, s6  }
0x40: {  	[smem:$0x694] =	sst s16;
	s16 =	sor.u32 $0xC000, s6  }
0x41: {  	[smem:$0x695] =	sst s16;
	s16 =	sor.u32 $0xD000, s6  }
0x42: {  	[smem:$0x696] =	sst s16;
	s16 =	sor.u32 $0xE000, s6  }
0x43: {  	s6 =	sor.u32 $0xF000, s6;
	[smem:$0x697] =	sst s16  }
0x44: {  	[smem:$0x698] =	sst s6  }
0x45: {  	s16 =	sor.u32 $0x1000, s7;
	s6 =	rddreg [dreg:$0x1b]  }
0x46: {  	[smem:$0x699] =	sst s16;
	s16 =	sor.u32 $0x2000, s7  }
0x47: {  	[smem:$0x69A] =	sst s16;
	s16 =	sor.u32 $0x3000, s7  }
0x48: {  	[smem:$0x69B] =	sst s16;
	s16 =	sor.u32 $0x4000, s7  }
0x49: {  	[smem:$0x69C] =	sst s16;
	s16 =	sor.u32 $0x5000, s7  }
0x4a: {  	[smem:$0x69D] =	sst s16;
	s16 =	sor.u32 $0x6000, s7  }
0x4b: {  	[smem:$0x69E] =	sst s16;
	s16 =	sor.u32 $0x7000, s7  }
0x4c: {  	[smem:$0x69F] =	sst s16;
	s16 =	sor.u32 $0x8000, s7  }
0x4d: {  	[smem:$0x6A0] =	sst s16;
	s16 =	sor.u32 $0x9000, s7  }
0x4e: {  	[smem:$0x6A1] =	sst s16;
	s16 =	sor.u32 $0xA000, s7  }
0x4f: {  	[smem:$0x6A2] =	sst s16;
	s16 =	sor.u32 $0xB000, s7  }
0x50: {  	[smem:$0x6A3] =	sst s16;
	s16 =	sor.u32 $0xC000, s7  }
0x51: {  	[smem:$0x6A4] =	sst s16;
	s16 =	sor.u32 $0xD000, s7  }
0x52: {  	[smem:$0x6A5] =	sst s16;
	s16 =	sor.u32 $0xE000, s7  }
0x53: {  	[smem:$0x6A6] =	sst s16;
	s16 =	sor.u32 $0xF000, s7  }
0x54: {  	s7 =	sor.u32 $0x1000, s18;
	[smem:$0x6A7] =	sst s16  }
0x55: {  	[smem:$0x6A8] =	sst s7;
	s16 =	sor.u32 $0x2000, s18  }
0x56: {  	s7 =	sor.u32 $0x3000, s18;
	[smem:$0x6A9] =	sst s16  }
0x57: {  	[smem:$0x6AA] =	sst s7;
	s16 =	sor.u32 $0x4000, s18  }
0x58: {  	s7 =	sor.u32 $0x5000, s18;
	[smem:$0x6AB] =	sst s16  }
0x59: {  	[smem:$0x6AC] =	sst s7;
	s16 =	sor.u32 $0x6000, s18  }
0x5a: {  	s7 =	sor.u32 $0x7000, s18;
	[smem:$0x6AD] =	sst s16  }
0x5b: {  	[smem:$0x6AE] =	sst s7;
	s16 =	sor.u32 $0x8000, s18  }
0x5c: {  	s7 =	sor.u32 $0x9000, s18;
	[smem:$0x6AF] =	sst s16  }
0x5d: {  	[smem:$0x6B0] =	sst s7;
	s16 =	sor.u32 $0xA000, s18  }
0x5e: {  	s7 =	sor.u32 $0xB000, s18;
	[smem:$0x6B1] =	sst s16  }
0x5f: {  	[smem:$0x6B2] =	sst s7;
	s16 =	sor.u32 $0xC000, s18  }
0x60: {  	s7 =	sor.u32 $0xD000, s18;
	[smem:$0x6B3] =	sst s16  }
0x61: {  	[smem:$0x6B4] =	sst s7;
	s16 =	sor.u32 $0xE000, s18  }
0x62: {  	s7 =	sor.u32 $0xF000, s18;
	[smem:$0x6B5] =	sst s16  }
0x63: {  	s18 =	sor.u32 $0x2000, s22;
	[smem:$0x6B6] =	sst s7  }
0x64: {  	s16 =	sor.u32 $0x1000, s22;
	[smem:$0x6B8] =	sst s18  }
0x65: {  	s7 =	sor.u32 $0x3000, s22;
	[smem:$0x6B7] =	sst s16  }
0x66: {  	s18 =	sor.u32 $0x5000, s22;
	[smem:$0x6B9] =	sst s7  }
0x67: {  	s16 =	sor.u32 $0x4000, s22;
	[smem:$0x6BB] =	sst s18  }
0x68: {  	s7 =	sor.u32 $0x6000, s22;
	[smem:$0x6BA] =	sst s16  }
0x69: {  	s18 =	sor.u32 $0x8000, s22;
	[smem:$0x6BC] =	sst s7  }
0x6a: {  	s16 =	sor.u32 $0x7000, s22;
	[smem:$0x6BE] =	sst s18  }
0x6b: {  	s7 =	sor.u32 $0x9000, s22;
	[smem:$0x6BD] =	sst s16  }
0x6c: {  	s18 =	sor.u32 $0xB000, s22;
	[smem:$0x6BF] =	sst s7  }
0x6d: {  	s16 =	sor.u32 $0xA000, s22;
	[smem:$0x6C1] =	sst s18  }
0x6e: {  	s7 =	sor.u32 $0xC000, s22;
	[smem:$0x6C0] =	sst s16  }
0x6f: {  	s18 =	sor.u32 $0xE000, s22;
	[smem:$0x6C2] =	sst s7  }
0x70: {  	s16 =	sor.u32 $0xD000, s22;
	[smem:$0x6C4] =	sst s18  }
0x71: {  	s22 =	sor.u32 $0xF000, s22;
	[smem:$0x6C3] =	sst s16  }
0x72: {  	s7 =	sor.u32 $0x1000, s23;
	[smem:$0x6C5] =	sst s22  }
0x73: {  	s18 =	sor.u32 $0x3000, s23;
	[smem:$0x6C6] =	sst s7  }
0x74: {  	s16 =	sor.u32 $0x2000, s23;
	[smem:$0x6C8] =	sst s18  }
0x75: {  	s22 =	sor.u32 $0x4000, s23;
	[smem:$0x6C7] =	sst s16  }
0x76: {  	s7 =	sor.u32 $0x5000, s23;
	[smem:$0x6C9] =	sst s22  }
0x77: {  	s18 =	sor.u32 $0x7000, s23;
	[smem:$0x6CA] =	sst s7  }
0x78: {  	s16 =	sor.u32 $0x6000, s23;
	[smem:$0x6CC] =	sst s18  }
0x79: {  	s22 =	sor.u32 $0x8000, s23;
	[smem:$0x6CB] =	sst s16  }
0x7a: {  	s7 =	sor.u32 $0x9000, s23;
	[smem:$0x6CD] =	sst s22  }
0x7b: {  	s18 =	sor.u32 $0xB000, s23;
	[smem:$0x6CE] =	sst s7  }
0x7c: {  	s16 =	sor.u32 $0xA000, s23;
	[smem:$0x6D0] =	sst s18  }
0x7d: {  	s22 =	sor.u32 $0xC000, s23;
	[smem:$0x6CF] =	sst s16  }
0x7e: {  	s7 =	sor.u32 $0xD000, s23;
	[smem:$0x6D1] =	sst s22  }
0x7f: {  	s18 =	sor.u32 $0xF000, s23;
	[smem:$0x6D2] =	sst s7  }
0x80: {  	s16 =	sor.u32 $0xE000, s23;
	[smem:$0x6D4] =	sst s18  }
0x81: {  	s22 =	sor.u32 $0x1000, s2;
	[smem:$0x6D3] =	sst s16  }
0x82: {  	s23 =	sor.u32 $0x2000, s2;
	[smem:$0x6D5] =	sst s22  }
0x83: {  	s7 =	sor.u32 $0x3000, s2;
	[smem:$0x6D6] =	sst s23  }
0x84: {  	s18 =	sor.u32 $0x5000, s2;
	[smem:$0x6D7] =	sst s7  }
0x85: {  	s16 =	sor.u32 $0x4000, s2;
	[smem:$0x6D9] =	sst s18  }
0x86: {  	s22 =	sor.u32 $0x6000, s2;
	[smem:$0x6D8] =	sst s16  }
0x87: {  	s23 =	sor.u32 $0x7000, s2;
	[smem:$0x6DA] =	sst s22  }
0x88: {  	s7 =	sor.u32 $0x8000, s2;
	[smem:$0x6DB] =	sst s23  }
0x89: {  	s18 =	sor.u32 $0xA000, s2;
	[smem:$0x6DC] =	sst s7  }
0x8a: {  	s16 =	sor.u32 $0x9000, s2;
	[smem:$0x6DE] =	sst s18  }
0x8b: {  	s22 =	sor.u32 $0xB000, s2;
	[smem:$0x6DD] =	sst s16  }
0x8c: {  	s23 =	sor.u32 $0xC000, s2;
	[smem:$0x6DF] =	sst s22  }
0x8d: {  	s7 =	sor.u32 $0xD000, s2;
	[smem:$0x6E0] =	sst s23  }
0x8e: {  	s18 =	sor.u32 $0x1000, s6;
	[smem:$0x6E1] =	sst s7  }
0x8f: {  	s16 =	sor.u32 $0xE000, s2;
	[smem:$0x6E4] =	sst s18  }
0x90: {  	s2 =	sor.u32 $0xF000, s2;
	[smem:$0x6E2] =	sst s16  }
0x91: {  	s22 =	sor.u32 $0x2000, s6;
	[smem:$0x6E3] =	sst s2  }
0x92: {  	s23 =	sor.u32 $0x3000, s6;
	[smem:$0x6E5] =	sst s22  }
0x93: {  	s7 =	sor.u32 $0x4000, s6;
	[smem:$0x6E6] =	sst s23  }
0x94: {  	s18 =	sor.u32 $0x6000, s6;
	[smem:$0x6E7] =	sst s7  }
0x95: {  	s16 =	sor.u32 $0x5000, s6;
	[smem:$0x6E9] =	sst s18  }
0x96: {  	s22 =	sor.u32 $0x7000, s6;
	[smem:$0x6E8] =	sst s16  }
0x97: {  	s23 =	sor.u32 $0x8000, s6;
	[smem:$0x6EA] =	sst s22  }
0x98: {  	s7 =	sor.u32 $0x9000, s6;
	[smem:$0x6EB] =	sst s23  }
0x99: {  	s18 =	sor.u32 $0xB000, s6;
	[smem:$0x6EC] =	sst s7  }
0x9a: {  	s16 =	sor.u32 $0xA000, s6;
	[smem:$0x6EE] =	sst s18  }
0x9b: {  	s22 =	sor.u32 $0xC000, s6;
	[smem:$0x6ED] =	sst s16  }
0x9c: {  	s23 =	sor.u32 $0xD000, s6;
	[smem:$0x6EF] =	sst s22  }
0x9d: {  	s7 =	sor.u32 $0xE000, s6;
	[smem:$0x6F0] =	sst s23  }
0x9e: {  	[smem:$0x6F1] =	sst s7  }
0x9f: {  	s16 =	sor.u32 $0xF000, s6;
	s6 =	rddreg [dreg:$0x1c]  }
0xa0: {  	[smem:$0x6F2] =	sst s16;
	s18 =	sor.u32 $0x1000, s6  }
0xa1: {  	s22 =	sor.u32 $0x2000, s6;
	[smem:$0x6F3] =	sst s18  }
0xa2: {  	s23 =	sor.u32 $0x3000, s6;
	[smem:$0x6F4] =	sst s22  }
0xa3: {  	s7 =	sor.u32 $0x4000, s6;
	[smem:$0x6F5] =	sst s23  }
0xa4: {  	s16 =	sor.u32 $0x5000, s6;
	[smem:$0x6F6] =	sst s7  }
0xa5: {  	[smem:$0x6F7] =	sst s16;
	s18 =	sor.u32 $0x6000, s6  }
0xa6: {  	s22 =	sor.u32 $0x7000, s6;
	[smem:$0x6F8] =	sst s18  }
0xa7: {  	s23 =	sor.u32 $0x8000, s6;
	[smem:$0x6F9] =	sst s22  }
0xa8: {  	s7 =	sor.u32 $0x9000, s6;
	[smem:$0x6FA] =	sst s23  }
0xa9: {  	s16 =	sor.u32 $0xA000, s6;
	[smem:$0x6FB] =	sst s7  }
0xaa: {  	[smem:$0x6FC] =	sst s16  }
0xab: {  	s18 =	sor.u32 $0xB000, s6;
	s22 =	sor.u32 $0xC000, s6;
	s23 =	sor.u32 $0xD000, s6  }
0xac: {  	s7 =	sor.u32 $0xE000, s6;
	s16 =	sor.u32 $0xF000, s6;
	s6 =	rddreg [dreg:$0xc]  }
0xad: {  	[smem:$0x6FD] =	sst s18  }
0xae: {  	[smem:$0x6FE] =	sst s22  }
0xaf: {  	[smem:$0x6FF] =	sst s23  }
0xb0: {  	[smem:$0x700] =	sst s7  }
0xb1: {  	[smem:$0x701] =	sst s16;
	s18 =	sor.u32 $0x1000, s6  }
0xb2: {  	s22 =	sor.u32 $0x2000, s6;
	[smem:$0x702] =	sst s18  }
0xb3: {  	s23 =	sor.u32 $0x3000, s6;
	[smem:$0x703] =	sst s22  }
0xb4: {  	s7 =	sor.u32 $0x4000, s6;
	[smem:$0x704] =	sst s23  }
0xb5: {  	s16 =	sor.u32 $0x5000, s6;
	[smem:$0x705] =	sst s7  }
0xb6: {  	[smem:$0x706] =	sst s16;
	s18 =	sor.u32 $0x6000, s6  }
0xb7: {  	s22 =	sor.u32 $0x7000, s6;
	[smem:$0x707] =	sst s18  }
0xb8: {  	s23 =	sor.u32 $0x8000, s6;
	[smem:$0x708] =	sst s22  }
0xb9: {  	s7 =	sor.u32 $0x9000, s6;
	[smem:$0x709] =	sst s23  }
0xba: {  	s16 =	sor.u32 $0xA000, s6;
	[smem:$0x70A] =	sst s7  }
0xbb: {  	[smem:$0x70B] =	sst s16  }
0xbc: {  	s18 =	sor.u32 $0xB000, s6;
	s22 =	sor.u32 $0xC000, s6;
	s23 =	sor.u32 $0xD000, s6  }
0xbd: {  	s7 =	sor.u32 $0xE000, s6;
	s16 =	sor.u32 $0xF000, s6;
	s6 =	rddreg [dreg:$0x1d]  }
0xbe: {  	[smem:$0x70C] =	sst s18  }
0xbf: {  	[smem:$0x70D] =	sst s22  }
0xc0: {  	[smem:$0x70E] =	sst s23  }
0xc1: {  	[smem:$0x70F] =	sst s7  }
0xc2: {  	[smem:$0x710] =	sst s16;
	s18 =	sor.u32 $0x1000, s6  }
0xc3: {  	s22 =	sor.u32 $0x2000, s6;
	[smem:$0x711] =	sst s18  }
0xc4: {  	s23 =	sor.u32 $0x3000, s6;
	[smem:$0x712] =	sst s22  }
0xc5: {  	s7 =	sor.u32 $0x4000, s6;
	[smem:$0x713] =	sst s23  }
0xc6: {  	s16 =	sor.u32 $0x5000, s6;
	[smem:$0x714] =	sst s7  }
0xc7: {  	[smem:$0x715] =	sst s16;
	s18 =	sor.u32 $0x6000, s6  }
0xc8: {  	s22 =	sor.u32 $0x7000, s6;
	[smem:$0x716] =	sst s18  }
0xc9: {  	s23 =	sor.u32 $0x8000, s6;
	[smem:$0x717] =	sst s22  }
0xca: {  	s7 =	sor.u32 $0x9000, s6;
	[smem:$0x718] =	sst s23  }
0xcb: {  	s16 =	sor.u32 $0xA000, s6;
	[smem:$0x719] =	sst s7  }
0xcc: {  	[smem:$0x71A] =	sst s16  }
0xcd: {  	s18 =	sor.u32 $0xB000, s6;
	s22 =	sor.u32 $0xC000, s6;
	s23 =	sor.u32 $0xD000, s6  }
0xce: {  	s7 =	sor.u32 $0xE000, s6;
	s16 =	sor.u32 $0xF000, s6;
	s6 =	rddreg [dreg:$0x1e]  }
0xcf: {  	[smem:$0x71B] =	sst s18  }
0xd0: {  	[smem:$0x71C] =	sst s22  }
0xd1: {  	[smem:$0x71D] =	sst s23  }
0xd2: {  	[smem:$0x71E] =	sst s7  }
0xd3: {  	[smem:$0x71F] =	sst s16;
	s18 =	sor.u32 $0x1000, s6  }
0xd4: {  	s22 =	sor.u32 $0x2000, s6;
	[smem:$0x720] =	sst s18  }
0xd5: {  	s23 =	sor.u32 $0x3000, s6;
	[smem:$0x721] =	sst s22  }
0xd6: {  	s7 =	sor.u32 $0x4000, s6;
	[smem:$0x722] =	sst s23  }
0xd7: {  	s16 =	sor.u32 $0x5000, s6;
	[smem:$0x723] =	sst s7  }
0xd8: {  	[smem:$0x724] =	sst s16;
	s18 =	sor.u32 $0x6000, s6  }
0xd9: {  	s22 =	sor.u32 $0x7000, s6;
	[smem:$0x725] =	sst s18  }
0xda: {  	s23 =	sor.u32 $0x8000, s6;
	[smem:$0x726] =	sst s22  }
0xdb: {  	s7 =	sor.u32 $0x9000, s6;
	[smem:$0x727] =	sst s23  }
0xdc: {  	s16 =	sor.u32 $0xA000, s6;
	[smem:$0x728] =	sst s7  }
0xdd: {  	[smem:$0x729] =	sst s16  }
0xde: {  	s18 =	sor.u32 $0xB000, s6;
	s22 =	sor.u32 $0xC000, s6;
	s23 =	sor.u32 $0xD000, s6  }
0xdf: {  	s7 =	sor.u32 $0xE000, s6;
	s16 =	sor.u32 $0xF000, s6;
	s6 =	rddreg [dreg:$0x1f]  }
0xe0: {  	[smem:$0x72A] =	sst s18  }
0xe1: {  	[smem:$0x72B] =	sst s22  }
0xe2: {  	[smem:$0x72C] =	sst s23  }
0xe3: {  	[smem:$0x72D] =	sst s7  }
0xe4: {  	[smem:$0x72E] =	sst s16;
	s18 =	sor.u32 $0x1000, s6  }
0xe5: {  	s22 =	sor.u32 $0x2000, s6;
	[smem:$0x72F] =	sst s18  }
0xe6: {  	s23 =	sor.u32 $0x3000, s6;
	[smem:$0x730] =	sst s22  }
0xe7: {  	s7 =	sor.u32 $0x4000, s6;
	[smem:$0x731] =	sst s23  }
0xe8: {  	s16 =	sor.u32 $0x5000, s6;
	[smem:$0x732] =	sst s7  }
0xe9: {  	[smem:$0x733] =	sst s16;
	s18 =	sor.u32 $0x6000, s6  }
0xea: {  	s22 =	sor.u32 $0x7000, s6;
	[smem:$0x734] =	sst s18  }
0xeb: {  	s23 =	sor.u32 $0x8000, s6;
	[smem:$0x735] =	sst s22  }
0xec: {  	s7 =	sor.u32 $0x9000, s6;
	[smem:$0x736] =	sst s23  }
0xed: {  	s16 =	sor.u32 $0xA000, s6;
	[smem:$0x737] =	sst s7  }
0xee: {  	[smem:$0x738] =	sst s16  }
0xef: {  	s18 =	sor.u32 $0xB000, s6;
	s22 =	sor.u32 $0xC000, s6;
	s23 =	sor.u32 $0xD000, s6  }
0xf0: {  	s7 =	sor.u32 $0xE000, s6;
	s16 =	sor.u32 $0xF000, s6;
	s6 =	sld [smem:$0x73E]  }
0xf1: {  	[smem:$0x739] =	sst s18  }
0xf2: {  	[smem:$0x73A] =	sst s22  }
0xf3: {  	[smem:$0x73B] =	sst s23  }
0xf4: {  	[smem:$0x73C] =	sst s7  }
0xf5: {  	[smem:$0x73D] =	sst s16;
	s18 =	sor.u32 $0x1000, s6  }
0xf6: {  	s22 =	sor.u32 $0x2000, s6;
	[smem:$0x73F] =	sst s18  }
0xf7: {  	s23 =	sor.u32 $0x3000, s6;
	[smem:$0x740] =	sst s22  }
0xf8: {  	s7 =	sor.u32 $0x4000, s6;
	[smem:$0x741] =	sst s23  }
0xf9: {  	s16 =	sor.u32 $0x5000, s6;
	[smem:$0x742] =	sst s7  }
0xfa: {  	[smem:$0x743] =	sst s16;
	s18 =	sor.u32 $0x6000, s6  }
0xfb: {  	s22 =	sor.u32 $0x7000, s6;
	[smem:$0x744] =	sst s18  }
0xfc: {  	s23 =	sor.u32 $0x8000, s6;
	[smem:$0x745] =	sst s22  }
0xfd: {  	s7 =	sor.u32 $0x9000, s6;
	[smem:$0x746] =	sst s23  }
0xfe: {  	s16 =	sor.u32 $0xA000, s6;
	[smem:$0x747] =	sst s7  }
0xff: {  	[smem:$0x748] =	sst s16  }
0x100: {  	s18 =	sor.u32 $0xB000, s6;
	s22 =	sor.u32 $0xC000, s6;
	s23 =	sor.u32 $0xD000, s6  }
0x101: {  	s7 =	sor.u32 $0xE000, s6;
	s16 =	sor.u32 $0xF000, s6;
	s6 =	sld [smem:$0x74E]  }
0x102: {  	[smem:$0x749] =	sst s18  }
0x103: {  	[smem:$0x74A] =	sst s22  }
0x104: {  	[smem:$0x74B] =	sst s23  }
0x105: {  	[smem:$0x74C] =	sst s7  }
0x106: {  	[smem:$0x74D] =	sst s16;
	s18 =	sor.u32 $0x1000, s6  }
0x107: {  	s22 =	sor.u32 $0x2000, s6;
	[smem:$0x74F] =	sst s18  }
0x108: {  	s23 =	sor.u32 $0x3000, s6;
	[smem:$0x750] =	sst s22  }
0x109: {  	s7 =	sor.u32 $0x4000, s6;
	[smem:$0x751] =	sst s23  }
0x10a: {  	s16 =	sor.u32 $0x5000, s6;
	[smem:$0x752] =	sst s7  }
0x10b: {  	[smem:$0x753] =	sst s16;
	s18 =	sor.u32 $0x6000, s6  }
0x10c: {  	s22 =	sor.u32 $0x7000, s6;
	[smem:$0x754] =	sst s18  }
0x10d: {  	s23 =	sor.u32 $0x8000, s6;
	[smem:$0x755] =	sst s22  }
0x10e: {  	s7 =	sor.u32 $0x9000, s6;
	[smem:$0x756] =	sst s23  }
0x10f: {  	s16 =	sor.u32 $0xA000, s6;
	[smem:$0x757] =	sst s7  }
0x110: {  	[smem:$0x758] =	sst s16  }
0x111: {  	s18 =	sor.u32 $0xB000, s6;
	s22 =	sor.u32 $0xC000, s6;
	s23 =	sor.u32 $0xD000, s6  }
0x112: {  	s7 =	sor.u32 $0xE000, s6;
	s16 =	sor.u32 $0xF000, s6;
	s6 =	sld [smem:$0x75E]  }
0x113: {  	[smem:$0x759] =	sst s18  }
0x114: {  	[smem:$0x75A] =	sst s22  }
0x115: {  	[smem:$0x75B] =	sst s23  }
0x116: {  	[smem:$0x75C] =	sst s7  }
0x117: {  	[smem:$0x75D] =	sst s16;
	s18 =	sor.u32 $0x1000, s6  }
0x118: {  	s22 =	sor.u32 $0x2000, s6;
	[smem:$0x75F] =	sst s18  }
0x119: {  	s23 =	sor.u32 $0x3000, s6;
	[smem:$0x760] =	sst s22  }
0x11a: {  	s7 =	sor.u32 $0x4000, s6;
	[smem:$0x761] =	sst s23  }
0x11b: {  	s16 =	sor.u32 $0x5000, s6;
	[smem:$0x762] =	sst s7  }
0x11c: {  	[smem:$0x763] =	sst s16;
	s18 =	sor.u32 $0x6000, s6  }
0x11d: {  	s22 =	sor.u32 $0x7000, s6;
	[smem:$0x764] =	sst s18  }
0x11e: {  	s23 =	sor.u32 $0x8000, s6;
	[smem:$0x765] =	sst s22  }
0x11f: {  	s7 =	sor.u32 $0x9000, s6;
	[smem:$0x766] =	sst s23  }
0x120: {  	s16 =	sor.u32 $0xA000, s6;
	[smem:$0x767] =	sst s7  }
0x121: {  	[smem:$0x768] =	sst s16  }
0x122: {  	s18 =	sor.u32 $0xB000, s6;
	s22 =	sor.u32 $0xC000, s6;
	s23 =	sor.u32 $0xD000, s6  }
0x123: {  	s7 =	sor.u32 $0xE000, s6;
	s16 =	sor.u32 $0xF000, s6;
	s6 =	sld [smem:$0x76E]  }
0x124: {  	[smem:$0x769] =	sst s18  }
0x125: {  	[smem:$0x76A] =	sst s22  }
0x126: {  	[smem:$0x76B] =	sst s23  }
0x127: {  	[smem:$0x76C] =	sst s7  }
0x128: {  	[smem:$0x76D] =	sst s16;
	s18 =	sor.u32 $0x1000, s6  }
0x129: {  	s22 =	sor.u32 $0x2000, s6;
	[smem:$0x76F] =	sst s18  }
0x12a: {  	s23 =	sor.u32 $0x3000, s6;
	[smem:$0x770] =	sst s22  }
0x12b: {  	s7 =	sor.u32 $0x4000, s6;
	[smem:$0x771] =	sst s23  }
0x12c: {  	s16 =	sor.u32 $0x5000, s6;
	[smem:$0x772] =	sst s7  }
0x12d: {  	[smem:$0x773] =	sst s16;
	s18 =	sor.u32 $0x6000, s6  }
0x12e: {  	s22 =	sor.u32 $0x7000, s6;
	[smem:$0x774] =	sst s18  }
0x12f: {  	s23 =	sor.u32 $0x8000, s6;
	[smem:$0x775] =	sst s22  }
0x130: {  	s7 =	sor.u32 $0x9000, s6;
	[smem:$0x776] =	sst s23  }
0x131: {  	s16 =	sor.u32 $0xA000, s6;
	[smem:$0x777] =	sst s7  }
0x132: {  	[smem:$0x778] =	sst s16  }
0x133: {  	s18 =	sor.u32 $0xB000, s6;
	s22 =	sor.u32 $0xC000, s6;
	s23 =	sor.u32 $0xD000, s6  }
0x134: {  	s7 =	sor.u32 $0xE000, s6;
	s16 =	sor.u32 $0xF000, s6;
	s6 =	sld [smem:$0x77E]  }
0x135: {  	[smem:$0x779] =	sst s18  }
0x136: {  	[smem:$0x77A] =	sst s22  }
0x137: {  	[smem:$0x77B] =	sst s23  }
0x138: {  	[smem:$0x77C] =	sst s7  }
0x139: {  	[smem:$0x77D] =	sst s16;
	s18 =	sor.u32 $0x1000, s6  }
0x13a: {  	s22 =	sor.u32 $0x2000, s6;
	[smem:$0x77F] =	sst s18  }
0x13b: {  	s23 =	sor.u32 $0x3000, s6;
	[smem:$0x780] =	sst s22  }
0x13c: {  	s7 =	sor.u32 $0x4000, s6;
	[smem:$0x781] =	sst s23  }
0x13d: {  	s16 =	sor.u32 $0x5000, s6;
	[smem:$0x782] =	sst s7  }
0x13e: {  	[smem:$0x783] =	sst s16;
	s18 =	sor.u32 $0x6000, s6  }
0x13f: {  	s22 =	sor.u32 $0x7000, s6;
	[smem:$0x784] =	sst s18  }
0x140: {  	s23 =	sor.u32 $0x8000, s6;
	[smem:$0x785] =	sst s22  }
0x141: {  	s7 =	sor.u32 $0x9000, s6;
	[smem:$0x786] =	sst s23  }
0x142: {  	s16 =	sor.u32 $0xA000, s6;
	[smem:$0x787] =	sst s7  }
0x143: {  	[smem:$0x788] =	sst s16  }
0x144: {  	s18 =	sor.u32 $0xB000, s6;
	s22 =	sor.u32 $0xC000, s6;
	s23 =	sor.u32 $0xD000, s6  }
0x145: {  	s7 =	sor.u32 $0xE000, s6;
	s16 =	sor.u32 $0xF000, s6;
	s6 =	sld [smem:$0x78E]  }
0x146: {  	[smem:$0x789] =	sst s18  }
0x147: {  	[smem:$0x78A] =	sst s22  }
0x148: {  	[smem:$0x78B] =	sst s23  }
0x149: {  	[smem:$0x78C] =	sst s7  }
0x14a: {  	[smem:$0x78D] =	sst s16;
	s18 =	sor.u32 $0x1000, s6  }
0x14b: {  	s22 =	sor.u32 $0x2000, s6;
	[smem:$0x78F] =	sst s18  }
0x14c: {  	s23 =	sor.u32 $0x3000, s6;
	[smem:$0x790] =	sst s22  }
0x14d: {  	s7 =	sor.u32 $0x4000, s6;
	[smem:$0x791] =	sst s23  }
0x14e: {  	s16 =	sor.u32 $0x5000, s6;
	[smem:$0x792] =	sst s7  }
0x14f: {  	[smem:$0x793] =	sst s16;
	s18 =	sor.u32 $0x6000, s6  }
0x150: {  	s22 =	sor.u32 $0x7000, s6;
	[smem:$0x794] =	sst s18  }
0x151: {  	s23 =	sor.u32 $0x8000, s6;
	[smem:$0x795] =	sst s22  }
0x152: {  	s7 =	sor.u32 $0x9000, s6;
	[smem:$0x796] =	sst s23  }
0x153: {  	s16 =	sor.u32 $0xA000, s6;
	[smem:$0x797] =	sst s7  }
0x154: {  	[smem:$0x798] =	sst s16  }
0x155: {  	s18 =	sor.u32 $0xB000, s6;
	s22 =	sor.u32 $0xC000, s6;
	s23 =	sor.u32 $0xD000, s6  }
0x156: {  	s7 =	sor.u32 $0xE000, s6;
	s16 =	sor.u32 $0xF000, s6;
	s6 =	sld [smem:$0x79E]  }
0x157: {  	[smem:$0x799] =	sst s18  }
0x158: {  	[smem:$0x79A] =	sst s22  }
0x159: {  	[smem:$0x79B] =	sst s23  }
0x15a: {  	[smem:$0x79C] =	sst s7  }
0x15b: {  	[smem:$0x79D] =	sst s16;
	s18 =	sor.u32 $0x1000, s6  }
0x15c: {  	s22 =	sor.u32 $0x2000, s6;
	[smem:$0x79F] =	sst s18  }
0x15d: {  	s23 =	sor.u32 $0x3000, s6;
	[smem:$0x7A0] =	sst s22  }
0x15e: {  	s7 =	sor.u32 $0x4000, s6;
	[smem:$0x7A1] =	sst s23  }
0x15f: {  	s16 =	sor.u32 $0x5000, s6;
	[smem:$0x7A2] =	sst s7  }
0x160: {  	[smem:$0x7A3] =	sst s16;
	s18 =	sor.u32 $0x6000, s6  }
0x161: {  	s22 =	sor.u32 $0x7000, s6;
	[smem:$0x7A4] =	sst s18  }
0x162: {  	s23 =	sor.u32 $0x8000, s6;
	[smem:$0x7A5] =	sst s22  }
0x163: {  	s7 =	sor.u32 $0x9000, s6;
	[smem:$0x7A6] =	sst s23  }
0x164: {  	s16 =	sor.u32 $0xA000, s6;
	[smem:$0x7A7] =	sst s7  }
0x165: {  	[smem:$0x7A8] =	sst s16  }
0x166: {  	s18 =	sor.u32 $0xB000, s6;
	s22 =	sor.u32 $0xC000, s6;
	s23 =	sor.u32 $0xD000, s6  }
0x167: {  	s7 =	sor.u32 $0xE000, s6;
	s16 =	sor.u32 $0xF000, s6;
	s6 =	sld [smem:$0x7AE]  }
0x168: {  	[smem:$0x7A9] =	sst s18  }
0x169: {  	[smem:$0x7AA] =	sst s22  }
0x16a: {  	[smem:$0x7AB] =	sst s23  }
0x16b: {  	[smem:$0x7AC] =	sst s7  }
0x16c: {  	[smem:$0x7AD] =	sst s16;
	s18 =	sor.u32 $0x1000, s6  }
0x16d: {  	s22 =	sor.u32 $0x2000, s6;
	[smem:$0x7AF] =	sst s18  }
0x16e: {  	s23 =	sor.u32 $0x3000, s6;
	[smem:$0x7B0] =	sst s22  }
0x16f: {  	s7 =	sor.u32 $0x4000, s6;
	[smem:$0x7B1] =	sst s23  }
0x170: {  	s16 =	sor.u32 $0x5000, s6;
	[smem:$0x7B2] =	sst s7  }
0x171: {  	[smem:$0x7B3] =	sst s16;
	s18 =	sor.u32 $0x6000, s6  }
0x172: {  	s22 =	sor.u32 $0x7000, s6;
	[smem:$0x7B4] =	sst s18  }
0x173: {  	s23 =	sor.u32 $0x8000, s6;
	[smem:$0x7B5] =	sst s22  }
0x174: {  	s7 =	sor.u32 $0x9000, s6;
	[smem:$0x7B6] =	sst s23  }
0x175: {  	s16 =	sor.u32 $0xA000, s6;
	[smem:$0x7B7] =	sst s7  }
0x176: {  	[smem:$0x7B8] =	sst s16  }
0x177: {  	s18 =	sor.u32 $0xB000, s6;
	s22 =	sor.u32 $0xC000, s6;
	s23 =	sor.u32 $0xD000, s6  }
0x178: {  	s7 =	sor.u32 $0xE000, s6;
	s16 =	sor.u32 $0xF000, s6;
	s6 =	sld [smem:$0x7BE]  }
0x179: {  	[smem:$0x7B9] =	sst s18  }
0x17a: {  	[smem:$0x7BA] =	sst s22  }
0x17b: {  	[smem:$0x7BB] =	sst s23  }
0x17c: {  	[smem:$0x7BC] =	sst s7  }
0x17d: {  	[smem:$0x7BD] =	sst s16;
	s18 =	sor.u32 $0x1000, s6  }
0x17e: {  	s22 =	sor.u32 $0x2000, s6;
	[smem:$0x7BF] =	sst s18  }
0x17f: {  	s23 =	sor.u32 $0x3000, s6;
	[smem:$0x7C0] =	sst s22  }
0x180: {  	s7 =	sor.u32 $0x4000, s6;
	[smem:$0x7C1] =	sst s23  }
0x181: {  	s16 =	sor.u32 $0x5000, s6;
	[smem:$0x7C2] =	sst s7  }
0x182: {  	[smem:$0x7C3] =	sst s16;
	s18 =	sor.u32 $0x6000, s6  }
0x183: {  	s22 =	sor.u32 $0x7000, s6;
	[smem:$0x7C4] =	sst s18  }
0x184: {  	s23 =	sor.u32 $0x8000, s6;
	[smem:$0x7C5] =	sst s22  }
0x185: {  	s7 =	sor.u32 $0x9000, s6;
	[smem:$0x7C6] =	sst s23  }
0x186: {  	s16 =	sor.u32 $0xA000, s6;
	[smem:$0x7C7] =	sst s7  }
0x187: {  	[smem:$0x7C8] =	sst s16  }
0x188: {  	s18 =	sor.u32 $0xB000, s6;
	s22 =	sor.u32 $0xC000, s6;
	s23 =	sor.u32 $0xD000, s6  }
0x189: {  	s7 =	sor.u32 $0xE000, s6;
	s16 =	sor.u32 $0xF000, s6;
	s6 =	sld [smem:$0x7CE]  }
0x18a: {  	[smem:$0x7C9] =	sst s18  }
0x18b: {  	[smem:$0x7CA] =	sst s22  }
0x18c: {  	[smem:$0x7CB] =	sst s23  }
0x18d: {  	[smem:$0x7CC] =	sst s7  }
0x18e: {  	[smem:$0x7CD] =	sst s16;
	s18 =	sor.u32 $0x1000, s6  }
0x18f: {  	s22 =	sor.u32 $0x2000, s6;
	[smem:$0x7CF] =	sst s18  }
0x190: {  	s23 =	sor.u32 $0x3000, s6;
	[smem:$0x7D0] =	sst s22  }
0x191: {  	s7 =	sor.u32 $0x4000, s6;
	[smem:$0x7D1] =	sst s23  }
0x192: {  	s16 =	sor.u32 $0x5000, s6;
	[smem:$0x7D2] =	sst s7  }
0x193: {  	[smem:$0x7D3] =	sst s16;
	s18 =	sor.u32 $0x6000, s6  }
0x194: {  	s22 =	sor.u32 $0x7000, s6;
	[smem:$0x7D4] =	sst s18  }
0x195: {  	s23 =	sor.u32 $0x8000, s6;
	[smem:$0x7D5] =	sst s22  }
0x196: {  	s7 =	sor.u32 $0x9000, s6;
	[smem:$0x7D6] =	sst s23  }
0x197: {  	s16 =	sor.u32 $0xA000, s6;
	[smem:$0x7D7] =	sst s7  }
0x198: {  	[smem:$0x7D8] =	sst s16  }
0x199: {  	s18 =	sor.u32 $0xB000, s6;
	s22 =	sor.u32 $0xC000, s6;
	s23 =	sor.u32 $0xD000, s6  }
0x19a: {  	s7 =	sor.u32 $0xE000, s6;
	s16 =	sor.u32 $0xF000, s6;
	s6 =	sld [smem:$0x7DE]  }
0x19b: {  	[smem:$0x7D9] =	sst s18  }
0x19c: {  	[smem:$0x7DA] =	sst s22  }
0x19d: {  	[smem:$0x7DB] =	sst s23  }
0x19e: {  	[smem:$0x7DC] =	sst s7  }
0x19f: {  	[smem:$0x7DD] =	sst s16;
	s18 =	sor.u32 $0x1000, s6  }
0x1a0: {  	s22 =	sor.u32 $0x2000, s6;
	[smem:$0x7DF] =	sst s18  }
0x1a1: {  	s23 =	sor.u32 $0x3000, s6;
	[smem:$0x7E0] =	sst s22  }
0x1a2: {  	s7 =	sor.u32 $0x4000, s6;
	[smem:$0x7E1] =	sst s23  }
0x1a3: {  	s16 =	sor.u32 $0x5000, s6;
	[smem:$0x7E2] =	sst s7  }
0x1a4: {  	[smem:$0x7E3] =	sst s16;
	s18 =	sor.u32 $0x6000, s6  }
0x1a5: {  	s22 =	sor.u32 $0x7000, s6;
	[smem:$0x7E4] =	sst s18  }
0x1a6: {  	s23 =	sor.u32 $0x8000, s6;
	[smem:$0x7E5] =	sst s22  }
0x1a7: {  	s7 =	sor.u32 $0x9000, s6;
	[smem:$0x7E6] =	sst s23  }
0x1a8: {  	s16 =	sor.u32 $0xA000, s6;
	[smem:$0x7E7] =	sst s7  }
0x1a9: {  	[smem:$0x7E8] =	sst s16;
	s18 =	sor.u32 $0xB000, s6  }
0x1aa: {  	s22 =	sor.u32 $0xC000, s6;
	[smem:$0x7E9] =	sst s18  }
0x1ab: {  	s23 =	sor.u32 $0xD000, s6;
	[smem:$0x7EA] =	sst s22  }
0x1ac: {  	s7 =	sor.u32 $0xE000, s6;
	[smem:$0x7EB] =	sst s23  }
0x1ad: {  	s16 =	sor.u32 $0xF000, s6;
	[smem:$0x7EC] =	sst s7  }
0x1ae: {  	s6 =	sor.u32 $0x4000, s15;
	[smem:$0x7ED] =	sst s16  }
0x1af: {  	s18 =	sor.u32 $0x1000, s15;
	[smem:$0x7F1] =	sst s6  }
0x1b0: {  	s22 =	sor.u32 $0x2000, s15;
	[smem:$0x7EE] =	sst s18  }
0x1b1: {  	s23 =	sor.u32 $0x3000, s15;
	[smem:$0x7EF] =	sst s22  }
0x1b2: {  	s7 =	sor.u32 $0x5000, s15;
	[smem:$0x7F0] =	sst s23  }
0x1b3: {  	s16 =	sor.u32 $0x6000, s15;
	[smem:$0x7F2] =	sst s7  }
0x1b4: {  	s6 =	sor.u32 $0xA000, s15;
	[smem:$0x7F3] =	sst s16  }
0x1b5: {  	s18 =	sor.u32 $0x7000, s15;
	[smem:$0x7F7] =	sst s6  }
0x1b6: {  	s22 =	sor.u32 $0x8000, s15;
	[smem:$0x7F4] =	sst s18  }
0x1b7: {  	s23 =	sor.u32 $0x9000, s15;
	[smem:$0x7F5] =	sst s22  }
0x1b8: {  	s7 =	sor.u32 $0xB000, s15;
	[smem:$0x7F6] =	sst s23  }
0x1b9: {  	s16 =	sor.u32 $0xC000, s15;
	[smem:$0x7F8] =	sst s7  }
0x1ba: {  	[smem:$0x7F9] =	sst s16;
	s18 =	sor.u32 $0xD000, s15  }
0x1bb: {  	s22 =	sor.u32 $0xE000, s15;
	[smem:$0x7FA] =	sst s18  }
0x1bc: {  	s23 =	sor.u32 $0xF000, s15;
	[smem:$0x7FB] =	sst s22  }
0x1bd: {  	s6 =	simm.s32 $0x1;
	s7 =	simm.s32 $0x0;
	[smem:$0x7FD] =	sst s23  }
.LBB2_1:
0x1be: {  	[smem:$0x684] =	sst s7  }
0x1bf: {  	s2 =	rddreg [dreg:$0x3];
	s18 =	simm.s32 $0x2  }
0x1c0: {  	[tilespmem:s4], [sflag:$0x2] =	stream.linear.gather [hbm4b:s2+s4], $0x10000, $0x38;
	[tilespmem:$0x10000] =	vst v63  }
0x1c1: {  	_ =	swait.ge [sflag:s18], $0x10000  }
0x1c2: {  	s2 =	rddreg [dreg:$0x4]  }
0x1c3: {  	[sflag:s18] =	ssyncset.done $0x0;
	s22 =	rddreg [dreg:$0x5]  }
0x1c4: {  	s15 =	sld [smem:$0x68A];
	[sflag:s18] =	ssyncadd.s32 $0xFFFF0000  }
0x1c5: {  	[hbm4b:s2+s4] =	stream.linear.scatter [tilespmem:s22], [sflag:$0x1], $0x80, $0x38;
	[tilespmem:$0x10000] =	vst v63  }
0x1c6: {  	s23 =	sadd.s32 $0x10, s2;
	s18 =	sld [smem:$0x68B]  }
0x1c7: {  	[hbm4b:s23+s4] =	stream.linear.scatter [tilespmem:s15], [sflag:$0x1], $0x80, $0x38;
	[tilespmem:$0x10000] =	vst v63  }
0x1c8: {  	s23 =	sld [smem:$0x68C]  }
0x1c9: {  	s16 =	sadd.s32 $0x20, s2;
	s15 =	rddreg [dreg:$0x16]  }
0x1ca: {  	[hbm4b:s16+s4] =	stream.linear.scatter [tilespmem:s18], [sflag:$0x1], $0x80, $0x38;
	[tilespmem:$0x10000] =	vst v63  }
0x1cb: {  	s22 =	sadd.s32 $0x30, s2;
	s18 =	sld [smem:$0x68D]  }
0x1cc: {  	[hbm4b:s22+s4] =	stream.linear.scatter [tilespmem:s23], [sflag:$0x1], $0x80, $0x38;
	[tilespmem:$0x10000] =	vst v63  }
0x1cd: {  	s16 =	sadd.s32 $0x40, s2;
	s23 =	sld [smem:$0x68E]  }
0x1ce: {  	[hbm4b:s16+s4] =	stream.linear.scatter [tilespmem:s18], [sflag:$0x1], $0x80, $0x38;
	[tilespmem:$0x10000] =	vst v63  }
0x1cf: {  	s22 =	sadd.s32 $0x50, s2;
	s18 =	sld [smem:$0x68F]  }
0x1d0: {  	[hbm4b:s22+s4] =	stream.linear.scatter [tilespmem:s23], [sflag:$0x1], $0x80, $0x38;
	[tilespmem:$0x10000] =	vst v63  }
0x1d1: {  	s16 =	sadd.s32 $0x60, s2;
	s23 =	sld [smem:$0x690]  }
0x1d2: {  	[hbm4b:s16+s4] =	stream.linear.scatter [tilespmem:s18], [sflag:$0x1], $0x80, $0x38;
	[tilespmem:$0x10000] =	vst v63  }
0x1d3: {  	s22 =	sadd.s32 $0x70, s2;
	s18 =	sld [smem:$0x691]  }
0x1d4: {  	[hbm4b:s22+s4] =	stream.linear.scatter [tilespmem:s23], [sflag:$0x1], $0x80, $0x38;
	[tilespmem:$0x10000] =	vst v63  }
0x1d5: {  	s16 =	sadd.s32 $0xC00, s2;
	s23 =	sld [smem:$0x692]  }
0x1d6: {  	[hbm4b:s16+s4] =	stream.linear.scatter [tilespmem:s18], [sflag:$0x1], $0x80, $0x38;
	[tilespmem:$0x10000] =	vst v63  }
0x1d7: {  	s22 =	sadd.s32 $0xC10, s2;
	s18 =	sld [smem:$0x693]  }
0x1d8: {  	[hbm4b:s22+s4] =	stream.linear.scatter [tilespmem:s23], [sflag:$0x1], $0x80, $0x38;
	[tilespmem:$0x10000] =	vst v63  }
0x1d9: {  	s16 =	sadd.s32 $0xC20, s2;
	s23 =	sld [smem:$0x694]  }
0x1da: {  	[hbm4b:s16+s4] =	stream.linear.scatter [tilespmem:s18], [sflag:$0x1], $0x80, $0x38;
	[tilespmem:$0x10000] =	vst v63  }
0x1db: {  	s22 =	sadd.s32 $0xC30, s2;
	s18 =	sld [smem:$0x695]  }
0x1dc: {  	[hbm4b:s22+s4] =	stream.linear.scatter [tilespmem:s23], [sflag:$0x1], $0x80, $0x38;
	[tilespmem:$0x10000] =	vst v63  }
0x1dd: {  	s16 =	sadd.s32 $0xC40, s2;
	s23 =	sld [smem:$0x696]  }
0x1de: {  	[hbm4b:s16+s4] =	stream.linear.scatter [tilespmem:s18], [sflag:$0x1], $0x80, $0x38;
	[tilespmem:$0x10000] =	vst v63  }
0x1df: {  	s22 =	sadd.s32 $0xC50, s2;
	s18 =	sld [smem:$0x697]  }
0x1e0: {  	[hbm4b:s22+s4] =	stream.linear.scatter [tilespmem:s23], [sflag:$0x1], $0x80, $0x38;
	[tilespmem:$0x10000] =	vst v63  }
0x1e1: {  	s16 =	sadd.s32 $0xC60, s2;
	s23 =	sld [smem:$0x698]  }
0x1e2: {  	[hbm4b:s16+s4] =	stream.linear.scatter [tilespmem:s18], [sflag:$0x1], $0x80, $0x38;
	[tilespmem:$0x10000] =	vst v63  }
0x1e3: {  	s22 =	sadd.s32 $0xC70, s2;
	s2 =	rddreg [dreg:$0x6]  }
0x1e4: {  	[hbm4b:s22+s4] =	stream.linear.scatter [tilespmem:s23], [sflag:$0x1], $0x80, $0x38;
	[tilespmem:$0x10000] =	vst v63  }
0x1e5: {  	s18 =	sld [smem:$0x699]  }
0x1e6: {  	[hbm4b:s2+s4] =	stream.linear.scatter [tilespmem:s15], [sflag:$0x1], $0x80, $0x38;
	[tilespmem:$0x10000] =	vst v63  }
0x1e7: {  	s16 =	sadd.s32 $0x10, s2;
	s23 =	sld [smem:$0x69A]  }
0x1e8: {  	[hbm4b:s16+s4] =	stream.linear.scatter [tilespmem:s18], [sflag:$0x1], $0x80, $0x38;
	[tilespmem:$0x10000] =	vst v63  }
0x1e9: {  	s22 =	sadd.s32 $0x20, s2;
	s18 =	sld [smem:$0x69B]  }
0x1ea: {  	[hbm4b:s22+s4] =	stream.linear.scatter [tilespmem:s23], [sflag:$0x1], $0x80, $0x38;
	[tilespmem:$0x10000] =	vst v63  }
0x1eb: {  	s16 =	sadd.s32 $0x30, s2;
	s23 =	sld [smem:$0x69C]  }
0x1ec: {  	[hbm4b:s16+s4] =	stream.linear.scatter [tilespmem:s18], [sflag:$0x1], $0x80, $0x38;
	[tilespmem:$0x10000] =	vst v63  }
0x1ed: {  	s22 =	sadd.s32 $0x40, s2;
	s18 =	sld [smem:$0x69D]  }
0x1ee: {  	[hbm4b:s22+s4] =	stream.linear.scatter [tilespmem:s23], [sflag:$0x1], $0x80, $0x38;
	[tilespmem:$0x10000] =	vst v63  }
0x1ef: {  	s16 =	sadd.s32 $0x50, s2;
	s23 =	sld [smem:$0x69E]  }
0x1f0: {  	[hbm4b:s16+s4] =	stream.linear.scatter [tilespmem:s18], [sflag:$0x1], $0x80, $0x38;
	[tilespmem:$0x10000] =	vst v63  }
0x1f1: {  	s22 =	sadd.s32 $0x60, s2;
	s18 =	sld [smem:$0x69F]  }
0x1f2: {  	[hbm4b:s22+s4] =	stream.linear.scatter [tilespmem:s23], [sflag:$0x1], $0x80, $0x38;
	[tilespmem:$0x10000] =	vst v63  }
0x1f3: {  	s16 =	sadd.s32 $0x70, s2;
	s23 =	sld [smem:$0x6A0]  }
0x1f4: {  	[hbm4b:s16+s4] =	stream.linear.scatter [tilespmem:s18], [sflag:$0x1], $0x80, $0x38;
	[tilespmem:$0x10000] =	vst v63  }
0x1f5: {  	s22 =	sadd.s32 $0xC00, s2;
	s18 =	sld [smem:$0x6A1]  }
0x1f6: {  	[hbm4b:s22+s4] =	stream.linear.scatter [tilespmem:s23], [sflag:$0x1], $0x80, $0x38;
	[tilespmem:$0x10000] =	vst v63  }
0x1f7: {  	s16 =	sadd.s32 $0xC10, s2;
	s23 =	sld [smem:$0x6A2]  }
0x1f8: {  	[hbm4b:s16+s4] =	stream.linear.scatter [tilespmem:s18], [sflag:$0x1], $0x80, $0x38;
	[tilespmem:$0x10000] =	vst v63  }
0x1f9: {  	s22 =	sadd.s32 $0xC20, s2;
	s18 =	sld [smem:$0x6A3]  }
0x1fa: {  	[hbm4b:s22+s4] =	stream.linear.scatter [tilespmem:s23], [sflag:$0x1], $0x80, $0x38;
	[tilespmem:$0x10000] =	vst v63  }
0x1fb: {  	s16 =	sadd.s32 $0xC30, s2;
	s23 =	sld [smem:$0x6A4]  }
0x1fc: {  	[hbm4b:s16+s4] =	stream.linear.scatter [tilespmem:s18], [sflag:$0x1], $0x80, $0x38;
	[tilespmem:$0x10000] =	vst v63  }
0x1fd: {  	s22 =	sadd.s32 $0xC40, s2;
	s18 =	sld [smem:$0x6A5]  }
0x1fe: {  	[hbm4b:s22+s4] =	stream.linear.scatter [tilespmem:s23], [sflag:$0x1], $0x80, $0x38;
	[tilespmem:$0x10000] =	vst v63  }
0x1ff: {  	s15 =	sadd.s32 $0xC70, s2;
	s23 =	sld [smem:$0x6A6]  }
0x200: {  	s16 =	sadd.s32 $0xC50, s2;
	s22 =	sadd.s32 $0xC60, s2;
	s2 =	rddreg [dreg:$0x7]  }
0x201: {  	[hbm4b:s16+s4] =	stream.linear.scatter [tilespmem:s18], [sflag:$0x1], $0x80, $0x38;
	[tilespmem:$0x10000] =	vst v63  }
0x202: {  	s16 =	sld [smem:$0x6A7]  }
0x203: {  	s18 =	rddreg [dreg:$0x17]  }
0x204: {  	[hbm4b:s22+s4] =	stream.linear.scatter [tilespmem:s23], [sflag:$0x1], $0x80, $0x38;
	[tilespmem:$0x10000] =	vst v63  }
0x205: {  	s23 =	sld [smem:$0x6A8]  }
0x206: {  	[hbm4b:s15+s4] =	stream.linear.scatter [tilespmem:s16], [sflag:$0x1], $0x80, $0x38;
	[tilespmem:$0x10000] =	vst v63  }
0x207: {  	s15 =	rddreg [dreg:$0x18]  }
0x208: {  	[hbm4b:s2+s4] =	stream.linear.scatter [tilespmem:s18], [sflag:$0x1], $0x80, $0x38;
	[tilespmem:$0x10000] =	vst v63  }
0x209: {  	s22 =	sadd.s32 $0x10, s2;
	s18 =	sld [smem:$0x6A9]  }
0x20a: {  	[hbm4b:s22+s4] =	stream.linear.scatter [tilespmem:s23], [sflag:$0x1], $0x80, $0x38;
	[tilespmem:$0x10000] =	vst v63  }
0x20b: {  	s16 =	sadd.s32 $0x20, s2;
	s23 =	sld [smem:$0x6AA]  }
0x20c: {  	[hbm4b:s16+s4] =	stream.linear.scatter [tilespmem:s18], [sflag:$0x1], $0x80, $0x38;
	[tilespmem:$0x10000] =	vst v63  }
0x20d: {  	s22 =	sadd.s32 $0x30, s2;
	s18 =	sld [smem:$0x6AB]  }
0x20e: {  	[hbm4b:s22+s4] =	stream.linear.scatter [tilespmem:s23], [sflag:$0x1], $0x80, $0x38;
	[tilespmem:$0x10000] =	vst v63  }
0x20f: {  	s16 =	sadd.s32 $0x40, s2;
	s23 =	sld [smem:$0x6AC]  }
0x210: {  	[hbm4b:s16+s4] =	stream.linear.scatter [tilespmem:s18], [sflag:$0x1], $0x80, $0x38;
	[tilespmem:$0x10000] =	vst v63  }
0x211: {  	s22 =	sadd.s32 $0x50, s2;
	s18 =	sld [smem:$0x6AD]  }
0x212: {  	[hbm4b:s22+s4] =	stream.linear.scatter [tilespmem:s23], [sflag:$0x1], $0x80, $0x38;
	[tilespmem:$0x10000] =	vst v63  }
0x213: {  	s16 =	sadd.s32 $0x60, s2;
	s23 =	sld [smem:$0x6AE]  }
0x214: {  	[hbm4b:s16+s4] =	stream.linear.scatter [tilespmem:s18], [sflag:$0x1], $0x80, $0x38;
	[tilespmem:$0x10000] =	vst v63  }
0x215: {  	s22 =	sadd.s32 $0x70, s2;
	s18 =	sld [smem:$0x6AF]  }
0x216: {  	[hbm4b:s22+s4] =	stream.linear.scatter [tilespmem:s23], [sflag:$0x1], $0x80, $0x38;
	[tilespmem:$0x10000] =	vst v63  }
0x217: {  	s16 =	sadd.s32 $0xC00, s2;
	s23 =	sld [smem:$0x6B0]  }
0x218: {  	[hbm4b:s16+s4] =	stream.linear.scatter [tilespmem:s18], [sflag:$0x1], $0x80, $0x38;
	[tilespmem:$0x10000] =	vst v63  }
0x219: {  	s22 =	sadd.s32 $0xC10, s2;
	s18 =	sld [smem:$0x6B1]  }
0x21a: {  	[hbm4b:s22+s4] =	stream.linear.scatter [tilespmem:s23], [sflag:$0x1], $0x80, $0x38;
	[tilespmem:$0x10000] =	vst v63  }
0x21b: {  	s16 =	sadd.s32 $0xC20, s2;
	s23 =	sld [smem:$0x6B2]  }
0x21c: {  	[hbm4b:s16+s4] =	stream.linear.scatter [tilespmem:s18], [sflag:$0x1], $0x80, $0x38;
	[tilespmem:$0x10000] =	vst v63  }
0x21d: {  	s22 =	sadd.s32 $0xC30, s2;
	s18 =	sld [smem:$0x6B3]  }
0x21e: {  	[hbm4b:s22+s4] =	stream.linear.scatter [tilespmem:s23], [sflag:$0x1], $0x80, $0x38;
	[tilespmem:$0x10000] =	vst v63  }
0x21f: {  	s16 =	sadd.s32 $0xC40, s2;
	s23 =	sld [smem:$0x6B4]  }
0x220: {  	[hbm4b:s16+s4] =	stream.linear.scatter [tilespmem:s18], [sflag:$0x1], $0x80, $0x38;
	[tilespmem:$0x10000] =	vst v63  }
0x221: {  	s22 =	sadd.s32 $0xC50, s2;
	s18 =	sld [smem:$0x6B5]  }
0x222: {  	[hbm4b:s22+s4] =	stream.linear.scatter [tilespmem:s23], [sflag:$0x1], $0x80, $0x38;
	[tilespmem:$0x10000] =	vst v63  }
0x223: {  	s16 =	sadd.s32 $0xC60, s2;
	s23 =	sld [smem:$0x6B6]  }
0x224: {  	[hbm4b:s16+s4] =	stream.linear.scatter [tilespmem:s18], [sflag:$0x1], $0x80, $0x38;
	[tilespmem:$0x10000] =	vst v63  }
0x225: {  	s22 =	sadd.s32 $0xC70, s2;
	s2 =	rddreg [dreg:$0x8]  }
0x226: {  	[hbm4b:s22+s4] =	stream.linear.scatter [tilespmem:s23], [sflag:$0x1], $0x80, $0x38;
	[tilespmem:$0x10000] =	vst v63  }
0x227: {  	s18 =	sld [smem:$0x6B7]  }
0x228: {  	[hbm4b:s2+s4] =	stream.linear.scatter [tilespmem:s15], [sflag:$0x1], $0x80, $0x38;
	[tilespmem:$0x10000] =	vst v63  }
0x229: {  	s16 =	sadd.s32 $0x10, s2;
	s23 =	sld [smem:$0x6B8]  }
0x22a: {  	[hbm4b:s16+s4] =	stream.linear.scatter [tilespmem:s18], [sflag:$0x1], $0x80, $0x38;
	[tilespmem:$0x10000] =	vst v63  }
0x22b: {  	s22 =	sadd.s32 $0x20, s2;
	s18 =	sld [smem:$0x6B9]  }
0x22c: {  	[hbm4b:s22+s4] =	stream.linear.scatter [tilespmem:s23], [sflag:$0x1], $0x80, $0x38;
	[tilespmem:$0x10000] =	vst v63  }
0x22d: {  	s16 =	sadd.s32 $0x30, s2;
	s23 =	sld [smem:$0x6BA]  }
0x22e: {  	[hbm4b:s16+s4] =	stream.linear.scatter [tilespmem:s18], [sflag:$0x1], $0x80, $0x38;
	[tilespmem:$0x10000] =	vst v63  }
0x22f: {  	s22 =	sadd.s32 $0x40, s2;
	s18 =	sld [smem:$0x6BB]  }
0x230: {  	[hbm4b:s22+s4] =	stream.linear.scatter [tilespmem:s23], [sflag:$0x1], $0x80, $0x38;
	[tilespmem:$0x10000] =	vst v63  }
0x231: {  	s16 =	sadd.s32 $0x50, s2;
	s23 =	sld [smem:$0x6BC]  }
0x232: {  	[hbm4b:s16+s4] =	stream.linear.scatter [tilespmem:s18], [sflag:$0x1], $0x80, $0x38;
	[tilespmem:$0x10000] =	vst v63  }
0x233: {  	s22 =	sadd.s32 $0x60, s2;
	s18 =	sld [smem:$0x6BD]  }
0x234: {  	[hbm4b:s22+s4] =	stream.linear.scatter [tilespmem:s23], [sflag:$0x1], $0x80, $0x38;
	[tilespmem:$0x10000] =	vst v63  }
0x235: {  	s16 =	sadd.s32 $0x70, s2;
	s23 =	sld [smem:$0x6BE]  }
0x236: {  	[hbm4b:s16+s4] =	stream.linear.scatter [tilespmem:s18], [sflag:$0x1], $0x80, $0x38;
	[tilespmem:$0x10000] =	vst v63  }
0x237: {  	s22 =	sadd.s32 $0xC00, s2;
	s18 =	sld [smem:$0x6BF]  }
0x238: {  	[hbm4b:s22+s4] =	stream.linear.scatter [tilespmem:s23], [sflag:$0x1], $0x80, $0x38;
	[tilespmem:$0x10000] =	vst v63  }
0x239: {  	s16 =	sadd.s32 $0xC10, s2;
	s23 =	sld [smem:$0x6C0]  }
0x23a: {  	[hbm4b:s16+s4] =	stream.linear.scatter [tilespmem:s18], [sflag:$0x1], $0x80, $0x38;
	[tilespmem:$0x10000] =	vst v63  }
0x23b: {  	s22 =	sadd.s32 $0xC20, s2;
	s18 =	sld [smem:$0x6C1]  }
0x23c: {  	[hbm4b:s22+s4] =	stream.linear.scatter [tilespmem:s23], [sflag:$0x1], $0x80, $0x38;
	[tilespmem:$0x10000] =	vst v63  }
0x23d: {  	s16 =	sadd.s32 $0xC30, s2;
	s23 =	sld [smem:$0x6C2]  }
0x23e: {  	[hbm4b:s16+s4] =	stream.linear.scatter [tilespmem:s18], [sflag:$0x1], $0x80, $0x38;
	[tilespmem:$0x10000] =	vst v63  }
0x23f: {  	s22 =	sadd.s32 $0xC40, s2;
	s18 =	sld [smem:$0x6C3]  }
0x240: {  	[hbm4b:s22+s4] =	stream.linear.scatter [tilespmem:s23], [sflag:$0x1], $0x80, $0x38;
	[tilespmem:$0x10000] =	vst v63  }
0x241: {  	s15 =	sadd.s32 $0xC70, s2;
	s23 =	sld [smem:$0x6C4]  }
0x242: {  	s16 =	sadd.s32 $0xC50, s2;
	s22 =	sadd.s32 $0xC60, s2;
	s2 =	rddreg [dreg:$0x9]  }
0x243: {  	[hbm4b:s16+s4] =	stream.linear.scatter [tilespmem:s18], [sflag:$0x1], $0x80, $0x38;
	[tilespmem:$0x10000] =	vst v63  }
0x244: {  	s16 =	sld [smem:$0x6C5]  }
0x245: {  	s18 =	rddreg [dreg:$0x19]  }
0x246: {  	[hbm4b:s22+s4] =	stream.linear.scatter [tilespmem:s23], [sflag:$0x1], $0x80, $0x38;
	[tilespmem:$0x10000] =	vst v63  }
0x247: {  	s23 =	sld [smem:$0x6C6]  }
0x248: {  	[hbm4b:s15+s4] =	stream.linear.scatter [tilespmem:s16], [sflag:$0x1], $0x80, $0x38;
	[tilespmem:$0x10000] =	vst v63  }
0x249: {  	s15 =	rddreg [dreg:$0x1a]  }
0x24a: {  	[hbm4b:s2+s4] =	stream.linear.scatter [tilespmem:s18], [sflag:$0x1], $0x80, $0x38;
	[tilespmem:$0x10000] =	vst v63  }
0x24b: {  	s22 =	sadd.s32 $0x10, s2;
	s18 =	sld [smem:$0x6C7]  }
0x24c: {  	[hbm4b:s22+s4] =	stream.linear.scatter [tilespmem:s23], [sflag:$0x1], $0x80, $0x38;
	[tilespmem:$0x10000] =	vst v63  }
0x24d: {  	s16 =	sadd.s32 $0x20, s2;
	s23 =	sld [smem:$0x6C8]  }
0x24e: {  	[hbm4b:s16+s4] =	stream.linear.scatter [tilespmem:s18], [sflag:$0x1], $0x80, $0x38;
	[tilespmem:$0x10000] =	vst v63  }
0x24f: {  	s22 =	sadd.s32 $0x30, s2;
	s18 =	sld [smem:$0x6C9]  }
0x250: {  	[hbm4b:s22+s4] =	stream.linear.scatter [tilespmem:s23], [sflag:$0x1], $0x80, $0x38;
	[tilespmem:$0x10000] =	vst v63  }
0x251: {  	s16 =	sadd.s32 $0x40, s2;
	s23 =	sld [smem:$0x6CA]  }
0x252: {  	[hbm4b:s16+s4] =	stream.linear.scatter [tilespmem:s18], [sflag:$0x1], $0x80, $0x38;
	[tilespmem:$0x10000] =	vst v63  }
0x253: {  	s22 =	sadd.s32 $0x50, s2;
	s18 =	sld [smem:$0x6CB]  }
0x254: {  	[hbm4b:s22+s4] =	stream.linear.scatter [tilespmem:s23], [sflag:$0x1], $0x80, $0x38;
	[tilespmem:$0x10000] =	vst v63  }
0x255: {  	s16 =	sadd.s32 $0x60, s2;
	s23 =	sld [smem:$0x6CC]  }
0x256: {  	[hbm4b:s16+s4] =	stream.linear.scatter [tilespmem:s18], [sflag:$0x1], $0x80, $0x38;
	[tilespmem:$0x10000] =	vst v63  }
0x257: {  	s22 =	sadd.s32 $0x70, s2;
	s18 =	sld [smem:$0x6CD]  }
0x258: {  	[hbm4b:s22+s4] =	stream.linear.scatter [tilespmem:s23], [sflag:$0x1], $0x80, $0x38;
	[tilespmem:$0x10000] =	vst v63  }
0x259: {  	s16 =	sadd.s32 $0xC00, s2;
	s23 =	sld [smem:$0x6CE]  }
0x25a: {  	[hbm4b:s16+s4] =	stream.linear.scatter [tilespmem:s18], [sflag:$0x1], $0x80, $0x38;
	[tilespmem:$0x10000] =	vst v63  }
0x25b: {  	s22 =	sadd.s32 $0xC10, s2;
	s18 =	sld [smem:$0x6CF]  }
0x25c: {  	[hbm4b:s22+s4] =	stream.linear.scatter [tilespmem:s23], [sflag:$0x1], $0x80, $0x38;
	[tilespmem:$0x10000] =	vst v63  }
0x25d: {  	s16 =	sadd.s32 $0xC20, s2;
	s23 =	sld [smem:$0x6D0]  }
0x25e: {  	[hbm4b:s16+s4] =	stream.linear.scatter [tilespmem:s18], [sflag:$0x1], $0x80, $0x38;
	[tilespmem:$0x10000] =	vst v63  }
0x25f: {  	s22 =	sadd.s32 $0xC30, s2;
	s18 =	sld [smem:$0x6D1]  }
0x260: {  	[hbm4b:s22+s4] =	stream.linear.scatter [tilespmem:s23], [sflag:$0x1], $0x80, $0x38;
	[tilespmem:$0x10000] =	vst v63  }
0x261: {  	s16 =	sadd.s32 $0xC40, s2;
	s23 =	sld [smem:$0x6D2]  }
0x262: {  	[hbm4b:s16+s4] =	stream.linear.scatter [tilespmem:s18], [sflag:$0x1], $0x80, $0x38;
	[tilespmem:$0x10000] =	vst v63  }
0x263: {  	s22 =	sadd.s32 $0xC50, s2;
	s18 =	sld [smem:$0x6D3]  }
0x264: {  	[hbm4b:s22+s4] =	stream.linear.scatter [tilespmem:s23], [sflag:$0x1], $0x80, $0x38;
	[tilespmem:$0x10000] =	vst v63  }
0x265: {  	s16 =	sadd.s32 $0xC60, s2;
	s23 =	sld [smem:$0x6D4]  }
0x266: {  	[hbm4b:s16+s4] =	stream.linear.scatter [tilespmem:s18], [sflag:$0x1], $0x80, $0x38;
	[tilespmem:$0x10000] =	vst v63  }
0x267: {  	s22 =	sadd.s32 $0xC70, s2;
	s2 =	rddreg [dreg:$0xa]  }
0x268: {  	[hbm4b:s22+s4] =	stream.linear.scatter [tilespmem:s23], [sflag:$0x1], $0x80, $0x38;
	[tilespmem:$0x10000] =	vst v63  }
0x269: {  	s18 =	sld [smem:$0x6D5]  }
0x26a: {  	[hbm4b:s2+s4] =	stream.linear.scatter [tilespmem:s15], [sflag:$0x1], $0x80, $0x38;
	[tilespmem:$0x10000] =	vst v63  }
0x26b: {  	s16 =	sadd.s32 $0x10, s2;
	s23 =	sld [smem:$0x6D6]  }
0x26c: {  	[hbm4b:s16+s4] =	stream.linear.scatter [tilespmem:s18], [sflag:$0x1], $0x80, $0x38;
	[tilespmem:$0x10000] =	vst v63  }
0x26d: {  	s22 =	sadd.s32 $0x20, s2;
	s18 =	sld [smem:$0x6D7]  }
0x26e: {  	[hbm4b:s22+s4] =	stream.linear.scatter [tilespmem:s23], [sflag:$0x1], $0x80, $0x38;
	[tilespmem:$0x10000] =	vst v63  }
0x26f: {  	s16 =	sadd.s32 $0x30, s2;
	s23 =	sld [smem:$0x6D8]  }
0x270: {  	[hbm4b:s16+s4] =	stream.linear.scatter [tilespmem:s18], [sflag:$0x1], $0x80, $0x38;
	[tilespmem:$0x10000] =	vst v63  }
0x271: {  	s22 =	sadd.s32 $0x40, s2;
	s18 =	sld [smem:$0x6D9]  }
0x272: {  	[hbm4b:s22+s4] =	stream.linear.scatter [tilespmem:s23], [sflag:$0x1], $0x80, $0x38;
	[tilespmem:$0x10000] =	vst v63  }
0x273: {  	s16 =	sadd.s32 $0x50, s2;
	s23 =	sld [smem:$0x6DA]  }
0x274: {  	[hbm4b:s16+s4] =	stream.linear.scatter [tilespmem:s18], [sflag:$0x1], $0x80, $0x38;
	[tilespmem:$0x10000] =	vst v63  }
0x275: {  	s22 =	sadd.s32 $0x60, s2;
	s18 =	sld [smem:$0x6DB]  }
0x276: {  	[hbm4b:s22+s4] =	stream.linear.scatter [tilespmem:s23], [sflag:$0x1], $0x80, $0x38;
	[tilespmem:$0x10000] =	vst v63  }
0x277: {  	s16 =	sadd.s32 $0x70, s2;
	s23 =	sld [smem:$0x6DC]  }
0x278: {  	[hbm4b:s16+s4] =	stream.linear.scatter [tilespmem:s18], [sflag:$0x1], $0x80, $0x38;
	[tilespmem:$0x10000] =	vst v63  }
0x279: {  	s22 =	sadd.s32 $0xC00, s2;
	s18 =	sld [smem:$0x6DD]  }
0x27a: {  	[hbm4b:s22+s4] =	stream.linear.scatter [tilespmem:s23], [sflag:$0x1], $0x80, $0x38;
	[tilespmem:$0x10000] =	vst v63  }
0x27b: {  	s16 =	sadd.s32 $0xC10, s2;
	s23 =	sld [smem:$0x6DE]  }
0x27c: {  	[hbm4b:s16+s4] =	stream.linear.scatter [tilespmem:s18], [sflag:$0x1], $0x80, $0x38;
	[tilespmem:$0x10000] =	vst v63  }
0x27d: {  	s22 =	sadd.s32 $0xC20, s2;
	s18 =	sld [smem:$0x6DF]  }
0x27e: {  	[hbm4b:s22+s4] =	stream.linear.scatter [tilespmem:s23], [sflag:$0x1], $0x80, $0x38;
	[tilespmem:$0x10000] =	vst v63  }
0x27f: {  	s16 =	sadd.s32 $0xC30, s2;
	s23 =	sld [smem:$0x6E0]  }
0x280: {  	[hbm4b:s16+s4] =	stream.linear.scatter [tilespmem:s18], [sflag:$0x1], $0x80, $0x38;
	[tilespmem:$0x10000] =	vst v63  }
0x281: {  	s22 =	sadd.s32 $0xC40, s2;
	s18 =	sld [smem:$0x6E1]  }
0x282: {  	[hbm4b:s22+s4] =	stream.linear.scatter [tilespmem:s23], [sflag:$0x1], $0x80, $0x38;
	[tilespmem:$0x10000] =	vst v63  }
0x283: {  	s15 =	sadd.s32 $0xC70, s2;
	s23 =	sld [smem:$0x6E2]  }
0x284: {  	s16 =	sadd.s32 $0xC50, s2;
	s22 =	sadd.s32 $0xC60, s2;
	s2 =	rddreg [dreg:$0xb]  }
0x285: {  	[hbm4b:s16+s4] =	stream.linear.scatter [tilespmem:s18], [sflag:$0x1], $0x80, $0x38;
	[tilespmem:$0x10000] =	vst v63  }
0x286: {  	s16 =	sld [smem:$0x6E3]  }
0x287: {  	s18 =	rddreg [dreg:$0x1b]  }
0x288: {  	[hbm4b:s22+s4] =	stream.linear.scatter [tilespmem:s23], [sflag:$0x1], $0x80, $0x38;
	[tilespmem:$0x10000] =	vst v63  }
0x289: {  	s23 =	sld [smem:$0x6E4]  }
0x28a: {  	[hbm4b:s15+s4] =	stream.linear.scatter [tilespmem:s16], [sflag:$0x1], $0x80, $0x38;
	[tilespmem:$0x10000] =	vst v63  }
0x28b: {  	s15 =	rddreg [dreg:$0x1c]  }
0x28c: {  	[hbm4b:s2+s4] =	stream.linear.scatter [tilespmem:s18], [sflag:$0x1], $0x80, $0x38;
	[tilespmem:$0x10000] =	vst v63  }
0x28d: {  	s22 =	sadd.s32 $0x10, s2;
	s18 =	sld [smem:$0x6E5]  }
0x28e: {  	[hbm4b:s22+s4] =	stream.linear.scatter [tilespmem:s23], [sflag:$0x1], $0x80, $0x38;
	[tilespmem:$0x10000] =	vst v63  }
0x28f: {  	s16 =	sadd.s32 $0x20, s2;
	s23 =	sld [smem:$0x6E6]  }
0x290: {  	[hbm4b:s16+s4] =	stream.linear.scatter [tilespmem:s18], [sflag:$0x1], $0x80, $0x38;
	[tilespmem:$0x10000] =	vst v63  }
0x291: {  	s22 =	sadd.s32 $0x30, s2;
	s18 =	sld [smem:$0x6E7]  }
0x292: {  	[hbm4b:s22+s4] =	stream.linear.scatter [tilespmem:s23], [sflag:$0x1], $0x80, $0x38;
	[tilespmem:$0x10000] =	vst v63  }
0x293: {  	s16 =	sadd.s32 $0x40, s2;
	s23 =	sld [smem:$0x6E8]  }
0x294: {  	[hbm4b:s16+s4] =	stream.linear.scatter [tilespmem:s18], [sflag:$0x1], $0x80, $0x38;
	[tilespmem:$0x10000] =	vst v63  }
0x295: {  	s22 =	sadd.s32 $0x50, s2;
	s18 =	sld [smem:$0x6E9]  }
0x296: {  	[hbm4b:s22+s4] =	stream.linear.scatter [tilespmem:s23], [sflag:$0x1], $0x80, $0x38;
	[tilespmem:$0x10000] =	vst v63  }
0x297: {  	s16 =	sadd.s32 $0x60, s2;
	s23 =	sld [smem:$0x6EA]  }
0x298: {  	[hbm4b:s16+s4] =	stream.linear.scatter [tilespmem:s18], [sflag:$0x1], $0x80, $0x38;
	[tilespmem:$0x10000] =	vst v63  }
0x299: {  	s22 =	sadd.s32 $0x70, s2;
	s18 =	sld [smem:$0x6EB]  }
0x29a: {  	[hbm4b:s22+s4] =	stream.linear.scatter [tilespmem:s23], [sflag:$0x1], $0x80, $0x38;
	[tilespmem:$0x10000] =	vst v63  }
0x29b: {  	s16 =	sadd.s32 $0xC00, s2;
	s23 =	sld [smem:$0x6EC]  }
0x29c: {  	[hbm4b:s16+s4] =	stream.linear.scatter [tilespmem:s18], [sflag:$0x1], $0x80, $0x38;
	[tilespmem:$0x10000] =	vst v63  }
0x29d: {  	s22 =	sadd.s32 $0xC10, s2;
	s18 =	sld [smem:$0x6ED]  }
0x29e: {  	[hbm4b:s22+s4] =	stream.linear.scatter [tilespmem:s23], [sflag:$0x1], $0x80, $0x38;
	[tilespmem:$0x10000] =	vst v63  }
0x29f: {  	s16 =	sadd.s32 $0xC20, s2;
	s23 =	sld [smem:$0x6EE]  }
0x2a0: {  	[hbm4b:s16+s4] =	stream.linear.scatter [tilespmem:s18], [sflag:$0x1], $0x80, $0x38;
	[tilespmem:$0x10000] =	vst v63  }
0x2a1: {  	s22 =	sadd.s32 $0xC30, s2;
	s18 =	sld [smem:$0x6EF]  }
0x2a2: {  	[hbm4b:s22+s4] =	stream.linear.scatter [tilespmem:s23], [sflag:$0x1], $0x80, $0x38;
	[tilespmem:$0x10000] =	vst v63  }
0x2a3: {  	s16 =	sadd.s32 $0xC40, s2;
	s23 =	sld [smem:$0x6F0]  }
0x2a4: {  	[hbm4b:s16+s4] =	stream.linear.scatter [tilespmem:s18], [sflag:$0x1], $0x80, $0x38;
	[tilespmem:$0x10000] =	vst v63  }
0x2a5: {  	s22 =	sadd.s32 $0xC50, s2;
	s18 =	sld [smem:$0x6F1]  }
0x2a6: {  	[hbm4b:s22+s4] =	stream.linear.scatter [tilespmem:s23], [sflag:$0x1], $0x80, $0x38;
	[tilespmem:$0x10000] =	vst v63  }
0x2a7: {  	s16 =	sadd.s32 $0xC60, s2;
	s23 =	sld [smem:$0x6F2]  }
0x2a8: {  	[hbm4b:s16+s4] =	stream.linear.scatter [tilespmem:s18], [sflag:$0x1], $0x80, $0x38;
	[tilespmem:$0x10000] =	vst v63  }
0x2a9: {  	s22 =	sadd.s32 $0xC70, s2;
	s2 =	rddreg [dreg:$0xd]  }
0x2aa: {  	[hbm4b:s22+s4] =	stream.linear.scatter [tilespmem:s23], [sflag:$0x1], $0x80, $0x38;
	[tilespmem:$0x10000] =	vst v63  }
0x2ab: {  	s18 =	sld [smem:$0x6F3]  }
0x2ac: {  	[hbm4b:s2+s4] =	stream.linear.scatter [tilespmem:s15], [sflag:$0x1], $0x80, $0x38;
	[tilespmem:$0x10000] =	vst v63  }
0x2ad: {  	s16 =	sadd.s32 $0x10, s2;
	s23 =	sld [smem:$0x6F4]  }
0x2ae: {  	[hbm4b:s16+s4] =	stream.linear.scatter [tilespmem:s18], [sflag:$0x1], $0x80, $0x38;
	[tilespmem:$0x10000] =	vst v63  }
0x2af: {  	s22 =	sadd.s32 $0x20, s2;
	s18 =	sld [smem:$0x6F5]  }
0x2b0: {  	[hbm4b:s22+s4] =	stream.linear.scatter [tilespmem:s23], [sflag:$0x1], $0x80, $0x38;
	[tilespmem:$0x10000] =	vst v63  }
0x2b1: {  	s16 =	sadd.s32 $0x30, s2;
	s23 =	sld [smem:$0x6F6]  }
0x2b2: {  	[hbm4b:s16+s4] =	stream.linear.scatter [tilespmem:s18], [sflag:$0x1], $0x80, $0x38;
	[tilespmem:$0x10000] =	vst v63  }
0x2b3: {  	s22 =	sadd.s32 $0x40, s2;
	s18 =	sld [smem:$0x6F7]  }
0x2b4: {  	[hbm4b:s22+s4] =	stream.linear.scatter [tilespmem:s23], [sflag:$0x1], $0x80, $0x38;
	[tilespmem:$0x10000] =	vst v63  }
0x2b5: {  	s16 =	sadd.s32 $0x50, s2;
	s23 =	sld [smem:$0x6F8]  }
0x2b6: {  	[hbm4b:s16+s4] =	stream.linear.scatter [tilespmem:s18], [sflag:$0x1], $0x80, $0x38;
	[tilespmem:$0x10000] =	vst v63  }
0x2b7: {  	s22 =	sadd.s32 $0x60, s2;
	s18 =	sld [smem:$0x6F9]  }
0x2b8: {  	[hbm4b:s22+s4] =	stream.linear.scatter [tilespmem:s23], [sflag:$0x1], $0x80, $0x38;
	[tilespmem:$0x10000] =	vst v63  }
0x2b9: {  	s16 =	sadd.s32 $0x70, s2;
	s23 =	sld [smem:$0x6FA]  }
0x2ba: {  	[hbm4b:s16+s4] =	stream.linear.scatter [tilespmem:s18], [sflag:$0x1], $0x80, $0x38;
	[tilespmem:$0x10000] =	vst v63  }
0x2bb: {  	s22 =	sadd.s32 $0xC00, s2;
	s18 =	sld [smem:$0x6FB]  }
0x2bc: {  	[hbm4b:s22+s4] =	stream.linear.scatter [tilespmem:s23], [sflag:$0x1], $0x80, $0x38;
	[tilespmem:$0x10000] =	vst v63  }
0x2bd: {  	s16 =	sadd.s32 $0xC10, s2;
	s23 =	sld [smem:$0x6FC]  }
0x2be: {  	[hbm4b:s16+s4] =	stream.linear.scatter [tilespmem:s18], [sflag:$0x1], $0x80, $0x38;
	[tilespmem:$0x10000] =	vst v63  }
0x2bf: {  	s22 =	sadd.s32 $0xC20, s2;
	s18 =	sld [smem:$0x6FD]  }
0x2c0: {  	[hbm4b:s22+s4] =	stream.linear.scatter [tilespmem:s23], [sflag:$0x1], $0x80, $0x38;
	[tilespmem:$0x10000] =	vst v63  }
0x2c1: {  	s16 =	sadd.s32 $0xC30, s2;
	s23 =	sld [smem:$0x6FE]  }
0x2c2: {  	[hbm4b:s16+s4] =	stream.linear.scatter [tilespmem:s18], [sflag:$0x1], $0x80, $0x38;
	[tilespmem:$0x10000] =	vst v63  }
0x2c3: {  	s22 =	sadd.s32 $0xC40, s2;
	s18 =	sld [smem:$0x6FF]  }
0x2c4: {  	[hbm4b:s22+s4] =	stream.linear.scatter [tilespmem:s23], [sflag:$0x1], $0x80, $0x38;
	[tilespmem:$0x10000] =	vst v63  }
0x2c5: {  	s16 =	sadd.s32 $0xC50, s2;
	s23 =	sld [smem:$0x700]  }
0x2c6: {  	[hbm4b:s16+s4] =	stream.linear.scatter [tilespmem:s18], [sflag:$0x1], $0x80, $0x38;
	[tilespmem:$0x10000] =	vst v63  }
0x2c7: {  	s16 =	sld [smem:$0x701]  }
0x2c8: {  	s22 =	sadd.s32 $0xC60, s2;
	s18 =	rddreg [dreg:$0xc]  }
0x2c9: {  	[hbm4b:s22+s4] =	stream.linear.scatter [tilespmem:s23], [sflag:$0x1], $0x80, $0x38;
	[tilespmem:$0x10000] =	vst v63  }
0x2ca: {  	s15 =	sadd.s32 $0xC70, s2;
	s23 =	sld [smem:$0x702]  }
0x2cb: {  	[hbm4b:s15+s4] =	stream.linear.scatter [tilespmem:s16], [sflag:$0x1], $0x80, $0x38;
	[tilespmem:$0x10000] =	vst v63  }
0x2cc: {  	s15 =	rddreg [dreg:$0xe]  }
0x2cd: {  	[hbm4b:s15+s4] =	stream.linear.scatter [tilespmem:s18], [sflag:$0x1], $0x80, $0x38;
	[tilespmem:$0x10000] =	vst v63  }
0x2ce: {  	s22 =	sadd.s32 $0x10, s15;
	s18 =	sld [smem:$0x703]  }
0x2cf: {  	[hbm4b:s22+s4] =	stream.linear.scatter [tilespmem:s23], [sflag:$0x1], $0x80, $0x38;
	[tilespmem:$0x10000] =	vst v63  }
0x2d0: {  	s16 =	sadd.s32 $0x20, s15;
	s23 =	sld [smem:$0x704]  }
0x2d1: {  	[hbm4b:s16+s4] =	stream.linear.scatter [tilespmem:s18], [sflag:$0x1], $0x80, $0x38;
	[tilespmem:$0x10000] =	vst v63  }
0x2d2: {  	s22 =	sadd.s32 $0x30, s15;
	s18 =	sld [smem:$0x705]  }
0x2d3: {  	[hbm4b:s22+s4] =	stream.linear.scatter [tilespmem:s23], [sflag:$0x1], $0x80, $0x38;
	[tilespmem:$0x10000] =	vst v63  }
0x2d4: {  	s16 =	sadd.s32 $0x40, s15;
	s23 =	sld [smem:$0x706]  }
0x2d5: {  	[hbm4b:s16+s4] =	stream.linear.scatter [tilespmem:s18], [sflag:$0x1], $0x80, $0x38;
	[tilespmem:$0x10000] =	vst v63  }
0x2d6: {  	s22 =	sadd.s32 $0x50, s15;
	s18 =	sld [smem:$0x707]  }
0x2d7: {  	[hbm4b:s22+s4] =	stream.linear.scatter [tilespmem:s23], [sflag:$0x1], $0x80, $0x38;
	[tilespmem:$0x10000] =	vst v63  }
0x2d8: {  	s16 =	sadd.s32 $0x60, s15;
	s23 =	sld [smem:$0x708]  }
0x2d9: {  	[hbm4b:s16+s4] =	stream.linear.scatter [tilespmem:s18], [sflag:$0x1], $0x80, $0x38;
	[tilespmem:$0x10000] =	vst v63  }
0x2da: {  	s22 =	sadd.s32 $0x70, s15;
	s18 =	sld [smem:$0x709]  }
0x2db: {  	[hbm4b:s22+s4] =	stream.linear.scatter [tilespmem:s23], [sflag:$0x1], $0x80, $0x38;
	[tilespmem:$0x10000] =	vst v63  }
0x2dc: {  	s16 =	sadd.s32 $0xC00, s15;
	s23 =	sld [smem:$0x70A]  }
0x2dd: {  	[hbm4b:s16+s4] =	stream.linear.scatter [tilespmem:s18], [sflag:$0x1], $0x80, $0x38;
	[tilespmem:$0x10000] =	vst v63  }
0x2de: {  	s22 =	sadd.s32 $0xC10, s15;
	s16 =	sld [smem:$0x70B]  }
0x2df: {  	[hbm4b:s22+s4] =	stream.linear.scatter [tilespmem:s23], [sflag:$0x1], $0x80, $0x38;
	[tilespmem:$0x10000] =	vst v63  }
0x2e0: {  	s2 =	sadd.s32 $0xC20, s15;
	s22 =	sld [smem:$0x70C]  }
0x2e1: {  	[hbm4b:s2+s4] =	stream.linear.scatter [tilespmem:s16], [sflag:$0x1], $0x80, $0x38;
	[tilespmem:$0x10000] =	vst v63  }
0x2e2: {  	s18 =	sadd.s32 $0xC30, s15  }
0x2e3: {  	[hbm4b:s18+s4] =	stream.linear.scatter [tilespmem:s22], [sflag:$0x1], $0x80, $0x38;
	[tilespmem:$0x10000] =	vst v63  }
0x2e4: {  	s2 =	sld [smem:$0x70D]  }
0x2e5: {  	s18 =	sld [smem:$0x70E]  }
0x2e6: {  	s23 =	sadd.s32 $0xC40, s15;
	s7 =	sld [smem:$0x77E]  }
0x2e7: {  	[hbm4b:s23+s4] =	stream.linear.scatter [tilespmem:s2], [sflag:$0x1], $0x80, $0x38;
	[tilespmem:$0x10000] =	vst v63  }
0x2e8: {  	s23 =	sld [smem:$0x70F]  }
0x2e9: {  	s16 =	sadd.s32 $0xC50, s15;
	s2 =	rddreg [dreg:$0xf]  }
0x2ea: {  	[hbm4b:s16+s4] =	stream.linear.scatter [tilespmem:s18], [sflag:$0x1], $0x80, $0x38;
	[tilespmem:$0x10000] =	vst v63  }
0x2eb: {  	s16 =	sld [smem:$0x710]  }
0x2ec: {  	s22 =	sadd.s32 $0xC60, s15;
	s18 =	rddreg [dreg:$0x1d]  }
0x2ed: {  	[hbm4b:s22+s4] =	stream.linear.scatter [tilespmem:s23], [sflag:$0x1], $0x80, $0x38;
	[tilespmem:$0x10000] =	vst v63  }
0x2ee: {  	s15 =	sadd.s32 $0xC70, s15;
	s23 =	sld [smem:$0x711]  }
0x2ef: {  	[hbm4b:s15+s4] =	stream.linear.scatter [tilespmem:s16], [sflag:$0x1], $0x80, $0x38;
	[tilespmem:$0x10000] =	vst v63  }
0x2f0: {  	s15 =	rddreg [dreg:$0x1e]  }
0x2f1: {  	[hbm4b:s2+s4] =	stream.linear.scatter [tilespmem:s18], [sflag:$0x1], $0x80, $0x38;
	[tilespmem:$0x10000] =	vst v63  }
0x2f2: {  	s22 =	sadd.s32 $0x10, s2;
	s18 =	sld [smem:$0x712]  }
0x2f3: {  	[hbm4b:s22+s4] =	stream.linear.scatter [tilespmem:s23], [sflag:$0x1], $0x80, $0x38;
	[tilespmem:$0x10000] =	vst v63  }
0x2f4: {  	s16 =	sadd.s32 $0x20, s2;
	s23 =	sld [smem:$0x713]  }
0x2f5: {  	[hbm4b:s16+s4] =	stream.linear.scatter [tilespmem:s18], [sflag:$0x1], $0x80, $0x38;
	[tilespmem:$0x10000] =	vst v63  }
0x2f6: {  	s22 =	sadd.s32 $0x30, s2;
	s18 =	sld [smem:$0x714]  }
0x2f7: {  	[hbm4b:s22+s4] =	stream.linear.scatter [tilespmem:s23], [sflag:$0x1], $0x80, $0x38;
	[tilespmem:$0x10000] =	vst v63  }
0x2f8: {  	s16 =	sadd.s32 $0x40, s2;
	s23 =	sld [smem:$0x715]  }
0x2f9: {  	[hbm4b:s16+s4] =	stream.linear.scatter [tilespmem:s18], [sflag:$0x1], $0x80, $0x38;
	[tilespmem:$0x10000] =	vst v63  }
0x2fa: {  	s22 =	sadd.s32 $0x50, s2;
	s18 =	sld [smem:$0x716]  }
0x2fb: {  	[hbm4b:s22+s4] =	stream.linear.scatter [tilespmem:s23], [sflag:$0x1], $0x80, $0x38;
	[tilespmem:$0x10000] =	vst v63  }
0x2fc: {  	s16 =	sadd.s32 $0x60, s2;
	s23 =	sld [smem:$0x717]  }
0x2fd: {  	[hbm4b:s16+s4] =	stream.linear.scatter [tilespmem:s18], [sflag:$0x1], $0x80, $0x38;
	[tilespmem:$0x10000] =	vst v63  }
0x2fe: {  	s22 =	sadd.s32 $0x70, s2;
	s18 =	sld [smem:$0x718]  }
0x2ff: {  	[hbm4b:s22+s4] =	stream.linear.scatter [tilespmem:s23], [sflag:$0x1], $0x80, $0x38;
	[tilespmem:$0x10000] =	vst v63  }
0x300: {  	s16 =	sadd.s32 $0xC00, s2;
	s23 =	sld [smem:$0x719]  }
0x301: {  	[hbm4b:s16+s4] =	stream.linear.scatter [tilespmem:s18], [sflag:$0x1], $0x80, $0x38;
	[tilespmem:$0x10000] =	vst v63  }
0x302: {  	s22 =	sadd.s32 $0xC10, s2;
	s18 =	sld [smem:$0x71A]  }
0x303: {  	[hbm4b:s22+s4] =	stream.linear.scatter [tilespmem:s23], [sflag:$0x1], $0x80, $0x38;
	[tilespmem:$0x10000] =	vst v63  }
0x304: {  	s16 =	sadd.s32 $0xC20, s2;
	s23 =	sld [smem:$0x71B]  }
0x305: {  	[hbm4b:s16+s4] =	stream.linear.scatter [tilespmem:s18], [sflag:$0x1], $0x80, $0x38;
	[tilespmem:$0x10000] =	vst v63  }
0x306: {  	s22 =	sadd.s32 $0xC30, s2;
	s18 =	sld [smem:$0x71C]  }
0x307: {  	[hbm4b:s22+s4] =	stream.linear.scatter [tilespmem:s23], [sflag:$0x1], $0x80, $0x38;
	[tilespmem:$0x10000] =	vst v63  }
0x308: {  	s16 =	sadd.s32 $0xC40, s2;
	s23 =	sld [smem:$0x71D]  }
0x309: {  	[hbm4b:s16+s4] =	stream.linear.scatter [tilespmem:s18], [sflag:$0x1], $0x80, $0x38;
	[tilespmem:$0x10000] =	vst v63  }
0x30a: {  	s22 =	sadd.s32 $0xC50, s2;
	s18 =	sld [smem:$0x71E]  }
0x30b: {  	[hbm4b:s22+s4] =	stream.linear.scatter [tilespmem:s23], [sflag:$0x1], $0x80, $0x38;
	[tilespmem:$0x10000] =	vst v63  }
0x30c: {  	s16 =	sadd.s32 $0xC60, s2;
	s23 =	sld [smem:$0x71F]  }
0x30d: {  	[hbm4b:s16+s4] =	stream.linear.scatter [tilespmem:s18], [sflag:$0x1], $0x80, $0x38;
	[tilespmem:$0x10000] =	vst v63  }
0x30e: {  	s22 =	sadd.s32 $0xC70, s2;
	s2 =	rddreg [dreg:$0x10]  }
0x30f: {  	[hbm4b:s22+s4] =	stream.linear.scatter [tilespmem:s23], [sflag:$0x1], $0x80, $0x38;
	[tilespmem:$0x10000] =	vst v63  }
0x310: {  	s18 =	sld [smem:$0x720]  }
0x311: {  	[hbm4b:s2+s4] =	stream.linear.scatter [tilespmem:s15], [sflag:$0x1], $0x80, $0x38;
	[tilespmem:$0x10000] =	vst v63  }
0x312: {  	s16 =	sadd.s32 $0x10, s2;
	s23 =	sld [smem:$0x721]  }
0x313: {  	[hbm4b:s16+s4] =	stream.linear.scatter [tilespmem:s18], [sflag:$0x1], $0x80, $0x38;
	[tilespmem:$0x10000] =	vst v63  }
0x314: {  	s22 =	sadd.s32 $0x20, s2;
	s18 =	sld [smem:$0x722]  }
0x315: {  	[hbm4b:s22+s4] =	stream.linear.scatter [tilespmem:s23], [sflag:$0x1], $0x80, $0x38;
	[tilespmem:$0x10000] =	vst v63  }
0x316: {  	s16 =	sadd.s32 $0x30, s2;
	s23 =	sld [smem:$0x723]  }
0x317: {  	[hbm4b:s16+s4] =	stream.linear.scatter [tilespmem:s18], [sflag:$0x1], $0x80, $0x38;
	[tilespmem:$0x10000] =	vst v63  }
0x318: {  	s22 =	sadd.s32 $0x40, s2;
	s18 =	sld [smem:$0x724]  }
0x319: {  	[hbm4b:s22+s4] =	stream.linear.scatter [tilespmem:s23], [sflag:$0x1], $0x80, $0x38;
	[tilespmem:$0x10000] =	vst v63  }
0x31a: {  	s16 =	sadd.s32 $0x50, s2;
	s23 =	sld [smem:$0x725]  }
0x31b: {  	[hbm4b:s16+s4] =	stream.linear.scatter [tilespmem:s18], [sflag:$0x1], $0x80, $0x38;
	[tilespmem:$0x10000] =	vst v63  }
0x31c: {  	s22 =	sadd.s32 $0x60, s2;
	s18 =	sld [smem:$0x726]  }
0x31d: {  	[hbm4b:s22+s4] =	stream.linear.scatter [tilespmem:s23], [sflag:$0x1], $0x80, $0x38;
	[tilespmem:$0x10000] =	vst v63  }
0x31e: {  	s16 =	sadd.s32 $0x70, s2;
	s23 =	sld [smem:$0x727]  }
0x31f: {  	[hbm4b:s16+s4] =	stream.linear.scatter [tilespmem:s18], [sflag:$0x1], $0x80, $0x38;
	[tilespmem:$0x10000] =	vst v63  }
0x320: {  	s22 =	sadd.s32 $0xC00, s2;
	s18 =	sld [smem:$0x728]  }
0x321: {  	[hbm4b:s22+s4] =	stream.linear.scatter [tilespmem:s23], [sflag:$0x1], $0x80, $0x38;
	[tilespmem:$0x10000] =	vst v63  }
0x322: {  	s16 =	sadd.s32 $0xC10, s2;
	s23 =	sld [smem:$0x729]  }
0x323: {  	[hbm4b:s16+s4] =	stream.linear.scatter [tilespmem:s18], [sflag:$0x1], $0x80, $0x38;
	[tilespmem:$0x10000] =	vst v63  }
0x324: {  	s22 =	sadd.s32 $0xC20, s2;
	s18 =	sld [smem:$0x72A]  }
0x325: {  	[hbm4b:s22+s4] =	stream.linear.scatter [tilespmem:s23], [sflag:$0x1], $0x80, $0x38;
	[tilespmem:$0x10000] =	vst v63  }
0x326: {  	s16 =	sadd.s32 $0xC30, s2;
	s23 =	sld [smem:$0x72B]  }
0x327: {  	[hbm4b:s16+s4] =	stream.linear.scatter [tilespmem:s18], [sflag:$0x1], $0x80, $0x38;
	[tilespmem:$0x10000] =	vst v63  }
0x328: {  	s22 =	sadd.s32 $0xC40, s2;
	s18 =	sld [smem:$0x72C]  }
0x329: {  	[hbm4b:s22+s4] =	stream.linear.scatter [tilespmem:s23], [sflag:$0x1], $0x80, $0x38;
	[tilespmem:$0x10000] =	vst v63  }
0x32a: {  	s15 =	sadd.s32 $0xC70, s2;
	s23 =	sld [smem:$0x72D]  }
0x32b: {  	s16 =	sadd.s32 $0xC50, s2;
	s22 =	sadd.s32 $0xC60, s2;
	s2 =	rddreg [dreg:$0x11]  }
0x32c: {  	[hbm4b:s16+s4] =	stream.linear.scatter [tilespmem:s18], [sflag:$0x1], $0x80, $0x38;
	[tilespmem:$0x10000] =	vst v63  }
0x32d: {  	s16 =	sld [smem:$0x72E]  }
0x32e: {  	s18 =	rddreg [dreg:$0x1f]  }
0x32f: {  	[hbm4b:s22+s4] =	stream.linear.scatter [tilespmem:s23], [sflag:$0x1], $0x80, $0x38;
	[tilespmem:$0x10000] =	vst v63  }
0x330: {  	s23 =	sld [smem:$0x72F]  }
0x331: {  	[hbm4b:s15+s4] =	stream.linear.scatter [tilespmem:s16], [sflag:$0x1], $0x80, $0x38;
	[tilespmem:$0x10000] =	vst v63  }
0x332: {  	s15 =	sld [smem:$0x73E]  }
0x333: {  	[hbm4b:s2+s4] =	stream.linear.scatter [tilespmem:s18], [sflag:$0x1], $0x80, $0x38;
	[tilespmem:$0x10000] =	vst v63  }
0x334: {  	s22 =	sadd.s32 $0x10, s2;
	s18 =	sld [smem:$0x730]  }
0x335: {  	[hbm4b:s22+s4] =	stream.linear.scatter [tilespmem:s23], [sflag:$0x1], $0x80, $0x38;
	[tilespmem:$0x10000] =	vst v63  }
0x336: {  	s16 =	sadd.s32 $0x20, s2;
	s23 =	sld [smem:$0x731]  }
0x337: {  	[hbm4b:s16+s4] =	stream.linear.scatter [tilespmem:s18], [sflag:$0x1], $0x80, $0x38;
	[tilespmem:$0x10000] =	vst v63  }
0x338: {  	s22 =	sadd.s32 $0x30, s2;
	s18 =	sld [smem:$0x732]  }
0x339: {  	[hbm4b:s22+s4] =	stream.linear.scatter [tilespmem:s23], [sflag:$0x1], $0x80, $0x38;
	[tilespmem:$0x10000] =	vst v63  }
0x33a: {  	s16 =	sadd.s32 $0x40, s2;
	s23 =	sld [smem:$0x733]  }
0x33b: {  	[hbm4b:s16+s4] =	stream.linear.scatter [tilespmem:s18], [sflag:$0x1], $0x80, $0x38;
	[tilespmem:$0x10000] =	vst v63  }
0x33c: {  	s22 =	sadd.s32 $0x50, s2;
	s18 =	sld [smem:$0x734]  }
0x33d: {  	[hbm4b:s22+s4] =	stream.linear.scatter [tilespmem:s23], [sflag:$0x1], $0x80, $0x38;
	[tilespmem:$0x10000] =	vst v63  }
0x33e: {  	s16 =	sadd.s32 $0x60, s2;
	s23 =	sld [smem:$0x735]  }
0x33f: {  	[hbm4b:s16+s4] =	stream.linear.scatter [tilespmem:s18], [sflag:$0x1], $0x80, $0x38;
	[tilespmem:$0x10000] =	vst v63  }
0x340: {  	s22 =	sadd.s32 $0x70, s2;
	s18 =	sld [smem:$0x736]  }
0x341: {  	[hbm4b:s22+s4] =	stream.linear.scatter [tilespmem:s23], [sflag:$0x1], $0x80, $0x38;
	[tilespmem:$0x10000] =	vst v63  }
0x342: {  	s16 =	sadd.s32 $0xC00, s2;
	s23 =	sld [smem:$0x737]  }
0x343: {  	[hbm4b:s16+s4] =	stream.linear.scatter [tilespmem:s18], [sflag:$0x1], $0x80, $0x38;
	[tilespmem:$0x10000] =	vst v63  }
0x344: {  	s22 =	sadd.s32 $0xC10, s2;
	s18 =	sld [smem:$0x738]  }
0x345: {  	[hbm4b:s22+s4] =	stream.linear.scatter [tilespmem:s23], [sflag:$0x1], $0x80, $0x38;
	[tilespmem:$0x10000] =	vst v63  }
0x346: {  	s16 =	sadd.s32 $0xC20, s2;
	s23 =	sld [smem:$0x739]  }
0x347: {  	[hbm4b:s16+s4] =	stream.linear.scatter [tilespmem:s18], [sflag:$0x1], $0x80, $0x38;
	[tilespmem:$0x10000] =	vst v63  }
0x348: {  	s22 =	sadd.s32 $0xC30, s2;
	s18 =	sld [smem:$0x73A]  }
0x349: {  	[hbm4b:s22+s4] =	stream.linear.scatter [tilespmem:s23], [sflag:$0x1], $0x80, $0x38;
	[tilespmem:$0x10000] =	vst v63  }
0x34a: {  	s16 =	sadd.s32 $0xC40, s2;
	s23 =	sld [smem:$0x73B]  }
0x34b: {  	[hbm4b:s16+s4] =	stream.linear.scatter [tilespmem:s18], [sflag:$0x1], $0x80, $0x38;
	[tilespmem:$0x10000] =	vst v63  }
0x34c: {  	s22 =	sadd.s32 $0xC50, s2;
	s18 =	sld [smem:$0x73C]  }
0x34d: {  	[hbm4b:s22+s4] =	stream.linear.scatter [tilespmem:s23], [sflag:$0x1], $0x80, $0x38;
	[tilespmem:$0x10000] =	vst v63  }
0x34e: {  	s16 =	sadd.s32 $0xC60, s2;
	s23 =	sld [smem:$0x73D]  }
0x34f: {  	[hbm4b:s16+s4] =	stream.linear.scatter [tilespmem:s18], [sflag:$0x1], $0x80, $0x38;
	[tilespmem:$0x10000] =	vst v63  }
0x350: {  	s22 =	sadd.s32 $0xC70, s2;
	s2 =	rddreg [dreg:$0x12]  }
0x351: {  	[hbm4b:s22+s4] =	stream.linear.scatter [tilespmem:s23], [sflag:$0x1], $0x80, $0x38;
	[tilespmem:$0x10000] =	vst v63  }
0x352: {  	s18 =	sld [smem:$0x73F]  }
0x353: {  	[hbm4b:s2+s4] =	stream.linear.scatter [tilespmem:s15], [sflag:$0x1], $0x80, $0x38;
	[tilespmem:$0x10000] =	vst v63  }
0x354: {  	s16 =	sadd.s32 $0x10, s2;
	s23 =	sld [smem:$0x740]  }
0x355: {  	[hbm4b:s16+s4] =	stream.linear.scatter [tilespmem:s18], [sflag:$0x1], $0x80, $0x38;
	[tilespmem:$0x10000] =	vst v63  }
0x356: {  	s22 =	sadd.s32 $0x20, s2;
	s18 =	sld [smem:$0x741]  }
0x357: {  	[hbm4b:s22+s4] =	stream.linear.scatter [tilespmem:s23], [sflag:$0x1], $0x80, $0x38;
	[tilespmem:$0x10000] =	vst v63  }
0x358: {  	s16 =	sadd.s32 $0x30, s2;
	s23 =	sld [smem:$0x742]  }
0x359: {  	[hbm4b:s16+s4] =	stream.linear.scatter [tilespmem:s18], [sflag:$0x1], $0x80, $0x38;
	[tilespmem:$0x10000] =	vst v63  }
0x35a: {  	s22 =	sadd.s32 $0x40, s2;
	s18 =	sld [smem:$0x743]  }
0x35b: {  	[hbm4b:s22+s4] =	stream.linear.scatter [tilespmem:s23], [sflag:$0x1], $0x80, $0x38;
	[tilespmem:$0x10000] =	vst v63  }
0x35c: {  	s16 =	sadd.s32 $0x50, s2;
	s23 =	sld [smem:$0x744]  }
0x35d: {  	[hbm4b:s16+s4] =	stream.linear.scatter [tilespmem:s18], [sflag:$0x1], $0x80, $0x38;
	[tilespmem:$0x10000] =	vst v63  }
0x35e: {  	s22 =	sadd.s32 $0x60, s2;
	s18 =	sld [smem:$0x745]  }
0x35f: {  	[hbm4b:s22+s4] =	stream.linear.scatter [tilespmem:s23], [sflag:$0x1], $0x80, $0x38;
	[tilespmem:$0x10000] =	vst v63  }
0x360: {  	s16 =	sadd.s32 $0x70, s2;
	s23 =	sld [smem:$0x746]  }
0x361: {  	[hbm4b:s16+s4] =	stream.linear.scatter [tilespmem:s18], [sflag:$0x1], $0x80, $0x38;
	[tilespmem:$0x10000] =	vst v63  }
0x362: {  	s22 =	sadd.s32 $0xC00, s2;
	s18 =	sld [smem:$0x747]  }
0x363: {  	[hbm4b:s22+s4] =	stream.linear.scatter [tilespmem:s23], [sflag:$0x1], $0x80, $0x38;
	[tilespmem:$0x10000] =	vst v63  }
0x364: {  	s16 =	sadd.s32 $0xC10, s2;
	s23 =	sld [smem:$0x748]  }
0x365: {  	[hbm4b:s16+s4] =	stream.linear.scatter [tilespmem:s18], [sflag:$0x1], $0x80, $0x38;
	[tilespmem:$0x10000] =	vst v63  }
0x366: {  	s22 =	sadd.s32 $0xC20, s2;
	s18 =	sld [smem:$0x749]  }
0x367: {  	[hbm4b:s22+s4] =	stream.linear.scatter [tilespmem:s23], [sflag:$0x1], $0x80, $0x38;
	[tilespmem:$0x10000] =	vst v63  }
0x368: {  	s16 =	sadd.s32 $0xC30, s2;
	s23 =	sld [smem:$0x74A]  }
0x369: {  	[hbm4b:s16+s4] =	stream.linear.scatter [tilespmem:s18], [sflag:$0x1], $0x80, $0x38;
	[tilespmem:$0x10000] =	vst v63  }
0x36a: {  	s22 =	sadd.s32 $0xC40, s2;
	s18 =	sld [smem:$0x74B]  }
0x36b: {  	[hbm4b:s22+s4] =	stream.linear.scatter [tilespmem:s23], [sflag:$0x1], $0x80, $0x38;
	[tilespmem:$0x10000] =	vst v63  }
0x36c: {  	s15 =	sadd.s32 $0xC70, s2;
	s23 =	sld [smem:$0x74C]  }
0x36d: {  	s16 =	sadd.s32 $0xC50, s2;
	s22 =	sadd.s32 $0xC60, s2;
	s2 =	rddreg [dreg:$0x13]  }
0x36e: {  	[hbm4b:s16+s4] =	stream.linear.scatter [tilespmem:s18], [sflag:$0x1], $0x80, $0x38;
	[tilespmem:$0x10000] =	vst v63  }
0x36f: {  	s16 =	sld [smem:$0x74D]  }
0x370: {  	s18 =	sld [smem:$0x74E]  }
0x371: {  	[hbm4b:s22+s4] =	stream.linear.scatter [tilespmem:s23], [sflag:$0x1], $0x80, $0x38;
	[tilespmem:$0x10000] =	vst v63  }
0x372: {  	s23 =	sld [smem:$0x74F]  }
0x373: {  	[hbm4b:s15+s4] =	stream.linear.scatter [tilespmem:s16], [sflag:$0x1], $0x80, $0x38;
	[tilespmem:$0x10000] =	vst v63  }
0x374: {  	s15 =	sld [smem:$0x75E]  }
0x375: {  	[hbm4b:s2+s4] =	stream.linear.scatter [tilespmem:s18], [sflag:$0x1], $0x80, $0x38;
	[tilespmem:$0x10000] =	vst v63  }
0x376: {  	s22 =	sadd.s32 $0x10, s2;
	s18 =	sld [smem:$0x750]  }
0x377: {  	[hbm4b:s22+s4] =	stream.linear.scatter [tilespmem:s23], [sflag:$0x1], $0x80, $0x38;
	[tilespmem:$0x10000] =	vst v63  }
0x378: {  	s16 =	sadd.s32 $0x20, s2;
	s23 =	sld [smem:$0x751]  }
0x379: {  	[hbm4b:s16+s4] =	stream.linear.scatter [tilespmem:s18], [sflag:$0x1], $0x80, $0x38;
	[tilespmem:$0x10000] =	vst v63  }
0x37a: {  	s22 =	sadd.s32 $0x30, s2;
	s18 =	sld [smem:$0x752]  }
0x37b: {  	[hbm4b:s22+s4] =	stream.linear.scatter [tilespmem:s23], [sflag:$0x1], $0x80, $0x38;
	[tilespmem:$0x10000] =	vst v63  }
0x37c: {  	s16 =	sadd.s32 $0x40, s2;
	s23 =	sld [smem:$0x753]  }
0x37d: {  	[hbm4b:s16+s4] =	stream.linear.scatter [tilespmem:s18], [sflag:$0x1], $0x80, $0x38;
	[tilespmem:$0x10000] =	vst v63  }
0x37e: {  	s22 =	sadd.s32 $0x50, s2;
	s18 =	sld [smem:$0x754]  }
0x37f: {  	[hbm4b:s22+s4] =	stream.linear.scatter [tilespmem:s23], [sflag:$0x1], $0x80, $0x38;
	[tilespmem:$0x10000] =	vst v63  }
0x380: {  	s16 =	sadd.s32 $0x60, s2;
	s23 =	sld [smem:$0x755]  }
0x381: {  	[hbm4b:s16+s4] =	stream.linear.scatter [tilespmem:s18], [sflag:$0x1], $0x80, $0x38;
	[tilespmem:$0x10000] =	vst v63  }
0x382: {  	s22 =	sadd.s32 $0x70, s2;
	s18 =	sld [smem:$0x756]  }
0x383: {  	[hbm4b:s22+s4] =	stream.linear.scatter [tilespmem:s23], [sflag:$0x1], $0x80, $0x38;
	[tilespmem:$0x10000] =	vst v63  }
0x384: {  	s16 =	sadd.s32 $0xC00, s2;
	s23 =	sld [smem:$0x757]  }
0x385: {  	[hbm4b:s16+s4] =	stream.linear.scatter [tilespmem:s18], [sflag:$0x1], $0x80, $0x38;
	[tilespmem:$0x10000] =	vst v63  }
0x386: {  	s22 =	sadd.s32 $0xC10, s2;
	s18 =	sld [smem:$0x758]  }
0x387: {  	[hbm4b:s22+s4] =	stream.linear.scatter [tilespmem:s23], [sflag:$0x1], $0x80, $0x38;
	[tilespmem:$0x10000] =	vst v63  }
0x388: {  	s16 =	sadd.s32 $0xC20, s2;
	s23 =	sld [smem:$0x759]  }
0x389: {  	[hbm4b:s16+s4] =	stream.linear.scatter [tilespmem:s18], [sflag:$0x1], $0x80, $0x38;
	[tilespmem:$0x10000] =	vst v63  }
0x38a: {  	s22 =	sadd.s32 $0xC30, s2;
	s18 =	sld [smem:$0x75A]  }
0x38b: {  	[hbm4b:s22+s4] =	stream.linear.scatter [tilespmem:s23], [sflag:$0x1], $0x80, $0x38;
	[tilespmem:$0x10000] =	vst v63  }
0x38c: {  	s16 =	sadd.s32 $0xC40, s2;
	s23 =	sld [smem:$0x75B]  }
0x38d: {  	[hbm4b:s16+s4] =	stream.linear.scatter [tilespmem:s18], [sflag:$0x1], $0x80, $0x38;
	[tilespmem:$0x10000] =	vst v63  }
0x38e: {  	s22 =	sadd.s32 $0xC50, s2;
	s18 =	sld [smem:$0x75C]  }
0x38f: {  	[hbm4b:s22+s4] =	stream.linear.scatter [tilespmem:s23], [sflag:$0x1], $0x80, $0x38;
	[tilespmem:$0x10000] =	vst v63  }
0x390: {  	s16 =	sadd.s32 $0xC60, s2;
	s23 =	sld [smem:$0x75D]  }
0x391: {  	[hbm4b:s16+s4] =	stream.linear.scatter [tilespmem:s18], [sflag:$0x1], $0x80, $0x38;
	[tilespmem:$0x10000] =	vst v63  }
0x392: {  	s22 =	sadd.s32 $0xC70, s2;
	s2 =	rddreg [dreg:$0x14]  }
0x393: {  	[hbm4b:s22+s4] =	stream.linear.scatter [tilespmem:s23], [sflag:$0x1], $0x80, $0x38;
	[tilespmem:$0x10000] =	vst v63  }
0x394: {  	s18 =	sld [smem:$0x75F]  }
0x395: {  	[hbm4b:s2+s4] =	stream.linear.scatter [tilespmem:s15], [sflag:$0x1], $0x80, $0x38;
	[tilespmem:$0x10000] =	vst v63  }
0x396: {  	s16 =	sadd.s32 $0x10, s2;
	s23 =	sld [smem:$0x760]  }
0x397: {  	[hbm4b:s16+s4] =	stream.linear.scatter [tilespmem:s18], [sflag:$0x1], $0x80, $0x38;
	[tilespmem:$0x10000] =	vst v63  }
0x398: {  	s22 =	sadd.s32 $0x20, s2;
	s18 =	sld [smem:$0x761]  }
0x399: {  	[hbm4b:s22+s4] =	stream.linear.scatter [tilespmem:s23], [sflag:$0x1], $0x80, $0x38;
	[tilespmem:$0x10000] =	vst v63  }
0x39a: {  	s16 =	sadd.s32 $0x30, s2;
	s23 =	sld [smem:$0x762]  }
0x39b: {  	[hbm4b:s16+s4] =	stream.linear.scatter [tilespmem:s18], [sflag:$0x1], $0x80, $0x38;
	[tilespmem:$0x10000] =	vst v63  }
0x39c: {  	s22 =	sadd.s32 $0x40, s2;
	s18 =	sld [smem:$0x763]  }
0x39d: {  	[hbm4b:s22+s4] =	stream.linear.scatter [tilespmem:s23], [sflag:$0x1], $0x80, $0x38;
	[tilespmem:$0x10000] =	vst v63  }
0x39e: {  	s16 =	sadd.s32 $0x50, s2;
	s23 =	sld [smem:$0x764]  }
0x39f: {  	[hbm4b:s16+s4] =	stream.linear.scatter [tilespmem:s18], [sflag:$0x1], $0x80, $0x38;
	[tilespmem:$0x10000] =	vst v63  }
0x3a0: {  	s22 =	sadd.s32 $0x60, s2;
	s18 =	sld [smem:$0x765]  }
0x3a1: {  	[hbm4b:s22+s4] =	stream.linear.scatter [tilespmem:s23], [sflag:$0x1], $0x80, $0x38;
	[tilespmem:$0x10000] =	vst v63  }
0x3a2: {  	s16 =	sadd.s32 $0x70, s2;
	s23 =	sld [smem:$0x766]  }
0x3a3: {  	[hbm4b:s16+s4] =	stream.linear.scatter [tilespmem:s18], [sflag:$0x1], $0x80, $0x38;
	[tilespmem:$0x10000] =	vst v63  }
0x3a4: {  	s22 =	sadd.s32 $0xC00, s2;
	s18 =	sld [smem:$0x767]  }
0x3a5: {  	[hbm4b:s22+s4] =	stream.linear.scatter [tilespmem:s23], [sflag:$0x1], $0x80, $0x38;
	[tilespmem:$0x10000] =	vst v63  }
0x3a6: {  	s16 =	sadd.s32 $0xC10, s2;
	s23 =	sld [smem:$0x768]  }
0x3a7: {  	[hbm4b:s16+s4] =	stream.linear.scatter [tilespmem:s18], [sflag:$0x1], $0x80, $0x38;
	[tilespmem:$0x10000] =	vst v63  }
0x3a8: {  	s22 =	sadd.s32 $0xC20, s2;
	s18 =	sld [smem:$0x769]  }
0x3a9: {  	[hbm4b:s22+s4] =	stream.linear.scatter [tilespmem:s23], [sflag:$0x1], $0x80, $0x38;
	[tilespmem:$0x10000] =	vst v63  }
0x3aa: {  	s16 =	sadd.s32 $0xC30, s2;
	s23 =	sld [smem:$0x76A]  }
0x3ab: {  	[hbm4b:s16+s4] =	stream.linear.scatter [tilespmem:s18], [sflag:$0x1], $0x80, $0x38;
	[tilespmem:$0x10000] =	vst v63  }
0x3ac: {  	s22 =	sadd.s32 $0xC40, s2;
	s18 =	sld [smem:$0x76B]  }
0x3ad: {  	[hbm4b:s22+s4] =	stream.linear.scatter [tilespmem:s23], [sflag:$0x1], $0x80, $0x38;
	[tilespmem:$0x10000] =	vst v63  }
0x3ae: {  	s15 =	sadd.s32 $0xC70, s2;
	s23 =	sld [smem:$0x76C]  }
0x3af: {  	s16 =	sadd.s32 $0xC50, s2;
	s22 =	sadd.s32 $0xC60, s2;
	s2 =	rddreg [dreg:$0x15]  }
0x3b0: {  	[hbm4b:s16+s4] =	stream.linear.scatter [tilespmem:s18], [sflag:$0x1], $0x80, $0x38;
	[tilespmem:$0x10000] =	vst v63  }
0x3b1: {  	s16 =	sld [smem:$0x76D]  }
0x3b2: {  	[hbm4b:s22+s4] =	stream.linear.scatter [tilespmem:s23], [sflag:$0x1], $0x80, $0x38;
	[tilespmem:$0x10000] =	vst v63  }
0x3b3: {  	s18 =	sld [smem:$0x76E]  }
0x3b4: {  	[hbm4b:s15+s4] =	stream.linear.scatter [tilespmem:s16], [sflag:$0x1], $0x80, $0x38;
	[tilespmem:$0x10000] =	vst v63  }
0x3b5: {  	s23 =	sld [smem:$0x76F]  }
0x3b6: {  	[hbm4b:s2+s4] =	stream.linear.scatter [tilespmem:s18], [sflag:$0x1], $0x80, $0x38;
	[tilespmem:$0x10000] =	vst v63  }
0x3b7: {  	s22 =	sadd.s32 $0x10, s2;
	s18 =	sld [smem:$0x770]  }
0x3b8: {  	[hbm4b:s22+s4] =	stream.linear.scatter [tilespmem:s23], [sflag:$0x1], $0x80, $0x38;
	[tilespmem:$0x10000] =	vst v63  }
0x3b9: {  	s16 =	sadd.s32 $0x20, s2;
	s23 =	sld [smem:$0x771]  }
0x3ba: {  	[hbm4b:s16+s4] =	stream.linear.scatter [tilespmem:s18], [sflag:$0x1], $0x80, $0x38;
	[tilespmem:$0x10000] =	vst v63  }
0x3bb: {  	s22 =	sadd.s32 $0x30, s2;
	s18 =	sld [smem:$0x772]  }
0x3bc: {  	[hbm4b:s22+s4] =	stream.linear.scatter [tilespmem:s23], [sflag:$0x1], $0x80, $0x38;
	[tilespmem:$0x10000] =	vst v63  }
0x3bd: {  	s16 =	sadd.s32 $0x40, s2;
	s23 =	sld [smem:$0x773]  }
0x3be: {  	[hbm4b:s16+s4] =	stream.linear.scatter [tilespmem:s18], [sflag:$0x1], $0x80, $0x38;
	[tilespmem:$0x10000] =	vst v63  }
0x3bf: {  	s22 =	sadd.s32 $0x50, s2;
	s18 =	sld [smem:$0x774]  }
0x3c0: {  	[hbm4b:s22+s4] =	stream.linear.scatter [tilespmem:s23], [sflag:$0x1], $0x80, $0x38;
	[tilespmem:$0x10000] =	vst v63  }
0x3c1: {  	s16 =	sadd.s32 $0x60, s2;
	s23 =	sld [smem:$0x775]  }
0x3c2: {  	[hbm4b:s16+s4] =	stream.linear.scatter [tilespmem:s18], [sflag:$0x1], $0x80, $0x38;
	[tilespmem:$0x10000] =	vst v63  }
0x3c3: {  	s22 =	sadd.s32 $0x70, s2;
	s18 =	sld [smem:$0x776]  }
0x3c4: {  	[hbm4b:s22+s4] =	stream.linear.scatter [tilespmem:s23], [sflag:$0x1], $0x80, $0x38;
	[tilespmem:$0x10000] =	vst v63  }
0x3c5: {  	s16 =	sadd.s32 $0xC00, s2;
	s23 =	sld [smem:$0x777]  }
0x3c6: {  	[hbm4b:s16+s4] =	stream.linear.scatter [tilespmem:s18], [sflag:$0x1], $0x80, $0x38;
	[tilespmem:$0x10000] =	vst v63  }
0x3c7: {  	s22 =	sadd.s32 $0xC10, s2;
	s18 =	sld [smem:$0x778]  }
0x3c8: {  	[hbm4b:s22+s4] =	stream.linear.scatter [tilespmem:s23], [sflag:$0x1], $0x80, $0x38;
	[tilespmem:$0x10000] =	vst v63  }
0x3c9: {  	s16 =	sadd.s32 $0xC20, s2;
	s23 =	sld [smem:$0x779]  }
0x3ca: {  	[hbm4b:s16+s4] =	stream.linear.scatter [tilespmem:s18], [sflag:$0x1], $0x80, $0x38;
	[tilespmem:$0x10000] =	vst v63  }
0x3cb: {  	s22 =	sadd.s32 $0xC30, s2;
	s18 =	sld [smem:$0x77A]  }
0x3cc: {  	[hbm4b:s22+s4] =	stream.linear.scatter [tilespmem:s23], [sflag:$0x1], $0x80, $0x38;
	[tilespmem:$0x10000] =	vst v63  }
0x3cd: {  	s16 =	sadd.s32 $0xC40, s2;
	s23 =	sld [smem:$0x77B]  }
0x3ce: {  	[hbm4b:s16+s4] =	stream.linear.scatter [tilespmem:s18], [sflag:$0x1], $0x80, $0x38;
	[tilespmem:$0x10000] =	vst v63  }
0x3cf: {  	s22 =	sadd.s32 $0xC50, s2;
	s18 =	sld [smem:$0x77C]  }
0x3d0: {  	[hbm4b:s22+s4] =	stream.linear.scatter [tilespmem:s23], [sflag:$0x1], $0x80, $0x38;
	[tilespmem:$0x10000] =	vst v63  }
0x3d1: {  	s16 =	sadd.s32 $0xC60, s2;
	s23 =	sld [smem:$0x77D]  }
0x3d2: {  	[hbm4b:s16+s4] =	stream.linear.scatter [tilespmem:s18], [sflag:$0x1], $0x80, $0x38;
	[tilespmem:$0x10000] =	vst v63  }
0x3d3: {  	s15 =	sld [smem:$0x686];
	s22 =	sadd.s32 $0xC70, s2  }
0x3d4: {  	[hbm4b:s22+s4] =	stream.linear.scatter [tilespmem:s23], [sflag:$0x1], $0x80, $0x38;
	[tilespmem:$0x10000] =	vst v63  }
0x3d5: {  	s18 =	sld [smem:$0x77F]  }
0x3d6: {  	[hbm4b:s15+s4] =	stream.linear.scatter [tilespmem:s7], [sflag:$0x1], $0x80, $0x38;
	[tilespmem:$0x10000] =	vst v63  }
0x3d7: {  	s16 =	sadd.s32 $0x10, s15;
	s23 =	sld [smem:$0x780]  }
0x3d8: {  	[hbm4b:s16+s4] =	stream.linear.scatter [tilespmem:s18], [sflag:$0x1], $0x80, $0x38;
	[tilespmem:$0x10000] =	vst v63  }
0x3d9: {  	s22 =	sadd.s32 $0x20, s15;
	s18 =	sld [smem:$0x781]  }
0x3da: {  	[hbm4b:s22+s4] =	stream.linear.scatter [tilespmem:s23], [sflag:$0x1], $0x80, $0x38;
	[tilespmem:$0x10000] =	vst v63  }
0x3db: {  	s16 =	sadd.s32 $0x30, s15;
	s23 =	sld [smem:$0x782]  }
0x3dc: {  	[hbm4b:s16+s4] =	stream.linear.scatter [tilespmem:s18], [sflag:$0x1], $0x80, $0x38;
	[tilespmem:$0x10000] =	vst v63  }
0x3dd: {  	s22 =	sadd.s32 $0x40, s15;
	s18 =	sld [smem:$0x783]  }
0x3de: {  	[hbm4b:s22+s4] =	stream.linear.scatter [tilespmem:s23], [sflag:$0x1], $0x80, $0x38;
	[tilespmem:$0x10000] =	vst v63  }
0x3df: {  	s16 =	sadd.s32 $0x50, s15;
	s23 =	sld [smem:$0x784]  }
0x3e0: {  	[hbm4b:s16+s4] =	stream.linear.scatter [tilespmem:s18], [sflag:$0x1], $0x80, $0x38;
	[tilespmem:$0x10000] =	vst v63  }
0x3e1: {  	s22 =	sadd.s32 $0x60, s15;
	s18 =	sld [smem:$0x785]  }
0x3e2: {  	[hbm4b:s22+s4] =	stream.linear.scatter [tilespmem:s23], [sflag:$0x1], $0x80, $0x38;
	[tilespmem:$0x10000] =	vst v63  }
0x3e3: {  	s16 =	sadd.s32 $0x70, s15;
	s23 =	sld [smem:$0x786]  }
0x3e4: {  	[hbm4b:s16+s4] =	stream.linear.scatter [tilespmem:s18], [sflag:$0x1], $0x80, $0x38;
	[tilespmem:$0x10000] =	vst v63  }
0x3e5: {  	s22 =	sadd.s32 $0xC00, s15;
	s18 =	sld [smem:$0x787]  }
0x3e6: {  	[hbm4b:s22+s4] =	stream.linear.scatter [tilespmem:s23], [sflag:$0x1], $0x80, $0x38;
	[tilespmem:$0x10000] =	vst v63  }
0x3e7: {  	s16 =	sadd.s32 $0xC10, s15;
	s23 =	sld [smem:$0x788]  }
0x3e8: {  	[hbm4b:s16+s4] =	stream.linear.scatter [tilespmem:s18], [sflag:$0x1], $0x80, $0x38;
	[tilespmem:$0x10000] =	vst v63  }
0x3e9: {  	s22 =	sadd.s32 $0xC20, s15;
	s18 =	sld [smem:$0x789]  }
0x3ea: {  	[hbm4b:s22+s4] =	stream.linear.scatter [tilespmem:s23], [sflag:$0x1], $0x80, $0x38;
	[tilespmem:$0x10000] =	vst v63  }
0x3eb: {  	s16 =	sadd.s32 $0xC30, s15;
	s23 =	sld [smem:$0x78A]  }
0x3ec: {  	[hbm4b:s16+s4] =	stream.linear.scatter [tilespmem:s18], [sflag:$0x1], $0x80, $0x38;
	[tilespmem:$0x10000] =	vst v63  }
0x3ed: {  	s22 =	sadd.s32 $0xC40, s15;
	s18 =	sld [smem:$0x78B]  }
0x3ee: {  	[hbm4b:s22+s4] =	stream.linear.scatter [tilespmem:s23], [sflag:$0x1], $0x80, $0x38;
	[tilespmem:$0x10000] =	vst v63  }
0x3ef: {  	s16 =	sadd.s32 $0xC50, s15;
	s23 =	sld [smem:$0x78C]  }
0x3f0: {  	[hbm4b:s16+s4] =	stream.linear.scatter [tilespmem:s18], [sflag:$0x1], $0x80, $0x38;
	[tilespmem:$0x10000] =	vst v63  }
0x3f1: {  	s22 =	sadd.s32 $0xC60, s15;
	s16 =	sld [smem:$0x78D]  }
0x3f2: {  	[hbm4b:s22+s4] =	stream.linear.scatter [tilespmem:s23], [sflag:$0x1], $0x80, $0x38;
	[tilespmem:$0x10000] =	vst v63  }
0x3f3: {  	s15 =	sadd.s32 $0xC70, s15;
	s18 =	sld [smem:$0x78E]  }
0x3f4: {  	[hbm4b:s15+s4] =	stream.linear.scatter [tilespmem:s16], [sflag:$0x1], $0x80, $0x38;
	[tilespmem:$0x10000] =	vst v63  }
0x3f5: {  	s15 =	sld [smem:$0x687]  }
0x3f6: {  	s7 =	sld [smem:$0x79E]  }
0x3f7: {  	s23 =	sld [smem:$0x78F]  }
0x3f8: {  	[hbm4b:s15+s4] =	stream.linear.scatter [tilespmem:s18], [sflag:$0x1], $0x80, $0x38;
	[tilespmem:$0x10000] =	vst v63  }
0x3f9: {  	s22 =	sadd.s32 $0x10, s15;
	s18 =	sld [smem:$0x790]  }
0x3fa: {  	[hbm4b:s22+s4] =	stream.linear.scatter [tilespmem:s23], [sflag:$0x1], $0x80, $0x38;
	[tilespmem:$0x10000] =	vst v63  }
0x3fb: {  	s16 =	sadd.s32 $0x20, s15;
	s23 =	sld [smem:$0x791]  }
0x3fc: {  	[hbm4b:s16+s4] =	stream.linear.scatter [tilespmem:s18], [sflag:$0x1], $0x80, $0x38;
	[tilespmem:$0x10000] =	vst v63  }
0x3fd: {  	s22 =	sadd.s32 $0x30, s15;
	s18 =	sld [smem:$0x792]  }
0x3fe: {  	[hbm4b:s22+s4] =	stream.linear.scatter [tilespmem:s23], [sflag:$0x1], $0x80, $0x38;
	[tilespmem:$0x10000] =	vst v63  }
0x3ff: {  	s16 =	sadd.s32 $0x40, s15;
	s23 =	sld [smem:$0x793]  }
0x400: {  	[hbm4b:s16+s4] =	stream.linear.scatter [tilespmem:s18], [sflag:$0x1], $0x80, $0x38;
	[tilespmem:$0x10000] =	vst v63  }
0x401: {  	s22 =	sadd.s32 $0x50, s15;
	s18 =	sld [smem:$0x794]  }
0x402: {  	[hbm4b:s22+s4] =	stream.linear.scatter [tilespmem:s23], [sflag:$0x1], $0x80, $0x38;
	[tilespmem:$0x10000] =	vst v63  }
0x403: {  	s16 =	sadd.s32 $0x60, s15;
	s23 =	sld [smem:$0x795]  }
0x404: {  	[hbm4b:s16+s4] =	stream.linear.scatter [tilespmem:s18], [sflag:$0x1], $0x80, $0x38;
	[tilespmem:$0x10000] =	vst v63  }
0x405: {  	s22 =	sadd.s32 $0x70, s15;
	s18 =	sld [smem:$0x796]  }
0x406: {  	[hbm4b:s22+s4] =	stream.linear.scatter [tilespmem:s23], [sflag:$0x1], $0x80, $0x38;
	[tilespmem:$0x10000] =	vst v63  }
0x407: {  	s16 =	sadd.s32 $0xC00, s15;
	s23 =	sld [smem:$0x797]  }
0x408: {  	[hbm4b:s16+s4] =	stream.linear.scatter [tilespmem:s18], [sflag:$0x1], $0x80, $0x38;
	[tilespmem:$0x10000] =	vst v63  }
0x409: {  	s22 =	sadd.s32 $0xC10, s15;
	s18 =	sld [smem:$0x798]  }
0x40a: {  	[hbm4b:s22+s4] =	stream.linear.scatter [tilespmem:s23], [sflag:$0x1], $0x80, $0x38;
	[tilespmem:$0x10000] =	vst v63  }
0x40b: {  	s16 =	sadd.s32 $0xC20, s15;
	s23 =	sld [smem:$0x799]  }
0x40c: {  	[hbm4b:s16+s4] =	stream.linear.scatter [tilespmem:s18], [sflag:$0x1], $0x80, $0x38;
	[tilespmem:$0x10000] =	vst v63  }
0x40d: {  	s22 =	sadd.s32 $0xC30, s15;
	s18 =	sld [smem:$0x79A]  }
0x40e: {  	[hbm4b:s22+s4] =	stream.linear.scatter [tilespmem:s23], [sflag:$0x1], $0x80, $0x38;
	[tilespmem:$0x10000] =	vst v63  }
0x40f: {  	s16 =	sadd.s32 $0xC40, s15;
	s23 =	sld [smem:$0x79B]  }
0x410: {  	[hbm4b:s16+s4] =	stream.linear.scatter [tilespmem:s18], [sflag:$0x1], $0x80, $0x38;
	[tilespmem:$0x10000] =	vst v63  }
0x411: {  	s22 =	sadd.s32 $0xC50, s15;
	s18 =	sld [smem:$0x79C]  }
0x412: {  	[hbm4b:s22+s4] =	stream.linear.scatter [tilespmem:s23], [sflag:$0x1], $0x80, $0x38;
	[tilespmem:$0x10000] =	vst v63  }
0x413: {  	s16 =	sadd.s32 $0xC60, s15;
	s23 =	sld [smem:$0x79D]  }
0x414: {  	[hbm4b:s16+s4] =	stream.linear.scatter [tilespmem:s18], [sflag:$0x1], $0x80, $0x38;
	[tilespmem:$0x10000] =	vst v63  }
0x415: {  	s22 =	sadd.s32 $0xC70, s15;
	s15 =	sld [smem:$0x688]  }
0x416: {  	[hbm4b:s22+s4] =	stream.linear.scatter [tilespmem:s23], [sflag:$0x1], $0x80, $0x38;
	[tilespmem:$0x10000] =	vst v63  }
0x417: {  	s18 =	sld [smem:$0x79F]  }
0x418: {  	[hbm4b:s15+s4] =	stream.linear.scatter [tilespmem:s7], [sflag:$0x1], $0x80, $0x38;
	[tilespmem:$0x10000] =	vst v63  }
0x419: {  	s16 =	sadd.s32 $0x10, s15;
	s23 =	sld [smem:$0x7A0]  }
0x41a: {  	[hbm4b:s16+s4] =	stream.linear.scatter [tilespmem:s18], [sflag:$0x1], $0x80, $0x38;
	[tilespmem:$0x10000] =	vst v63  }
0x41b: {  	s22 =	sadd.s32 $0x20, s15;
	s18 =	sld [smem:$0x7A1]  }
0x41c: {  	[hbm4b:s22+s4] =	stream.linear.scatter [tilespmem:s23], [sflag:$0x1], $0x80, $0x38;
	[tilespmem:$0x10000] =	vst v63  }
0x41d: {  	s16 =	sadd.s32 $0x30, s15;
	s23 =	sld [smem:$0x7A2]  }
0x41e: {  	[hbm4b:s16+s4] =	stream.linear.scatter [tilespmem:s18], [sflag:$0x1], $0x80, $0x38;
	[tilespmem:$0x10000] =	vst v63  }
0x41f: {  	s22 =	sadd.s32 $0x40, s15;
	s18 =	sld [smem:$0x7A3]  }
0x420: {  	[hbm4b:s22+s4] =	stream.linear.scatter [tilespmem:s23], [sflag:$0x1], $0x80, $0x38;
	[tilespmem:$0x10000] =	vst v63  }
0x421: {  	s16 =	sadd.s32 $0x50, s15;
	s23 =	sld [smem:$0x7A4]  }
0x422: {  	[hbm4b:s16+s4] =	stream.linear.scatter [tilespmem:s18], [sflag:$0x1], $0x80, $0x38;
	[tilespmem:$0x10000] =	vst v63  }
0x423: {  	s22 =	sadd.s32 $0x60, s15;
	s18 =	sld [smem:$0x7A5]  }
0x424: {  	[hbm4b:s22+s4] =	stream.linear.scatter [tilespmem:s23], [sflag:$0x1], $0x80, $0x38;
	[tilespmem:$0x10000] =	vst v63  }
0x425: {  	s16 =	sadd.s32 $0x70, s15;
	s23 =	sld [smem:$0x7A6]  }
0x426: {  	[hbm4b:s16+s4] =	stream.linear.scatter [tilespmem:s18], [sflag:$0x1], $0x80, $0x38;
	[tilespmem:$0x10000] =	vst v63  }
0x427: {  	s22 =	sadd.s32 $0xC00, s15;
	s18 =	sld [smem:$0x7A7]  }
0x428: {  	[hbm4b:s22+s4] =	stream.linear.scatter [tilespmem:s23], [sflag:$0x1], $0x80, $0x38;
	[tilespmem:$0x10000] =	vst v63  }
0x429: {  	s16 =	sadd.s32 $0xC10, s15;
	s23 =	sld [smem:$0x7A8]  }
0x42a: {  	[hbm4b:s16+s4] =	stream.linear.scatter [tilespmem:s18], [sflag:$0x1], $0x80, $0x38;
	[tilespmem:$0x10000] =	vst v63  }
0x42b: {  	s22 =	sadd.s32 $0xC20, s15;
	s18 =	sld [smem:$0x7A9]  }
0x42c: {  	[hbm4b:s22+s4] =	stream.linear.scatter [tilespmem:s23], [sflag:$0x1], $0x80, $0x38;
	[tilespmem:$0x10000] =	vst v63  }
0x42d: {  	s16 =	sadd.s32 $0xC30, s15;
	s23 =	sld [smem:$0x7AA]  }
0x42e: {  	[hbm4b:s16+s4] =	stream.linear.scatter [tilespmem:s18], [sflag:$0x1], $0x80, $0x38;
	[tilespmem:$0x10000] =	vst v63  }
0x42f: {  	s22 =	sadd.s32 $0xC40, s15;
	s18 =	sld [smem:$0x7AB]  }
0x430: {  	[hbm4b:s22+s4] =	stream.linear.scatter [tilespmem:s23], [sflag:$0x1], $0x80, $0x38;
	[tilespmem:$0x10000] =	vst v63  }
0x431: {  	s16 =	sadd.s32 $0xC50, s15;
	s23 =	sld [smem:$0x7AC]  }
0x432: {  	[hbm4b:s16+s4] =	stream.linear.scatter [tilespmem:s18], [sflag:$0x1], $0x80, $0x38;
	[tilespmem:$0x10000] =	vst v63  }
0x433: {  	s22 =	sadd.s32 $0xC60, s15;
	s16 =	sld [smem:$0x7AD]  }
0x434: {  	[hbm4b:s22+s4] =	stream.linear.scatter [tilespmem:s23], [sflag:$0x1], $0x80, $0x38;
	[tilespmem:$0x10000] =	vst v63  }
0x435: {  	s15 =	sadd.s32 $0xC70, s15;
	s18 =	sld [smem:$0x7AE]  }
0x436: {  	[hbm4b:s15+s4] =	stream.linear.scatter [tilespmem:s16], [sflag:$0x1], $0x80, $0x38;
	[tilespmem:$0x10000] =	vst v63  }
0x437: {  	s15 =	sld [smem:$0x689];
	_ =	sdelay $0x1  }
0x438: {  	s23 =	sld [smem:$0x7AF]  }
0x439: {  	[hbm4b:s15+s4] =	stream.linear.scatter [tilespmem:s18], [sflag:$0x1], $0x80, $0x38;
	[tilespmem:$0x10000] =	vst v63  }
0x43a: {  	s22 =	sadd.s32 $0x10, s15;
	s18 =	sld [smem:$0x7B0]  }
0x43b: {  	[hbm4b:s22+s4] =	stream.linear.scatter [tilespmem:s23], [sflag:$0x1], $0x80, $0x38;
	[tilespmem:$0x10000] =	vst v63  }
0x43c: {  	s16 =	sadd.s32 $0x20, s15;
	s23 =	sld [smem:$0x7B1]  }
0x43d: {  	[hbm4b:s16+s4] =	stream.linear.scatter [tilespmem:s18], [sflag:$0x1], $0x80, $0x38;
	[tilespmem:$0x10000] =	vst v63  }
0x43e: {  	s22 =	sadd.s32 $0x30, s15;
	s18 =	sld [smem:$0x7B2]  }
0x43f: {  	[hbm4b:s22+s4] =	stream.linear.scatter [tilespmem:s23], [sflag:$0x1], $0x80, $0x38;
	[tilespmem:$0x10000] =	vst v63  }
0x440: {  	s16 =	sadd.s32 $0x40, s15;
	s23 =	sld [smem:$0x7B3]  }
0x441: {  	[hbm4b:s16+s4] =	stream.linear.scatter [tilespmem:s18], [sflag:$0x1], $0x80, $0x38;
	[tilespmem:$0x10000] =	vst v63  }
0x442: {  	s22 =	sadd.s32 $0x50, s15;
	s18 =	sld [smem:$0x7B4]  }
0x443: {  	[hbm4b:s22+s4] =	stream.linear.scatter [tilespmem:s23], [sflag:$0x1], $0x80, $0x38;
	[tilespmem:$0x10000] =	vst v63  }
0x444: {  	s16 =	sadd.s32 $0x60, s15;
	s23 =	sld [smem:$0x7B5]  }
0x445: {  	[hbm4b:s16+s4] =	stream.linear.scatter [tilespmem:s18], [sflag:$0x1], $0x80, $0x38;
	[tilespmem:$0x10000] =	vst v63  }
0x446: {  	s22 =	sadd.s32 $0x70, s15;
	s18 =	sld [smem:$0x7B6]  }
0x447: {  	[hbm4b:s22+s4] =	stream.linear.scatter [tilespmem:s23], [sflag:$0x1], $0x80, $0x38;
	[tilespmem:$0x10000] =	vst v63  }
0x448: {  	s16 =	sadd.s32 $0xC00, s15;
	s23 =	sld [smem:$0x7B7]  }
0x449: {  	[hbm4b:s16+s4] =	stream.linear.scatter [tilespmem:s18], [sflag:$0x1], $0x80, $0x38;
	[tilespmem:$0x10000] =	vst v63  }
0x44a: {  	s22 =	sadd.s32 $0xC10, s15;
	s18 =	sld [smem:$0x7B8]  }
0x44b: {  	[hbm4b:s22+s4] =	stream.linear.scatter [tilespmem:s23], [sflag:$0x1], $0x80, $0x38;
	[tilespmem:$0x10000] =	vst v63  }
0x44c: {  	s16 =	sadd.s32 $0xC20, s15;
	s23 =	sld [smem:$0x7B9]  }
0x44d: {  	[hbm4b:s16+s4] =	stream.linear.scatter [tilespmem:s18], [sflag:$0x1], $0x80, $0x38;
	[tilespmem:$0x10000] =	vst v63  }
0x44e: {  	s22 =	sadd.s32 $0xC30, s15;
	s18 =	sld [smem:$0x7BA]  }
0x44f: {  	[hbm4b:s22+s4] =	stream.linear.scatter [tilespmem:s23], [sflag:$0x1], $0x80, $0x38;
	[tilespmem:$0x10000] =	vst v63  }
0x450: {  	s16 =	sadd.s32 $0xC40, s15;
	s23 =	sld [smem:$0x7BB]  }
0x451: {  	[hbm4b:s16+s4] =	stream.linear.scatter [tilespmem:s18], [sflag:$0x1], $0x80, $0x38;
	[tilespmem:$0x10000] =	vst v63  }
0x452: {  	s22 =	sadd.s32 $0xC50, s15;
	s16 =	sld [smem:$0x7BC]  }
0x453: {  	[hbm4b:s22+s4] =	stream.linear.scatter [tilespmem:s23], [sflag:$0x1], $0x80, $0x38;
	[tilespmem:$0x10000] =	vst v63  }
0x454: {  	s2 =	sadd.s32 $0xC60, s15;
	s22 =	sld [smem:$0x7BD]  }
0x455: {  	[hbm4b:s2+s4] =	stream.linear.scatter [tilespmem:s16], [sflag:$0x1], $0x80, $0x38;
	[tilespmem:$0x10000] =	vst v63  }
0x456: {  	s18 =	sadd.s32 $0xC70, s15;
	s23 =	sld [smem:$0x7BE]  }
0x457: {  	[hbm4b:s18+s4] =	stream.linear.scatter [tilespmem:s22], [sflag:$0x1], $0x80, $0x38;
	[tilespmem:$0x10000] =	vst v63  }
0x458: {  	s15 =	sld [smem:$0x7BF]  }
0x459: {  	[hbm4b:s26+s4] =	stream.linear.scatter [tilespmem:s23], [sflag:$0x1], $0x80, $0x38;
	[tilespmem:$0x10000] =	vst v63  }
0x45a: {  	s2 =	sadd.s32 $0x10, s26;
	s18 =	sld [smem:$0x7C0]  }
0x45b: {  	[hbm4b:s2+s4] =	stream.linear.scatter [tilespmem:s15], [sflag:$0x1], $0x80, $0x38;
	[tilespmem:$0x10000] =	vst v63  }
0x45c: {  	s16 =	sadd.s32 $0x20, s26;
	s23 =	sld [smem:$0x7C1]  }
0x45d: {  	[hbm4b:s16+s4] =	stream.linear.scatter [tilespmem:s18], [sflag:$0x1], $0x80, $0x38;
	[tilespmem:$0x10000] =	vst v63  }
0x45e: {  	s22 =	sadd.s32 $0x30, s26;
	s15 =	sld [smem:$0x7C2]  }
0x45f: {  	[hbm4b:s22+s4] =	stream.linear.scatter [tilespmem:s23], [sflag:$0x1], $0x80, $0x38;
	[tilespmem:$0x10000] =	vst v63  }
0x460: {  	s2 =	sadd.s32 $0x40, s26;
	s18 =	sld [smem:$0x7C3]  }
0x461: {  	[hbm4b:s2+s4] =	stream.linear.scatter [tilespmem:s15], [sflag:$0x1], $0x80, $0x38;
	[tilespmem:$0x10000] =	vst v63  }
0x462: {  	s16 =	sadd.s32 $0x50, s26;
	s23 =	sld [smem:$0x7C4]  }
0x463: {  	[hbm4b:s16+s4] =	stream.linear.scatter [tilespmem:s18], [sflag:$0x1], $0x80, $0x38;
	[tilespmem:$0x10000] =	vst v63  }
0x464: {  	s22 =	sadd.s32 $0x60, s26;
	s15 =	sld [smem:$0x7C5]  }
0x465: {  	[hbm4b:s22+s4] =	stream.linear.scatter [tilespmem:s23], [sflag:$0x1], $0x80, $0x38;
	[tilespmem:$0x10000] =	vst v63  }
0x466: {  	s2 =	sadd.s32 $0x70, s26;
	s18 =	sld [smem:$0x7C6]  }
0x467: {  	[hbm4b:s2+s4] =	stream.linear.scatter [tilespmem:s15], [sflag:$0x1], $0x80, $0x38;
	[tilespmem:$0x10000] =	vst v63  }
0x468: {  	s16 =	sadd.s32 $0xC00, s26;
	s23 =	sld [smem:$0x7C7]  }
0x469: {  	[hbm4b:s16+s4] =	stream.linear.scatter [tilespmem:s18], [sflag:$0x1], $0x80, $0x38;
	[tilespmem:$0x10000] =	vst v63  }
0x46a: {  	s22 =	sadd.s32 $0xC10, s26;
	s15 =	sld [smem:$0x7C8]  }
0x46b: {  	[hbm4b:s22+s4] =	stream.linear.scatter [tilespmem:s23], [sflag:$0x1], $0x80, $0x38;
	[tilespmem:$0x10000] =	vst v63  }
0x46c: {  	s2 =	sadd.s32 $0xC20, s26;
	s18 =	sld [smem:$0x7C9]  }
0x46d: {  	[hbm4b:s2+s4] =	stream.linear.scatter [tilespmem:s15], [sflag:$0x1], $0x80, $0x38;
	[tilespmem:$0x10000] =	vst v63  }
0x46e: {  	s16 =	sadd.s32 $0xC30, s26;
	s23 =	sld [smem:$0x7CA]  }
0x46f: {  	[hbm4b:s16+s4] =	stream.linear.scatter [tilespmem:s18], [sflag:$0x1], $0x80, $0x38;
	[tilespmem:$0x10000] =	vst v63  }
0x470: {  	s22 =	sadd.s32 $0xC40, s26;
	s15 =	sld [smem:$0x7CB]  }
0x471: {  	[hbm4b:s22+s4] =	stream.linear.scatter [tilespmem:s23], [sflag:$0x1], $0x80, $0x38;
	[tilespmem:$0x10000] =	vst v63  }
0x472: {  	s2 =	sadd.s32 $0xC50, s26;
	s18 =	sld [smem:$0x7CC]  }
0x473: {  	[hbm4b:s2+s4] =	stream.linear.scatter [tilespmem:s15], [sflag:$0x1], $0x80, $0x38;
	[tilespmem:$0x10000] =	vst v63  }
0x474: {  	s16 =	sadd.s32 $0xC60, s26;
	s23 =	sld [smem:$0x7CD]  }
0x475: {  	[hbm4b:s16+s4] =	stream.linear.scatter [tilespmem:s18], [sflag:$0x1], $0x80, $0x38;
	[tilespmem:$0x10000] =	vst v63  }
0x476: {  	s22 =	sadd.s32 $0xC70, s26;
	s15 =	sld [smem:$0x7CE]  }
0x477: {  	[hbm4b:s22+s4] =	stream.linear.scatter [tilespmem:s23], [sflag:$0x1], $0x80, $0x38;
	[tilespmem:$0x10000] =	vst v63  }
0x478: {  	s18 =	sld [smem:$0x7CF]  }
0x479: {  	[hbm4b:s28+s4] =	stream.linear.scatter [tilespmem:s15], [sflag:$0x1], $0x80, $0x38;
	[tilespmem:$0x10000] =	vst v63  }
0x47a: {  	s16 =	sadd.s32 $0x10, s28;
	s23 =	sld [smem:$0x7D0]  }
0x47b: {  	[hbm4b:s16+s4] =	stream.linear.scatter [tilespmem:s18], [sflag:$0x1], $0x80, $0x38;
	[tilespmem:$0x10000] =	vst v63  }
0x47c: {  	s22 =	sadd.s32 $0x20, s28;
	s15 =	sld [smem:$0x7D1]  }
0x47d: {  	[hbm4b:s22+s4] =	stream.linear.scatter [tilespmem:s23], [sflag:$0x1], $0x80, $0x38;
	[tilespmem:$0x10000] =	vst v63  }
0x47e: {  	s2 =	sadd.s32 $0x30, s28;
	s18 =	sld [smem:$0x7D2]  }
0x47f: {  	[hbm4b:s2+s4] =	stream.linear.scatter [tilespmem:s15], [sflag:$0x1], $0x80, $0x38;
	[tilespmem:$0x10000] =	vst v63  }
0x480: {  	s16 =	sadd.s32 $0x40, s28;
	s23 =	sld [smem:$0x7D3]  }
0x481: {  	[hbm4b:s16+s4] =	stream.linear.scatter [tilespmem:s18], [sflag:$0x1], $0x80, $0x38;
	[tilespmem:$0x10000] =	vst v63  }
0x482: {  	s22 =	sadd.s32 $0x50, s28;
	s15 =	sld [smem:$0x7D4]  }
0x483: {  	[hbm4b:s22+s4] =	stream.linear.scatter [tilespmem:s23], [sflag:$0x1], $0x80, $0x38;
	[tilespmem:$0x10000] =	vst v63  }
0x484: {  	s2 =	sadd.s32 $0x60, s28;
	s18 =	sld [smem:$0x7D5]  }
0x485: {  	[hbm4b:s2+s4] =	stream.linear.scatter [tilespmem:s15], [sflag:$0x1], $0x80, $0x38;
	[tilespmem:$0x10000] =	vst v63  }
0x486: {  	s16 =	sadd.s32 $0x70, s28;
	s23 =	sld [smem:$0x7D6]  }
0x487: {  	[hbm4b:s16+s4] =	stream.linear.scatter [tilespmem:s18], [sflag:$0x1], $0x80, $0x38;
	[tilespmem:$0x10000] =	vst v63  }
0x488: {  	s22 =	sadd.s32 $0xC00, s28;
	s15 =	sld [smem:$0x7D7]  }
0x489: {  	[hbm4b:s22+s4] =	stream.linear.scatter [tilespmem:s23], [sflag:$0x1], $0x80, $0x38;
	[tilespmem:$0x10000] =	vst v63  }
0x48a: {  	s2 =	sadd.s32 $0xC10, s28;
	s18 =	sld [smem:$0x7D8]  }
0x48b: {  	[hbm4b:s2+s4] =	stream.linear.scatter [tilespmem:s15], [sflag:$0x1], $0x80, $0x38;
	[tilespmem:$0x10000] =	vst v63  }
0x48c: {  	s16 =	sadd.s32 $0xC20, s28;
	s23 =	sld [smem:$0x7D9]  }
0x48d: {  	[hbm4b:s16+s4] =	stream.linear.scatter [tilespmem:s18], [sflag:$0x1], $0x80, $0x38;
	[tilespmem:$0x10000] =	vst v63  }
0x48e: {  	s22 =	sadd.s32 $0xC30, s28;
	s15 =	sld [smem:$0x7DA]  }
0x48f: {  	[hbm4b:s22+s4] =	stream.linear.scatter [tilespmem:s23], [sflag:$0x1], $0x80, $0x38;
	[tilespmem:$0x10000] =	vst v63  }
0x490: {  	s2 =	sadd.s32 $0xC40, s28;
	s18 =	sld [smem:$0x7DB]  }
0x491: {  	[hbm4b:s2+s4] =	stream.linear.scatter [tilespmem:s15], [sflag:$0x1], $0x80, $0x38;
	[tilespmem:$0x10000] =	vst v63  }
0x492: {  	s16 =	sadd.s32 $0xC50, s28;
	s23 =	sld [smem:$0x7DC]  }
0x493: {  	[hbm4b:s16+s4] =	stream.linear.scatter [tilespmem:s18], [sflag:$0x1], $0x80, $0x38;
	[tilespmem:$0x10000] =	vst v63  }
0x494: {  	s22 =	sadd.s32 $0xC60, s28;
	s16 =	sld [smem:$0x7DD]  }
0x495: {  	[hbm4b:s22+s4] =	stream.linear.scatter [tilespmem:s23], [sflag:$0x1], $0x80, $0x38;
	[tilespmem:$0x10000] =	vst v63  }
0x496: {  	s15 =	sadd.s32 $0xC70, s28;
	s18 =	sld [smem:$0x7DE]  }
0x497: {  	[hbm4b:s15+s4] =	stream.linear.scatter [tilespmem:s16], [sflag:$0x1], $0x80, $0x38;
	[tilespmem:$0x10000] =	vst v63  }
0x498: {  	s23 =	sld [smem:$0x7DF]  }
0x499: {  	[hbm4b:s30+s4] =	stream.linear.scatter [tilespmem:s18], [sflag:$0x1], $0x80, $0x38;
	[tilespmem:$0x10000] =	vst v63  }
0x49a: {  	s22 =	sadd.s32 $0x10, s30;
	s15 =	sld [smem:$0x7E0]  }
0x49b: {  	[hbm4b:s22+s4] =	stream.linear.scatter [tilespmem:s23], [sflag:$0x1], $0x80, $0x38;
	[tilespmem:$0x10000] =	vst v63  }
0x49c: {  	s2 =	sadd.s32 $0x20, s30;
	s18 =	sld [smem:$0x7E1]  }
0x49d: {  	[hbm4b:s2+s4] =	stream.linear.scatter [tilespmem:s15], [sflag:$0x1], $0x80, $0x38;
	[tilespmem:$0x10000] =	vst v63  }
0x49e: {  	s16 =	sadd.s32 $0x30, s30;
	s23 =	sld [smem:$0x7E2]  }
0x49f: {  	[hbm4b:s16+s4] =	stream.linear.scatter [tilespmem:s18], [sflag:$0x1], $0x80, $0x38;
	[tilespmem:$0x10000] =	vst v63  }
0x4a0: {  	s22 =	sadd.s32 $0x40, s30;
	s15 =	sld [smem:$0x7E3]  }
0x4a1: {  	[hbm4b:s22+s4] =	stream.linear.scatter [tilespmem:s23], [sflag:$0x1], $0x80, $0x38;
	[tilespmem:$0x10000] =	vst v63  }
0x4a2: {  	s2 =	sadd.s32 $0x50, s30;
	s18 =	sld [smem:$0x7E4]  }
0x4a3: {  	[hbm4b:s2+s4] =	stream.linear.scatter [tilespmem:s15], [sflag:$0x1], $0x80, $0x38;
	[tilespmem:$0x10000] =	vst v63  }
0x4a4: {  	s16 =	sadd.s32 $0x60, s30;
	s23 =	sld [smem:$0x7E5]  }
0x4a5: {  	[hbm4b:s16+s4] =	stream.linear.scatter [tilespmem:s18], [sflag:$0x1], $0x80, $0x38;
	[tilespmem:$0x10000] =	vst v63  }
0x4a6: {  	s22 =	sadd.s32 $0x70, s30;
	s15 =	sld [smem:$0x7E6]  }
0x4a7: {  	[hbm4b:s22+s4] =	stream.linear.scatter [tilespmem:s23], [sflag:$0x1], $0x80, $0x38;
	[tilespmem:$0x10000] =	vst v63  }
0x4a8: {  	s2 =	sadd.s32 $0xC00, s30;
	s18 =	sld [smem:$0x7E7]  }
0x4a9: {  	[hbm4b:s2+s4] =	stream.linear.scatter [tilespmem:s15], [sflag:$0x1], $0x80, $0x38;
	[tilespmem:$0x10000] =	vst v63  }
0x4aa: {  	s16 =	sadd.s32 $0xC10, s30;
	s23 =	sld [smem:$0x7E8]  }
0x4ab: {  	[hbm4b:s16+s4] =	stream.linear.scatter [tilespmem:s18], [sflag:$0x1], $0x80, $0x38;
	[tilespmem:$0x10000] =	vst v63  }
0x4ac: {  	s22 =	sadd.s32 $0xC20, s30;
	s15 =	sld [smem:$0x7E9]  }
0x4ad: {  	[hbm4b:s22+s4] =	stream.linear.scatter [tilespmem:s23], [sflag:$0x1], $0x80, $0x38;
	[tilespmem:$0x10000] =	vst v63  }
0x4ae: {  	s2 =	sadd.s32 $0xC30, s30;
	s18 =	sld [smem:$0x7EA]  }
0x4af: {  	[hbm4b:s2+s4] =	stream.linear.scatter [tilespmem:s15], [sflag:$0x1], $0x80, $0x38;
	[tilespmem:$0x10000] =	vst v63  }
0x4b0: {  	s16 =	sadd.s32 $0xC40, s30;
	s23 =	sld [smem:$0x7EB]  }
0x4b1: {  	[hbm4b:s16+s4] =	stream.linear.scatter [tilespmem:s18], [sflag:$0x1], $0x80, $0x38;
	[tilespmem:$0x10000] =	vst v63  }
0x4b2: {  	s22 =	sadd.s32 $0xC50, s30;
	s16 =	sld [smem:$0x7EC]  }
0x4b3: {  	[hbm4b:s22+s4] =	stream.linear.scatter [tilespmem:s23], [sflag:$0x1], $0x80, $0x38;
	[tilespmem:$0x10000] =	vst v63  }
0x4b4: {  	s15 =	sadd.s32 $0xC60, s30;
	s22 =	sld [smem:$0x7ED]  }
0x4b5: {  	[hbm4b:s15+s4] =	stream.linear.scatter [tilespmem:s16], [sflag:$0x1], $0x80, $0x38;
	[tilespmem:$0x10000] =	vst v63  }
0x4b6: {  	s18 =	sadd.s32 $0xC70, s30;
	s23 =	sld [smem:$0x7FC]  }
0x4b7: {  	[hbm4b:s18+s4] =	stream.linear.scatter [tilespmem:s22], [sflag:$0x1], $0x80, $0x38;
	[tilespmem:$0x10000] =	vst v63  }
0x4b8: {  	s15 =	sld [smem:$0x7EE]  }
0x4b9: {  	[hbm4b:s0+s4] =	stream.linear.scatter [tilespmem:s23], [sflag:$0x1], $0x80, $0x38;
	[tilespmem:$0x10000] =	vst v63  }
0x4ba: {  	s2 =	sadd.s32 $0x10, s0;
	s18 =	sld [smem:$0x7EF]  }
0x4bb: {  	[hbm4b:s2+s4] =	stream.linear.scatter [tilespmem:s15], [sflag:$0x1], $0x80, $0x38;
	[tilespmem:$0x10000] =	vst v63  }
0x4bc: {  	s16 =	sadd.s32 $0x20, s0;
	s23 =	sld [smem:$0x7F0]  }
0x4bd: {  	[hbm4b:s16+s4] =	stream.linear.scatter [tilespmem:s18], [sflag:$0x1], $0x80, $0x38;
	[tilespmem:$0x10000] =	vst v63  }
0x4be: {  	s22 =	sadd.s32 $0x30, s0;
	s15 =	sld [smem:$0x7F1]  }
0x4bf: {  	[hbm4b:s22+s4] =	stream.linear.scatter [tilespmem:s23], [sflag:$0x1], $0x80, $0x38;
	[tilespmem:$0x10000] =	vst v63  }
0x4c0: {  	s2 =	sadd.s32 $0x40, s0;
	s18 =	sld [smem:$0x7F2]  }
0x4c1: {  	[hbm4b:s2+s4] =	stream.linear.scatter [tilespmem:s15], [sflag:$0x1], $0x80, $0x38;
	[tilespmem:$0x10000] =	vst v63  }
0x4c2: {  	s16 =	sadd.s32 $0x50, s0;
	s23 =	sld [smem:$0x7F3]  }
0x4c3: {  	[hbm4b:s16+s4] =	stream.linear.scatter [tilespmem:s18], [sflag:$0x1], $0x80, $0x38;
	[tilespmem:$0x10000] =	vst v63  }
0x4c4: {  	s22 =	sadd.s32 $0x60, s0;
	s15 =	sld [smem:$0x7F4]  }
0x4c5: {  	[hbm4b:s22+s4] =	stream.linear.scatter [tilespmem:s23], [sflag:$0x1], $0x80, $0x38;
	[tilespmem:$0x10000] =	vst v63  }
0x4c6: {  	s2 =	sadd.s32 $0x70, s0;
	s18 =	sld [smem:$0x7F5]  }
0x4c7: {  	[hbm4b:s2+s4] =	stream.linear.scatter [tilespmem:s15], [sflag:$0x1], $0x80, $0x38;
	[tilespmem:$0x10000] =	vst v63  }
0x4c8: {  	s16 =	sadd.s32 $0xC00, s0;
	s23 =	sld [smem:$0x7F6]  }
0x4c9: {  	[hbm4b:s16+s4] =	stream.linear.scatter [tilespmem:s18], [sflag:$0x1], $0x80, $0x38;
	[tilespmem:$0x10000] =	vst v63  }
0x4ca: {  	s22 =	sadd.s32 $0xC10, s0;
	s15 =	sld [smem:$0x7F7]  }
0x4cb: {  	[hbm4b:s22+s4] =	stream.linear.scatter [tilespmem:s23], [sflag:$0x1], $0x80, $0x38;
	[tilespmem:$0x10000] =	vst v63  }
0x4cc: {  	s2 =	sadd.s32 $0xC20, s0;
	s18 =	sld [smem:$0x7F8]  }
0x4cd: {  	[hbm4b:s2+s4] =	stream.linear.scatter [tilespmem:s15], [sflag:$0x1], $0x80, $0x38;
	[tilespmem:$0x10000] =	vst v63  }
0x4ce: {  	s16 =	sadd.s32 $0xC30, s0;
	s23 =	sld [smem:$0x7F9]  }
0x4cf: {  	[hbm4b:s16+s4] =	stream.linear.scatter [tilespmem:s18], [sflag:$0x1], $0x80, $0x38;
	[tilespmem:$0x10000] =	vst v63  }
0x4d0: {  	s22 =	sadd.s32 $0xC40, s0;
	s15 =	sld [smem:$0x7FA]  }
0x4d1: {  	[hbm4b:s22+s4] =	stream.linear.scatter [tilespmem:s23], [sflag:$0x1], $0x80, $0x38;
	[tilespmem:$0x10000] =	vst v63  }
0x4d2: {  	s2 =	sadd.s32 $0xC50, s0;
	s18 =	sld [smem:$0x7FB]  }
0x4d3: {  	[hbm4b:s2+s4] =	stream.linear.scatter [tilespmem:s15], [sflag:$0x1], $0x80, $0x38;
	[tilespmem:$0x10000] =	vst v63  }
0x4d4: {  	s16 =	sadd.s32 $0xC60, s0;
	s23 =	sld [smem:$0x7FD]  }
0x4d5: {  	[hbm4b:s16+s4] =	stream.linear.scatter [tilespmem:s18], [sflag:$0x1], $0x80, $0x38;
	[tilespmem:$0x10000] =	vst v63  }
0x4d6: {  	s22 =	sadd.s32 $0xC70, s0  }
0x4d7: {  	[hbm4b:s22+s4] =	stream.linear.scatter [tilespmem:s23], [sflag:$0x1], $0x80, $0x38;
	[tilespmem:$0x10000] =	vst v63  }
0x4d8: {  	s22 =	simm.s32 $0x1  }
.LBB2_2:
0x4d9: {  	s7 =	sshll.u32 s22, $0x5  }
0x4da: {  	s7 =	sor.u32 s3, s7  }
0x4db: {  	s16 =	smul.u32 $0xC000, s7  }
0x4dc: {  	s15 =	sadd.s32 s5, s7  }
0x4dd: {  	s18 =	ssub.s32 $0x3FF, s15;
	s7 =	sshrl.u32 s16, $0x3  }
0x4de: {  	s18 =	sand.u32 $0xFFFFFFF8, s18;
	s16 =	sadd.s32 s20, s7  }
0x4df: {  	[hbm4b:s16+s4] =	stream.linear.scatter [tilespmem:s18], [sflag:$0x1], $0x80, $0x38;
	[tilespmem:$0x10000] =	vst v63  }
0x4e0: {  	s2 =	smov.u32 s20;
	s20 =	sadd.s32 $0x1000, s18;
	s23 =	sadd.s32 $0x10, s16  }
0x4e1: {  	[hbm4b:s23+s4] =	stream.linear.scatter [tilespmem:s20], [sflag:$0x1], $0x80, $0x38;
	[tilespmem:$0x10000] =	vst v63  }
0x4e2: {  	s20 =	sadd.s32 $0x2000, s18;
	s23 =	sadd.s32 $0x20, s16  }
0x4e3: {  	[hbm4b:s23+s4] =	stream.linear.scatter [tilespmem:s20], [sflag:$0x1], $0x80, $0x38;
	[tilespmem:$0x10000] =	vst v63  }
0x4e4: {  	s20 =	sadd.s32 $0x3000, s18;
	s23 =	sadd.s32 $0x30, s16  }
0x4e5: {  	[hbm4b:s23+s4] =	stream.linear.scatter [tilespmem:s20], [sflag:$0x1], $0x80, $0x38;
	[tilespmem:$0x10000] =	vst v63  }
0x4e6: {  	s20 =	sadd.s32 $0x4000, s18;
	s23 =	sadd.s32 $0x40, s16  }
0x4e7: {  	[hbm4b:s23+s4] =	stream.linear.scatter [tilespmem:s20], [sflag:$0x1], $0x80, $0x38;
	[tilespmem:$0x10000] =	vst v63  }
0x4e8: {  	s20 =	sadd.s32 $0x5000, s18;
	s23 =	sadd.s32 $0x50, s16  }
0x4e9: {  	[hbm4b:s23+s4] =	stream.linear.scatter [tilespmem:s20], [sflag:$0x1], $0x80, $0x38;
	[tilespmem:$0x10000] =	vst v63  }
0x4ea: {  	s20 =	sadd.s32 $0x6000, s18;
	s23 =	sadd.s32 $0x60, s16  }
0x4eb: {  	[hbm4b:s23+s4] =	stream.linear.scatter [tilespmem:s20], [sflag:$0x1], $0x80, $0x38;
	[tilespmem:$0x10000] =	vst v63  }
0x4ec: {  	s20 =	sadd.s32 $0x7000, s18;
	s23 =	sadd.s32 $0x70, s16  }
0x4ed: {  	[hbm4b:s23+s4] =	stream.linear.scatter [tilespmem:s20], [sflag:$0x1], $0x80, $0x38;
	[tilespmem:$0x10000] =	vst v63  }
0x4ee: {  	s20 =	sadd.s32 $0x8000, s18;
	s23 =	sadd.s32 $0xC00, s16  }
0x4ef: {  	[hbm4b:s23+s4] =	stream.linear.scatter [tilespmem:s20], [sflag:$0x1], $0x80, $0x38;
	[tilespmem:$0x10000] =	vst v63  }
0x4f0: {  	s20 =	sadd.s32 $0x9000, s18;
	s23 =	sadd.s32 $0xC10, s16  }
0x4f1: {  	[hbm4b:s23+s4] =	stream.linear.scatter [tilespmem:s20], [sflag:$0x1], $0x80, $0x38;
	[tilespmem:$0x10000] =	vst v63  }
0x4f2: {  	s20 =	sadd.s32 $0xA000, s18;
	s23 =	sadd.s32 $0xC20, s16  }
0x4f3: {  	[hbm4b:s23+s4] =	stream.linear.scatter [tilespmem:s20], [sflag:$0x1], $0x80, $0x38;
	[tilespmem:$0x10000] =	vst v63  }
0x4f4: {  	s20 =	sadd.s32 $0xB000, s18;
	s23 =	sadd.s32 $0xC30, s16  }
0x4f5: {  	[hbm4b:s23+s4] =	stream.linear.scatter [tilespmem:s20], [sflag:$0x1], $0x80, $0x38;
	[tilespmem:$0x10000] =	vst v63  }
0x4f6: {  	s20 =	sadd.s32 $0xC000, s18;
	s23 =	sadd.s32 $0xC40, s16  }
0x4f7: {  	[hbm4b:s23+s4] =	stream.linear.scatter [tilespmem:s20], [sflag:$0x1], $0x80, $0x38;
	[tilespmem:$0x10000] =	vst v63  }
0x4f8: {  	s20 =	sadd.s32 $0xD000, s18;
	s23 =	sadd.s32 $0xC50, s16  }
0x4f9: {  	[hbm4b:s23+s4] =	stream.linear.scatter [tilespmem:s20], [sflag:$0x1], $0x80, $0x38;
	[tilespmem:$0x10000] =	vst v63  }
0x4fa: {  	s20 =	sadd.s32 $0xE000, s18;
	s23 =	sadd.s32 $0xC60, s16  }
0x4fb: {  	[hbm4b:s23+s4] =	stream.linear.scatter [tilespmem:s20], [sflag:$0x1], $0x80, $0x38;
	[tilespmem:$0x10000] =	vst v63  }
0x4fc: {  	s18 =	sadd.s32 $0xF000, s18;
	s23 =	sadd.s32 $0xC70, s16  }
0x4fd: {  	[hbm4b:s23+s4] =	stream.linear.scatter [tilespmem:s18], [sflag:$0x1], $0x80, $0x38;
	[tilespmem:$0x10000] =	vst v63  }
0x4fe: {  	s20 =	sadd.s32 s7, s8;
	s23 =	ssub.s32 $0x47F, s15  }
0x4ff: {  	[hbm4b:s20+s4] =	stream.linear.scatter [tilespmem:s23], [sflag:$0x1], $0x80, $0x38;
	[tilespmem:$0x10000] =	vst v63  }
0x500: {  	s18 =	ssub.s32 $0x147F, s15;
	s23 =	sadd.s32 $0x10, s20  }
0x501: {  	[hbm4b:s23+s4] =	stream.linear.scatter [tilespmem:s18], [sflag:$0x1], $0x80, $0x38;
	[tilespmem:$0x10000] =	vst v63  }
0x502: {  	s18 =	ssub.s32 $0x247F, s15;
	s23 =	sadd.s32 $0x20, s20  }
0x503: {  	[hbm4b:s23+s4] =	stream.linear.scatter [tilespmem:s18], [sflag:$0x1], $0x80, $0x38;
	[tilespmem:$0x10000] =	vst v63  }
0x504: {  	s18 =	ssub.s32 $0x347F, s15;
	s23 =	sadd.s32 $0x30, s20  }
0x505: {  	[hbm4b:s23+s4] =	stream.linear.scatter [tilespmem:s18], [sflag:$0x1], $0x80, $0x38;
	[tilespmem:$0x10000] =	vst v63  }
0x506: {  	s18 =	ssub.s32 $0x447F, s15;
	s23 =	sadd.s32 $0x40, s20  }
0x507: {  	[hbm4b:s23+s4] =	stream.linear.scatter [tilespmem:s18], [sflag:$0x1], $0x80, $0x38;
	[tilespmem:$0x10000] =	vst v63  }
0x508: {  	s18 =	ssub.s32 $0x547F, s15;
	s23 =	sadd.s32 $0x50, s20  }
0x509: {  	[hbm4b:s23+s4] =	stream.linear.scatter [tilespmem:s18], [sflag:$0x1], $0x80, $0x38;
	[tilespmem:$0x10000] =	vst v63  }
0x50a: {  	s18 =	ssub.s32 $0x647F, s15;
	s23 =	sadd.s32 $0x60, s20  }
0x50b: {  	[hbm4b:s23+s4] =	stream.linear.scatter [tilespmem:s18], [sflag:$0x1], $0x80, $0x38;
	[tilespmem:$0x10000] =	vst v63  }
0x50c: {  	s18 =	ssub.s32 $0x747F, s15;
	s23 =	sadd.s32 $0x70, s20  }
0x50d: {  	[hbm4b:s23+s4] =	stream.linear.scatter [tilespmem:s18], [sflag:$0x1], $0x80, $0x38;
	[tilespmem:$0x10000] =	vst v63  }
0x50e: {  	s18 =	ssub.s32 $0x847F, s15;
	s23 =	sadd.s32 $0xC00, s20  }
0x50f: {  	[hbm4b:s23+s4] =	stream.linear.scatter [tilespmem:s18], [sflag:$0x1], $0x80, $0x38;
	[tilespmem:$0x10000] =	vst v63  }
0x510: {  	s18 =	ssub.s32 $0x947F, s15;
	s23 =	sadd.s32 $0xC10, s20  }
0x511: {  	[hbm4b:s23+s4] =	stream.linear.scatter [tilespmem:s18], [sflag:$0x1], $0x80, $0x38;
	[tilespmem:$0x10000] =	vst v63  }
0x512: {  	s18 =	ssub.s32 $0xA47F, s15;
	s23 =	sadd.s32 $0xC20, s20  }
0x513: {  	[hbm4b:s23+s4] =	stream.linear.scatter [tilespmem:s18], [sflag:$0x1], $0x80, $0x38;
	[tilespmem:$0x10000] =	vst v63  }
0x514: {  	s18 =	ssub.s32 $0xB47F, s15;
	s23 =	sadd.s32 $0xC30, s20  }
0x515: {  	[hbm4b:s23+s4] =	stream.linear.scatter [tilespmem:s18], [sflag:$0x1], $0x80, $0x38;
	[tilespmem:$0x10000] =	vst v63  }
0x516: {  	s18 =	ssub.s32 $0xC47F, s15;
	s23 =	sadd.s32 $0xC40, s20  }
0x517: {  	[hbm4b:s23+s4] =	stream.linear.scatter [tilespmem:s18], [sflag:$0x1], $0x80, $0x38;
	[tilespmem:$0x10000] =	vst v63  }
0x518: {  	s18 =	ssub.s32 $0xD47F, s15;
	s23 =	sadd.s32 $0xC50, s20  }
0x519: {  	[hbm4b:s23+s4] =	stream.linear.scatter [tilespmem:s18], [sflag:$0x1], $0x80, $0x38;
	[tilespmem:$0x10000] =	vst v63  }
0x51a: {  	s18 =	ssub.s32 $0xE47F, s15;
	s23 =	sadd.s32 $0xC60, s20  }
0x51b: {  	[hbm4b:s23+s4] =	stream.linear.scatter [tilespmem:s18], [sflag:$0x1], $0x80, $0x38;
	[tilespmem:$0x10000] =	vst v63  }
0x51c: {  	s20 =	sadd.s32 $0xC70, s20;
	s23 =	ssub.s32 $0xF47F, s15  }
0x51d: {  	[hbm4b:s20+s4] =	stream.linear.scatter [tilespmem:s23], [sflag:$0x1], $0x80, $0x38;
	[tilespmem:$0x10000] =	vst v63  }
0x51e: {  	s23 =	ssub.s32 $0x4FF, s15;
	s20 =	sadd.s32 s7, s11  }
0x51f: {  	[hbm4b:s20+s4] =	stream.linear.scatter [tilespmem:s23], [sflag:$0x1], $0x80, $0x38;
	[tilespmem:$0x10000] =	vst v63  }
0x520: {  	s18 =	ssub.s32 $0x14FF, s15;
	s23 =	sadd.s32 $0x10, s20  }
0x521: {  	[hbm4b:s23+s4] =	stream.linear.scatter [tilespmem:s18], [sflag:$0x1], $0x80, $0x38;
	[tilespmem:$0x10000] =	vst v63  }
0x522: {  	s18 =	ssub.s32 $0x24FF, s15;
	s23 =	sadd.s32 $0x20, s20  }
0x523: {  	[hbm4b:s23+s4] =	stream.linear.scatter [tilespmem:s18], [sflag:$0x1], $0x80, $0x38;
	[tilespmem:$0x10000] =	vst v63  }
0x524: {  	s18 =	ssub.s32 $0x34FF, s15;
	s23 =	sadd.s32 $0x30, s20  }
0x525: {  	[hbm4b:s23+s4] =	stream.linear.scatter [tilespmem:s18], [sflag:$0x1], $0x80, $0x38;
	[tilespmem:$0x10000] =	vst v63  }
0x526: {  	s18 =	ssub.s32 $0x44FF, s15;
	s23 =	sadd.s32 $0x40, s20  }
0x527: {  	[hbm4b:s23+s4] =	stream.linear.scatter [tilespmem:s18], [sflag:$0x1], $0x80, $0x38;
	[tilespmem:$0x10000] =	vst v63  }
0x528: {  	s18 =	ssub.s32 $0x54FF, s15;
	s23 =	sadd.s32 $0x50, s20  }
0x529: {  	[hbm4b:s23+s4] =	stream.linear.scatter [tilespmem:s18], [sflag:$0x1], $0x80, $0x38;
	[tilespmem:$0x10000] =	vst v63  }
0x52a: {  	s18 =	ssub.s32 $0x64FF, s15;
	s23 =	sadd.s32 $0x60, s20  }
0x52b: {  	[hbm4b:s23+s4] =	stream.linear.scatter [tilespmem:s18], [sflag:$0x1], $0x80, $0x38;
	[tilespmem:$0x10000] =	vst v63  }
0x52c: {  	s18 =	ssub.s32 $0x74FF, s15;
	s23 =	sadd.s32 $0x70, s20  }
0x52d: {  	[hbm4b:s23+s4] =	stream.linear.scatter [tilespmem:s18], [sflag:$0x1], $0x80, $0x38;
	[tilespmem:$0x10000] =	vst v63  }
0x52e: {  	s18 =	ssub.s32 $0x84FF, s15;
	s23 =	sadd.s32 $0xC00, s20  }
0x52f: {  	[hbm4b:s23+s4] =	stream.linear.scatter [tilespmem:s18], [sflag:$0x1], $0x80, $0x38;
	[tilespmem:$0x10000] =	vst v63  }
0x530: {  	s18 =	ssub.s32 $0x94FF, s15;
	s23 =	sadd.s32 $0xC10, s20  }
0x531: {  	[hbm4b:s23+s4] =	stream.linear.scatter [tilespmem:s18], [sflag:$0x1], $0x80, $0x38;
	[tilespmem:$0x10000] =	vst v63  }
0x532: {  	s18 =	ssub.s32 $0xA4FF, s15;
	s23 =	sadd.s32 $0xC20, s20  }
0x533: {  	[hbm4b:s23+s4] =	stream.linear.scatter [tilespmem:s18], [sflag:$0x1], $0x80, $0x38;
	[tilespmem:$0x10000] =	vst v63  }
0x534: {  	s18 =	ssub.s32 $0xB4FF, s15;
	s23 =	sadd.s32 $0xC30, s20  }
0x535: {  	[hbm4b:s23+s4] =	stream.linear.scatter [tilespmem:s18], [sflag:$0x1], $0x80, $0x38;
	[tilespmem:$0x10000] =	vst v63  }
0x536: {  	s18 =	ssub.s32 $0xC4FF, s15;
	s23 =	sadd.s32 $0xC40, s20  }
0x537: {  	[hbm4b:s23+s4] =	stream.linear.scatter [tilespmem:s18], [sflag:$0x1], $0x80, $0x38;
	[tilespmem:$0x10000] =	vst v63  }
0x538: {  	s18 =	ssub.s32 $0xD4FF, s15;
	s23 =	sadd.s32 $0xC50, s20  }
0x539: {  	[hbm4b:s23+s4] =	stream.linear.scatter [tilespmem:s18], [sflag:$0x1], $0x80, $0x38;
	[tilespmem:$0x10000] =	vst v63  }
0x53a: {  	s18 =	ssub.s32 $0xE4FF, s15;
	s23 =	sadd.s32 $0xC60, s20  }
0x53b: {  	[hbm4b:s23+s4] =	stream.linear.scatter [tilespmem:s18], [sflag:$0x1], $0x80, $0x38;
	[tilespmem:$0x10000] =	vst v63  }
0x53c: {  	s20 =	sadd.s32 $0xC70, s20;
	s23 =	ssub.s32 $0xF4FF, s15  }
0x53d: {  	[hbm4b:s20+s4] =	stream.linear.scatter [tilespmem:s23], [sflag:$0x1], $0x80, $0x38;
	[tilespmem:$0x10000] =	vst v63  }
0x53e: {  	s23 =	ssub.s32 $0x57F, s15;
	s20 =	sadd.s32 s7, s13  }
0x53f: {  	[hbm4b:s20+s4] =	stream.linear.scatter [tilespmem:s23], [sflag:$0x1], $0x80, $0x38;
	[tilespmem:$0x10000] =	vst v63  }
0x540: {  	s18 =	ssub.s32 $0x157F, s15;
	s23 =	sadd.s32 $0x10, s20  }
0x541: {  	[hbm4b:s23+s4] =	stream.linear.scatter [tilespmem:s18], [sflag:$0x1], $0x80, $0x38;
	[tilespmem:$0x10000] =	vst v63  }
0x542: {  	s18 =	ssub.s32 $0x257F, s15;
	s23 =	sadd.s32 $0x20, s20  }
0x543: {  	[hbm4b:s23+s4] =	stream.linear.scatter [tilespmem:s18], [sflag:$0x1], $0x80, $0x38;
	[tilespmem:$0x10000] =	vst v63  }
0x544: {  	s18 =	ssub.s32 $0x357F, s15;
	s23 =	sadd.s32 $0x30, s20  }
0x545: {  	[hbm4b:s23+s4] =	stream.linear.scatter [tilespmem:s18], [sflag:$0x1], $0x80, $0x38;
	[tilespmem:$0x10000] =	vst v63  }
0x546: {  	s18 =	ssub.s32 $0x457F, s15;
	s23 =	sadd.s32 $0x40, s20  }
0x547: {  	[hbm4b:s23+s4] =	stream.linear.scatter [tilespmem:s18], [sflag:$0x1], $0x80, $0x38;
	[tilespmem:$0x10000] =	vst v63  }
0x548: {  	s18 =	ssub.s32 $0x557F, s15;
	s23 =	sadd.s32 $0x50, s20  }
0x549: {  	[hbm4b:s23+s4] =	stream.linear.scatter [tilespmem:s18], [sflag:$0x1], $0x80, $0x38;
	[tilespmem:$0x10000] =	vst v63  }
0x54a: {  	s18 =	ssub.s32 $0x657F, s15;
	s23 =	sadd.s32 $0x60, s20  }
0x54b: {  	[hbm4b:s23+s4] =	stream.linear.scatter [tilespmem:s18], [sflag:$0x1], $0x80, $0x38;
	[tilespmem:$0x10000] =	vst v63  }
0x54c: {  	s18 =	ssub.s32 $0x757F, s15;
	s23 =	sadd.s32 $0x70, s20  }
0x54d: {  	[hbm4b:s23+s4] =	stream.linear.scatter [tilespmem:s18], [sflag:$0x1], $0x80, $0x38;
	[tilespmem:$0x10000] =	vst v63  }
0x54e: {  	s18 =	ssub.s32 $0x857F, s15;
	s23 =	sadd.s32 $0xC00, s20  }
0x54f: {  	[hbm4b:s23+s4] =	stream.linear.scatter [tilespmem:s18], [sflag:$0x1], $0x80, $0x38;
	[tilespmem:$0x10000] =	vst v63  }
0x550: {  	s18 =	ssub.s32 $0x957F, s15;
	s23 =	sadd.s32 $0xC10, s20  }
0x551: {  	[hbm4b:s23+s4] =	stream.linear.scatter [tilespmem:s18], [sflag:$0x1], $0x80, $0x38;
	[tilespmem:$0x10000] =	vst v63  }
0x552: {  	s18 =	ssub.s32 $0xA57F, s15;
	s23 =	sadd.s32 $0xC20, s20  }
0x553: {  	[hbm4b:s23+s4] =	stream.linear.scatter [tilespmem:s18], [sflag:$0x1], $0x80, $0x38;
	[tilespmem:$0x10000] =	vst v63  }
0x554: {  	s18 =	ssub.s32 $0xB57F, s15;
	s23 =	sadd.s32 $0xC30, s20  }
0x555: {  	[hbm4b:s23+s4] =	stream.linear.scatter [tilespmem:s18], [sflag:$0x1], $0x80, $0x38;
	[tilespmem:$0x10000] =	vst v63  }
0x556: {  	s18 =	ssub.s32 $0xC57F, s15;
	s23 =	sadd.s32 $0xC40, s20  }
0x557: {  	[hbm4b:s23+s4] =	stream.linear.scatter [tilespmem:s18], [sflag:$0x1], $0x80, $0x38;
	[tilespmem:$0x10000] =	vst v63  }
0x558: {  	s18 =	ssub.s32 $0xD57F, s15;
	s23 =	sadd.s32 $0xC50, s20  }
0x559: {  	[hbm4b:s23+s4] =	stream.linear.scatter [tilespmem:s18], [sflag:$0x1], $0x80, $0x38;
	[tilespmem:$0x10000] =	vst v63  }
0x55a: {  	s18 =	ssub.s32 $0xE57F, s15;
	s23 =	sadd.s32 $0xC60, s20  }
0x55b: {  	[hbm4b:s23+s4] =	stream.linear.scatter [tilespmem:s18], [sflag:$0x1], $0x80, $0x38;
	[tilespmem:$0x10000] =	vst v63  }
0x55c: {  	s20 =	sadd.s32 $0xC70, s20;
	s23 =	ssub.s32 $0xF57F, s15  }
0x55d: {  	[hbm4b:s20+s4] =	stream.linear.scatter [tilespmem:s23], [sflag:$0x1], $0x80, $0x38;
	[tilespmem:$0x10000] =	vst v63  }
0x55e: {  	s23 =	ssub.s32 $0x5FF, s15;
	s20 =	sadd.s32 s7, s14  }
0x55f: {  	[hbm4b:s20+s4] =	stream.linear.scatter [tilespmem:s23], [sflag:$0x1], $0x80, $0x38;
	[tilespmem:$0x10000] =	vst v63  }
0x560: {  	s18 =	ssub.s32 $0x15FF, s15;
	s23 =	sadd.s32 $0x10, s20  }
0x561: {  	[hbm4b:s23+s4] =	stream.linear.scatter [tilespmem:s18], [sflag:$0x1], $0x80, $0x38;
	[tilespmem:$0x10000] =	vst v63  }
0x562: {  	s18 =	ssub.s32 $0x25FF, s15;
	s23 =	sadd.s32 $0x20, s20  }
0x563: {  	[hbm4b:s23+s4] =	stream.linear.scatter [tilespmem:s18], [sflag:$0x1], $0x80, $0x38;
	[tilespmem:$0x10000] =	vst v63  }
0x564: {  	s18 =	ssub.s32 $0x35FF, s15;
	s23 =	sadd.s32 $0x30, s20  }
0x565: {  	[hbm4b:s23+s4] =	stream.linear.scatter [tilespmem:s18], [sflag:$0x1], $0x80, $0x38;
	[tilespmem:$0x10000] =	vst v63  }
0x566: {  	s18 =	ssub.s32 $0x45FF, s15;
	s23 =	sadd.s32 $0x40, s20  }
0x567: {  	[hbm4b:s23+s4] =	stream.linear.scatter [tilespmem:s18], [sflag:$0x1], $0x80, $0x38;
	[tilespmem:$0x10000] =	vst v63  }
0x568: {  	s18 =	ssub.s32 $0x55FF, s15;
	s23 =	sadd.s32 $0x50, s20  }
0x569: {  	[hbm4b:s23+s4] =	stream.linear.scatter [tilespmem:s18], [sflag:$0x1], $0x80, $0x38;
	[tilespmem:$0x10000] =	vst v63  }
0x56a: {  	s18 =	ssub.s32 $0x65FF, s15;
	s23 =	sadd.s32 $0x60, s20  }
0x56b: {  	[hbm4b:s23+s4] =	stream.linear.scatter [tilespmem:s18], [sflag:$0x1], $0x80, $0x38;
	[tilespmem:$0x10000] =	vst v63  }
0x56c: {  	s18 =	ssub.s32 $0x75FF, s15;
	s23 =	sadd.s32 $0x70, s20  }
0x56d: {  	[hbm4b:s23+s4] =	stream.linear.scatter [tilespmem:s18], [sflag:$0x1], $0x80, $0x38;
	[tilespmem:$0x10000] =	vst v63  }
0x56e: {  	s18 =	ssub.s32 $0x85FF, s15;
	s23 =	sadd.s32 $0xC00, s20  }
0x56f: {  	[hbm4b:s23+s4] =	stream.linear.scatter [tilespmem:s18], [sflag:$0x1], $0x80, $0x38;
	[tilespmem:$0x10000] =	vst v63  }
0x570: {  	s18 =	ssub.s32 $0x95FF, s15;
	s23 =	sadd.s32 $0xC10, s20  }
0x571: {  	[hbm4b:s23+s4] =	stream.linear.scatter [tilespmem:s18], [sflag:$0x1], $0x80, $0x38;
	[tilespmem:$0x10000] =	vst v63  }
0x572: {  	s18 =	ssub.s32 $0xA5FF, s15;
	s23 =	sadd.s32 $0xC20, s20  }
0x573: {  	[hbm4b:s23+s4] =	stream.linear.scatter [tilespmem:s18], [sflag:$0x1], $0x80, $0x38;
	[tilespmem:$0x10000] =	vst v63  }
0x574: {  	s18 =	ssub.s32 $0xB5FF, s15;
	s23 =	sadd.s32 $0xC30, s20  }
0x575: {  	[hbm4b:s23+s4] =	stream.linear.scatter [tilespmem:s18], [sflag:$0x1], $0x80, $0x38;
	[tilespmem:$0x10000] =	vst v63  }
0x576: {  	s18 =	ssub.s32 $0xC5FF, s15;
	s23 =	sadd.s32 $0xC40, s20  }
0x577: {  	[hbm4b:s23+s4] =	stream.linear.scatter [tilespmem:s18], [sflag:$0x1], $0x80, $0x38;
	[tilespmem:$0x10000] =	vst v63  }
0x578: {  	s18 =	ssub.s32 $0xD5FF, s15;
	s23 =	sadd.s32 $0xC50, s20  }
0x579: {  	[hbm4b:s23+s4] =	stream.linear.scatter [tilespmem:s18], [sflag:$0x1], $0x80, $0x38;
	[tilespmem:$0x10000] =	vst v63  }
0x57a: {  	s18 =	ssub.s32 $0xE5FF, s15;
	s23 =	sadd.s32 $0xC60, s20  }
0x57b: {  	[hbm4b:s23+s4] =	stream.linear.scatter [tilespmem:s18], [sflag:$0x1], $0x80, $0x38;
	[tilespmem:$0x10000] =	vst v63  }
0x57c: {  	s20 =	sadd.s32 $0xC70, s20;
	s23 =	ssub.s32 $0xF5FF, s15  }
0x57d: {  	[hbm4b:s20+s4] =	stream.linear.scatter [tilespmem:s23], [sflag:$0x1], $0x80, $0x38;
	[tilespmem:$0x10000] =	vst v63  }
0x57e: {  	s23 =	ssub.s32 $0x67F, s15;
	s20 =	sadd.s32 s7, s17  }
0x57f: {  	[hbm4b:s20+s4] =	stream.linear.scatter [tilespmem:s23], [sflag:$0x1], $0x80, $0x38;
	[tilespmem:$0x10000] =	vst v63  }
0x580: {  	s18 =	ssub.s32 $0x167F, s15;
	s23 =	sadd.s32 $0x10, s20  }
0x581: {  	[hbm4b:s23+s4] =	stream.linear.scatter [tilespmem:s18], [sflag:$0x1], $0x80, $0x38;
	[tilespmem:$0x10000] =	vst v63  }
0x582: {  	s18 =	ssub.s32 $0x267F, s15;
	s23 =	sadd.s32 $0x20, s20  }
0x583: {  	[hbm4b:s23+s4] =	stream.linear.scatter [tilespmem:s18], [sflag:$0x1], $0x80, $0x38;
	[tilespmem:$0x10000] =	vst v63  }
0x584: {  	s18 =	ssub.s32 $0x367F, s15;
	s23 =	sadd.s32 $0x30, s20  }
0x585: {  	[hbm4b:s23+s4] =	stream.linear.scatter [tilespmem:s18], [sflag:$0x1], $0x80, $0x38;
	[tilespmem:$0x10000] =	vst v63  }
0x586: {  	s18 =	ssub.s32 $0x467F, s15;
	s23 =	sadd.s32 $0x40, s20  }
0x587: {  	[hbm4b:s23+s4] =	stream.linear.scatter [tilespmem:s18], [sflag:$0x1], $0x80, $0x38;
	[tilespmem:$0x10000] =	vst v63  }
0x588: {  	s18 =	ssub.s32 $0x567F, s15;
	s23 =	sadd.s32 $0x50, s20  }
0x589: {  	[hbm4b:s23+s4] =	stream.linear.scatter [tilespmem:s18], [sflag:$0x1], $0x80, $0x38;
	[tilespmem:$0x10000] =	vst v63  }
0x58a: {  	s18 =	ssub.s32 $0x667F, s15;
	s23 =	sadd.s32 $0x60, s20  }
0x58b: {  	[hbm4b:s23+s4] =	stream.linear.scatter [tilespmem:s18], [sflag:$0x1], $0x80, $0x38;
	[tilespmem:$0x10000] =	vst v63  }
0x58c: {  	s18 =	ssub.s32 $0x767F, s15;
	s23 =	sadd.s32 $0x70, s20  }
0x58d: {  	[hbm4b:s23+s4] =	stream.linear.scatter [tilespmem:s18], [sflag:$0x1], $0x80, $0x38;
	[tilespmem:$0x10000] =	vst v63  }
0x58e: {  	s18 =	ssub.s32 $0x867F, s15;
	s23 =	sadd.s32 $0xC00, s20  }
0x58f: {  	[hbm4b:s23+s4] =	stream.linear.scatter [tilespmem:s18], [sflag:$0x1], $0x80, $0x38;
	[tilespmem:$0x10000] =	vst v63  }
0x590: {  	s18 =	ssub.s32 $0x967F, s15;
	s23 =	sadd.s32 $0xC10, s20  }
0x591: {  	[hbm4b:s23+s4] =	stream.linear.scatter [tilespmem:s18], [sflag:$0x1], $0x80, $0x38;
	[tilespmem:$0x10000] =	vst v63  }
0x592: {  	s18 =	ssub.s32 $0xA67F, s15;
	s23 =	sadd.s32 $0xC20, s20  }
0x593: {  	[hbm4b:s23+s4] =	stream.linear.scatter [tilespmem:s18], [sflag:$0x1], $0x80, $0x38;
	[tilespmem:$0x10000] =	vst v63  }
0x594: {  	s18 =	ssub.s32 $0xB67F, s15;
	s23 =	sadd.s32 $0xC30, s20  }
0x595: {  	[hbm4b:s23+s4] =	stream.linear.scatter [tilespmem:s18], [sflag:$0x1], $0x80, $0x38;
	[tilespmem:$0x10000] =	vst v63  }
0x596: {  	s18 =	ssub.s32 $0xC67F, s15;
	s23 =	sadd.s32 $0xC40, s20  }
0x597: {  	[hbm4b:s23+s4] =	stream.linear.scatter [tilespmem:s18], [sflag:$0x1], $0x80, $0x38;
	[tilespmem:$0x10000] =	vst v63  }
0x598: {  	s18 =	ssub.s32 $0xD67F, s15;
	s23 =	sadd.s32 $0xC50, s20  }
0x599: {  	[hbm4b:s23+s4] =	stream.linear.scatter [tilespmem:s18], [sflag:$0x1], $0x80, $0x38;
	[tilespmem:$0x10000] =	vst v63  }
0x59a: {  	s18 =	ssub.s32 $0xE67F, s15;
	s23 =	sadd.s32 $0xC60, s20  }
0x59b: {  	[hbm4b:s23+s4] =	stream.linear.scatter [tilespmem:s18], [sflag:$0x1], $0x80, $0x38;
	[tilespmem:$0x10000] =	vst v63  }
0x59c: {  	s20 =	sadd.s32 $0xC70, s20;
	s23 =	ssub.s32 $0xF67F, s15  }
0x59d: {  	[hbm4b:s20+s4] =	stream.linear.scatter [tilespmem:s23], [sflag:$0x1], $0x80, $0x38;
	[tilespmem:$0x10000] =	vst v63  }
0x59e: {  	s23 =	ssub.s32 $0x6FF, s15;
	s20 =	sadd.s32 s7, s19  }
0x59f: {  	[hbm4b:s20+s4] =	stream.linear.scatter [tilespmem:s23], [sflag:$0x1], $0x80, $0x38;
	[tilespmem:$0x10000] =	vst v63  }
0x5a0: {  	s18 =	ssub.s32 $0x16FF, s15;
	s23 =	sadd.s32 $0x10, s20  }
0x5a1: {  	[hbm4b:s23+s4] =	stream.linear.scatter [tilespmem:s18], [sflag:$0x1], $0x80, $0x38;
	[tilespmem:$0x10000] =	vst v63  }
0x5a2: {  	s18 =	ssub.s32 $0x26FF, s15;
	s23 =	sadd.s32 $0x20, s20  }
0x5a3: {  	[hbm4b:s23+s4] =	stream.linear.scatter [tilespmem:s18], [sflag:$0x1], $0x80, $0x38;
	[tilespmem:$0x10000] =	vst v63  }
0x5a4: {  	s18 =	ssub.s32 $0x36FF, s15;
	s23 =	sadd.s32 $0x30, s20  }
0x5a5: {  	[hbm4b:s23+s4] =	stream.linear.scatter [tilespmem:s18], [sflag:$0x1], $0x80, $0x38;
	[tilespmem:$0x10000] =	vst v63  }
0x5a6: {  	s18 =	ssub.s32 $0x46FF, s15;
	s23 =	sadd.s32 $0x40, s20  }
0x5a7: {  	[hbm4b:s23+s4] =	stream.linear.scatter [tilespmem:s18], [sflag:$0x1], $0x80, $0x38;
	[tilespmem:$0x10000] =	vst v63  }
0x5a8: {  	s18 =	ssub.s32 $0x56FF, s15;
	s23 =	sadd.s32 $0x50, s20  }
0x5a9: {  	[hbm4b:s23+s4] =	stream.linear.scatter [tilespmem:s18], [sflag:$0x1], $0x80, $0x38;
	[tilespmem:$0x10000] =	vst v63  }
0x5aa: {  	s18 =	ssub.s32 $0x66FF, s15;
	s23 =	sadd.s32 $0x60, s20  }
0x5ab: {  	[hbm4b:s23+s4] =	stream.linear.scatter [tilespmem:s18], [sflag:$0x1], $0x80, $0x38;
	[tilespmem:$0x10000] =	vst v63  }
0x5ac: {  	s18 =	ssub.s32 $0x76FF, s15;
	s23 =	sadd.s32 $0x70, s20  }
0x5ad: {  	[hbm4b:s23+s4] =	stream.linear.scatter [tilespmem:s18], [sflag:$0x1], $0x80, $0x38;
	[tilespmem:$0x10000] =	vst v63  }
0x5ae: {  	s18 =	ssub.s32 $0x86FF, s15;
	s23 =	sadd.s32 $0xC00, s20  }
0x5af: {  	[hbm4b:s23+s4] =	stream.linear.scatter [tilespmem:s18], [sflag:$0x1], $0x80, $0x38;
	[tilespmem:$0x10000] =	vst v63  }
0x5b0: {  	s18 =	ssub.s32 $0x96FF, s15;
	s23 =	sadd.s32 $0xC10, s20  }
0x5b1: {  	[hbm4b:s23+s4] =	stream.linear.scatter [tilespmem:s18], [sflag:$0x1], $0x80, $0x38;
	[tilespmem:$0x10000] =	vst v63  }
0x5b2: {  	s18 =	ssub.s32 $0xA6FF, s15;
	s23 =	sadd.s32 $0xC20, s20  }
0x5b3: {  	[hbm4b:s23+s4] =	stream.linear.scatter [tilespmem:s18], [sflag:$0x1], $0x80, $0x38;
	[tilespmem:$0x10000] =	vst v63  }
0x5b4: {  	s18 =	ssub.s32 $0xB6FF, s15;
	s23 =	sadd.s32 $0xC30, s20  }
0x5b5: {  	[hbm4b:s23+s4] =	stream.linear.scatter [tilespmem:s18], [sflag:$0x1], $0x80, $0x38;
	[tilespmem:$0x10000] =	vst v63  }
0x5b6: {  	s18 =	ssub.s32 $0xC6FF, s15;
	s23 =	sadd.s32 $0xC40, s20  }
0x5b7: {  	[hbm4b:s23+s4] =	stream.linear.scatter [tilespmem:s18], [sflag:$0x1], $0x80, $0x38;
	[tilespmem:$0x10000] =	vst v63  }
0x5b8: {  	s18 =	ssub.s32 $0xD6FF, s15;
	s23 =	sadd.s32 $0xC50, s20  }
0x5b9: {  	[hbm4b:s23+s4] =	stream.linear.scatter [tilespmem:s18], [sflag:$0x1], $0x80, $0x38;
	[tilespmem:$0x10000] =	vst v63  }
0x5ba: {  	s18 =	ssub.s32 $0xE6FF, s15;
	s23 =	sadd.s32 $0xC60, s20  }
0x5bb: {  	[hbm4b:s23+s4] =	stream.linear.scatter [tilespmem:s18], [sflag:$0x1], $0x80, $0x38;
	[tilespmem:$0x10000] =	vst v63  }
0x5bc: {  	s20 =	sadd.s32 $0xC70, s20;
	s23 =	ssub.s32 $0xF6FF, s15  }
0x5bd: {  	[hbm4b:s20+s4] =	stream.linear.scatter [tilespmem:s23], [sflag:$0x1], $0x80, $0x38;
	[tilespmem:$0x10000] =	vst v63  }
0x5be: {  	s23 =	ssub.s32 $0x77F, s15;
	s20 =	sadd.s32 s7, s21  }
0x5bf: {  	[hbm4b:s20+s4] =	stream.linear.scatter [tilespmem:s23], [sflag:$0x1], $0x80, $0x38;
	[tilespmem:$0x10000] =	vst v63  }
0x5c0: {  	s18 =	ssub.s32 $0x177F, s15;
	s23 =	sadd.s32 $0x10, s20  }
0x5c1: {  	[hbm4b:s23+s4] =	stream.linear.scatter [tilespmem:s18], [sflag:$0x1], $0x80, $0x38;
	[tilespmem:$0x10000] =	vst v63  }
0x5c2: {  	s18 =	ssub.s32 $0x277F, s15;
	s23 =	sadd.s32 $0x20, s20  }
0x5c3: {  	[hbm4b:s23+s4] =	stream.linear.scatter [tilespmem:s18], [sflag:$0x1], $0x80, $0x38;
	[tilespmem:$0x10000] =	vst v63  }
0x5c4: {  	s18 =	ssub.s32 $0x377F, s15;
	s23 =	sadd.s32 $0x30, s20  }
0x5c5: {  	[hbm4b:s23+s4] =	stream.linear.scatter [tilespmem:s18], [sflag:$0x1], $0x80, $0x38;
	[tilespmem:$0x10000] =	vst v63  }
0x5c6: {  	s18 =	ssub.s32 $0x477F, s15;
	s23 =	sadd.s32 $0x40, s20  }
0x5c7: {  	[hbm4b:s23+s4] =	stream.linear.scatter [tilespmem:s18], [sflag:$0x1], $0x80, $0x38;
	[tilespmem:$0x10000] =	vst v63  }
0x5c8: {  	s18 =	ssub.s32 $0x577F, s15;
	s23 =	sadd.s32 $0x50, s20  }
0x5c9: {  	[hbm4b:s23+s4] =	stream.linear.scatter [tilespmem:s18], [sflag:$0x1], $0x80, $0x38;
	[tilespmem:$0x10000] =	vst v63  }
0x5ca: {  	s18 =	ssub.s32 $0x677F, s15;
	s23 =	sadd.s32 $0x60, s20  }
0x5cb: {  	[hbm4b:s23+s4] =	stream.linear.scatter [tilespmem:s18], [sflag:$0x1], $0x80, $0x38;
	[tilespmem:$0x10000] =	vst v63  }
0x5cc: {  	s18 =	ssub.s32 $0x777F, s15;
	s23 =	sadd.s32 $0x70, s20  }
0x5cd: {  	[hbm4b:s23+s4] =	stream.linear.scatter [tilespmem:s18], [sflag:$0x1], $0x80, $0x38;
	[tilespmem:$0x10000] =	vst v63  }
0x5ce: {  	s18 =	ssub.s32 $0x877F, s15;
	s23 =	sadd.s32 $0xC00, s20  }
0x5cf: {  	[hbm4b:s23+s4] =	stream.linear.scatter [tilespmem:s18], [sflag:$0x1], $0x80, $0x38;
	[tilespmem:$0x10000] =	vst v63  }
0x5d0: {  	s18 =	ssub.s32 $0x977F, s15;
	s23 =	sadd.s32 $0xC10, s20  }
0x5d1: {  	[hbm4b:s23+s4] =	stream.linear.scatter [tilespmem:s18], [sflag:$0x1], $0x80, $0x38;
	[tilespmem:$0x10000] =	vst v63  }
0x5d2: {  	s18 =	ssub.s32 $0xA77F, s15;
	s23 =	sadd.s32 $0xC20, s20  }
0x5d3: {  	[hbm4b:s23+s4] =	stream.linear.scatter [tilespmem:s18], [sflag:$0x1], $0x80, $0x38;
	[tilespmem:$0x10000] =	vst v63  }
0x5d4: {  	s18 =	ssub.s32 $0xB77F, s15;
	s23 =	sadd.s32 $0xC30, s20  }
0x5d5: {  	[hbm4b:s23+s4] =	stream.linear.scatter [tilespmem:s18], [sflag:$0x1], $0x80, $0x38;
	[tilespmem:$0x10000] =	vst v63  }
0x5d6: {  	s18 =	ssub.s32 $0xC77F, s15;
	s23 =	sadd.s32 $0xC40, s20  }
0x5d7: {  	[hbm4b:s23+s4] =	stream.linear.scatter [tilespmem:s18], [sflag:$0x1], $0x80, $0x38;
	[tilespmem:$0x10000] =	vst v63  }
0x5d8: {  	s18 =	ssub.s32 $0xD77F, s15;
	s23 =	sadd.s32 $0xC50, s20  }
0x5d9: {  	[hbm4b:s23+s4] =	stream.linear.scatter [tilespmem:s18], [sflag:$0x1], $0x80, $0x38;
	[tilespmem:$0x10000] =	vst v63  }
0x5da: {  	s18 =	ssub.s32 $0xE77F, s15;
	s23 =	sadd.s32 $0xC60, s20  }
0x5db: {  	[hbm4b:s23+s4] =	stream.linear.scatter [tilespmem:s18], [sflag:$0x1], $0x80, $0x38;
	[tilespmem:$0x10000] =	vst v63  }
0x5dc: {  	s20 =	sadd.s32 $0xC70, s20;
	s23 =	ssub.s32 $0xF77F, s15  }
0x5dd: {  	[hbm4b:s20+s4] =	stream.linear.scatter [tilespmem:s23], [sflag:$0x1], $0x80, $0x38;
	[tilespmem:$0x10000] =	vst v63  }
0x5de: {  	s23 =	sxor.u32 $0x7FF, s15;
	s20 =	sadd.s32 s7, s24  }
0x5df: {  	[hbm4b:s20+s4] =	stream.linear.scatter [tilespmem:s23], [sflag:$0x1], $0x80, $0x38;
	[tilespmem:$0x10000] =	vst v63  }
0x5e0: {  	s18 =	ssub.s32 $0x17FF, s15;
	s23 =	sadd.s32 $0x10, s20  }
0x5e1: {  	[hbm4b:s23+s4] =	stream.linear.scatter [tilespmem:s18], [sflag:$0x1], $0x80, $0x38;
	[tilespmem:$0x10000] =	vst v63  }
0x5e2: {  	s18 =	ssub.s32 $0x27FF, s15;
	s23 =	sadd.s32 $0x20, s20  }
0x5e3: {  	[hbm4b:s23+s4] =	stream.linear.scatter [tilespmem:s18], [sflag:$0x1], $0x80, $0x38;
	[tilespmem:$0x10000] =	vst v63  }
0x5e4: {  	s18 =	ssub.s32 $0x37FF, s15;
	s23 =	sadd.s32 $0x30, s20  }
0x5e5: {  	[hbm4b:s23+s4] =	stream.linear.scatter [tilespmem:s18], [sflag:$0x1], $0x80, $0x38;
	[tilespmem:$0x10000] =	vst v63  }
0x5e6: {  	s18 =	ssub.s32 $0x47FF, s15;
	s23 =	sadd.s32 $0x40, s20  }
0x5e7: {  	[hbm4b:s23+s4] =	stream.linear.scatter [tilespmem:s18], [sflag:$0x1], $0x80, $0x38;
	[tilespmem:$0x10000] =	vst v63  }
0x5e8: {  	s18 =	ssub.s32 $0x57FF, s15;
	s23 =	sadd.s32 $0x50, s20  }
0x5e9: {  	[hbm4b:s23+s4] =	stream.linear.scatter [tilespmem:s18], [sflag:$0x1], $0x80, $0x38;
	[tilespmem:$0x10000] =	vst v63  }
0x5ea: {  	s18 =	ssub.s32 $0x67FF, s15;
	s23 =	sadd.s32 $0x60, s20  }
0x5eb: {  	[hbm4b:s23+s4] =	stream.linear.scatter [tilespmem:s18], [sflag:$0x1], $0x80, $0x38;
	[tilespmem:$0x10000] =	vst v63  }
0x5ec: {  	s18 =	ssub.s32 $0x77FF, s15;
	s23 =	sadd.s32 $0x70, s20  }
0x5ed: {  	[hbm4b:s23+s4] =	stream.linear.scatter [tilespmem:s18], [sflag:$0x1], $0x80, $0x38;
	[tilespmem:$0x10000] =	vst v63  }
0x5ee: {  	s18 =	ssub.s32 $0x87FF, s15;
	s23 =	sadd.s32 $0xC00, s20  }
0x5ef: {  	[hbm4b:s23+s4] =	stream.linear.scatter [tilespmem:s18], [sflag:$0x1], $0x80, $0x38;
	[tilespmem:$0x10000] =	vst v63  }
0x5f0: {  	s18 =	ssub.s32 $0x97FF, s15;
	s23 =	sadd.s32 $0xC10, s20  }
0x5f1: {  	[hbm4b:s23+s4] =	stream.linear.scatter [tilespmem:s18], [sflag:$0x1], $0x80, $0x38;
	[tilespmem:$0x10000] =	vst v63  }
0x5f2: {  	s18 =	ssub.s32 $0xA7FF, s15;
	s23 =	sadd.s32 $0xC20, s20  }
0x5f3: {  	[hbm4b:s23+s4] =	stream.linear.scatter [tilespmem:s18], [sflag:$0x1], $0x80, $0x38;
	[tilespmem:$0x10000] =	vst v63  }
0x5f4: {  	s18 =	ssub.s32 $0xB7FF, s15;
	s23 =	sadd.s32 $0xC30, s20  }
0x5f5: {  	[hbm4b:s23+s4] =	stream.linear.scatter [tilespmem:s18], [sflag:$0x1], $0x80, $0x38;
	[tilespmem:$0x10000] =	vst v63  }
0x5f6: {  	s18 =	ssub.s32 $0xC7FF, s15;
	s23 =	sadd.s32 $0xC40, s20  }
0x5f7: {  	[hbm4b:s23+s4] =	stream.linear.scatter [tilespmem:s18], [sflag:$0x1], $0x80, $0x38;
	[tilespmem:$0x10000] =	vst v63  }
0x5f8: {  	s18 =	ssub.s32 $0xD7FF, s15;
	s23 =	sadd.s32 $0xC50, s20  }
0x5f9: {  	[hbm4b:s23+s4] =	stream.linear.scatter [tilespmem:s18], [sflag:$0x1], $0x80, $0x38;
	[tilespmem:$0x10000] =	vst v63  }
0x5fa: {  	s18 =	ssub.s32 $0xE7FF, s15;
	s23 =	sadd.s32 $0xC60, s20  }
0x5fb: {  	[hbm4b:s23+s4] =	stream.linear.scatter [tilespmem:s18], [sflag:$0x1], $0x80, $0x38;
	[tilespmem:$0x10000] =	vst v63  }
0x5fc: {  	s20 =	sadd.s32 $0xC70, s20;
	s23 =	ssub.s32 $0xF7FF, s15  }
0x5fd: {  	[hbm4b:s20+s4] =	stream.linear.scatter [tilespmem:s23], [sflag:$0x1], $0x80, $0x38;
	[tilespmem:$0x10000] =	vst v63  }
0x5fe: {  	s23 =	ssub.s32 $0x87F, s15;
	s20 =	sadd.s32 s7, s25  }
0x5ff: {  	[hbm4b:s20+s4] =	stream.linear.scatter [tilespmem:s23], [sflag:$0x1], $0x80, $0x38;
	[tilespmem:$0x10000] =	vst v63  }
0x600: {  	s18 =	ssub.s32 $0x187F, s15;
	s23 =	sadd.s32 $0x10, s20  }
0x601: {  	[hbm4b:s23+s4] =	stream.linear.scatter [tilespmem:s18], [sflag:$0x1], $0x80, $0x38;
	[tilespmem:$0x10000] =	vst v63  }
0x602: {  	s18 =	ssub.s32 $0x287F, s15;
	s23 =	sadd.s32 $0x20, s20  }
0x603: {  	[hbm4b:s23+s4] =	stream.linear.scatter [tilespmem:s18], [sflag:$0x1], $0x80, $0x38;
	[tilespmem:$0x10000] =	vst v63  }
0x604: {  	s18 =	ssub.s32 $0x387F, s15;
	s23 =	sadd.s32 $0x30, s20  }
0x605: {  	[hbm4b:s23+s4] =	stream.linear.scatter [tilespmem:s18], [sflag:$0x1], $0x80, $0x38;
	[tilespmem:$0x10000] =	vst v63  }
0x606: {  	s18 =	ssub.s32 $0x487F, s15;
	s23 =	sadd.s32 $0x40, s20  }
0x607: {  	[hbm4b:s23+s4] =	stream.linear.scatter [tilespmem:s18], [sflag:$0x1], $0x80, $0x38;
	[tilespmem:$0x10000] =	vst v63  }
0x608: {  	s18 =	ssub.s32 $0x587F, s15;
	s23 =	sadd.s32 $0x50, s20  }
0x609: {  	[hbm4b:s23+s4] =	stream.linear.scatter [tilespmem:s18], [sflag:$0x1], $0x80, $0x38;
	[tilespmem:$0x10000] =	vst v63  }
0x60a: {  	s18 =	ssub.s32 $0x687F, s15;
	s23 =	sadd.s32 $0x60, s20  }
0x60b: {  	[hbm4b:s23+s4] =	stream.linear.scatter [tilespmem:s18], [sflag:$0x1], $0x80, $0x38;
	[tilespmem:$0x10000] =	vst v63  }
0x60c: {  	s18 =	ssub.s32 $0x787F, s15;
	s23 =	sadd.s32 $0x70, s20  }
0x60d: {  	[hbm4b:s23+s4] =	stream.linear.scatter [tilespmem:s18], [sflag:$0x1], $0x80, $0x38;
	[tilespmem:$0x10000] =	vst v63  }
0x60e: {  	s18 =	ssub.s32 $0x887F, s15;
	s23 =	sadd.s32 $0xC00, s20  }
0x60f: {  	[hbm4b:s23+s4] =	stream.linear.scatter [tilespmem:s18], [sflag:$0x1], $0x80, $0x38;
	[tilespmem:$0x10000] =	vst v63  }
0x610: {  	s18 =	ssub.s32 $0x987F, s15;
	s23 =	sadd.s32 $0xC10, s20  }
0x611: {  	[hbm4b:s23+s4] =	stream.linear.scatter [tilespmem:s18], [sflag:$0x1], $0x80, $0x38;
	[tilespmem:$0x10000] =	vst v63  }
0x612: {  	s18 =	ssub.s32 $0xA87F, s15;
	s23 =	sadd.s32 $0xC20, s20  }
0x613: {  	[hbm4b:s23+s4] =	stream.linear.scatter [tilespmem:s18], [sflag:$0x1], $0x80, $0x38;
	[tilespmem:$0x10000] =	vst v63  }
0x614: {  	s18 =	ssub.s32 $0xB87F, s15;
	s23 =	sadd.s32 $0xC30, s20  }
0x615: {  	[hbm4b:s23+s4] =	stream.linear.scatter [tilespmem:s18], [sflag:$0x1], $0x80, $0x38;
	[tilespmem:$0x10000] =	vst v63  }
0x616: {  	s18 =	ssub.s32 $0xC87F, s15;
	s23 =	sadd.s32 $0xC40, s20  }
0x617: {  	[hbm4b:s23+s4] =	stream.linear.scatter [tilespmem:s18], [sflag:$0x1], $0x80, $0x38;
	[tilespmem:$0x10000] =	vst v63  }
0x618: {  	s18 =	ssub.s32 $0xD87F, s15;
	s23 =	sadd.s32 $0xC50, s20  }
0x619: {  	[hbm4b:s23+s4] =	stream.linear.scatter [tilespmem:s18], [sflag:$0x1], $0x80, $0x38;
	[tilespmem:$0x10000] =	vst v63  }
0x61a: {  	s18 =	ssub.s32 $0xE87F, s15;
	s23 =	sadd.s32 $0xC60, s20  }
0x61b: {  	[hbm4b:s23+s4] =	stream.linear.scatter [tilespmem:s18], [sflag:$0x1], $0x80, $0x38;
	[tilespmem:$0x10000] =	vst v63  }
0x61c: {  	s20 =	sadd.s32 $0xC70, s20;
	s23 =	ssub.s32 $0xF87F, s15  }
0x61d: {  	[hbm4b:s20+s4] =	stream.linear.scatter [tilespmem:s23], [sflag:$0x1], $0x80, $0x38;
	[tilespmem:$0x10000] =	vst v63  }
0x61e: {  	s23 =	ssub.s32 $0x8FF, s15;
	s20 =	sadd.s32 s7, s29  }
0x61f: {  	[hbm4b:s20+s4] =	stream.linear.scatter [tilespmem:s23], [sflag:$0x1], $0x80, $0x38;
	[tilespmem:$0x10000] =	vst v63  }
0x620: {  	s18 =	ssub.s32 $0x18FF, s15;
	s23 =	sadd.s32 $0x10, s20  }
0x621: {  	[hbm4b:s23+s4] =	stream.linear.scatter [tilespmem:s18], [sflag:$0x1], $0x80, $0x38;
	[tilespmem:$0x10000] =	vst v63  }
0x622: {  	s18 =	ssub.s32 $0x28FF, s15;
	s23 =	sadd.s32 $0x20, s20  }
0x623: {  	[hbm4b:s23+s4] =	stream.linear.scatter [tilespmem:s18], [sflag:$0x1], $0x80, $0x38;
	[tilespmem:$0x10000] =	vst v63  }
0x624: {  	s18 =	ssub.s32 $0x38FF, s15;
	s23 =	sadd.s32 $0x30, s20  }
0x625: {  	[hbm4b:s23+s4] =	stream.linear.scatter [tilespmem:s18], [sflag:$0x1], $0x80, $0x38;
	[tilespmem:$0x10000] =	vst v63  }
0x626: {  	s18 =	ssub.s32 $0x48FF, s15;
	s23 =	sadd.s32 $0x40, s20  }
0x627: {  	[hbm4b:s23+s4] =	stream.linear.scatter [tilespmem:s18], [sflag:$0x1], $0x80, $0x38;
	[tilespmem:$0x10000] =	vst v63  }
0x628: {  	s18 =	ssub.s32 $0x58FF, s15;
	s23 =	sadd.s32 $0x50, s20  }
0x629: {  	[hbm4b:s23+s4] =	stream.linear.scatter [tilespmem:s18], [sflag:$0x1], $0x80, $0x38;
	[tilespmem:$0x10000] =	vst v63  }
0x62a: {  	s18 =	ssub.s32 $0x68FF, s15;
	s23 =	sadd.s32 $0x60, s20  }
0x62b: {  	[hbm4b:s23+s4] =	stream.linear.scatter [tilespmem:s18], [sflag:$0x1], $0x80, $0x38;
	[tilespmem:$0x10000] =	vst v63  }
0x62c: {  	s18 =	ssub.s32 $0x78FF, s15;
	s23 =	sadd.s32 $0x70, s20  }
0x62d: {  	[hbm4b:s23+s4] =	stream.linear.scatter [tilespmem:s18], [sflag:$0x1], $0x80, $0x38;
	[tilespmem:$0x10000] =	vst v63  }
0x62e: {  	s18 =	ssub.s32 $0x88FF, s15;
	s23 =	sadd.s32 $0xC00, s20  }
0x62f: {  	[hbm4b:s23+s4] =	stream.linear.scatter [tilespmem:s18], [sflag:$0x1], $0x80, $0x38;
	[tilespmem:$0x10000] =	vst v63  }
0x630: {  	s18 =	ssub.s32 $0x98FF, s15;
	s23 =	sadd.s32 $0xC10, s20  }
0x631: {  	[hbm4b:s23+s4] =	stream.linear.scatter [tilespmem:s18], [sflag:$0x1], $0x80, $0x38;
	[tilespmem:$0x10000] =	vst v63  }
0x632: {  	s18 =	ssub.s32 $0xA8FF, s15;
	s23 =	sadd.s32 $0xC20, s20  }
0x633: {  	[hbm4b:s23+s4] =	stream.linear.scatter [tilespmem:s18], [sflag:$0x1], $0x80, $0x38;
	[tilespmem:$0x10000] =	vst v63  }
0x634: {  	s18 =	ssub.s32 $0xB8FF, s15;
	s23 =	sadd.s32 $0xC30, s20  }
0x635: {  	[hbm4b:s23+s4] =	stream.linear.scatter [tilespmem:s18], [sflag:$0x1], $0x80, $0x38;
	[tilespmem:$0x10000] =	vst v63  }
0x636: {  	s18 =	ssub.s32 $0xC8FF, s15;
	s23 =	sadd.s32 $0xC40, s20  }
0x637: {  	[hbm4b:s23+s4] =	stream.linear.scatter [tilespmem:s18], [sflag:$0x1], $0x80, $0x38;
	[tilespmem:$0x10000] =	vst v63  }
0x638: {  	s18 =	ssub.s32 $0xD8FF, s15;
	s23 =	sadd.s32 $0xC50, s20  }
0x639: {  	[hbm4b:s23+s4] =	stream.linear.scatter [tilespmem:s18], [sflag:$0x1], $0x80, $0x38;
	[tilespmem:$0x10000] =	vst v63  }
0x63a: {  	s18 =	ssub.s32 $0xE8FF, s15;
	s23 =	sadd.s32 $0xC60, s20  }
0x63b: {  	[hbm4b:s23+s4] =	stream.linear.scatter [tilespmem:s18], [sflag:$0x1], $0x80, $0x38;
	[tilespmem:$0x10000] =	vst v63  }
0x63c: {  	s20 =	sadd.s32 $0xC70, s20;
	s23 =	ssub.s32 $0xF8FF, s15  }
0x63d: {  	[hbm4b:s20+s4] =	stream.linear.scatter [tilespmem:s23], [sflag:$0x1], $0x80, $0x38;
	[tilespmem:$0x10000] =	vst v63  }
0x63e: {  	s23 =	ssub.s32 $0x97F, s15;
	s20 =	sadd.s32 s7, s31  }
0x63f: {  	[hbm4b:s20+s4] =	stream.linear.scatter [tilespmem:s23], [sflag:$0x1], $0x80, $0x38;
	[tilespmem:$0x10000] =	vst v63  }
0x640: {  	s18 =	ssub.s32 $0x197F, s15;
	s23 =	sadd.s32 $0x10, s20  }
0x641: {  	[hbm4b:s23+s4] =	stream.linear.scatter [tilespmem:s18], [sflag:$0x1], $0x80, $0x38;
	[tilespmem:$0x10000] =	vst v63  }
0x642: {  	s18 =	ssub.s32 $0x297F, s15;
	s23 =	sadd.s32 $0x20, s20  }
0x643: {  	[hbm4b:s23+s4] =	stream.linear.scatter [tilespmem:s18], [sflag:$0x1], $0x80, $0x38;
	[tilespmem:$0x10000] =	vst v63  }
0x644: {  	s18 =	ssub.s32 $0x397F, s15;
	s23 =	sadd.s32 $0x30, s20  }
0x645: {  	[hbm4b:s23+s4] =	stream.linear.scatter [tilespmem:s18], [sflag:$0x1], $0x80, $0x38;
	[tilespmem:$0x10000] =	vst v63  }
0x646: {  	s18 =	ssub.s32 $0x497F, s15;
	s23 =	sadd.s32 $0x40, s20  }
0x647: {  	[hbm4b:s23+s4] =	stream.linear.scatter [tilespmem:s18], [sflag:$0x1], $0x80, $0x38;
	[tilespmem:$0x10000] =	vst v63  }
0x648: {  	s18 =	ssub.s32 $0x597F, s15;
	s23 =	sadd.s32 $0x50, s20  }
0x649: {  	[hbm4b:s23+s4] =	stream.linear.scatter [tilespmem:s18], [sflag:$0x1], $0x80, $0x38;
	[tilespmem:$0x10000] =	vst v63  }
0x64a: {  	s18 =	ssub.s32 $0x697F, s15;
	s23 =	sadd.s32 $0x60, s20  }
0x64b: {  	[hbm4b:s23+s4] =	stream.linear.scatter [tilespmem:s18], [sflag:$0x1], $0x80, $0x38;
	[tilespmem:$0x10000] =	vst v63  }
0x64c: {  	s18 =	ssub.s32 $0x797F, s15;
	s23 =	sadd.s32 $0x70, s20  }
0x64d: {  	[hbm4b:s23+s4] =	stream.linear.scatter [tilespmem:s18], [sflag:$0x1], $0x80, $0x38;
	[tilespmem:$0x10000] =	vst v63  }
0x64e: {  	s18 =	ssub.s32 $0x897F, s15;
	s23 =	sadd.s32 $0xC00, s20  }
0x64f: {  	[hbm4b:s23+s4] =	stream.linear.scatter [tilespmem:s18], [sflag:$0x1], $0x80, $0x38;
	[tilespmem:$0x10000] =	vst v63  }
0x650: {  	s18 =	ssub.s32 $0x997F, s15;
	s23 =	sadd.s32 $0xC10, s20  }
0x651: {  	[hbm4b:s23+s4] =	stream.linear.scatter [tilespmem:s18], [sflag:$0x1], $0x80, $0x38;
	[tilespmem:$0x10000] =	vst v63  }
0x652: {  	s18 =	ssub.s32 $0xA97F, s15;
	s23 =	sadd.s32 $0xC20, s20  }
0x653: {  	[hbm4b:s23+s4] =	stream.linear.scatter [tilespmem:s18], [sflag:$0x1], $0x80, $0x38;
	[tilespmem:$0x10000] =	vst v63  }
0x654: {  	s18 =	ssub.s32 $0xB97F, s15;
	s23 =	sadd.s32 $0xC30, s20  }
0x655: {  	[hbm4b:s23+s4] =	stream.linear.scatter [tilespmem:s18], [sflag:$0x1], $0x80, $0x38;
	[tilespmem:$0x10000] =	vst v63  }
0x656: {  	s18 =	ssub.s32 $0xC97F, s15;
	s23 =	sadd.s32 $0xC40, s20  }
0x657: {  	[hbm4b:s23+s4] =	stream.linear.scatter [tilespmem:s18], [sflag:$0x1], $0x80, $0x38;
	[tilespmem:$0x10000] =	vst v63  }
0x658: {  	s18 =	ssub.s32 $0xD97F, s15;
	s23 =	sadd.s32 $0xC50, s20  }
0x659: {  	[hbm4b:s23+s4] =	stream.linear.scatter [tilespmem:s18], [sflag:$0x1], $0x80, $0x38;
	[tilespmem:$0x10000] =	vst v63  }
0x65a: {  	s18 =	ssub.s32 $0xE97F, s15;
	s23 =	sadd.s32 $0xC60, s20  }
0x65b: {  	[hbm4b:s23+s4] =	stream.linear.scatter [tilespmem:s18], [sflag:$0x1], $0x80, $0x38;
	[tilespmem:$0x10000] =	vst v63  }
0x65c: {  	s20 =	sadd.s32 $0xC70, s20;
	s23 =	ssub.s32 $0xF97F, s15  }
0x65d: {  	[hbm4b:s20+s4] =	stream.linear.scatter [tilespmem:s23], [sflag:$0x1], $0x80, $0x38;
	[tilespmem:$0x10000] =	vst v63  }
0x65e: {  	s23 =	ssub.s32 $0x9FF, s15;
	s20 =	sadd.s32 s7, s1  }
0x65f: {  	[hbm4b:s20+s4] =	stream.linear.scatter [tilespmem:s23], [sflag:$0x1], $0x80, $0x38;
	[tilespmem:$0x10000] =	vst v63  }
0x660: {  	s18 =	ssub.s32 $0x19FF, s15;
	s23 =	sadd.s32 $0x10, s20  }
0x661: {  	[hbm4b:s23+s4] =	stream.linear.scatter [tilespmem:s18], [sflag:$0x1], $0x80, $0x38;
	[tilespmem:$0x10000] =	vst v63  }
0x662: {  	s18 =	ssub.s32 $0x29FF, s15;
	s23 =	sadd.s32 $0x20, s20  }
0x663: {  	[hbm4b:s23+s4] =	stream.linear.scatter [tilespmem:s18], [sflag:$0x1], $0x80, $0x38;
	[tilespmem:$0x10000] =	vst v63  }
0x664: {  	s18 =	ssub.s32 $0x39FF, s15;
	s23 =	sadd.s32 $0x30, s20  }
0x665: {  	[hbm4b:s23+s4] =	stream.linear.scatter [tilespmem:s18], [sflag:$0x1], $0x80, $0x38;
	[tilespmem:$0x10000] =	vst v63  }
0x666: {  	s18 =	ssub.s32 $0x49FF, s15;
	s23 =	sadd.s32 $0x40, s20  }
0x667: {  	[hbm4b:s23+s4] =	stream.linear.scatter [tilespmem:s18], [sflag:$0x1], $0x80, $0x38;
	[tilespmem:$0x10000] =	vst v63  }
0x668: {  	s18 =	ssub.s32 $0x59FF, s15;
	s23 =	sadd.s32 $0x50, s20  }
0x669: {  	[hbm4b:s23+s4] =	stream.linear.scatter [tilespmem:s18], [sflag:$0x1], $0x80, $0x38;
	[tilespmem:$0x10000] =	vst v63  }
0x66a: {  	s18 =	ssub.s32 $0x69FF, s15;
	s23 =	sadd.s32 $0x60, s20  }
0x66b: {  	[hbm4b:s23+s4] =	stream.linear.scatter [tilespmem:s18], [sflag:$0x1], $0x80, $0x38;
	[tilespmem:$0x10000] =	vst v63  }
0x66c: {  	s18 =	ssub.s32 $0x79FF, s15;
	s23 =	sadd.s32 $0x70, s20  }
0x66d: {  	[hbm4b:s23+s4] =	stream.linear.scatter [tilespmem:s18], [sflag:$0x1], $0x80, $0x38;
	[tilespmem:$0x10000] =	vst v63  }
0x66e: {  	s18 =	ssub.s32 $0x89FF, s15;
	s23 =	sadd.s32 $0xC00, s20  }
0x66f: {  	[hbm4b:s23+s4] =	stream.linear.scatter [tilespmem:s18], [sflag:$0x1], $0x80, $0x38;
	[tilespmem:$0x10000] =	vst v63  }
0x670: {  	s18 =	ssub.s32 $0x99FF, s15;
	s23 =	sadd.s32 $0xC10, s20  }
0x671: {  	[hbm4b:s23+s4] =	stream.linear.scatter [tilespmem:s18], [sflag:$0x1], $0x80, $0x38;
	[tilespmem:$0x10000] =	vst v63  }
0x672: {  	s18 =	ssub.s32 $0xA9FF, s15;
	s23 =	sadd.s32 $0xC20, s20  }
0x673: {  	[hbm4b:s23+s4] =	stream.linear.scatter [tilespmem:s18], [sflag:$0x1], $0x80, $0x38;
	[tilespmem:$0x10000] =	vst v63  }
0x674: {  	s18 =	ssub.s32 $0xB9FF, s15;
	s23 =	sadd.s32 $0xC30, s20  }
0x675: {  	[hbm4b:s23+s4] =	stream.linear.scatter [tilespmem:s18], [sflag:$0x1], $0x80, $0x38;
	[tilespmem:$0x10000] =	vst v63  }
0x676: {  	s18 =	ssub.s32 $0xC9FF, s15;
	s23 =	sadd.s32 $0xC40, s20  }
0x677: {  	[hbm4b:s23+s4] =	stream.linear.scatter [tilespmem:s18], [sflag:$0x1], $0x80, $0x38;
	[tilespmem:$0x10000] =	vst v63  }
0x678: {  	s18 =	ssub.s32 $0xD9FF, s15;
	s23 =	sadd.s32 $0xC50, s20  }
0x679: {  	[hbm4b:s23+s4] =	stream.linear.scatter [tilespmem:s18], [sflag:$0x1], $0x80, $0x38;
	[tilespmem:$0x10000] =	vst v63  }
0x67a: {  	s18 =	ssub.s32 $0xE9FF, s15;
	s23 =	sadd.s32 $0xC60, s20  }
0x67b: {  	[hbm4b:s23+s4] =	stream.linear.scatter [tilespmem:s18], [sflag:$0x1], $0x80, $0x38;
	[tilespmem:$0x10000] =	vst v63  }
0x67c: {  	s20 =	sadd.s32 $0xC70, s20;
	s23 =	ssub.s32 $0xF9FF, s15  }
0x67d: {  	[hbm4b:s20+s4] =	stream.linear.scatter [tilespmem:s23], [sflag:$0x1], $0x80, $0x38;
	[tilespmem:$0x10000] =	vst v63  }
0x67e: {  	s23 =	ssub.s32 $0xA7F, s15;
	s20 =	sadd.s32 s7, s9  }
0x67f: {  	[hbm4b:s20+s4] =	stream.linear.scatter [tilespmem:s23], [sflag:$0x1], $0x80, $0x38;
	[tilespmem:$0x10000] =	vst v63  }
0x680: {  	s18 =	ssub.s32 $0x1A7F, s15;
	s23 =	sadd.s32 $0x10, s20  }
0x681: {  	[hbm4b:s23+s4] =	stream.linear.scatter [tilespmem:s18], [sflag:$0x1], $0x80, $0x38;
	[tilespmem:$0x10000] =	vst v63  }
0x682: {  	s18 =	ssub.s32 $0x2A7F, s15;
	s23 =	sadd.s32 $0x20, s20  }
0x683: {  	[hbm4b:s23+s4] =	stream.linear.scatter [tilespmem:s18], [sflag:$0x1], $0x80, $0x38;
	[tilespmem:$0x10000] =	vst v63  }
0x684: {  	s18 =	ssub.s32 $0x3A7F, s15;
	s23 =	sadd.s32 $0x30, s20  }
0x685: {  	[hbm4b:s23+s4] =	stream.linear.scatter [tilespmem:s18], [sflag:$0x1], $0x80, $0x38;
	[tilespmem:$0x10000] =	vst v63  }
0x686: {  	s18 =	ssub.s32 $0x4A7F, s15;
	s23 =	sadd.s32 $0x40, s20  }
0x687: {  	[hbm4b:s23+s4] =	stream.linear.scatter [tilespmem:s18], [sflag:$0x1], $0x80, $0x38;
	[tilespmem:$0x10000] =	vst v63  }
0x688: {  	s18 =	ssub.s32 $0x5A7F, s15;
	s23 =	sadd.s32 $0x50, s20  }
0x689: {  	[hbm4b:s23+s4] =	stream.linear.scatter [tilespmem:s18], [sflag:$0x1], $0x80, $0x38;
	[tilespmem:$0x10000] =	vst v63  }
0x68a: {  	s18 =	ssub.s32 $0x6A7F, s15;
	s23 =	sadd.s32 $0x60, s20  }
0x68b: {  	[hbm4b:s23+s4] =	stream.linear.scatter [tilespmem:s18], [sflag:$0x1], $0x80, $0x38;
	[tilespmem:$0x10000] =	vst v63  }
0x68c: {  	s18 =	ssub.s32 $0x7A7F, s15;
	s23 =	sadd.s32 $0x70, s20  }
0x68d: {  	[hbm4b:s23+s4] =	stream.linear.scatter [tilespmem:s18], [sflag:$0x1], $0x80, $0x38;
	[tilespmem:$0x10000] =	vst v63  }
0x68e: {  	s18 =	ssub.s32 $0x8A7F, s15;
	s23 =	sadd.s32 $0xC00, s20  }
0x68f: {  	[hbm4b:s23+s4] =	stream.linear.scatter [tilespmem:s18], [sflag:$0x1], $0x80, $0x38;
	[tilespmem:$0x10000] =	vst v63  }
0x690: {  	s18 =	ssub.s32 $0x9A7F, s15;
	s23 =	sadd.s32 $0xC10, s20  }
0x691: {  	[hbm4b:s23+s4] =	stream.linear.scatter [tilespmem:s18], [sflag:$0x1], $0x80, $0x38;
	[tilespmem:$0x10000] =	vst v63  }
0x692: {  	s18 =	ssub.s32 $0xAA7F, s15;
	s23 =	sadd.s32 $0xC20, s20  }
0x693: {  	[hbm4b:s23+s4] =	stream.linear.scatter [tilespmem:s18], [sflag:$0x1], $0x80, $0x38;
	[tilespmem:$0x10000] =	vst v63  }
0x694: {  	s18 =	ssub.s32 $0xBA7F, s15;
	s23 =	sadd.s32 $0xC30, s20  }
0x695: {  	[hbm4b:s23+s4] =	stream.linear.scatter [tilespmem:s18], [sflag:$0x1], $0x80, $0x38;
	[tilespmem:$0x10000] =	vst v63  }
0x696: {  	s18 =	ssub.s32 $0xCA7F, s15;
	s23 =	sadd.s32 $0xC40, s20  }
0x697: {  	[hbm4b:s23+s4] =	stream.linear.scatter [tilespmem:s18], [sflag:$0x1], $0x80, $0x38;
	[tilespmem:$0x10000] =	vst v63  }
0x698: {  	s18 =	ssub.s32 $0xDA7F, s15;
	s23 =	sadd.s32 $0xC50, s20  }
0x699: {  	[hbm4b:s23+s4] =	stream.linear.scatter [tilespmem:s18], [sflag:$0x1], $0x80, $0x38;
	[tilespmem:$0x10000] =	vst v63  }
0x69a: {  	s18 =	ssub.s32 $0xEA7F, s15;
	s23 =	sadd.s32 $0xC60, s20  }
0x69b: {  	[hbm4b:s23+s4] =	stream.linear.scatter [tilespmem:s18], [sflag:$0x1], $0x80, $0x38;
	[tilespmem:$0x10000] =	vst v63  }
0x69c: {  	s20 =	sadd.s32 $0xC70, s20;
	s23 =	ssub.s32 $0xFA7F, s15  }
0x69d: {  	[hbm4b:s20+s4] =	stream.linear.scatter [tilespmem:s23], [sflag:$0x1], $0x80, $0x38;
	[tilespmem:$0x10000] =	vst v63  }
0x69e: {  	s23 =	ssub.s32 $0xAFF, s15;
	s20 =	sadd.s32 s7, s10  }
0x69f: {  	[hbm4b:s20+s4] =	stream.linear.scatter [tilespmem:s23], [sflag:$0x1], $0x80, $0x38;
	[tilespmem:$0x10000] =	vst v63  }
0x6a0: {  	s18 =	ssub.s32 $0x1AFF, s15;
	s23 =	sadd.s32 $0x10, s20  }
0x6a1: {  	[hbm4b:s23+s4] =	stream.linear.scatter [tilespmem:s18], [sflag:$0x1], $0x80, $0x38;
	[tilespmem:$0x10000] =	vst v63  }
0x6a2: {  	s18 =	ssub.s32 $0x2AFF, s15;
	s23 =	sadd.s32 $0x20, s20  }
0x6a3: {  	[hbm4b:s23+s4] =	stream.linear.scatter [tilespmem:s18], [sflag:$0x1], $0x80, $0x38;
	[tilespmem:$0x10000] =	vst v63  }
0x6a4: {  	s18 =	ssub.s32 $0x3AFF, s15;
	s23 =	sadd.s32 $0x30, s20  }
0x6a5: {  	[hbm4b:s23+s4] =	stream.linear.scatter [tilespmem:s18], [sflag:$0x1], $0x80, $0x38;
	[tilespmem:$0x10000] =	vst v63  }
0x6a6: {  	s18 =	ssub.s32 $0x4AFF, s15;
	s23 =	sadd.s32 $0x40, s20  }
0x6a7: {  	[hbm4b:s23+s4] =	stream.linear.scatter [tilespmem:s18], [sflag:$0x1], $0x80, $0x38;
	[tilespmem:$0x10000] =	vst v63  }
0x6a8: {  	s18 =	ssub.s32 $0x5AFF, s15;
	s23 =	sadd.s32 $0x50, s20  }
0x6a9: {  	[hbm4b:s23+s4] =	stream.linear.scatter [tilespmem:s18], [sflag:$0x1], $0x80, $0x38;
	[tilespmem:$0x10000] =	vst v63  }
0x6aa: {  	s18 =	ssub.s32 $0x6AFF, s15;
	s23 =	sadd.s32 $0x60, s20  }
0x6ab: {  	[hbm4b:s23+s4] =	stream.linear.scatter [tilespmem:s18], [sflag:$0x1], $0x80, $0x38;
	[tilespmem:$0x10000] =	vst v63  }
0x6ac: {  	s18 =	ssub.s32 $0x7AFF, s15;
	s23 =	sadd.s32 $0x70, s20  }
0x6ad: {  	[hbm4b:s23+s4] =	stream.linear.scatter [tilespmem:s18], [sflag:$0x1], $0x80, $0x38;
	[tilespmem:$0x10000] =	vst v63  }
0x6ae: {  	s18 =	ssub.s32 $0x8AFF, s15;
	s23 =	sadd.s32 $0xC00, s20  }
0x6af: {  	[hbm4b:s23+s4] =	stream.linear.scatter [tilespmem:s18], [sflag:$0x1], $0x80, $0x38;
	[tilespmem:$0x10000] =	vst v63  }
0x6b0: {  	s18 =	ssub.s32 $0x9AFF, s15;
	s23 =	sadd.s32 $0xC10, s20  }
0x6b1: {  	[hbm4b:s23+s4] =	stream.linear.scatter [tilespmem:s18], [sflag:$0x1], $0x80, $0x38;
	[tilespmem:$0x10000] =	vst v63  }
0x6b2: {  	s18 =	ssub.s32 $0xAAFF, s15;
	s23 =	sadd.s32 $0xC20, s20  }
0x6b3: {  	[hbm4b:s23+s4] =	stream.linear.scatter [tilespmem:s18], [sflag:$0x1], $0x80, $0x38;
	[tilespmem:$0x10000] =	vst v63  }
0x6b4: {  	s18 =	ssub.s32 $0xBAFF, s15;
	s23 =	sadd.s32 $0xC30, s20  }
0x6b5: {  	[hbm4b:s23+s4] =	stream.linear.scatter [tilespmem:s18], [sflag:$0x1], $0x80, $0x38;
	[tilespmem:$0x10000] =	vst v63  }
0x6b6: {  	s18 =	ssub.s32 $0xCAFF, s15;
	s23 =	sadd.s32 $0xC40, s20  }
0x6b7: {  	[hbm4b:s23+s4] =	stream.linear.scatter [tilespmem:s18], [sflag:$0x1], $0x80, $0x38;
	[tilespmem:$0x10000] =	vst v63  }
0x6b8: {  	s18 =	ssub.s32 $0xDAFF, s15;
	s23 =	sadd.s32 $0xC50, s20  }
0x6b9: {  	[hbm4b:s23+s4] =	stream.linear.scatter [tilespmem:s18], [sflag:$0x1], $0x80, $0x38;
	[tilespmem:$0x10000] =	vst v63  }
0x6ba: {  	s18 =	ssub.s32 $0xEAFF, s15;
	s23 =	sadd.s32 $0xC60, s20  }
0x6bb: {  	[hbm4b:s23+s4] =	stream.linear.scatter [tilespmem:s18], [sflag:$0x1], $0x80, $0x38;
	[tilespmem:$0x10000] =	vst v63  }
0x6bc: {  	s20 =	sadd.s32 $0xC70, s20;
	s23 =	ssub.s32 $0xFAFF, s15  }
0x6bd: {  	[hbm4b:s20+s4] =	stream.linear.scatter [tilespmem:s23], [sflag:$0x1], $0x80, $0x38;
	[tilespmem:$0x10000] =	vst v63  }
0x6be: {  	s7 =	sadd.s32 s7, s12;
	s23 =	ssub.s32 $0xB7F, s15  }
0x6bf: {  	[hbm4b:s7+s4] =	stream.linear.scatter [tilespmem:s23], [sflag:$0x1], $0x80, $0x38;
	[tilespmem:$0x10000] =	vst v63  }
0x6c0: {  	s20 =	ssub.s32 $0x1B7F, s15;
	s23 =	sadd.s32 $0x10, s7  }
0x6c1: {  	[hbm4b:s23+s4] =	stream.linear.scatter [tilespmem:s20], [sflag:$0x1], $0x80, $0x38;
	[tilespmem:$0x10000] =	vst v63  }
0x6c2: {  	s20 =	ssub.s32 $0x2B7F, s15;
	s23 =	sadd.s32 $0x20, s7  }
0x6c3: {  	[hbm4b:s23+s4] =	stream.linear.scatter [tilespmem:s20], [sflag:$0x1], $0x80, $0x38;
	[tilespmem:$0x10000] =	vst v63  }
0x6c4: {  	s20 =	ssub.s32 $0x3B7F, s15;
	s23 =	sadd.s32 $0x30, s7  }
0x6c5: {  	[hbm4b:s23+s4] =	stream.linear.scatter [tilespmem:s20], [sflag:$0x1], $0x80, $0x38;
	[tilespmem:$0x10000] =	vst v63  }
0x6c6: {  	s20 =	ssub.s32 $0x4B7F, s15;
	s23 =	sadd.s32 $0x40, s7  }
0x6c7: {  	[hbm4b:s23+s4] =	stream.linear.scatter [tilespmem:s20], [sflag:$0x1], $0x80, $0x38;
	[tilespmem:$0x10000] =	vst v63  }
0x6c8: {  	s20 =	ssub.s32 $0x5B7F, s15;
	s23 =	sadd.s32 $0x50, s7  }
0x6c9: {  	[hbm4b:s23+s4] =	stream.linear.scatter [tilespmem:s20], [sflag:$0x1], $0x80, $0x38;
	[tilespmem:$0x10000] =	vst v63  }
0x6ca: {  	s20 =	ssub.s32 $0x6B7F, s15;
	s23 =	sadd.s32 $0x60, s7  }
0x6cb: {  	[hbm4b:s23+s4] =	stream.linear.scatter [tilespmem:s20], [sflag:$0x1], $0x80, $0x38;
	[tilespmem:$0x10000] =	vst v63  }
0x6cc: {  	s20 =	ssub.s32 $0x7B7F, s15;
	s23 =	sadd.s32 $0x70, s7  }
0x6cd: {  	[hbm4b:s23+s4] =	stream.linear.scatter [tilespmem:s20], [sflag:$0x1], $0x80, $0x38;
	[tilespmem:$0x10000] =	vst v63  }
0x6ce: {  	s20 =	ssub.s32 $0x8B7F, s15;
	s23 =	sadd.s32 $0xC00, s7  }
0x6cf: {  	[hbm4b:s23+s4] =	stream.linear.scatter [tilespmem:s20], [sflag:$0x1], $0x80, $0x38;
	[tilespmem:$0x10000] =	vst v63  }
0x6d0: {  	s20 =	ssub.s32 $0x9B7F, s15;
	s23 =	sadd.s32 $0xC10, s7  }
0x6d1: {  	[hbm4b:s23+s4] =	stream.linear.scatter [tilespmem:s20], [sflag:$0x1], $0x80, $0x38;
	[tilespmem:$0x10000] =	vst v63  }
0x6d2: {  	s20 =	ssub.s32 $0xAB7F, s15;
	s23 =	sadd.s32 $0xC20, s7  }
0x6d3: {  	[hbm4b:s23+s4] =	stream.linear.scatter [tilespmem:s20], [sflag:$0x1], $0x80, $0x38;
	[tilespmem:$0x10000] =	vst v63  }
0x6d4: {  	s20 =	ssub.s32 $0xBB7F, s15;
	s23 =	sadd.s32 $0xC30, s7  }
0x6d5: {  	[hbm4b:s23+s4] =	stream.linear.scatter [tilespmem:s20], [sflag:$0x1], $0x80, $0x38;
	[tilespmem:$0x10000] =	vst v63  }
0x6d6: {  	s20 =	ssub.s32 $0xCB7F, s15;
	s23 =	sadd.s32 $0xC40, s7  }
0x6d7: {  	[hbm4b:s23+s4] =	stream.linear.scatter [tilespmem:s20], [sflag:$0x1], $0x80, $0x38;
	[tilespmem:$0x10000] =	vst v63  }
0x6d8: {  	s20 =	ssub.s32 $0xDB7F, s15;
	s23 =	sadd.s32 $0xC50, s7  }
0x6d9: {  	[hbm4b:s23+s4] =	stream.linear.scatter [tilespmem:s20], [sflag:$0x1], $0x80, $0x38;
	[tilespmem:$0x10000] =	vst v63  }
0x6da: {  	s20 =	ssub.s32 $0xEB7F, s15;
	s23 =	sadd.s32 $0xC60, s7  }
0x6db: {  	[hbm4b:s23+s4] =	stream.linear.scatter [tilespmem:s20], [sflag:$0x1], $0x80, $0x38;
	[tilespmem:$0x10000] =	vst v63  }
0x6dc: {  	s7 =	sadd.s32 $0xC70, s7;
	s20 =	smov.u32 s2;
	s2 =	ssub.s32 $0xFB7F, s15  }
0x6dd: {  	[hbm4b:s7+s4] =	stream.linear.scatter [tilespmem:s2], [sflag:$0x1], $0x80, $0x38;
	[tilespmem:$0x10000] =	vst v63  }
0x6de: {  	s23 =	ssub.s32 $0xBFF, s15;
	s2 =	sadd.s32 $0x800, s16  }
0x6df: {  	[hbm4b:s2+s4] =	stream.linear.scatter [tilespmem:s23], [sflag:$0x1], $0x80, $0x38;
	[tilespmem:$0x10000] =	vst v63  }
0x6e0: {  	s23 =	ssub.s32 $0x1BFF, s15;
	s2 =	sadd.s32 $0x810, s16  }
0x6e1: {  	[hbm4b:s2+s4] =	stream.linear.scatter [tilespmem:s23], [sflag:$0x1], $0x80, $0x38;
	[tilespmem:$0x10000] =	vst v63  }
0x6e2: {  	s23 =	ssub.s32 $0x2BFF, s15;
	s2 =	sadd.s32 $0x820, s16  }
0x6e3: {  	[hbm4b:s2+s4] =	stream.linear.scatter [tilespmem:s23], [sflag:$0x1], $0x80, $0x38;
	[tilespmem:$0x10000] =	vst v63  }
0x6e4: {  	s23 =	ssub.s32 $0x3BFF, s15;
	s2 =	sadd.s32 $0x830, s16  }
0x6e5: {  	[hbm4b:s2+s4] =	stream.linear.scatter [tilespmem:s23], [sflag:$0x1], $0x80, $0x38;
	[tilespmem:$0x10000] =	vst v63  }
0x6e6: {  	s23 =	ssub.s32 $0x4BFF, s15;
	s2 =	sadd.s32 $0x840, s16  }
0x6e7: {  	[hbm4b:s2+s4] =	stream.linear.scatter [tilespmem:s23], [sflag:$0x1], $0x80, $0x38;
	[tilespmem:$0x10000] =	vst v63  }
0x6e8: {  	s23 =	ssub.s32 $0x5BFF, s15;
	s2 =	sadd.s32 $0x850, s16  }
0x6e9: {  	[hbm4b:s2+s4] =	stream.linear.scatter [tilespmem:s23], [sflag:$0x1], $0x80, $0x38;
	[tilespmem:$0x10000] =	vst v63  }
0x6ea: {  	s23 =	ssub.s32 $0x6BFF, s15;
	s2 =	sadd.s32 $0x860, s16  }
0x6eb: {  	[hbm4b:s2+s4] =	stream.linear.scatter [tilespmem:s23], [sflag:$0x1], $0x80, $0x38;
	[tilespmem:$0x10000] =	vst v63  }
0x6ec: {  	s23 =	ssub.s32 $0x7BFF, s15;
	s2 =	sadd.s32 $0x870, s16  }
0x6ed: {  	[hbm4b:s2+s4] =	stream.linear.scatter [tilespmem:s23], [sflag:$0x1], $0x80, $0x38;
	[tilespmem:$0x10000] =	vst v63  }
0x6ee: {  	s23 =	ssub.s32 $0x8BFF, s15;
	s2 =	sadd.s32 $0x1400, s16  }
0x6ef: {  	[hbm4b:s2+s4] =	stream.linear.scatter [tilespmem:s23], [sflag:$0x1], $0x80, $0x38;
	[tilespmem:$0x10000] =	vst v63  }
0x6f0: {  	s23 =	ssub.s32 $0x9BFF, s15;
	s2 =	sadd.s32 $0x1410, s16  }
0x6f1: {  	[hbm4b:s2+s4] =	stream.linear.scatter [tilespmem:s23], [sflag:$0x1], $0x80, $0x38;
	[tilespmem:$0x10000] =	vst v63  }
0x6f2: {  	s23 =	ssub.s32 $0xABFF, s15;
	s2 =	sadd.s32 $0x1420, s16  }
0x6f3: {  	[hbm4b:s2+s4] =	stream.linear.scatter [tilespmem:s23], [sflag:$0x1], $0x80, $0x38;
	[tilespmem:$0x10000] =	vst v63  }
0x6f4: {  	s23 =	ssub.s32 $0xBBFF, s15;
	s2 =	sadd.s32 $0x1430, s16  }
0x6f5: {  	[hbm4b:s2+s4] =	stream.linear.scatter [tilespmem:s23], [sflag:$0x1], $0x80, $0x38;
	[tilespmem:$0x10000] =	vst v63  }
0x6f6: {  	s23 =	ssub.s32 $0xCBFF, s15;
	s2 =	sadd.s32 $0x1440, s16  }
0x6f7: {  	[hbm4b:s2+s4] =	stream.linear.scatter [tilespmem:s23], [sflag:$0x1], $0x80, $0x38;
	[tilespmem:$0x10000] =	vst v63  }
0x6f8: {  	s23 =	ssub.s32 $0xDBFF, s15;
	s2 =	sadd.s32 $0x1450, s16  }
0x6f9: {  	[hbm4b:s2+s4] =	stream.linear.scatter [tilespmem:s23], [sflag:$0x1], $0x80, $0x38;
	[tilespmem:$0x10000] =	vst v63  }
0x6fa: {  	s23 =	ssub.s32 $0xEBFF, s15;
	s2 =	sadd.s32 $0x1460, s16  }
0x6fb: {  	[hbm4b:s2+s4] =	stream.linear.scatter [tilespmem:s23], [sflag:$0x1], $0x80, $0x38;
	[tilespmem:$0x10000] =	vst v63  }
0x6fc: {  	s23 =	ssub.s32 $0xFBFF, s15;
	s2 =	sadd.s32 $0x1470, s16  }
0x6fd: {  	[hbm4b:s2+s4] =	stream.linear.scatter [tilespmem:s23], [sflag:$0x1], $0x80, $0x38;
	[tilespmem:$0x10000] =	vst v63  }
0x6fe: {  	s23 =	ssub.s32 $0xC7F, s15;
	s2 =	sadd.s32 $0x880, s16  }
0x6ff: {  	[hbm4b:s2+s4] =	stream.linear.scatter [tilespmem:s23], [sflag:$0x1], $0x80, $0x38;
	[tilespmem:$0x10000] =	vst v63  }
0x700: {  	s23 =	ssub.s32 $0x1C7F, s15;
	s2 =	sadd.s32 $0x890, s16  }
0x701: {  	[hbm4b:s2+s4] =	stream.linear.scatter [tilespmem:s23], [sflag:$0x1], $0x80, $0x38;
	[tilespmem:$0x10000] =	vst v63  }
0x702: {  	s23 =	ssub.s32 $0x2C7F, s15;
	s2 =	sadd.s32 $0x8A0, s16  }
0x703: {  	[hbm4b:s2+s4] =	stream.linear.scatter [tilespmem:s23], [sflag:$0x1], $0x80, $0x38;
	[tilespmem:$0x10000] =	vst v63  }
0x704: {  	s23 =	ssub.s32 $0x3C7F, s15;
	s2 =	sadd.s32 $0x8B0, s16  }
0x705: {  	[hbm4b:s2+s4] =	stream.linear.scatter [tilespmem:s23], [sflag:$0x1], $0x80, $0x38;
	[tilespmem:$0x10000] =	vst v63  }
0x706: {  	s23 =	ssub.s32 $0x4C7F, s15;
	s2 =	sadd.s32 $0x8C0, s16  }
0x707: {  	[hbm4b:s2+s4] =	stream.linear.scatter [tilespmem:s23], [sflag:$0x1], $0x80, $0x38;
	[tilespmem:$0x10000] =	vst v63  }
0x708: {  	s23 =	ssub.s32 $0x5C7F, s15;
	s2 =	sadd.s32 $0x8D0, s16  }
0x709: {  	[hbm4b:s2+s4] =	stream.linear.scatter [tilespmem:s23], [sflag:$0x1], $0x80, $0x38;
	[tilespmem:$0x10000] =	vst v63  }
0x70a: {  	s23 =	ssub.s32 $0x6C7F, s15;
	s2 =	sadd.s32 $0x8E0, s16  }
0x70b: {  	[hbm4b:s2+s4] =	stream.linear.scatter [tilespmem:s23], [sflag:$0x1], $0x80, $0x38;
	[tilespmem:$0x10000] =	vst v63  }
0x70c: {  	s23 =	ssub.s32 $0x7C7F, s15;
	s2 =	sadd.s32 $0x8F0, s16  }
0x70d: {  	[hbm4b:s2+s4] =	stream.linear.scatter [tilespmem:s23], [sflag:$0x1], $0x80, $0x38;
	[tilespmem:$0x10000] =	vst v63  }
0x70e: {  	s23 =	ssub.s32 $0x8C7F, s15;
	s2 =	sadd.s32 $0x1480, s16  }
0x70f: {  	[hbm4b:s2+s4] =	stream.linear.scatter [tilespmem:s23], [sflag:$0x1], $0x80, $0x38;
	[tilespmem:$0x10000] =	vst v63  }
0x710: {  	s23 =	ssub.s32 $0x9C7F, s15;
	s2 =	sadd.s32 $0x1490, s16  }
0x711: {  	[hbm4b:s2+s4] =	stream.linear.scatter [tilespmem:s23], [sflag:$0x1], $0x80, $0x38;
	[tilespmem:$0x10000] =	vst v63  }
0x712: {  	s23 =	ssub.s32 $0xAC7F, s15;
	s2 =	sadd.s32 $0x14A0, s16  }
0x713: {  	[hbm4b:s2+s4] =	stream.linear.scatter [tilespmem:s23], [sflag:$0x1], $0x80, $0x38;
	[tilespmem:$0x10000] =	vst v63  }
0x714: {  	s23 =	ssub.s32 $0xBC7F, s15;
	s2 =	sadd.s32 $0x14B0, s16  }
0x715: {  	[hbm4b:s2+s4] =	stream.linear.scatter [tilespmem:s23], [sflag:$0x1], $0x80, $0x38;
	[tilespmem:$0x10000] =	vst v63  }
0x716: {  	s23 =	ssub.s32 $0xCC7F, s15;
	s2 =	sadd.s32 $0x14C0, s16  }
0x717: {  	[hbm4b:s2+s4] =	stream.linear.scatter [tilespmem:s23], [sflag:$0x1], $0x80, $0x38;
	[tilespmem:$0x10000] =	vst v63  }
0x718: {  	s23 =	ssub.s32 $0xDC7F, s15;
	s2 =	sadd.s32 $0x14D0, s16  }
0x719: {  	[hbm4b:s2+s4] =	stream.linear.scatter [tilespmem:s23], [sflag:$0x1], $0x80, $0x38;
	[tilespmem:$0x10000] =	vst v63  }
0x71a: {  	s23 =	ssub.s32 $0xEC7F, s15;
	s2 =	sadd.s32 $0x14E0, s16  }
0x71b: {  	[hbm4b:s2+s4] =	stream.linear.scatter [tilespmem:s23], [sflag:$0x1], $0x80, $0x38;
	[tilespmem:$0x10000] =	vst v63  }
0x71c: {  	s23 =	ssub.s32 $0xFC7F, s15;
	s2 =	sadd.s32 $0x14F0, s16  }
0x71d: {  	[hbm4b:s2+s4] =	stream.linear.scatter [tilespmem:s23], [sflag:$0x1], $0x80, $0x38;
	[tilespmem:$0x10000] =	vst v63  }
0x71e: {  	s23 =	ssub.s32 $0xCFF, s15;
	s2 =	sadd.s32 $0x900, s16  }
0x71f: {  	[hbm4b:s2+s4] =	stream.linear.scatter [tilespmem:s23], [sflag:$0x1], $0x80, $0x38;
	[tilespmem:$0x10000] =	vst v63  }
0x720: {  	s23 =	ssub.s32 $0x1CFF, s15;
	s2 =	sadd.s32 $0x910, s16  }
0x721: {  	[hbm4b:s2+s4] =	stream.linear.scatter [tilespmem:s23], [sflag:$0x1], $0x80, $0x38;
	[tilespmem:$0x10000] =	vst v63  }
0x722: {  	s23 =	ssub.s32 $0x2CFF, s15;
	s2 =	sadd.s32 $0x920, s16  }
0x723: {  	[hbm4b:s2+s4] =	stream.linear.scatter [tilespmem:s23], [sflag:$0x1], $0x80, $0x38;
	[tilespmem:$0x10000] =	vst v63  }
0x724: {  	s23 =	ssub.s32 $0x3CFF, s15;
	s2 =	sadd.s32 $0x930, s16  }
0x725: {  	[hbm4b:s2+s4] =	stream.linear.scatter [tilespmem:s23], [sflag:$0x1], $0x80, $0x38;
	[tilespmem:$0x10000] =	vst v63  }
0x726: {  	s23 =	ssub.s32 $0x4CFF, s15;
	s2 =	sadd.s32 $0x940, s16  }
0x727: {  	[hbm4b:s2+s4] =	stream.linear.scatter [tilespmem:s23], [sflag:$0x1], $0x80, $0x38;
	[tilespmem:$0x10000] =	vst v63  }
0x728: {  	s23 =	ssub.s32 $0x5CFF, s15;
	s2 =	sadd.s32 $0x950, s16  }
0x729: {  	[hbm4b:s2+s4] =	stream.linear.scatter [tilespmem:s23], [sflag:$0x1], $0x80, $0x38;
	[tilespmem:$0x10000] =	vst v63  }
0x72a: {  	s23 =	ssub.s32 $0x6CFF, s15;
	s2 =	sadd.s32 $0x960, s16  }
0x72b: {  	[hbm4b:s2+s4] =	stream.linear.scatter [tilespmem:s23], [sflag:$0x1], $0x80, $0x38;
	[tilespmem:$0x10000] =	vst v63  }
0x72c: {  	s23 =	ssub.s32 $0x7CFF, s15;
	s2 =	sadd.s32 $0x970, s16  }
0x72d: {  	[hbm4b:s2+s4] =	stream.linear.scatter [tilespmem:s23], [sflag:$0x1], $0x80, $0x38;
	[tilespmem:$0x10000] =	vst v63  }
0x72e: {  	s23 =	ssub.s32 $0x8CFF, s15;
	s2 =	sadd.s32 $0x1500, s16  }
0x72f: {  	[hbm4b:s2+s4] =	stream.linear.scatter [tilespmem:s23], [sflag:$0x1], $0x80, $0x38;
	[tilespmem:$0x10000] =	vst v63  }
0x730: {  	s23 =	ssub.s32 $0x9CFF, s15;
	s2 =	sadd.s32 $0x1510, s16  }
0x731: {  	[hbm4b:s2+s4] =	stream.linear.scatter [tilespmem:s23], [sflag:$0x1], $0x80, $0x38;
	[tilespmem:$0x10000] =	vst v63  }
0x732: {  	s23 =	ssub.s32 $0xACFF, s15;
	s2 =	sadd.s32 $0x1520, s16  }
0x733: {  	[hbm4b:s2+s4] =	stream.linear.scatter [tilespmem:s23], [sflag:$0x1], $0x80, $0x38;
	[tilespmem:$0x10000] =	vst v63  }
0x734: {  	s23 =	ssub.s32 $0xBCFF, s15;
	s2 =	sadd.s32 $0x1530, s16  }
0x735: {  	[hbm4b:s2+s4] =	stream.linear.scatter [tilespmem:s23], [sflag:$0x1], $0x80, $0x38;
	[tilespmem:$0x10000] =	vst v63  }
0x736: {  	s23 =	ssub.s32 $0xCCFF, s15;
	s2 =	sadd.s32 $0x1540, s16  }
0x737: {  	[hbm4b:s2+s4] =	stream.linear.scatter [tilespmem:s23], [sflag:$0x1], $0x80, $0x38;
	[tilespmem:$0x10000] =	vst v63  }
0x738: {  	s23 =	ssub.s32 $0xDCFF, s15;
	s2 =	sadd.s32 $0x1550, s16  }
0x739: {  	[hbm4b:s2+s4] =	stream.linear.scatter [tilespmem:s23], [sflag:$0x1], $0x80, $0x38;
	[tilespmem:$0x10000] =	vst v63  }
0x73a: {  	s23 =	ssub.s32 $0xECFF, s15;
	s2 =	sadd.s32 $0x1560, s16  }
0x73b: {  	[hbm4b:s2+s4] =	stream.linear.scatter [tilespmem:s23], [sflag:$0x1], $0x80, $0x38;
	[tilespmem:$0x10000] =	vst v63  }
0x73c: {  	s23 =	ssub.s32 $0xFCFF, s15;
	s2 =	sadd.s32 $0x1570, s16  }
0x73d: {  	[hbm4b:s2+s4] =	stream.linear.scatter [tilespmem:s23], [sflag:$0x1], $0x80, $0x38;
	[tilespmem:$0x10000] =	vst v63  }
0x73e: {  	s23 =	ssub.s32 $0xD7F, s15;
	s2 =	sadd.s32 $0x980, s16  }
0x73f: {  	[hbm4b:s2+s4] =	stream.linear.scatter [tilespmem:s23], [sflag:$0x1], $0x80, $0x38;
	[tilespmem:$0x10000] =	vst v63  }
0x740: {  	s23 =	ssub.s32 $0x1D7F, s15;
	s2 =	sadd.s32 $0x990, s16  }
0x741: {  	[hbm4b:s2+s4] =	stream.linear.scatter [tilespmem:s23], [sflag:$0x1], $0x80, $0x38;
	[tilespmem:$0x10000] =	vst v63  }
0x742: {  	s23 =	ssub.s32 $0x2D7F, s15;
	s2 =	sadd.s32 $0x9A0, s16  }
0x743: {  	[hbm4b:s2+s4] =	stream.linear.scatter [tilespmem:s23], [sflag:$0x1], $0x80, $0x38;
	[tilespmem:$0x10000] =	vst v63  }
0x744: {  	s23 =	ssub.s32 $0x3D7F, s15;
	s2 =	sadd.s32 $0x9B0, s16  }
0x745: {  	[hbm4b:s2+s4] =	stream.linear.scatter [tilespmem:s23], [sflag:$0x1], $0x80, $0x38;
	[tilespmem:$0x10000] =	vst v63  }
0x746: {  	s23 =	ssub.s32 $0x4D7F, s15;
	s2 =	sadd.s32 $0x9C0, s16  }
0x747: {  	[hbm4b:s2+s4] =	stream.linear.scatter [tilespmem:s23], [sflag:$0x1], $0x80, $0x38;
	[tilespmem:$0x10000] =	vst v63  }
0x748: {  	s23 =	ssub.s32 $0x5D7F, s15;
	s2 =	sadd.s32 $0x9D0, s16  }
0x749: {  	[hbm4b:s2+s4] =	stream.linear.scatter [tilespmem:s23], [sflag:$0x1], $0x80, $0x38;
	[tilespmem:$0x10000] =	vst v63  }
0x74a: {  	s23 =	ssub.s32 $0x6D7F, s15;
	s2 =	sadd.s32 $0x9E0, s16  }
0x74b: {  	[hbm4b:s2+s4] =	stream.linear.scatter [tilespmem:s23], [sflag:$0x1], $0x80, $0x38;
	[tilespmem:$0x10000] =	vst v63  }
0x74c: {  	s23 =	ssub.s32 $0x7D7F, s15;
	s2 =	sadd.s32 $0x9F0, s16  }
0x74d: {  	[hbm4b:s2+s4] =	stream.linear.scatter [tilespmem:s23], [sflag:$0x1], $0x80, $0x38;
	[tilespmem:$0x10000] =	vst v63  }
0x74e: {  	s23 =	ssub.s32 $0x8D7F, s15;
	s2 =	sadd.s32 $0x1580, s16  }
0x74f: {  	[hbm4b:s2+s4] =	stream.linear.scatter [tilespmem:s23], [sflag:$0x1], $0x80, $0x38;
	[tilespmem:$0x10000] =	vst v63  }
0x750: {  	s23 =	ssub.s32 $0x9D7F, s15;
	s2 =	sadd.s32 $0x1590, s16  }
0x751: {  	[hbm4b:s2+s4] =	stream.linear.scatter [tilespmem:s23], [sflag:$0x1], $0x80, $0x38;
	[tilespmem:$0x10000] =	vst v63  }
0x752: {  	s23 =	ssub.s32 $0xAD7F, s15;
	s2 =	sadd.s32 $0x15A0, s16  }
0x753: {  	[hbm4b:s2+s4] =	stream.linear.scatter [tilespmem:s23], [sflag:$0x1], $0x80, $0x38;
	[tilespmem:$0x10000] =	vst v63  }
0x754: {  	s23 =	ssub.s32 $0xBD7F, s15;
	s2 =	sadd.s32 $0x15B0, s16  }
0x755: {  	[hbm4b:s2+s4] =	stream.linear.scatter [tilespmem:s23], [sflag:$0x1], $0x80, $0x38;
	[tilespmem:$0x10000] =	vst v63  }
0x756: {  	s23 =	ssub.s32 $0xCD7F, s15;
	s2 =	sadd.s32 $0x15C0, s16  }
0x757: {  	[hbm4b:s2+s4] =	stream.linear.scatter [tilespmem:s23], [sflag:$0x1], $0x80, $0x38;
	[tilespmem:$0x10000] =	vst v63  }
0x758: {  	s23 =	ssub.s32 $0xDD7F, s15;
	s2 =	sadd.s32 $0x15D0, s16  }
0x759: {  	[hbm4b:s2+s4] =	stream.linear.scatter [tilespmem:s23], [sflag:$0x1], $0x80, $0x38;
	[tilespmem:$0x10000] =	vst v63  }
0x75a: {  	s23 =	ssub.s32 $0xED7F, s15;
	s2 =	sadd.s32 $0x15E0, s16  }
0x75b: {  	[hbm4b:s2+s4] =	stream.linear.scatter [tilespmem:s23], [sflag:$0x1], $0x80, $0x38;
	[tilespmem:$0x10000] =	vst v63  }
0x75c: {  	s23 =	ssub.s32 $0xFD7F, s15;
	s2 =	sadd.s32 $0x15F0, s16  }
0x75d: {  	[hbm4b:s2+s4] =	stream.linear.scatter [tilespmem:s23], [sflag:$0x1], $0x80, $0x38;
	[tilespmem:$0x10000] =	vst v63  }
0x75e: {  	s23 =	ssub.s32 $0xDFF, s15;
	s2 =	sadd.s32 $0xA00, s16  }
0x75f: {  	[hbm4b:s2+s4] =	stream.linear.scatter [tilespmem:s23], [sflag:$0x1], $0x80, $0x38;
	[tilespmem:$0x10000] =	vst v63  }
0x760: {  	s23 =	ssub.s32 $0x1DFF, s15;
	s2 =	sadd.s32 $0xA10, s16  }
0x761: {  	[hbm4b:s2+s4] =	stream.linear.scatter [tilespmem:s23], [sflag:$0x1], $0x80, $0x38;
	[tilespmem:$0x10000] =	vst v63  }
0x762: {  	s23 =	ssub.s32 $0x2DFF, s15;
	s2 =	sadd.s32 $0xA20, s16  }
0x763: {  	[hbm4b:s2+s4] =	stream.linear.scatter [tilespmem:s23], [sflag:$0x1], $0x80, $0x38;
	[tilespmem:$0x10000] =	vst v63  }
0x764: {  	s23 =	ssub.s32 $0x3DFF, s15;
	s2 =	sadd.s32 $0xA30, s16  }
0x765: {  	[hbm4b:s2+s4] =	stream.linear.scatter [tilespmem:s23], [sflag:$0x1], $0x80, $0x38;
	[tilespmem:$0x10000] =	vst v63  }
0x766: {  	s23 =	ssub.s32 $0x4DFF, s15;
	s2 =	sadd.s32 $0xA40, s16  }
0x767: {  	[hbm4b:s2+s4] =	stream.linear.scatter [tilespmem:s23], [sflag:$0x1], $0x80, $0x38;
	[tilespmem:$0x10000] =	vst v63  }
0x768: {  	s23 =	ssub.s32 $0x5DFF, s15;
	s2 =	sadd.s32 $0xA50, s16  }
0x769: {  	[hbm4b:s2+s4] =	stream.linear.scatter [tilespmem:s23], [sflag:$0x1], $0x80, $0x38;
	[tilespmem:$0x10000] =	vst v63  }
0x76a: {  	s23 =	ssub.s32 $0x6DFF, s15;
	s2 =	sadd.s32 $0xA60, s16  }
0x76b: {  	[hbm4b:s2+s4] =	stream.linear.scatter [tilespmem:s23], [sflag:$0x1], $0x80, $0x38;
	[tilespmem:$0x10000] =	vst v63  }
0x76c: {  	s23 =	ssub.s32 $0x7DFF, s15;
	s2 =	sadd.s32 $0xA70, s16  }
0x76d: {  	[hbm4b:s2+s4] =	stream.linear.scatter [tilespmem:s23], [sflag:$0x1], $0x80, $0x38;
	[tilespmem:$0x10000] =	vst v63  }
0x76e: {  	s23 =	ssub.s32 $0x8DFF, s15;
	s2 =	sadd.s32 $0x1600, s16  }
0x76f: {  	[hbm4b:s2+s4] =	stream.linear.scatter [tilespmem:s23], [sflag:$0x1], $0x80, $0x38;
	[tilespmem:$0x10000] =	vst v63  }
0x770: {  	s23 =	ssub.s32 $0x9DFF, s15;
	s2 =	sadd.s32 $0x1610, s16  }
0x771: {  	[hbm4b:s2+s4] =	stream.linear.scatter [tilespmem:s23], [sflag:$0x1], $0x80, $0x38;
	[tilespmem:$0x10000] =	vst v63  }
0x772: {  	s23 =	ssub.s32 $0xADFF, s15;
	s2 =	sadd.s32 $0x1620, s16  }
0x773: {  	[hbm4b:s2+s4] =	stream.linear.scatter [tilespmem:s23], [sflag:$0x1], $0x80, $0x38;
	[tilespmem:$0x10000] =	vst v63  }
0x774: {  	s23 =	ssub.s32 $0xBDFF, s15;
	s2 =	sadd.s32 $0x1630, s16  }
0x775: {  	[hbm4b:s2+s4] =	stream.linear.scatter [tilespmem:s23], [sflag:$0x1], $0x80, $0x38;
	[tilespmem:$0x10000] =	vst v63  }
0x776: {  	s23 =	ssub.s32 $0xCDFF, s15;
	s2 =	sadd.s32 $0x1640, s16  }
0x777: {  	[hbm4b:s2+s4] =	stream.linear.scatter [tilespmem:s23], [sflag:$0x1], $0x80, $0x38;
	[tilespmem:$0x10000] =	vst v63  }
0x778: {  	s23 =	ssub.s32 $0xDDFF, s15;
	s2 =	sadd.s32 $0x1650, s16  }
0x779: {  	[hbm4b:s2+s4] =	stream.linear.scatter [tilespmem:s23], [sflag:$0x1], $0x80, $0x38;
	[tilespmem:$0x10000] =	vst v63  }
0x77a: {  	s23 =	ssub.s32 $0xEDFF, s15;
	s2 =	sadd.s32 $0x1660, s16  }
0x77b: {  	[hbm4b:s2+s4] =	stream.linear.scatter [tilespmem:s23], [sflag:$0x1], $0x80, $0x38;
	[tilespmem:$0x10000] =	vst v63  }
0x77c: {  	s23 =	ssub.s32 $0xFDFF, s15;
	s2 =	sadd.s32 $0x1670, s16  }
0x77d: {  	[hbm4b:s2+s4] =	stream.linear.scatter [tilespmem:s23], [sflag:$0x1], $0x80, $0x38;
	[tilespmem:$0x10000] =	vst v63  }
0x77e: {  	s23 =	ssub.s32 $0xE7F, s15;
	s2 =	sadd.s32 $0xA80, s16  }
0x77f: {  	[hbm4b:s2+s4] =	stream.linear.scatter [tilespmem:s23], [sflag:$0x1], $0x80, $0x38;
	[tilespmem:$0x10000] =	vst v63  }
0x780: {  	s23 =	ssub.s32 $0x1E7F, s15;
	s2 =	sadd.s32 $0xA90, s16  }
0x781: {  	[hbm4b:s2+s4] =	stream.linear.scatter [tilespmem:s23], [sflag:$0x1], $0x80, $0x38;
	[tilespmem:$0x10000] =	vst v63  }
0x782: {  	s23 =	ssub.s32 $0x2E7F, s15;
	s2 =	sadd.s32 $0xAA0, s16  }
0x783: {  	[hbm4b:s2+s4] =	stream.linear.scatter [tilespmem:s23], [sflag:$0x1], $0x80, $0x38;
	[tilespmem:$0x10000] =	vst v63  }
0x784: {  	s23 =	ssub.s32 $0x3E7F, s15;
	s2 =	sadd.s32 $0xAB0, s16  }
0x785: {  	[hbm4b:s2+s4] =	stream.linear.scatter [tilespmem:s23], [sflag:$0x1], $0x80, $0x38;
	[tilespmem:$0x10000] =	vst v63  }
0x786: {  	s23 =	ssub.s32 $0x4E7F, s15;
	s2 =	sadd.s32 $0xAC0, s16  }
0x787: {  	[hbm4b:s2+s4] =	stream.linear.scatter [tilespmem:s23], [sflag:$0x1], $0x80, $0x38;
	[tilespmem:$0x10000] =	vst v63  }
0x788: {  	s23 =	ssub.s32 $0x5E7F, s15;
	s2 =	sadd.s32 $0xAD0, s16  }
0x789: {  	[hbm4b:s2+s4] =	stream.linear.scatter [tilespmem:s23], [sflag:$0x1], $0x80, $0x38;
	[tilespmem:$0x10000] =	vst v63  }
0x78a: {  	s23 =	ssub.s32 $0x6E7F, s15;
	s2 =	sadd.s32 $0xAE0, s16  }
0x78b: {  	[hbm4b:s2+s4] =	stream.linear.scatter [tilespmem:s23], [sflag:$0x1], $0x80, $0x38;
	[tilespmem:$0x10000] =	vst v63  }
0x78c: {  	s23 =	ssub.s32 $0x7E7F, s15;
	s2 =	sadd.s32 $0xAF0, s16  }
0x78d: {  	[hbm4b:s2+s4] =	stream.linear.scatter [tilespmem:s23], [sflag:$0x1], $0x80, $0x38;
	[tilespmem:$0x10000] =	vst v63  }
0x78e: {  	s23 =	ssub.s32 $0x8E7F, s15;
	s2 =	sadd.s32 $0x1680, s16  }
0x78f: {  	[hbm4b:s2+s4] =	stream.linear.scatter [tilespmem:s23], [sflag:$0x1], $0x80, $0x38;
	[tilespmem:$0x10000] =	vst v63  }
0x790: {  	s23 =	ssub.s32 $0x9E7F, s15;
	s2 =	sadd.s32 $0x1690, s16  }
0x791: {  	[hbm4b:s2+s4] =	stream.linear.scatter [tilespmem:s23], [sflag:$0x1], $0x80, $0x38;
	[tilespmem:$0x10000] =	vst v63  }
0x792: {  	s23 =	ssub.s32 $0xAE7F, s15;
	s2 =	sadd.s32 $0x16A0, s16  }
0x793: {  	[hbm4b:s2+s4] =	stream.linear.scatter [tilespmem:s23], [sflag:$0x1], $0x80, $0x38;
	[tilespmem:$0x10000] =	vst v63  }
0x794: {  	s23 =	ssub.s32 $0xBE7F, s15;
	s2 =	sadd.s32 $0x16B0, s16  }
0x795: {  	[hbm4b:s2+s4] =	stream.linear.scatter [tilespmem:s23], [sflag:$0x1], $0x80, $0x38;
	[tilespmem:$0x10000] =	vst v63  }
0x796: {  	s23 =	ssub.s32 $0xCE7F, s15;
	s2 =	sadd.s32 $0x16C0, s16  }
0x797: {  	[hbm4b:s2+s4] =	stream.linear.scatter [tilespmem:s23], [sflag:$0x1], $0x80, $0x38;
	[tilespmem:$0x10000] =	vst v63  }
0x798: {  	s23 =	ssub.s32 $0xDE7F, s15;
	s2 =	sadd.s32 $0x16D0, s16  }
0x799: {  	[hbm4b:s2+s4] =	stream.linear.scatter [tilespmem:s23], [sflag:$0x1], $0x80, $0x38;
	[tilespmem:$0x10000] =	vst v63  }
0x79a: {  	s23 =	ssub.s32 $0xEE7F, s15;
	s2 =	sadd.s32 $0x16E0, s16  }
0x79b: {  	[hbm4b:s2+s4] =	stream.linear.scatter [tilespmem:s23], [sflag:$0x1], $0x80, $0x38;
	[tilespmem:$0x10000] =	vst v63  }
0x79c: {  	s23 =	ssub.s32 $0xFE7F, s15;
	s2 =	sadd.s32 $0x16F0, s16  }
0x79d: {  	[hbm4b:s2+s4] =	stream.linear.scatter [tilespmem:s23], [sflag:$0x1], $0x80, $0x38;
	[tilespmem:$0x10000] =	vst v63  }
0x79e: {  	s23 =	ssub.s32 $0xEFF, s15;
	s2 =	sadd.s32 $0xB00, s16  }
0x79f: {  	[hbm4b:s2+s4] =	stream.linear.scatter [tilespmem:s23], [sflag:$0x1], $0x80, $0x38;
	[tilespmem:$0x10000] =	vst v63  }
0x7a0: {  	s23 =	ssub.s32 $0x1EFF, s15;
	s2 =	sadd.s32 $0xB10, s16  }
0x7a1: {  	[hbm4b:s2+s4] =	stream.linear.scatter [tilespmem:s23], [sflag:$0x1], $0x80, $0x38;
	[tilespmem:$0x10000] =	vst v63  }
0x7a2: {  	s23 =	ssub.s32 $0x2EFF, s15;
	s2 =	sadd.s32 $0xB20, s16  }
0x7a3: {  	[hbm4b:s2+s4] =	stream.linear.scatter [tilespmem:s23], [sflag:$0x1], $0x80, $0x38;
	[tilespmem:$0x10000] =	vst v63  }
0x7a4: {  	s23 =	ssub.s32 $0x3EFF, s15;
	s2 =	sadd.s32 $0xB30, s16  }
0x7a5: {  	[hbm4b:s2+s4] =	stream.linear.scatter [tilespmem:s23], [sflag:$0x1], $0x80, $0x38;
	[tilespmem:$0x10000] =	vst v63  }
0x7a6: {  	s23 =	ssub.s32 $0x4EFF, s15;
	s2 =	sadd.s32 $0xB40, s16  }
0x7a7: {  	[hbm4b:s2+s4] =	stream.linear.scatter [tilespmem:s23], [sflag:$0x1], $0x80, $0x38;
	[tilespmem:$0x10000] =	vst v63  }
0x7a8: {  	s23 =	ssub.s32 $0x5EFF, s15;
	s2 =	sadd.s32 $0xB50, s16  }
0x7a9: {  	[hbm4b:s2+s4] =	stream.linear.scatter [tilespmem:s23], [sflag:$0x1], $0x80, $0x38;
	[tilespmem:$0x10000] =	vst v63  }
0x7aa: {  	s23 =	ssub.s32 $0x6EFF, s15;
	s2 =	sadd.s32 $0xB60, s16  }
0x7ab: {  	[hbm4b:s2+s4] =	stream.linear.scatter [tilespmem:s23], [sflag:$0x1], $0x80, $0x38;
	[tilespmem:$0x10000] =	vst v63  }
0x7ac: {  	s23 =	ssub.s32 $0x7EFF, s15;
	s2 =	sadd.s32 $0xB70, s16  }
0x7ad: {  	[hbm4b:s2+s4] =	stream.linear.scatter [tilespmem:s23], [sflag:$0x1], $0x80, $0x38;
	[tilespmem:$0x10000] =	vst v63  }
0x7ae: {  	s23 =	ssub.s32 $0x8EFF, s15;
	s2 =	sadd.s32 $0x1700, s16  }
0x7af: {  	[hbm4b:s2+s4] =	stream.linear.scatter [tilespmem:s23], [sflag:$0x1], $0x80, $0x38;
	[tilespmem:$0x10000] =	vst v63  }
0x7b0: {  	s23 =	ssub.s32 $0x9EFF, s15;
	s2 =	sadd.s32 $0x1710, s16  }
0x7b1: {  	[hbm4b:s2+s4] =	stream.linear.scatter [tilespmem:s23], [sflag:$0x1], $0x80, $0x38;
	[tilespmem:$0x10000] =	vst v63  }
0x7b2: {  	s23 =	ssub.s32 $0xAEFF, s15;
	s2 =	sadd.s32 $0x1720, s16  }
0x7b3: {  	[hbm4b:s2+s4] =	stream.linear.scatter [tilespmem:s23], [sflag:$0x1], $0x80, $0x38;
	[tilespmem:$0x10000] =	vst v63  }
0x7b4: {  	s23 =	ssub.s32 $0xBEFF, s15;
	s2 =	sadd.s32 $0x1730, s16  }
0x7b5: {  	[hbm4b:s2+s4] =	stream.linear.scatter [tilespmem:s23], [sflag:$0x1], $0x80, $0x38;
	[tilespmem:$0x10000] =	vst v63  }
0x7b6: {  	s23 =	ssub.s32 $0xCEFF, s15;
	s2 =	sadd.s32 $0x1740, s16  }
0x7b7: {  	[hbm4b:s2+s4] =	stream.linear.scatter [tilespmem:s23], [sflag:$0x1], $0x80, $0x38;
	[tilespmem:$0x10000] =	vst v63  }
0x7b8: {  	s23 =	ssub.s32 $0xDEFF, s15;
	s2 =	sadd.s32 $0x1750, s16  }
0x7b9: {  	[hbm4b:s2+s4] =	stream.linear.scatter [tilespmem:s23], [sflag:$0x1], $0x80, $0x38;
	[tilespmem:$0x10000] =	vst v63  }
0x7ba: {  	s23 =	ssub.s32 $0xEEFF, s15;
	s2 =	sadd.s32 $0x1760, s16  }
0x7bb: {  	[hbm4b:s2+s4] =	stream.linear.scatter [tilespmem:s23], [sflag:$0x1], $0x80, $0x38;
	[tilespmem:$0x10000] =	vst v63  }
0x7bc: {  	s23 =	ssub.s32 $0xFEFF, s15;
	s2 =	sadd.s32 $0x1770, s16  }
0x7bd: {  	[hbm4b:s2+s4] =	stream.linear.scatter [tilespmem:s23], [sflag:$0x1], $0x80, $0x38;
	[tilespmem:$0x10000] =	vst v63  }
0x7be: {  	s23 =	ssub.s32 $0xF7F, s15;
	s2 =	sadd.s32 $0xB80, s16  }
0x7bf: {  	[hbm4b:s2+s4] =	stream.linear.scatter [tilespmem:s23], [sflag:$0x1], $0x80, $0x38;
	[tilespmem:$0x10000] =	vst v63  }
0x7c0: {  	s23 =	ssub.s32 $0x1F7F, s15;
	s2 =	sadd.s32 $0xB90, s16  }
0x7c1: {  	[hbm4b:s2+s4] =	stream.linear.scatter [tilespmem:s23], [sflag:$0x1], $0x80, $0x38;
	[tilespmem:$0x10000] =	vst v63  }
0x7c2: {  	s23 =	ssub.s32 $0x2F7F, s15;
	s2 =	sadd.s32 $0xBA0, s16  }
0x7c3: {  	[hbm4b:s2+s4] =	stream.linear.scatter [tilespmem:s23], [sflag:$0x1], $0x80, $0x38;
	[tilespmem:$0x10000] =	vst v63  }
0x7c4: {  	s23 =	ssub.s32 $0x3F7F, s15;
	s2 =	sadd.s32 $0xBB0, s16  }
0x7c5: {  	[hbm4b:s2+s4] =	stream.linear.scatter [tilespmem:s23], [sflag:$0x1], $0x80, $0x38;
	[tilespmem:$0x10000] =	vst v63  }
0x7c6: {  	s23 =	ssub.s32 $0x4F7F, s15;
	s2 =	sadd.s32 $0xBC0, s16  }
0x7c7: {  	[hbm4b:s2+s4] =	stream.linear.scatter [tilespmem:s23], [sflag:$0x1], $0x80, $0x38;
	[tilespmem:$0x10000] =	vst v63  }
0x7c8: {  	s23 =	ssub.s32 $0x5F7F, s15;
	s2 =	sadd.s32 $0xBD0, s16  }
0x7c9: {  	[hbm4b:s2+s4] =	stream.linear.scatter [tilespmem:s23], [sflag:$0x1], $0x80, $0x38;
	[tilespmem:$0x10000] =	vst v63  }
0x7ca: {  	s23 =	ssub.s32 $0x6F7F, s15;
	s2 =	sadd.s32 $0xBE0, s16  }
0x7cb: {  	[hbm4b:s2+s4] =	stream.linear.scatter [tilespmem:s23], [sflag:$0x1], $0x80, $0x38;
	[tilespmem:$0x10000] =	vst v63  }
0x7cc: {  	s23 =	ssub.s32 $0x7F7F, s15;
	s2 =	sadd.s32 $0xBF0, s16  }
0x7cd: {  	[hbm4b:s2+s4] =	stream.linear.scatter [tilespmem:s23], [sflag:$0x1], $0x80, $0x38;
	[tilespmem:$0x10000] =	vst v63  }
0x7ce: {  	s23 =	ssub.s32 $0x8F7F, s15;
	s2 =	sadd.s32 $0x1780, s16  }
0x7cf: {  	[hbm4b:s2+s4] =	stream.linear.scatter [tilespmem:s23], [sflag:$0x1], $0x80, $0x38;
	[tilespmem:$0x10000] =	vst v63  }
0x7d0: {  	s23 =	ssub.s32 $0x9F7F, s15;
	s2 =	sadd.s32 $0x1790, s16  }
0x7d1: {  	[hbm4b:s2+s4] =	stream.linear.scatter [tilespmem:s23], [sflag:$0x1], $0x80, $0x38;
	[tilespmem:$0x10000] =	vst v63  }
0x7d2: {  	s23 =	ssub.s32 $0xAF7F, s15;
	s2 =	sadd.s32 $0x17A0, s16  }
0x7d3: {  	[hbm4b:s2+s4] =	stream.linear.scatter [tilespmem:s23], [sflag:$0x1], $0x80, $0x38;
	[tilespmem:$0x10000] =	vst v63  }
0x7d4: {  	s23 =	ssub.s32 $0xBF7F, s15;
	s2 =	sadd.s32 $0x17B0, s16  }
0x7d5: {  	[hbm4b:s2+s4] =	stream.linear.scatter [tilespmem:s23], [sflag:$0x1], $0x80, $0x38;
	[tilespmem:$0x10000] =	vst v63  }
0x7d6: {  	s23 =	ssub.s32 $0xCF7F, s15;
	s2 =	sadd.s32 $0x17C0, s16  }
0x7d7: {  	[hbm4b:s2+s4] =	stream.linear.scatter [tilespmem:s23], [sflag:$0x1], $0x80, $0x38;
	[tilespmem:$0x10000] =	vst v63  }
0x7d8: {  	s23 =	ssub.s32 $0xDF7F, s15;
	s2 =	sadd.s32 $0x17D0, s16  }
0x7d9: {  	[hbm4b:s2+s4] =	stream.linear.scatter [tilespmem:s23], [sflag:$0x1], $0x80, $0x38;
	[tilespmem:$0x10000] =	vst v63  }
0x7da: {  	s23 =	ssub.s32 $0xEF7F, s15;
	s2 =	sadd.s32 $0x17E0, s16  }
0x7db: {  	[hbm4b:s2+s4] =	stream.linear.scatter [tilespmem:s23], [sflag:$0x1], $0x80, $0x38;
	[tilespmem:$0x10000] =	vst v63  }
0x7dc: {  	s18 =	ssub.s32 $0xFF7F, s15;
	s23 =	sadd.s32 $0x17F0, s16  }
0x7dd: {  	[hbm4b:s23+s4] =	stream.linear.scatter [tilespmem:s18], [sflag:$0x1], $0x80, $0x38;
	[tilespmem:$0x10000] =	vst v63  }
0x7de: {  	_ =	swait.ge [sflag:s6], $0x800  }
0x7df: {  	[sflag:s6] =	ssyncset.done $0x0  }
0x7e0: {  	[sflag:s6] =	ssyncadd.s32 $0xFFFFF800  }
0x7e1: {  	_ =	swait.ge [sflag:s6], $0x800  }
0x7e2: {  	[sflag:s6] =	ssyncset.done $0x0  }
0x7e3: {  	[sflag:s6] =	ssyncadd.s32 $0xFFFFF800  }
0x7e4: {  	_ =	swait.ge [sflag:s6], $0x800  }
0x7e5: {  	[sflag:s6] =	ssyncset.done $0x0  }
0x7e6: {  	[sflag:s6] =	ssyncadd.s32 $0xFFFFF800  }
0x7e7: {  	_ =	swait.ge [sflag:s6], $0x800  }
0x7e8: {  	[sflag:s6] =	ssyncset.done $0x0  }
0x7e9: {  	[sflag:s6] =	ssyncadd.s32 $0xFFFFF800  }
0x7ea: {  	_ =	swait.ge [sflag:s6], $0x800  }
0x7eb: {  	[sflag:s6] =	ssyncset.done $0x0  }
0x7ec: {  	[sflag:s6] =	ssyncadd.s32 $0xFFFFF800  }
0x7ed: {  	_ =	swait.ge [sflag:s6], $0x800  }
0x7ee: {  	[sflag:s6] =	ssyncset.done $0x0  }
0x7ef: {  	[sflag:s6] =	ssyncadd.s32 $0xFFFFF800  }
0x7f0: {  	_ =	swait.ge [sflag:s6], $0x800  }
0x7f1: {  	[sflag:s6] =	ssyncset.done $0x0  }
0x7f2: {  	[sflag:s6] =	ssyncadd.s32 $0xFFFFF800  }
0x7f3: {  	_ =	swait.ge [sflag:s6], $0x800  }
0x7f4: {  	[sflag:s6] =	ssyncset.done $0x0  }
0x7f5: {  	[sflag:s6] =	ssyncadd.s32 $0xFFFFF800  }
0x7f6: {  	_ =	swait.ge [sflag:s6], $0x800  }
0x7f7: {  	[sflag:s6] =	ssyncset.done $0x0  }
0x7f8: {  	[sflag:s6] =	ssyncadd.s32 $0xFFFFF800  }
0x7f9: {  	_ =	swait.ge [sflag:s6], $0x800  }
0x7fa: {  	[sflag:s6] =	ssyncset.done $0x0  }
0x7fb: {  	[sflag:s6] =	ssyncadd.s32 $0xFFFFF800  }
0x7fc: {  	_ =	swait.ge [sflag:s6], $0x800  }
0x7fd: {  	[sflag:s6] =	ssyncset.done $0x0  }
0x7fe: {  	[sflag:s6] =	ssyncadd.s32 $0xFFFFF800  }
0x7ff: {  	_ =	swait.ge [sflag:s6], $0x800  }
0x800: {  	[sflag:s6] =	ssyncset.done $0x0  }
0x801: {  	[sflag:s6] =	ssyncadd.s32 $0xFFFFF800  }
0x802: {  	_ =	swait.ge [sflag:s6], $0x800  }
0x803: {  	[sflag:s6] =	ssyncset.done $0x0  }
0x804: {  	[sflag:s6] =	ssyncadd.s32 $0xFFFFF800  }
0x805: {  	_ =	swait.ge [sflag:s6], $0x800  }
0x806: {  	[sflag:s6] =	ssyncset.done $0x0  }
0x807: {  	[sflag:s6] =	ssyncadd.s32 $0xFFFFF800  }
0x808: {  	_ =	swait.ge [sflag:s6], $0x800  }
0x809: {  	[sflag:s6] =	ssyncset.done $0x0  }
0x80a: {  	[sflag:s6] =	ssyncadd.s32 $0xFFFFF800  }
0x80b: {  	_ =	swait.ge [sflag:s6], $0x800  }
0x80c: {  	[sflag:s6] =	ssyncset.done $0x0  }
0x80d: {  	[sflag:s6] =	ssyncadd.s32 $0xFFFFF800  }
0x80e: {  	_ =	swait.ge [sflag:s6], $0x800  }
0x80f: {  	[sflag:s6] =	ssyncset.done $0x0  }
0x810: {  	[sflag:s6] =	ssyncadd.s32 $0xFFFFF800  }
0x811: {  	_ =	swait.ge [sflag:s6], $0x800  }
0x812: {  	[sflag:s6] =	ssyncset.done $0x0  }
0x813: {  	[sflag:s6] =	ssyncadd.s32 $0xFFFFF800  }
0x814: {  	_ =	swait.ge [sflag:s6], $0x800  }
0x815: {  	[sflag:s6] =	ssyncset.done $0x0  }
0x816: {  	[sflag:s6] =	ssyncadd.s32 $0xFFFFF800  }
0x817: {  	_ =	swait.ge [sflag:s6], $0x800  }
0x818: {  	[sflag:s6] =	ssyncset.done $0x0  }
0x819: {  	[sflag:s6] =	ssyncadd.s32 $0xFFFFF800  }
0x81a: {  	_ =	swait.ge [sflag:s6], $0x800  }
0x81b: {  	[sflag:s6] =	ssyncset.done $0x0  }
0x81c: {  	[sflag:s6] =	ssyncadd.s32 $0xFFFFF800  }
0x81d: {  	_ =	swait.ge [sflag:s6], $0x800  }
0x81e: {  	[sflag:s6] =	ssyncset.done $0x0  }
0x81f: {  	[sflag:s6] =	ssyncadd.s32 $0xFFFFF800  }
0x820: {  	p0 =	sne.s32 s22, $0x1F;
	_ =	swait.ge [sflag:s6], $0x800  }
.Ltmp0:
0x821: {  	[sflag:s6] =	ssyncset.done $0x0;
	(pc) =	sbr.rel @p0 .LBB2_2-.Ltmp0, $4  }
0x822: {  	[sflag:s6] =	ssyncadd.s32 $0xFFFFF800  }
0x823: {  	_ =	swait.ge [sflag:s6], $0x800  }
0x824: {  	[sflag:s6] =	ssyncset.done $0x0  }
0x825: {  	s22 =	sadd.s32 $0x1, s22;
	[sflag:s6] =	ssyncadd.s32 $0xFFFFF800  }
0x826: {  	_ =	swait.ge [sflag:s6], $0x800  }
0x827: {  	[sflag:s6] =	ssyncset.done $0x0  }
0x828: {  	[sflag:s6] =	ssyncadd.s32 $0xFFFFF800  }
0x829: {  	_ =	swait.ge [sflag:s6], $0x800  }
0x82a: {  	[sflag:s6] =	ssyncset.done $0x0  }
0x82b: {  	[sflag:s6] =	ssyncadd.s32 $0xFFFFF800  }
0x82c: {  	_ =	swait.ge [sflag:s6], $0x800  }
0x82d: {  	[sflag:s6] =	ssyncset.done $0x0  }
0x82e: {  	[sflag:s6] =	ssyncadd.s32 $0xFFFFF800  }
0x82f: {  	_ =	swait.ge [sflag:s6], $0x800  }
0x830: {  	[sflag:s6] =	ssyncset.done $0x0  }
0x831: {  	[sflag:s6] =	ssyncadd.s32 $0xFFFFF800  }
0x832: {  	_ =	swait.ge [sflag:s6], $0x800  }
0x833: {  	[sflag:s6] =	ssyncset.done $0x0  }
0x834: {  	[sflag:s6] =	ssyncadd.s32 $0xFFFFF800  }
0x835: {  	_ =	swait.ge [sflag:s6], $0x800  }
0x836: {  	[sflag:s6] =	ssyncset.done $0x0  }
0x837: {  	[sflag:s6] =	ssyncadd.s32 $0xFFFFF800  }
0x838: {  	_ =	swait.ge [sflag:s6], $0x800  }
0x839: {  	[sflag:s6] =	ssyncset.done $0x0  }
0x83a: {  	[sflag:s6] =	ssyncadd.s32 $0xFFFFF800  }
0x83b: {  	_ =	swait.ge [sflag:s6], $0x800  }
0x83c: {  	[sflag:s6] =	ssyncset.done $0x0  }
0x83d: {  	[sflag:s6] =	ssyncadd.s32 $0xFFFFF800  }
0x83e: {  	_ =	swait.ge [sflag:s6], $0x800  }
0x83f: {  	[sflag:s6] =	ssyncset.done $0x0  }
0x840: {  	[sflag:s6] =	ssyncadd.s32 $0xFFFFF800  }
0x841: {  	_ =	swait.ge [sflag:s6], $0x800  }
0x842: {  	[sflag:s6] =	ssyncset.done $0x0  }
0x843: {  	[sflag:s6] =	ssyncadd.s32 $0xFFFFF800  }
0x844: {  	_ =	swait.ge [sflag:s6], $0x800  }
0x845: {  	[sflag:s6] =	ssyncset.done $0x0  }
0x846: {  	[sflag:s6] =	ssyncadd.s32 $0xFFFFF800  }
0x847: {  	_ =	swait.ge [sflag:s6], $0x800  }
0x848: {  	[sflag:s6] =	ssyncset.done $0x0  }
0x849: {  	[sflag:s6] =	ssyncadd.s32 $0xFFFFF800  }
0x84a: {  	_ =	swait.ge [sflag:s6], $0x800  }
0x84b: {  	[sflag:s6] =	ssyncset.done $0x0  }
0x84c: {  	[sflag:s6] =	ssyncadd.s32 $0xFFFFF800  }
0x84d: {  	_ =	swait.ge [sflag:s6], $0x800  }
0x84e: {  	[sflag:s6] =	ssyncset.done $0x0  }
0x84f: {  	[sflag:s6] =	ssyncadd.s32 $0xFFFFF800  }
0x850: {  	_ =	swait.ge [sflag:s6], $0x800  }
0x851: {  	[sflag:s6] =	ssyncset.done $0x0  }
0x852: {  	[sflag:s6] =	ssyncadd.s32 $0xFFFFF800  }
0x853: {  	_ =	swait.ge [sflag:s6], $0x800  }
0x854: {  	[sflag:s6] =	ssyncset.done $0x0  }
0x855: {  	[sflag:s6] =	ssyncadd.s32 $0xFFFFF800  }
0x856: {  	_ =	swait.ge [sflag:s6], $0x800  }
0x857: {  	[sflag:s6] =	ssyncset.done $0x0  }
0x858: {  	[sflag:s6] =	ssyncadd.s32 $0xFFFFF800  }
0x859: {  	_ =	swait.ge [sflag:s6], $0x800  }
0x85a: {  	[sflag:s6] =	ssyncset.done $0x0  }
0x85b: {  	[sflag:s6] =	ssyncadd.s32 $0xFFFFF800  }
0x85c: {  	_ =	swait.ge [sflag:s6], $0x800  }
0x85d: {  	[sflag:s6] =	ssyncset.done $0x0  }
0x85e: {  	[sflag:s6] =	ssyncadd.s32 $0xFFFFF800  }
0x85f: {  	_ =	swait.ge [sflag:s6], $0x800  }
0x860: {  	[sflag:s6] =	ssyncset.done $0x0  }
0x861: {  	[sflag:s6] =	ssyncadd.s32 $0xFFFFF800  }
0x862: {  	_ =	swait.ge [sflag:s6], $0x800  }
0x863: {  	[sflag:s6] =	ssyncset.done $0x0  }
0x864: {  	[sflag:s6] =	ssyncadd.s32 $0xFFFFF800  }
0x865: {  	_ =	swait.ge [sflag:s6], $0x800  }
0x866: {  	[sflag:s6] =	ssyncset.done $0x0  }
0x867: {  	[sflag:s6] =	ssyncadd.s32 $0xFFFFF800  }
0x868: {  	_ =	swait.ge [sflag:s6], $0x800  }
0x869: {  	[sflag:s6] =	ssyncset.done $0x0  }
0x86a: {  	[sflag:s6] =	ssyncadd.s32 $0xFFFFF800  }
0x86b: {  	_ =	swait.ge [sflag:s6], $0x800  }
0x86c: {  	s7 =	sld [smem:$0x684]  }
0x86d: {  	s2 =	sld [smem:$0x685];
	_ =	sdelay $0x1  }
0x86e: {  	s7 =	sadd.s32 $0x1, s7  }
0x86f: {  	p0 =	sne.s32 s7, s2  }
.Ltmp1:
0x870: {  	_ = 	snop;
	(pc) =	sbr.rel @p0 .LBB2_1-.Ltmp1, $3  }
0x871: {  	_ =	sdelay $0x1  }
0x872: {  	[sflag:s6] =	ssyncset.done $0x0  }
0x873: {  	[sflag:s6] =	ssyncadd.s32 $0xFFFFF800  }
0x874: {  	_ =	sfence.sel $0x180000  }
0x875: {  	[bflag:$0x0] =	sbarrier.arrive $0xFFFF  }
0x876: {  	_ =	strace $0x90000047  }
0x877: {  	s0 =	stileid.u32;
	[bflag:$0x2] =	sbarrier.arrive $0xFFFF  }
0x878: {  	p0 =	sne.s32 s0, $0x0;
	s0 =	rddreg [dreg:$0x2]  }
0x879: {  	s0 =	sadd.s32 @!p0 $0x100000, s0  }
0x87a: {  	[sflag:s0] =	ssyncadd.tile.s32 @!p0 $0x1;
	_ =	shalt  }
.Lfunc_end2:
_tile_overlayer_lowered:
.L_overlay_start_2:
0x87b: {  	(tag) =	ssettag $0x2  }
0x87c: {  	s0 =	rddreg [dreg:$0x0];
	s2 =	stileid.u32  }
0x87d: {  	s1 =	rddreg [dreg:$0x1];
	p0 =	sne.s32 s2, $0x0  }
0x87e: {  	s3 =	rddreg [dreg:$0x2];
	[bflag:$0x3] =	sbarrier.arrive $0xFFFF;
	s2 =	simm.s32 @!p0 $0x1C02  }
0x87f: {  	[timem:s3], [sflag:s2] =	dma.local @!p0 [hbm:s0], s1  }
0x880: {  	s0 =	simm.s32 @!p0 $0x2  }
0x881: {  	_ =	swait.ge @!p0 [sflag:s0], s1  }
0x882: {  	s1 =	ssub.s32 @!p0 $0x0, s1;
	[sflag:s0] =	ssyncset.done @!p0 $0x0  }
0x883: {  	[sflag:s0] =	ssyncadd.s32 @!p0 s1  }
0x884: {  	[bflag:$0x3] =	sbarrier.arrive $0xFFFF  }
0x885: {  	_ =	shalt  }

</sc_bundles>
